<compile_context>
chip_gen: v7x
topology: tpu7x:2x2x1
jax: 0.10.2.dev20260603
libtpu: 0.0.44.dev20260713+nightly
codegen_flags: <defaults>
</compile_context>

<pallas_src>
import functools

import jax
import jax.numpy as jnp
from jax import lax
from jax.experimental import pallas as pl
from jax.experimental.pallas import tpu as pltpu
from jax.experimental.pallas import tpu_sc as plsc

_NC = 2
_NS = 16
_NW = _NC * _NS
_L = 16
_CHP = 16
_K = 80
_UNROLL = 10


def _sc_edge_pass(a_tab, b_tab, src3, dst3, w1p, n_nodes, ch):
    nchunk = src3.shape[1]
    rpt = n_nodes // _NS

    mesh = plsc.VectorSubcoreMesh(core_axis_name="c", subcore_axis_name="s",
                                  num_cores=_NC, num_subcores=_NS)

    @functools.partial(
        pl.kernel,
        out_type=jax.ShapeDtypeStruct((_NW, rpt, _CHP), jnp.float32),
        mesh=mesh,
        compiler_params=pltpu.CompilerParams(use_tc_tiling_on_sc=False),
        scratch_types=[
            pltpu.VMEM((nchunk, _K), jnp.int32),
            pltpu.VMEM((nchunk, _K), jnp.int32),
            pltpu.VMEM((2, _K, _CHP), jnp.float32),
            pltpu.VMEM((2, _K, _CHP), jnp.float32),
            pltpu.VMEM((2, _K, _CHP), jnp.float32),
            pltpu.VMEM((_CHP, _CHP), jnp.float32),
            pltpu.VMEM((rpt, _CHP), jnp.float32),
            pltpu.VMEM_SHARED((n_nodes, _CHP), jnp.float32),
            pltpu.VMEM_SHARED((n_nodes, _CHP), jnp.float32),
            pltpu.VMEM_SHARED((n_nodes, _CHP), jnp.float32),
            pltpu.SemaphoreType.DMA,
            pltpu.SemaphoreType.DMA,
            pltpu.SemaphoreType.DMA,
            pltpu.SemaphoreType.DMA,
            pltpu.SemaphoreType.DMA,
            pltpu.SemaphoreType.DMA,
        ],
    )
    def edge_kernel(a_hbm, b_hbm, src_hbm, dst_hbm, w1_hbm, out_hbm,
                    sidx, didx, abuf, bbuf, mbuf, w1v, zbuf, agg, a_sp, b_sp,
                    sem_a0, sem_b0, sem_a1, sem_b1, sem_s0, sem_s1):
        sems = ((sem_a0, sem_b0), (sem_a1, sem_b1))
        ssems = (sem_s0, sem_s1)
        cid = lax.axis_index("c")
        tid = lax.axis_index("s")
        wid = cid * _NS + tid

        zv = jnp.zeros((_L,), jnp.float32)

        def _zero_z(i, carry):
            zbuf[i, :] = zv
            return carry

        lax.fori_loop(0, rpt, _zero_z, 0)

        def _zero_m(i, carry):
            mbuf[0, i, :] = zv
            mbuf[1, i, :] = zv
            return carry

        lax.fori_loop(0, _K, _zero_m, 0)

        pltpu.sync_copy(zbuf, agg.at[pl.ds(tid * rpt, rpt)])
        pltpu.sync_copy(w1_hbm, w1v)
        pltpu.sync_copy(src_hbm.at[wid], sidx)
        pltpu.sync_copy(dst_hbm.at[wid], didx)
        pltpu.sync_copy(a_hbm.at[pl.ds(tid * rpt, rpt)],
                        a_sp.at[pl.ds(tid * rpt, rpt)])
        pltpu.sync_copy(b_hbm.at[pl.ds(tid * rpt, rpt)],
                        b_sp.at[pl.ds(tid * rpt, rpt)])
        plsc.subcore_barrier()

        w1r = [w1v[c, :] for c in range(ch)]
        bcidx = [jnp.full((_L,), c, jnp.int32) for c in range(ch)]

        def issue_gathers(g, slot):
            pltpu.async_copy(a_sp.at[didx.at[g]], abuf.at[slot], sems[slot][0])
            pltpu.async_copy(b_sp.at[sidx.at[g]], bbuf.at[slot], sems[slot][1])

        def wait_gathers(g, slot):
            pltpu.make_async_copy(a_sp.at[didx.at[g]], abuf.at[slot],
                                  sems[slot][0]).wait()
            pltpu.make_async_copy(b_sp.at[sidx.at[g]], bbuf.at[slot],
                                  sems[slot][1]).wait()

        def wait_scatter(slot):
            pltpu.make_async_copy(mbuf.at[slot], agg.at[didx.at[0]],
                                  ssems[slot]).wait()

        def compute_scatter(g, slot):
            @plsc.parallel_loop(0, _K, unroll=_UNROLL)
            def edge_body(e):
                m = jnp.maximum(abuf[slot, e, :] + bbuf[slot, e, :], 0.0)
                acc = m.at[bcidx[0]].get(mode="promise_in_bounds") * w1r[0]
                for ci in range(1, ch):
                    acc = acc + m.at[bcidx[ci]].get(
                        mode="promise_in_bounds") * w1r[ci]
                mbuf[slot, e, :] = jnp.maximum(acc, 0.0)

            pltpu.async_copy(mbuf.at[slot], agg.at[didx.at[g]], ssems[slot],
                             add=True)

        issue_gathers(0, 0)
        pltpu.async_copy(mbuf.at[0], agg.at[didx.at[0]], ssems[0], add=True)
        pltpu.async_copy(mbuf.at[1], agg.at[didx.at[0]], ssems[1], add=True)

        def chunk_pair(i, carry):
            g0 = 2 * i
            issue_gathers(g0 + 1, 1)
            wait_gathers(g0, 0)
            wait_scatter(0)
            compute_scatter(g0, 0)
            issue_gathers(g0 + 2, 0)
            wait_gathers(g0 + 1, 1)
            wait_scatter(1)
            compute_scatter(g0 + 1, 1)
            return carry

        lax.fori_loop(0, (nchunk - 1) // 2, chunk_pair, 0)
        wait_gathers(nchunk - 1, 0)
        wait_scatter(0)
        compute_scatter(nchunk - 1, 0)
        wait_scatter(0)
        wait_scatter(1)

        plsc.subcore_barrier()
        pltpu.sync_copy(agg.at[pl.ds(tid * rpt, rpt)], out_hbm.at[wid])

    return edge_kernel(a_tab, b_tab, src3, dst3, w1p)


def _tc_pre(x, wt, wb):
    n = x.shape[0]

    def body(x_ref, wt_ref, wb_ref, a_ref, b_ref):
        xv = x_ref[...]
        a_ref[...] = jnp.dot(xv, wt_ref[...], preferred_element_type=jnp.float32)
        b_ref[...] = jnp.dot(xv, wb_ref[...], preferred_element_type=jnp.float32)

    return pl.pallas_call(
        body,
        out_shape=[jax.ShapeDtypeStruct((n, _CHP), jnp.float32)] * 2,
    )(x, wt, wb)


def _tc_mid(parts, wt, wb):
    n = parts.shape[1]

    def body(p_ref, wt_ref, wb_ref, a_ref, b_ref):
        h = jnp.maximum(p_ref[0] + p_ref[1], 0.0)
        a_ref[...] = jnp.dot(h, wt_ref[...], preferred_element_type=jnp.float32)
        b_ref[...] = jnp.dot(h, wb_ref[...], preferred_element_type=jnp.float32)

    return pl.pallas_call(
        body,
        out_shape=[jax.ShapeDtypeStruct((n, _CHP), jnp.float32)] * 2,
    )(parts, wt, wb)


def _tc_fin(parts, wf1p, wf2):
    n = parts.shape[1]
    feat = wf2.shape[1]

    def body(p_ref, w1_ref, w2_ref, o_ref):
        h = jnp.maximum(p_ref[0] + p_ref[1], 0.0)
        t = jnp.maximum(jnp.dot(h, w1_ref[...], preferred_element_type=jnp.float32), 0.0)
        o_ref[...] = jnp.maximum(jnp.dot(t, w2_ref[...], preferred_element_type=jnp.float32), 0.0)

    return pl.pallas_call(
        body,
        out_shape=jax.ShapeDtypeStruct((n, feat), jnp.float32),
    )(parts, wf1p, wf2)


def kernel(x, edge_index, edge_attr, W2_0, W1_0, W2_1, W1_1, Wf1, Wf2):
    del edge_attr
    n, feat = x.shape
    ch = W1_0.shape[0]
    pad_c = _CHP - ch

    n_edges = edge_index.shape[1]
    nchunk = n_edges // (_NW * _K)
    src3 = edge_index[0].astype(jnp.int32).reshape(_NW, nchunk, _K)
    dst3 = edge_index[1].astype(jnp.int32).reshape(_NW, nchunk, _K)

    wt0 = jnp.pad(W2_0[:feat], ((0, 0), (0, pad_c)))
    wb0 = jnp.pad(W2_0[feat:], ((0, 0), (0, pad_c)))
    w1p0 = jnp.pad(W1_0 * 0.1, ((0, pad_c), (0, pad_c)))
    wt1 = jnp.pad(W2_1[:ch], ((0, pad_c), (0, pad_c)))
    wb1 = jnp.pad(W2_1[ch:], ((0, pad_c), (0, pad_c)))
    w1p1 = jnp.pad(W1_1 * 0.1, ((0, pad_c), (0, pad_c)))
    wf1p = jnp.pad(Wf1, ((0, pad_c), (0, 0)))

    a0, b0 = _tc_pre(x, wt0, wb0)
    parts0 = _sc_edge_pass(a0, b0, src3, dst3, w1p0, n, ch)
    a1, b1 = _tc_mid(parts0.reshape(_NC, n, _CHP), wt1, wb1)
    parts1 = _sc_edge_pass(a1, b1, src3, dst3, w1p1, n, ch)
    return _tc_fin(parts1.reshape(_NC, n, _CHP), wf1p, Wf2)

# --- scband reference (transcript-rebuilt; emitter-appended) ---
"""Pipeline reference for scband-irgcnmodel-89558658056596 (READ-ONLY COPY).

The authoritative reference and input builder live on the scoring server;
editing this copy changes nothing except your own understanding.
"""

import jax, jax.numpy as jnp
import numpy as np

N = 10000
E = 320000
FEAT = 128
EMB = 16
CH = 10
DEPTH = 2


def setup_inputs(seed: int = 0) -> dict:
    key = jax.random.key(seed)
    ks = jax.random.split(key, 12)
    x = jax.random.normal(ks[0], (N, FEAT), dtype=jnp.float32)
    edge_index = jax.random.randint(ks[1], (2, E), 0, N, dtype=jnp.int64)
    edge_attr = jax.random.randint(ks[2], (E, EMB), 0, 100, dtype=jnp.int64)
    # RGCN layer 0: input dim FEAT -> concat 2*FEAT -> dense_2 (CH) -> dense_1 (CH)
    W2_0 = jax.random.normal(ks[3], (2 * FEAT, CH), dtype=jnp.float32) * (1.0 / np.sqrt(2 * FEAT))
    W1_0 = jax.random.normal(ks[4], (CH, CH), dtype=jnp.float32) * (1.0 / np.sqrt(CH))
    # RGCN layer 1: input dim CH -> concat 2*CH -> dense_2 (CH) -> dense_1 (CH)
    W2_1 = jax.random.normal(ks[5], (2 * CH, CH), dtype=jnp.float32) * (1.0 / np.sqrt(2 * CH))
    W1_1 = jax.random.normal(ks[6], (CH, CH), dtype=jnp.float32) * (1.0 / np.sqrt(CH))
    # final dense stack: CH -> FEAT -> FEAT, relu, no bias
    Wf1 = jax.random.normal(ks[7], (CH, FEAT), dtype=jnp.float32) * (1.0 / np.sqrt(CH))
    Wf2 = jax.random.normal(ks[8], (FEAT, FEAT), dtype=jnp.float32) * (1.0 / np.sqrt(FEAT))
    return {"x": x, "edge_index": edge_index, "edge_attr": edge_attr,
            "W2_0": W2_0, "W1_0": W1_0, "W2_1": W2_1, "W1_1": W1_1,
            "Wf1": Wf1, "Wf2": Wf2}


def _rgcn_layer(X, src, dst, W2, W1):
    # message: X_i = gather at dst (targets), X_j = gather at src (sources)
    X_i = jnp.take(X, dst, axis=0)
    X_j = jnp.take(X, src, axis=0)
    m = jnp.concatenate([X_i, X_j], axis=1)
    m = jax.nn.relu(jnp.dot(m, W2))      # dense_2, relu, no bias
    m = jax.nn.relu(jnp.dot(m, W1)) / 10.0  # dense_1, relu, no bias, mod=10
    agg = jax.ops.segment_sum(m, dst, num_segments=X.shape[0])  # aggregate='sum'
    return jax.nn.relu(agg)              # layer activation='relu'


def reference(x, edge_index, edge_attr, W2_0, W1_0, W2_1, W1_1, Wf1, Wf2):
    src = edge_index[0]
    dst = edge_index[1]
    h = _rgcn_layer(x, src, dst, W2_0, W1_0)
    h = _rgcn_layer(h, src, dst, W2_1, W1_1)
    h = jax.nn.relu(jnp.dot(h, Wf1))
    h = jax.nn.relu(jnp.dot(h, Wf2))
    return h

if __name__ == "__main__":
    import jax
    _d = setup_inputs()
    print(jax.jit(kernel)(*tuple(_d.values())))

</pallas_src>

<mosaic_0001>
#map = affine_map<(d0, d1) -> (0, 0)>
#map1 = affine_map<(d0, d1) -> (0, 0, 0)>
module attributes {stable_mosaic.version = 14 : i64} {
  func.func @edge_kernel(%arg0: i32, %arg1: i32, %arg2: memref<10000x16xf32, #tpu.memory_space<hbm>>, %arg3: memref<10000x16xf32, #tpu.memory_space<hbm>>, %arg4: memref<32x125x80xi32, #tpu.memory_space<hbm>>, %arg5: memref<32x125x80xi32, #tpu.memory_space<hbm>>, %arg6: memref<16x16xf32, #tpu.memory_space<hbm>>, %arg7: memref<32x625x16xf32, #tpu.memory_space<hbm>>, %arg8: memref<125x80xi32, #tpu.memory_space<vmem>>, %arg9: memref<125x80xi32, #tpu.memory_space<vmem>>, %arg10: memref<2x80x16xf32, #tpu.memory_space<vmem>>, %arg11: memref<2x80x16xf32, #tpu.memory_space<vmem>>, %arg12: memref<2x80x16xf32, #tpu.memory_space<vmem>>, %arg13: memref<16x16xf32, #tpu.memory_space<vmem>>, %arg14: memref<625x16xf32, #tpu.memory_space<vmem>>, %arg15: memref<10000x16xf32, #tpu.memory_space<vmem_shared>>, %arg16: memref<10000x16xf32, #tpu.memory_space<vmem_shared>>, %arg17: memref<10000x16xf32, #tpu.memory_space<vmem_shared>>, %arg18: memref<!tpu.dma_semaphore, #tpu.memory_space<semaphore_mem>>, %arg19: memref<!tpu.dma_semaphore, #tpu.memory_space<semaphore_mem>>, %arg20: memref<!tpu.dma_semaphore, #tpu.memory_space<semaphore_mem>>, %arg21: memref<!tpu.dma_semaphore, #tpu.memory_space<semaphore_mem>>, %arg22: memref<!tpu.dma_semaphore, #tpu.memory_space<semaphore_mem>>, %arg23: memref<!tpu.dma_semaphore, #tpu.memory_space<semaphore_mem>>) attributes {dimension_semantics = [#tpu.dimension_semantics<core_parallel>, #tpu.dimension_semantics<subcore_parallel>], iteration_bounds = array<i64: 2, 16>, scalar_prefetch = 0 : i64, scratch_operands = 16 : i64, tpu.core_type = #tpu.core_type<sc_vector_subcore>, window_params = [{transform_indices = #map}, {transform_indices = #map}, {transform_indices = #map1}, {transform_indices = #map1}, {transform_indices = #map}, {transform_indices = #map1}]} {
    %mul3A = arith.constant 16 : i32
    %mul3A_0 = arith.muli %arg0, %mul3A : i32
    %add3A = arith.addi %mul3A_0, %arg1 : i32
    %broadcast_in_dim3A = arith.constant 0.000000e+00 : f32
    %broadcast_in_dim3A_1 = vector.broadcast %broadcast_in_dim3A : f32 to vector<16xf32>
    %scan3A = arith.constant 0 : i32
    %scan3A_2 = arith.constant 0 : i32
    %scan3A_3 = arith.constant 625 : i32
    %scan3A_4 = arith.addi %scan3A_2, %scan3A_3 : i32
    %scan3A_5 = arith.constant 1 : i32
    scf.for %scan3A_221 = %scan3A_2 to %scan3A_4 step %scan3A_5  : i32 {
      %swap3A = arith.index_cast %scan3A_221 : i32 to index
      %swap3A_222 = arith.constant 0 : index
      %swap3A_223 = tpu.vector_load %arg14[%swap3A, %swap3A_222] {strides = array<i32>} : memref<625x16xf32, #tpu.memory_space<vmem>>, vector<1x16xf32>,
      %swap3A_224 = vector.shape_cast %swap3A_223 : vector<1x16xf32> to vector<16xf32>
      %swap3A_225 = vector.shape_cast %broadcast_in_dim3A_1 : vector<16xf32> to vector<1x16xf32>
      tpu.vector_store %arg14[%swap3A, %swap3A_222], %swap3A_225 {strides = array<i32>} : memref<625x16xf32, #tpu.memory_space<vmem>>, vector<1x16xf32>,
    }
    %scan3A_6 = arith.constant 625 : i32
    %scan3A_7 = arith.constant 0 : i32
    %scan3A_8 = arith.constant 0 : i32
    %scan3A_9 = arith.constant 80 : i32
    %scan3A_10 = arith.addi %scan3A_8, %scan3A_9 : i32
    %scan3A_11 = arith.constant 1 : i32
    scf.for %scan3A_221 = %scan3A_8 to %scan3A_10 step %scan3A_11  : i32 {
      %swap3A = arith.constant 0 : i32
      %swap3A_222 = arith.index_cast %swap3A : i32 to index
      %swap3A_223 = arith.index_cast %scan3A_221 : i32 to index
      %swap3A_224 = arith.constant 0 : index
      %swap3A_225 = tpu.vector_load %arg12[%swap3A_222, %swap3A_223, %swap3A_224] {strides = array<i32>} : memref<2x80x16xf32, #tpu.memory_space<vmem>>, vector<1x1x16xf32>,
      %swap3A_226 = vector.shape_cast %swap3A_225 : vector<1x1x16xf32> to vector<16xf32>
      %swap3A_227 = vector.shape_cast %broadcast_in_dim3A_1 : vector<16xf32> to vector<1x1x16xf32>
      tpu.vector_store %arg12[%swap3A_222, %swap3A_223, %swap3A_224], %swap3A_227 {strides = array<i32>} : memref<2x80x16xf32, #tpu.memory_space<vmem>>, vector<1x1x16xf32>,
      %swap3A_228 = arith.constant 1 : i32
      %swap3A_229 = arith.index_cast %swap3A_228 : i32 to index
      %swap3A_230 = arith.index_cast %scan3A_221 : i32 to index
      %swap3A_231 = arith.constant 0 : index
      %swap3A_232 = tpu.vector_load %arg12[%swap3A_229, %swap3A_230, %swap3A_231] {strides = array<i32>} : memref<2x80x16xf32, #tpu.memory_space<vmem>>, vector<1x1x16xf32>,
      %swap3A_233 = vector.shape_cast %swap3A_232 : vector<1x1x16xf32> to vector<16xf32>
      %swap3A_234 = vector.shape_cast %broadcast_in_dim3A_1 : vector<16xf32> to vector<1x1x16xf32>
      tpu.vector_store %arg12[%swap3A_229, %swap3A_230, %swap3A_231], %swap3A_234 {strides = array<i32>} : memref<2x80x16xf32, #tpu.memory_space<vmem>>, vector<1x1x16xf32>,
    }
    %scan3A_12 = arith.constant 80 : i32
    %mul3A_13 = arith.constant 625 : i32
    %mul3A_14 = arith.muli %arg1, %mul3A_13 : i32
    "tpu.region"() ({
      %run_scoped3A = tpu.sem_alloc : memref<!tpu.dma_semaphore, #tpu.memory_space<semaphore_mem>>
      %dma_start3A_221 = arith.constant 0 : i32
      %dma_start3A_222 = tpu.memref_slice %arg15[%mul3A_14, %dma_start3A_221] : memref<10000x16xf32, #tpu.memory_space<vmem_shared>> -> memref<625x16xf32, #tpu.memory_space<vmem_shared>>
      %dma_start3A_223 = arith.constant 0 : i32
      %dma_start3A_224 = tpu.memref_slice %arg15[%mul3A_14, %dma_start3A_223] : memref<10000x16xf32, #tpu.memory_space<vmem_shared>> -> memref<625x16xf32, #tpu.memory_space<vmem_shared>>
      tpu.enqueue_dma source(%arg14 : memref<625x16xf32, #tpu.memory_space<vmem>>) target(%dma_start3A_224 : memref<625x16xf32, #tpu.memory_space<vmem_shared>>) target_semaphore(%run_scoped3A : memref<!tpu.dma_semaphore, #tpu.memory_space<semaphore_mem>>)
      %dma_wait3A_225 = arith.constant 0 : i32
      %dma_wait3A_226 = tpu.memref_slice %arg15[%mul3A_14, %dma_wait3A_225] : memref<10000x16xf32, #tpu.memory_space<vmem_shared>> -> memref<625x16xf32, #tpu.memory_space<vmem_shared>>
      %dma_wait3A_227 = arith.constant 0 : i32
      %dma_wait3A_228 = tpu.memref_slice %arg15[%mul3A_14, %dma_wait3A_227] : memref<10000x16xf32, #tpu.memory_space<vmem_shared>> -> memref<625x16xf32, #tpu.memory_space<vmem_shared>>
      tpu.wait_dma2 semaphore(%run_scoped3A : memref<!tpu.dma_semaphore, #tpu.memory_space<semaphore_mem>>) src(%arg14 : memref<625x16xf32, #tpu.memory_space<vmem>>) dst(%dma_wait3A_228 : memref<625x16xf32, #tpu.memory_space<vmem_shared>>)
      tpu.yield
    }) : () -> ()
    "tpu.region"() ({
      %run_scoped3A = tpu.sem_alloc : memref<!tpu.dma_semaphore, #tpu.memory_space<semaphore_mem>>
      tpu.enqueue_dma source(%arg6 : memref<16x16xf32, #tpu.memory_space<hbm>>) target(%arg13 : memref<16x16xf32, #tpu.memory_space<vmem>>) target_semaphore(%run_scoped3A : memref<!tpu.dma_semaphore, #tpu.memory_space<semaphore_mem>>)
      tpu.wait_dma2 semaphore(%run_scoped3A : memref<!tpu.dma_semaphore, #tpu.memory_space<semaphore_mem>>) src(%arg6 : memref<16x16xf32, #tpu.memory_space<hbm>>) dst(%arg13 : memref<16x16xf32, #tpu.memory_space<vmem>>)
      tpu.yield
    }) : () -> ()
    "tpu.region"() ({
      %run_scoped3A = tpu.sem_alloc : memref<!tpu.dma_semaphore, #tpu.memory_space<semaphore_mem>>
      %dma_start3A_221 = arith.constant 0 : i32
      %dma_start3A_222 = arith.constant 0 : i32
      %dma_start3A_223 = tpu.memref_slice %arg4[%add3A, %dma_start3A_221, %dma_start3A_222] : memref<32x125x80xi32, #tpu.memory_space<hbm>> -> memref<1x125x80xi32, #tpu.memory_space<hbm>>
      %dma_start3A_224 = tpu.memref_squeeze %dma_start3A_223 : memref<1x125x80xi32, #tpu.memory_space<hbm>> -> memref<125x80xi32, #tpu.memory_space<hbm>>
      %dma_start3A_225 = arith.constant 0 : i32
      %dma_start3A_226 = arith.constant 0 : i32
      %dma_start3A_227 = tpu.memref_slice %arg4[%add3A, %dma_start3A_225, %dma_start3A_226] : memref<32x125x80xi32, #tpu.memory_space<hbm>> -> memref<1x125x80xi32, #tpu.memory_space<hbm>>
      %dma_start3A_228 = tpu.memref_squeeze %dma_start3A_227 : memref<1x125x80xi32, #tpu.memory_space<hbm>> -> memref<125x80xi32, #tpu.memory_space<hbm>>
      tpu.enqueue_dma source(%dma_start3A_228 : memref<125x80xi32, #tpu.memory_space<hbm>>) target(%arg8 : memref<125x80xi32, #tpu.memory_space<vmem>>) target_semaphore(%run_scoped3A : memref<!tpu.dma_semaphore, #tpu.memory_space<semaphore_mem>>)
      %dma_wait3A_229 = arith.constant 0 : i32
      %dma_wait3A_230 = arith.constant 0 : i32
      %dma_wait3A_231 = tpu.memref_slice %arg4[%add3A, %dma_wait3A_229, %dma_wait3A_230] : memref<32x125x80xi32, #tpu.memory_space<hbm>> -> memref<1x125x80xi32, #tpu.memory_space<hbm>>
      %dma_wait3A_232 = tpu.memref_squeeze %dma_wait3A_231 : memref<1x125x80xi32, #tpu.memory_space<hbm>> -> memref<125x80xi32, #tpu.memory_space<hbm>>
      %dma_wait3A_233 = arith.constant 0 : i32
      %dma_wait3A_234 = arith.constant 0 : i32
      %dma_wait3A_235 = tpu.memref_slice %arg4[%add3A, %dma_wait3A_233, %dma_wait3A_234] : memref<32x125x80xi32, #tpu.memory_space<hbm>> -> memref<1x125x80xi32, #tpu.memory_space<hbm>>
      %dma_wait3A_236 = tpu.memref_squeeze %dma_wait3A_235 : memref<1x125x80xi32, #tpu.memory_space<hbm>> -> memref<125x80xi32, #tpu.memory_space<hbm>>
      tpu.wait_dma2 semaphore(%run_scoped3A : memref<!tpu.dma_semaphore, #tpu.memory_space<semaphore_mem>>) src(%dma_wait3A_236 : memref<125x80xi32, #tpu.memory_space<hbm>>) dst(%arg8 : memref<125x80xi32, #tpu.memory_space<vmem>>)
      tpu.yield
    }) : () -> ()
    "tpu.region"() ({
      %run_scoped3A = tpu.sem_alloc : memref<!tpu.dma_semaphore, #tpu.memory_space<semaphore_mem>>
      %dma_start3A_221 = arith.constant 0 : i32
      %dma_start3A_222 = arith.constant 0 : i32
      %dma_start3A_223 = tpu.memref_slice %arg5[%add3A, %dma_start3A_221, %dma_start3A_222] : memref<32x125x80xi32, #tpu.memory_space<hbm>> -> memref<1x125x80xi32, #tpu.memory_space<hbm>>
      %dma_start3A_224 = tpu.memref_squeeze %dma_start3A_223 : memref<1x125x80xi32, #tpu.memory_space<hbm>> -> memref<125x80xi32, #tpu.memory_space<hbm>>
      %dma_start3A_225 = arith.constant 0 : i32
      %dma_start3A_226 = arith.constant 0 : i32
      %dma_start3A_227 = tpu.memref_slice %arg5[%add3A, %dma_start3A_225, %dma_start3A_226] : memref<32x125x80xi32, #tpu.memory_space<hbm>> -> memref<1x125x80xi32, #tpu.memory_space<hbm>>
      %dma_start3A_228 = tpu.memref_squeeze %dma_start3A_227 : memref<1x125x80xi32, #tpu.memory_space<hbm>> -> memref<125x80xi32, #tpu.memory_space<hbm>>
      tpu.enqueue_dma source(%dma_start3A_228 : memref<125x80xi32, #tpu.memory_space<hbm>>) target(%arg9 : memref<125x80xi32, #tpu.memory_space<vmem>>) target_semaphore(%run_scoped3A : memref<!tpu.dma_semaphore, #tpu.memory_space<semaphore_mem>>)
      %dma_wait3A_229 = arith.constant 0 : i32
      %dma_wait3A_230 = arith.constant 0 : i32
      %dma_wait3A_231 = tpu.memref_slice %arg5[%add3A, %dma_wait3A_229, %dma_wait3A_230] : memref<32x125x80xi32, #tpu.memory_space<hbm>> -> memref<1x125x80xi32, #tpu.memory_space<hbm>>
      %dma_wait3A_232 = tpu.memref_squeeze %dma_wait3A_231 : memref<1x125x80xi32, #tpu.memory_space<hbm>> -> memref<125x80xi32, #tpu.memory_space<hbm>>
      %dma_wait3A_233 = arith.constant 0 : i32
      %dma_wait3A_234 = arith.constant 0 : i32
      %dma_wait3A_235 = tpu.memref_slice %arg5[%add3A, %dma_wait3A_233, %dma_wait3A_234] : memref<32x125x80xi32, #tpu.memory_space<hbm>> -> memref<1x125x80xi32, #tpu.memory_space<hbm>>
      %dma_wait3A_236 = tpu.memref_squeeze %dma_wait3A_235 : memref<1x125x80xi32, #tpu.memory_space<hbm>> -> memref<125x80xi32, #tpu.memory_space<hbm>>
      tpu.wait_dma2 semaphore(%run_scoped3A : memref<!tpu.dma_semaphore, #tpu.memory_space<semaphore_mem>>) src(%dma_wait3A_236 : memref<125x80xi32, #tpu.memory_space<hbm>>) dst(%arg9 : memref<125x80xi32, #tpu.memory_space<vmem>>)
      tpu.yield
    }) : () -> ()
    %mul3A_15 = arith.constant 625 : i32
    %mul3A_16 = arith.muli %arg1, %mul3A_15 : i32
    %mul3A_17 = arith.constant 625 : i32
    %mul3A_18 = arith.muli %arg1, %mul3A_17 : i32
    "tpu.region"() ({
      %run_scoped3A = tpu.sem_alloc : memref<!tpu.dma_semaphore, #tpu.memory_space<semaphore_mem>>
      %dma_start3A_221 = arith.constant 0 : i32
      %dma_start3A_222 = tpu.memref_slice %arg16[%mul3A_18, %dma_start3A_221] : memref<10000x16xf32, #tpu.memory_space<vmem_shared>> -> memref<625x16xf32, #tpu.memory_space<vmem_shared>>
      %dma_start3A_223 = arith.constant 0 : i32
      %dma_start3A_224 = tpu.memref_slice %arg2[%mul3A_16, %dma_start3A_223] : memref<10000x16xf32, #tpu.memory_space<hbm>> -> memref<625x16xf32, #tpu.memory_space<hbm>>
      tpu.enqueue_dma source(%dma_start3A_224 : memref<625x16xf32, #tpu.memory_space<hbm>>) target(%dma_start3A_222 : memref<625x16xf32, #tpu.memory_space<vmem_shared>>) target_semaphore(%run_scoped3A : memref<!tpu.dma_semaphore, #tpu.memory_space<semaphore_mem>>)
      %dma_wait3A_225 = arith.constant 0 : i32
      %dma_wait3A_226 = tpu.memref_slice %arg16[%mul3A_18, %dma_wait3A_225] : memref<10000x16xf32, #tpu.memory_space<vmem_shared>> -> memref<625x16xf32, #tpu.memory_space<vmem_shared>>
      %dma_wait3A_227 = arith.constant 0 : i32
      %dma_wait3A_228 = tpu.memref_slice %arg2[%mul3A_16, %dma_wait3A_227] : memref<10000x16xf32, #tpu.memory_space<hbm>> -> memref<625x16xf32, #tpu.memory_space<hbm>>
      tpu.wait_dma2 semaphore(%run_scoped3A : memref<!tpu.dma_semaphore, #tpu.memory_space<semaphore_mem>>) src(%dma_wait3A_228 : memref<625x16xf32, #tpu.memory_space<hbm>>) dst(%dma_wait3A_226 : memref<625x16xf32, #tpu.memory_space<vmem_shared>>)
      tpu.yield
    }) : () -> ()
    %mul3A_19 = arith.constant 625 : i32
    %mul3A_20 = arith.muli %arg1, %mul3A_19 : i32
    %mul3A_21 = arith.constant 625 : i32
    %mul3A_22 = arith.muli %arg1, %mul3A_21 : i32
    "tpu.region"() ({
      %run_scoped3A = tpu.sem_alloc : memref<!tpu.dma_semaphore, #tpu.memory_space<semaphore_mem>>
      %dma_start3A_221 = arith.constant 0 : i32
      %dma_start3A_222 = tpu.memref_slice %arg17[%mul3A_22, %dma_start3A_221] : memref<10000x16xf32, #tpu.memory_space<vmem_shared>> -> memref<625x16xf32, #tpu.memory_space<vmem_shared>>
      %dma_start3A_223 = arith.constant 0 : i32
      %dma_start3A_224 = tpu.memref_slice %arg3[%mul3A_20, %dma_start3A_223] : memref<10000x16xf32, #tpu.memory_space<hbm>> -> memref<625x16xf32, #tpu.memory_space<hbm>>
      tpu.enqueue_dma source(%dma_start3A_224 : memref<625x16xf32, #tpu.memory_space<hbm>>) target(%dma_start3A_222 : memref<625x16xf32, #tpu.memory_space<vmem_shared>>) target_semaphore(%run_scoped3A : memref<!tpu.dma_semaphore, #tpu.memory_space<semaphore_mem>>)
      %dma_wait3A_225 = arith.constant 0 : i32
      %dma_wait3A_226 = tpu.memref_slice %arg17[%mul3A_22, %dma_wait3A_225] : memref<10000x16xf32, #tpu.memory_space<vmem_shared>> -> memref<625x16xf32, #tpu.memory_space<vmem_shared>>
      %dma_wait3A_227 = arith.constant 0 : i32
      %dma_wait3A_228 = tpu.memref_slice %arg3[%mul3A_20, %dma_wait3A_227] : memref<10000x16xf32, #tpu.memory_space<hbm>> -> memref<625x16xf32, #tpu.memory_space<hbm>>
      tpu.wait_dma2 semaphore(%run_scoped3A : memref<!tpu.dma_semaphore, #tpu.memory_space<semaphore_mem>>) src(%dma_wait3A_228 : memref<625x16xf32, #tpu.memory_space<hbm>>) dst(%dma_wait3A_226 : memref<625x16xf32, #tpu.memory_space<vmem_shared>>)
      tpu.yield
    }) : () -> ()
    %barrier3A = arith.constant 0 : index
    tpu.barrier barrier_id(%barrier3A)
    %get3A = arith.constant 0 : i32
    %get3A_23 = arith.index_cast %get3A : i32 to index
    %get3A_24 = arith.constant 0 : index
    %get3A_25 = tpu.vector_load %arg13[%get3A_23, %get3A_24] {strides = array<i32>} : memref<16x16xf32, #tpu.memory_space<vmem>>, vector<1x16xf32>,
    %get3A_26 = vector.shape_cast %get3A_25 : vector<1x16xf32> to vector<16xf32>
    %get3A_27 = arith.constant 1 : i32
    %get3A_28 = arith.index_cast %get3A_27 : i32 to index
    %get3A_29 = arith.constant 0 : index
    %get3A_30 = tpu.vector_load %arg13[%get3A_28, %get3A_29] {strides = array<i32>} : memref<16x16xf32, #tpu.memory_space<vmem>>, vector<1x16xf32>,
    %get3A_31 = vector.shape_cast %get3A_30 : vector<1x16xf32> to vector<16xf32>
    %get3A_32 = arith.constant 2 : i32
    %get3A_33 = arith.index_cast %get3A_32 : i32 to index
    %get3A_34 = arith.constant 0 : index
    %get3A_35 = tpu.vector_load %arg13[%get3A_33, %get3A_34] {strides = array<i32>} : memref<16x16xf32, #tpu.memory_space<vmem>>, vector<1x16xf32>,
    %get3A_36 = vector.shape_cast %get3A_35 : vector<1x16xf32> to vector<16xf32>
    %get3A_37 = arith.constant 3 : i32
    %get3A_38 = arith.index_cast %get3A_37 : i32 to index
    %get3A_39 = arith.constant 0 : index
    %get3A_40 = tpu.vector_load %arg13[%get3A_38, %get3A_39] {strides = array<i32>} : memref<16x16xf32, #tpu.memory_space<vmem>>, vector<1x16xf32>,
    %get3A_41 = vector.shape_cast %get3A_40 : vector<1x16xf32> to vector<16xf32>
    %get3A_42 = arith.constant 4 : i32
    %get3A_43 = arith.index_cast %get3A_42 : i32 to index
    %get3A_44 = arith.constant 0 : index
    %get3A_45 = tpu.vector_load %arg13[%get3A_43, %get3A_44] {strides = array<i32>} : memref<16x16xf32, #tpu.memory_space<vmem>>, vector<1x16xf32>,
    %get3A_46 = vector.shape_cast %get3A_45 : vector<1x16xf32> to vector<16xf32>
    %get3A_47 = arith.constant 5 : i32
    %get3A_48 = arith.index_cast %get3A_47 : i32 to index
    %get3A_49 = arith.constant 0 : index
    %get3A_50 = tpu.vector_load %arg13[%get3A_48, %get3A_49] {strides = array<i32>} : memref<16x16xf32, #tpu.memory_space<vmem>>, vector<1x16xf32>,
    %get3A_51 = vector.shape_cast %get3A_50 : vector<1x16xf32> to vector<16xf32>
    %get3A_52 = arith.constant 6 : i32
    %get3A_53 = arith.index_cast %get3A_52 : i32 to index
    %get3A_54 = arith.constant 0 : index
    %get3A_55 = tpu.vector_load %arg13[%get3A_53, %get3A_54] {strides = array<i32>} : memref<16x16xf32, #tpu.memory_space<vmem>>, vector<1x16xf32>,
    %get3A_56 = vector.shape_cast %get3A_55 : vector<1x16xf32> to vector<16xf32>
    %get3A_57 = arith.constant 7 : i32
    %get3A_58 = arith.index_cast %get3A_57 : i32 to index
    %get3A_59 = arith.constant 0 : index
    %get3A_60 = tpu.vector_load %arg13[%get3A_58, %get3A_59] {strides = array<i32>} : memref<16x16xf32, #tpu.memory_space<vmem>>, vector<1x16xf32>,
    %get3A_61 = vector.shape_cast %get3A_60 : vector<1x16xf32> to vector<16xf32>
    %get3A_62 = arith.constant 8 : i32
    %get3A_63 = arith.index_cast %get3A_62 : i32 to index
    %get3A_64 = arith.constant 0 : index
    %get3A_65 = tpu.vector_load %arg13[%get3A_63, %get3A_64] {strides = array<i32>} : memref<16x16xf32, #tpu.memory_space<vmem>>, vector<1x16xf32>,
    %get3A_66 = vector.shape_cast %get3A_65 : vector<1x16xf32> to vector<16xf32>
    %get3A_67 = arith.constant 9 : i32
    %get3A_68 = arith.index_cast %get3A_67 : i32 to index
    %get3A_69 = arith.constant 0 : index
    %get3A_70 = tpu.vector_load %arg13[%get3A_68, %get3A_69] {strides = array<i32>} : memref<16x16xf32, #tpu.memory_space<vmem>>, vector<1x16xf32>,
    %get3A_71 = vector.shape_cast %get3A_70 : vector<1x16xf32> to vector<16xf32>
    %broadcast_in_dim3A_72 = arith.constant 0 : i32
    %broadcast_in_dim3A_73 = vector.broadcast %broadcast_in_dim3A_72 : i32 to vector<16xi32>
    %broadcast_in_dim3A_74 = arith.constant 1 : i32
    %broadcast_in_dim3A_75 = vector.broadcast %broadcast_in_dim3A_74 : i32 to vector<16xi32>
    %broadcast_in_dim3A_76 = arith.constant 2 : i32
    %broadcast_in_dim3A_77 = vector.broadcast %broadcast_in_dim3A_76 : i32 to vector<16xi32>
    %broadcast_in_dim3A_78 = arith.constant 3 : i32
    %broadcast_in_dim3A_79 = vector.broadcast %broadcast_in_dim3A_78 : i32 to vector<16xi32>
    %broadcast_in_dim3A_80 = arith.constant 4 : i32
    %broadcast_in_dim3A_81 = vector.broadcast %broadcast_in_dim3A_80 : i32 to vector<16xi32>
    %broadcast_in_dim3A_82 = arith.constant 5 : i32
    %broadcast_in_dim3A_83 = vector.broadcast %broadcast_in_dim3A_82 : i32 to vector<16xi32>
    %broadcast_in_dim3A_84 = arith.constant 6 : i32
    %broadcast_in_dim3A_85 = vector.broadcast %broadcast_in_dim3A_84 : i32 to vector<16xi32>
    %broadcast_in_dim3A_86 = arith.constant 7 : i32
    %broadcast_in_dim3A_87 = vector.broadcast %broadcast_in_dim3A_86 : i32 to vector<16xi32>
    %broadcast_in_dim3A_88 = arith.constant 8 : i32
    %broadcast_in_dim3A_89 = vector.broadcast %broadcast_in_dim3A_88 : i32 to vector<16xi32>
    %broadcast_in_dim3A_90 = arith.constant 9 : i32
    %broadcast_in_dim3A_91 = vector.broadcast %broadcast_in_dim3A_90 : i32 to vector<16xi32>
    %dma_start3A = arith.constant 0 : i32
    %dma_start3A_92 = arith.constant 0 : i32
    %dma_start3A_93 = arith.constant 0 : i32
    %dma_start3A_94 = arith.constant 0 : i32
    %dma_start3A_95 = tpu.memref_slice %arg10[%dma_start3A_92, %dma_start3A_93, %dma_start3A_94] : memref<2x80x16xf32, #tpu.memory_space<vmem>> -> memref<1x80x16xf32, #tpu.memory_space<vmem>>
    %dma_start3A_96 = tpu.memref_squeeze %dma_start3A_95 : memref<1x80x16xf32, #tpu.memory_space<vmem>> -> memref<80x16xf32, #tpu.memory_space<vmem>>
    %dma_start3A_97 = arith.constant 0 : i32
    %dma_start3A_98 = tpu.memref_slice %arg9[%dma_start3A, %dma_start3A_97] : memref<125x80xi32, #tpu.memory_space<vmem>> -> memref<1x80xi32, #tpu.memory_space<vmem>>
    %dma_start3A_99 = tpu.memref_squeeze %dma_start3A_98 : memref<1x80xi32, #tpu.memory_space<vmem>> -> memref<80xi32, #tpu.memory_space<vmem>>
    %dma_start3A_100 = arith.constant 0 : i32
    %dma_start3A_101 = arith.constant 0 : i32
    %dma_start3A_102 = tpu.memref_slice %arg16[%dma_start3A_100, %dma_start3A_101] : memref<10000x16xf32, #tpu.memory_space<vmem_shared>> -> memref<10000x16xf32, #tpu.memory_space<vmem_shared>>
    tpu.enqueue_indirect_dma source(%dma_start3A_102 : memref<10000x16xf32, #tpu.memory_space<vmem_shared>>) target(%dma_start3A_96 : memref<80x16xf32, #tpu.memory_space<vmem>>) offsets(%dma_start3A_99 : memref<80xi32, #tpu.memory_space<vmem>>) semaphore(%arg18 : memref<!tpu.dma_semaphore, #tpu.memory_space<semaphore_mem>>)
    %dma_start3A_103 = arith.constant 0 : i32
    %dma_start3A_104 = arith.constant 0 : i32
    %dma_start3A_105 = arith.constant 0 : i32
    %dma_start3A_106 = arith.constant 0 : i32
    %dma_start3A_107 = tpu.memref_slice %arg11[%dma_start3A_104, %dma_start3A_105, %dma_start3A_106] : memref<2x80x16xf32, #tpu.memory_space<vmem>> -> memref<1x80x16xf32, #tpu.memory_space<vmem>>
    %dma_start3A_108 = tpu.memref_squeeze %dma_start3A_107 : memref<1x80x16xf32, #tpu.memory_space<vmem>> -> memref<80x16xf32, #tpu.memory_space<vmem>>
    %dma_start3A_109 = arith.constant 0 : i32
    %dma_start3A_110 = tpu.memref_slice %arg8[%dma_start3A_103, %dma_start3A_109] : memref<125x80xi32, #tpu.memory_space<vmem>> -> memref<1x80xi32, #tpu.memory_space<vmem>>
    %dma_start3A_111 = tpu.memref_squeeze %dma_start3A_110 : memref<1x80xi32, #tpu.memory_space<vmem>> -> memref<80xi32, #tpu.memory_space<vmem>>
    %dma_start3A_112 = arith.constant 0 : i32
    %dma_start3A_113 = arith.constant 0 : i32
    %dma_start3A_114 = tpu.memref_slice %arg17[%dma_start3A_112, %dma_start3A_113] : memref<10000x16xf32, #tpu.memory_space<vmem_shared>> -> memref<10000x16xf32, #tpu.memory_space<vmem_shared>>
    tpu.enqueue_indirect_dma source(%dma_start3A_114 : memref<10000x16xf32, #tpu.memory_space<vmem_shared>>) target(%dma_start3A_108 : memref<80x16xf32, #tpu.memory_space<vmem>>) offsets(%dma_start3A_111 : memref<80xi32, #tpu.memory_space<vmem>>) semaphore(%arg19 : memref<!tpu.dma_semaphore, #tpu.memory_space<semaphore_mem>>)
    %dma_start3A_115 = arith.constant 0 : i32
    %dma_start3A_116 = arith.constant 0 : i32
    %dma_start3A_117 = arith.constant 0 : i32
    %dma_start3A_118 = arith.constant 0 : i32
    %dma_start3A_119 = tpu.memref_slice %arg12[%dma_start3A_115, %dma_start3A_117, %dma_start3A_118] : memref<2x80x16xf32, #tpu.memory_space<vmem>> -> memref<1x80x16xf32, #tpu.memory_space<vmem>>
    %dma_start3A_120 = tpu.memref_squeeze %dma_start3A_119 : memref<1x80x16xf32, #tpu.memory_space<vmem>> -> memref<80x16xf32, #tpu.memory_space<vmem>>
    %dma_start3A_121 = arith.constant 0 : i32
    %dma_start3A_122 = tpu.memref_slice %arg9[%dma_start3A_116, %dma_start3A_121] : memref<125x80xi32, #tpu.memory_space<vmem>> -> memref<1x80xi32, #tpu.memory_space<vmem>>
    %dma_start3A_123 = tpu.memref_squeeze %dma_start3A_122 : memref<1x80xi32, #tpu.memory_space<vmem>> -> memref<80xi32, #tpu.memory_space<vmem>>
    %dma_start3A_124 = arith.constant 0 : i32
    %dma_start3A_125 = arith.constant 0 : i32
    %dma_start3A_126 = tpu.memref_slice %arg15[%dma_start3A_124, %dma_start3A_125] : memref<10000x16xf32, #tpu.memory_space<vmem_shared>> -> memref<10000x16xf32, #tpu.memory_space<vmem_shared>>
    tpu.enqueue_indirect_dma source(%dma_start3A_120 : memref<80x16xf32, #tpu.memory_space<vmem>>) target(%dma_start3A_126 : memref<10000x16xf32, #tpu.memory_space<vmem_shared>>) offsets(%dma_start3A_123 : memref<80xi32, #tpu.memory_space<vmem>>) semaphore(%arg22 : memref<!tpu.dma_semaphore, #tpu.memory_space<semaphore_mem>>) {add = true}
    %dma_start3A_127 = arith.constant 1 : i32
    %dma_start3A_128 = arith.constant 0 : i32
    %dma_start3A_129 = arith.constant 0 : i32
    %dma_start3A_130 = arith.constant 0 : i32
    %dma_start3A_131 = tpu.memref_slice %arg12[%dma_start3A_127, %dma_start3A_129, %dma_start3A_130] : memref<2x80x16xf32, #tpu.memory_space<vmem>> -> memref<1x80x16xf32, #tpu.memory_space<vmem>>
    %dma_start3A_132 = tpu.memref_squeeze %dma_start3A_131 : memref<1x80x16xf32, #tpu.memory_space<vmem>> -> memref<80x16xf32, #tpu.memory_space<vmem>>
    %dma_start3A_133 = arith.constant 0 : i32
    %dma_start3A_134 = tpu.memref_slice %arg9[%dma_start3A_128, %dma_start3A_133] : memref<125x80xi32, #tpu.memory_space<vmem>> -> memref<1x80xi32, #tpu.memory_space<vmem>>
    %dma_start3A_135 = tpu.memref_squeeze %dma_start3A_134 : memref<1x80xi32, #tpu.memory_space<vmem>> -> memref<80xi32, #tpu.memory_space<vmem>>
    %dma_start3A_136 = arith.constant 0 : i32
    %dma_start3A_137 = arith.constant 0 : i32
    %dma_start3A_138 = tpu.memref_slice %arg15[%dma_start3A_136, %dma_start3A_137] : memref<10000x16xf32, #tpu.memory_space<vmem_shared>> -> memref<10000x16xf32, #tpu.memory_space<vmem_shared>>
    tpu.enqueue_indirect_dma source(%dma_start3A_132 : memref<80x16xf32, #tpu.memory_space<vmem>>) target(%dma_start3A_138 : memref<10000x16xf32, #tpu.memory_space<vmem_shared>>) offsets(%dma_start3A_135 : memref<80xi32, #tpu.memory_space<vmem>>) semaphore(%arg23 : memref<!tpu.dma_semaphore, #tpu.memory_space<semaphore_mem>>) {add = true}
    %scan3A_139 = arith.constant 0 : i32
    %scan3A_140 = arith.constant 0 : i32
    %scan3A_141 = arith.constant 62 : i32
    %scan3A_142 = arith.addi %scan3A_140, %scan3A_141 : i32
    %scan3A_143 = arith.constant 1 : i32
    scf.for %scan3A_221 = %scan3A_140 to %scan3A_142 step %scan3A_143  : i32 {
      %mul3A_222 = arith.constant 2 : i32
      %mul3A_223 = arith.muli %mul3A_222, %scan3A_221 : i32
      %add3A_224 = arith.constant 1 : i32
      %add3A_225 = arith.addi %mul3A_223, %add3A_224 : i32
      %dma_start3A_226 = arith.constant 1 : i32
      %dma_start3A_227 = arith.constant 0 : i32
      %dma_start3A_228 = arith.constant 0 : i32
      %dma_start3A_229 = tpu.memref_slice %arg10[%dma_start3A_226, %dma_start3A_227, %dma_start3A_228] : memref<2x80x16xf32, #tpu.memory_space<vmem>> -> memref<1x80x16xf32, #tpu.memory_space<vmem>>
      %dma_start3A_230 = tpu.memref_squeeze %dma_start3A_229 : memref<1x80x16xf32, #tpu.memory_space<vmem>> -> memref<80x16xf32, #tpu.memory_space<vmem>>
      %dma_start3A_231 = arith.constant 0 : i32
      %dma_start3A_232 = tpu.memref_slice %arg9[%add3A_225, %dma_start3A_231] : memref<125x80xi32, #tpu.memory_space<vmem>> -> memref<1x80xi32, #tpu.memory_space<vmem>>
      %dma_start3A_233 = tpu.memref_squeeze %dma_start3A_232 : memref<1x80xi32, #tpu.memory_space<vmem>> -> memref<80xi32, #tpu.memory_space<vmem>>
      %dma_start3A_234 = arith.constant 0 : i32
      %dma_start3A_235 = arith.constant 0 : i32
      %dma_start3A_236 = tpu.memref_slice %arg16[%dma_start3A_234, %dma_start3A_235] : memref<10000x16xf32, #tpu.memory_space<vmem_shared>> -> memref<10000x16xf32, #tpu.memory_space<vmem_shared>>
      tpu.enqueue_indirect_dma source(%dma_start3A_236 : memref<10000x16xf32, #tpu.memory_space<vmem_shared>>) target(%dma_start3A_230 : memref<80x16xf32, #tpu.memory_space<vmem>>) offsets(%dma_start3A_233 : memref<80xi32, #tpu.memory_space<vmem>>) semaphore(%arg20 : memref<!tpu.dma_semaphore, #tpu.memory_space<semaphore_mem>>)
      %dma_start3A_237 = arith.constant 1 : i32
      %dma_start3A_238 = arith.constant 0 : i32
      %dma_start3A_239 = arith.constant 0 : i32
      %dma_start3A_240 = tpu.memref_slice %arg11[%dma_start3A_237, %dma_start3A_238, %dma_start3A_239] : memref<2x80x16xf32, #tpu.memory_space<vmem>> -> memref<1x80x16xf32, #tpu.memory_space<vmem>>
      %dma_start3A_241 = tpu.memref_squeeze %dma_start3A_240 : memref<1x80x16xf32, #tpu.memory_space<vmem>> -> memref<80x16xf32, #tpu.memory_space<vmem>>
      %dma_start3A_242 = arith.constant 0 : i32
      %dma_start3A_243 = tpu.memref_slice %arg8[%add3A_225, %dma_start3A_242] : memref<125x80xi32, #tpu.memory_space<vmem>> -> memref<1x80xi32, #tpu.memory_space<vmem>>
      %dma_start3A_244 = tpu.memref_squeeze %dma_start3A_243 : memref<1x80xi32, #tpu.memory_space<vmem>> -> memref<80xi32, #tpu.memory_space<vmem>>
      %dma_start3A_245 = arith.constant 0 : i32
      %dma_start3A_246 = arith.constant 0 : i32
      %dma_start3A_247 = tpu.memref_slice %arg17[%dma_start3A_245, %dma_start3A_246] : memref<10000x16xf32, #tpu.memory_space<vmem_shared>> -> memref<10000x16xf32, #tpu.memory_space<vmem_shared>>
      tpu.enqueue_indirect_dma source(%dma_start3A_247 : memref<10000x16xf32, #tpu.memory_space<vmem_shared>>) target(%dma_start3A_241 : memref<80x16xf32, #tpu.memory_space<vmem>>) offsets(%dma_start3A_244 : memref<80xi32, #tpu.memory_space<vmem>>) semaphore(%arg21 : memref<!tpu.dma_semaphore, #tpu.memory_space<semaphore_mem>>)
      %dma_wait3A_248 = arith.constant 0 : i32
      %dma_wait3A_249 = arith.constant 0 : i32
      %dma_wait3A_250 = arith.constant 0 : i32
      %dma_wait3A_251 = tpu.memref_slice %arg10[%dma_wait3A_248, %dma_wait3A_249, %dma_wait3A_250] : memref<2x80x16xf32, #tpu.memory_space<vmem>> -> memref<1x80x16xf32, #tpu.memory_space<vmem>>
      %dma_wait3A_252 = tpu.memref_squeeze %dma_wait3A_251 : memref<1x80x16xf32, #tpu.memory_space<vmem>> -> memref<80x16xf32, #tpu.memory_space<vmem>>
      %dma_wait3A_253 = arith.constant 0 : i32
      %dma_wait3A_254 = tpu.memref_slice %arg9[%mul3A_223, %dma_wait3A_253] : memref<125x80xi32, #tpu.memory_space<vmem>> -> memref<1x80xi32, #tpu.memory_space<vmem>>
      %dma_wait3A_255 = tpu.memref_squeeze %dma_wait3A_254 : memref<1x80xi32, #tpu.memory_space<vmem>> -> memref<80xi32, #tpu.memory_space<vmem>>
      %dma_wait3A_256 = arith.constant 0 : i32
      %dma_wait3A_257 = arith.constant 0 : i32
      %dma_wait3A_258 = tpu.memref_slice %arg16[%dma_wait3A_256, %dma_wait3A_257] : memref<10000x16xf32, #tpu.memory_space<vmem_shared>> -> memref<10000x16xf32, #tpu.memory_space<vmem_shared>>
      tpu.wait_indirect_dma semaphore(%arg18 : memref<!tpu.dma_semaphore, #tpu.memory_space<semaphore_mem>>) src(%dma_wait3A_258 : memref<10000x16xf32, #tpu.memory_space<vmem_shared>>) dst(%dma_wait3A_252 : memref<80x16xf32, #tpu.memory_space<vmem>>)
      %dma_wait3A_259 = arith.constant 0 : i32
      %dma_wait3A_260 = arith.constant 0 : i32
      %dma_wait3A_261 = arith.constant 0 : i32
      %dma_wait3A_262 = tpu.memref_slice %arg11[%dma_wait3A_259, %dma_wait3A_260, %dma_wait3A_261] : memref<2x80x16xf32, #tpu.memory_space<vmem>> -> memref<1x80x16xf32, #tpu.memory_space<vmem>>
      %dma_wait3A_263 = tpu.memref_squeeze %dma_wait3A_262 : memref<1x80x16xf32, #tpu.memory_space<vmem>> -> memref<80x16xf32, #tpu.memory_space<vmem>>
      %dma_wait3A_264 = arith.constant 0 : i32
      %dma_wait3A_265 = tpu.memref_slice %arg8[%mul3A_223, %dma_wait3A_264] : memref<125x80xi32, #tpu.memory_space<vmem>> -> memref<1x80xi32, #tpu.memory_space<vmem>>
      %dma_wait3A_266 = tpu.memref_squeeze %dma_wait3A_265 : memref<1x80xi32, #tpu.memory_space<vmem>> -> memref<80xi32, #tpu.memory_space<vmem>>
      %dma_wait3A_267 = arith.constant 0 : i32
      %dma_wait3A_268 = arith.constant 0 : i32
      %dma_wait3A_269 = tpu.memref_slice %arg17[%dma_wait3A_267, %dma_wait3A_268] : memref<10000x16xf32, #tpu.memory_space<vmem_shared>> -> memref<10000x16xf32, #tpu.memory_space<vmem_shared>>
      tpu.wait_indirect_dma semaphore(%arg19 : memref<!tpu.dma_semaphore, #tpu.memory_space<semaphore_mem>>) src(%dma_wait3A_269 : memref<10000x16xf32, #tpu.memory_space<vmem_shared>>) dst(%dma_wait3A_263 : memref<80x16xf32, #tpu.memory_space<vmem>>)
      %dma_wait3A_270 = arith.constant 0 : i32
      %dma_wait3A_271 = arith.constant 0 : i32
      %dma_wait3A_272 = arith.constant 0 : i32
      %dma_wait3A_273 = arith.constant 0 : i32
      %dma_wait3A_274 = tpu.memref_slice %arg12[%dma_wait3A_270, %dma_wait3A_272, %dma_wait3A_273] : memref<2x80x16xf32, #tpu.memory_space<vmem>> -> memref<1x80x16xf32, #tpu.memory_space<vmem>>
      %dma_wait3A_275 = tpu.memref_squeeze %dma_wait3A_274 : memref<1x80x16xf32, #tpu.memory_space<vmem>> -> memref<80x16xf32, #tpu.memory_space<vmem>>
      %dma_wait3A_276 = arith.constant 0 : i32
      %dma_wait3A_277 = tpu.memref_slice %arg9[%dma_wait3A_271, %dma_wait3A_276] : memref<125x80xi32, #tpu.memory_space<vmem>> -> memref<1x80xi32, #tpu.memory_space<vmem>>
      %dma_wait3A_278 = tpu.memref_squeeze %dma_wait3A_277 : memref<1x80xi32, #tpu.memory_space<vmem>> -> memref<80xi32, #tpu.memory_space<vmem>>
      %dma_wait3A_279 = arith.constant 0 : i32
      %dma_wait3A_280 = arith.constant 0 : i32
      %dma_wait3A_281 = tpu.memref_slice %arg15[%dma_wait3A_279, %dma_wait3A_280] : memref<10000x16xf32, #tpu.memory_space<vmem_shared>> -> memref<10000x16xf32, #tpu.memory_space<vmem_shared>>
      tpu.wait_indirect_dma semaphore(%arg22 : memref<!tpu.dma_semaphore, #tpu.memory_space<semaphore_mem>>) src(%dma_wait3A_275 : memref<80x16xf32, #tpu.memory_space<vmem>>) dst(%dma_wait3A_281 : memref<10000x16xf32, #tpu.memory_space<vmem_shared>>)
      %parallel_loop3A_282 = arith.constant 0 : i32
      %parallel_loop3A_283 = arith.constant 80 : i32
      %parallel_loop3A_284 = arith.constant 1 : i32
      scf.for %parallel_loop3A_372 = %parallel_loop3A_282 to %parallel_loop3A_283 step %parallel_loop3A_284  : i32 {
        %parallel_loop3A_373 = arith.constant 0 : i32
        %parallel_loop3A_374 = arith.index_cast %parallel_loop3A_373 : i32 to index
        %parallel_loop3A_375 = arith.index_cast %parallel_loop3A_372 : i32 to index
        %parallel_loop3A_376 = arith.constant 0 : index
        %parallel_loop3A_377 = tpu.vector_load %arg10[%parallel_loop3A_374, %parallel_loop3A_375, %parallel_loop3A_376] {strides = array<i32>} : memref<2x80x16xf32, #tpu.memory_space<vmem>>, vector<1x1x16xf32>,
        %parallel_loop3A_378 = vector.shape_cast %parallel_loop3A_377 : vector<1x1x16xf32> to vector<16xf32>
        %parallel_loop3A_379 = arith.constant 0 : i32
        %parallel_loop3A_380 = arith.index_cast %parallel_loop3A_379 : i32 to index
        %parallel_loop3A_381 = arith.index_cast %parallel_loop3A_372 : i32 to index
        %parallel_loop3A_382 = arith.constant 0 : index
        %parallel_loop3A_383 = tpu.vector_load %arg11[%parallel_loop3A_380, %parallel_loop3A_381, %parallel_loop3A_382] {strides = array<i32>} : memref<2x80x16xf32, #tpu.memory_space<vmem>>, vector<1x1x16xf32>,
        %parallel_loop3A_384 = vector.shape_cast %parallel_loop3A_383 : vector<1x1x16xf32> to vector<16xf32>
        %parallel_loop3A_385 = arith.addf %parallel_loop3A_378, %parallel_loop3A_384 : vector<16xf32>
        %parallel_loop3A_386 = arith.constant 0.000000e+00 : f32
        %parallel_loop3A_387 = vector.broadcast %parallel_loop3A_386 : f32 to vector<16xf32>
        %parallel_loop3A_388 = arith.maximumf %parallel_loop3A_385, %parallel_loop3A_387 : vector<16xf32>
        %parallel_loop3A_389 = arith.constant 0 : i32
        %parallel_loop3A_390 = vector.broadcast %parallel_loop3A_389 : i32 to vector<16xi32>
        %parallel_loop3A_391 = arith.cmpi slt, %broadcast_in_dim3A_73, %parallel_loop3A_390 : vector<16xi32>
        %parallel_loop3A_392 = arith.constant 16 : i32
        %parallel_loop3A_393 = vector.broadcast %parallel_loop3A_392 : i32 to vector<16xi32>
        %parallel_loop3A_394 = arith.addi %broadcast_in_dim3A_73, %parallel_loop3A_393 : vector<16xi32>
        %parallel_loop3A_395 = arith.select %parallel_loop3A_391, %parallel_loop3A_394, %broadcast_in_dim3A_73 : vector<16xi1>, vector<16xi32>
        %parallel_loop3A_396 = vector.shape_cast %parallel_loop3A_395 : vector<16xi32> to vector<16x1xi32>
        %parallel_loop3A_397 = vector.shape_cast %parallel_loop3A_396 : vector<16x1xi32> to vector<16xi32>
        %parallel_loop3A_398 = tpu.dynamic_gather %parallel_loop3A_388[%parallel_loop3A_397] in [0] : vector<16xf32>, vector<16xi32> -> vector<16xf32>
        %parallel_loop3A_399 = arith.mulf %parallel_loop3A_398, %get3A_26 : vector<16xf32>
        %parallel_loop3A_400 = arith.constant 0 : i32
        %parallel_loop3A_401 = vector.broadcast %parallel_loop3A_400 : i32 to vector<16xi32>
        %parallel_loop3A_402 = arith.cmpi slt, %broadcast_in_dim3A_75, %parallel_loop3A_401 : vector<16xi32>
        %parallel_loop3A_403 = arith.constant 16 : i32
        %parallel_loop3A_404 = vector.broadcast %parallel_loop3A_403 : i32 to vector<16xi32>
        %parallel_loop3A_405 = arith.addi %broadcast_in_dim3A_75, %parallel_loop3A_404 : vector<16xi32>
        %parallel_loop3A_406 = arith.select %parallel_loop3A_402, %parallel_loop3A_405, %broadcast_in_dim3A_75 : vector<16xi1>, vector<16xi32>
        %parallel_loop3A_407 = vector.shape_cast %parallel_loop3A_406 : vector<16xi32> to vector<16x1xi32>
        %parallel_loop3A_408 = vector.shape_cast %parallel_loop3A_407 : vector<16x1xi32> to vector<16xi32>
        %parallel_loop3A_409 = tpu.dynamic_gather %parallel_loop3A_388[%parallel_loop3A_408] in [0] : vector<16xf32>, vector<16xi32> -> vector<16xf32>
        %parallel_loop3A_410 = arith.mulf %parallel_loop3A_409, %get3A_31 : vector<16xf32>
        %parallel_loop3A_411 = arith.addf %parallel_loop3A_399, %parallel_loop3A_410 : vector<16xf32>
        %parallel_loop3A_412 = arith.constant 0 : i32
        %parallel_loop3A_413 = vector.broadcast %parallel_loop3A_412 : i32 to vector<16xi32>
        %parallel_loop3A_414 = arith.cmpi slt, %broadcast_in_dim3A_77, %parallel_loop3A_413 : vector<16xi32>
        %parallel_loop3A_415 = arith.constant 16 : i32
        %parallel_loop3A_416 = vector.broadcast %parallel_loop3A_415 : i32 to vector<16xi32>
        %parallel_loop3A_417 = arith.addi %broadcast_in_dim3A_77, %parallel_loop3A_416 : vector<16xi32>
        %parallel_loop3A_418 = arith.select %parallel_loop3A_414, %parallel_loop3A_417, %broadcast_in_dim3A_77 : vector<16xi1>, vector<16xi32>
        %parallel_loop3A_419 = vector.shape_cast %parallel_loop3A_418 : vector<16xi32> to vector<16x1xi32>
        %parallel_loop3A_420 = vector.shape_cast %parallel_loop3A_419 : vector<16x1xi32> to vector<16xi32>
        %parallel_loop3A_421 = tpu.dynamic_gather %parallel_loop3A_388[%parallel_loop3A_420] in [0] : vector<16xf32>, vector<16xi32> -> vector<16xf32>
        %parallel_loop3A_422 = arith.mulf %parallel_loop3A_421, %get3A_36 : vector<16xf32>
        %parallel_loop3A_423 = arith.addf %parallel_loop3A_411, %parallel_loop3A_422 : vector<16xf32>
        %parallel_loop3A_424 = arith.constant 0 : i32
        %parallel_loop3A_425 = vector.broadcast %parallel_loop3A_424 : i32 to vector<16xi32>
        %parallel_loop3A_426 = arith.cmpi slt, %broadcast_in_dim3A_79, %parallel_loop3A_425 : vector<16xi32>
        %parallel_loop3A_427 = arith.constant 16 : i32
        %parallel_loop3A_428 = vector.broadcast %parallel_loop3A_427 : i32 to vector<16xi32>
        %parallel_loop3A_429 = arith.addi %broadcast_in_dim3A_79, %parallel_loop3A_428 : vector<16xi32>
        %parallel_loop3A_430 = arith.select %parallel_loop3A_426, %parallel_loop3A_429, %broadcast_in_dim3A_79 : vector<16xi1>, vector<16xi32>
        %parallel_loop3A_431 = vector.shape_cast %parallel_loop3A_430 : vector<16xi32> to vector<16x1xi32>
        %parallel_loop3A_432 = vector.shape_cast %parallel_loop3A_431 : vector<16x1xi32> to vector<16xi32>
        %parallel_loop3A_433 = tpu.dynamic_gather %parallel_loop3A_388[%parallel_loop3A_432] in [0] : vector<16xf32>, vector<16xi32> -> vector<16xf32>
        %parallel_loop3A_434 = arith.mulf %parallel_loop3A_433, %get3A_41 : vector<16xf32>
        %parallel_loop3A_435 = arith.addf %parallel_loop3A_423, %parallel_loop3A_434 : vector<16xf32>
        %parallel_loop3A_436 = arith.constant 0 : i32
        %parallel_loop3A_437 = vector.broadcast %parallel_loop3A_436 : i32 to vector<16xi32>
        %parallel_loop3A_438 = arith.cmpi slt, %broadcast_in_dim3A_81, %parallel_loop3A_437 : vector<16xi32>
        %parallel_loop3A_439 = arith.constant 16 : i32
        %parallel_loop3A_440 = vector.broadcast %parallel_loop3A_439 : i32 to vector<16xi32>
        %parallel_loop3A_441 = arith.addi %broadcast_in_dim3A_81, %parallel_loop3A_440 : vector<16xi32>
        %parallel_loop3A_442 = arith.select %parallel_loop3A_438, %parallel_loop3A_441, %broadcast_in_dim3A_81 : vector<16xi1>, vector<16xi32>
        %parallel_loop3A_443 = vector.shape_cast %parallel_loop3A_442 : vector<16xi32> to vector<16x1xi32>
        %parallel_loop3A_444 = vector.shape_cast %parallel_loop3A_443 : vector<16x1xi32> to vector<16xi32>
        %parallel_loop3A_445 = tpu.dynamic_gather %parallel_loop3A_388[%parallel_loop3A_444] in [0] : vector<16xf32>, vector<16xi32> -> vector<16xf32>
        %parallel_loop3A_446 = arith.mulf %parallel_loop3A_445, %get3A_46 : vector<16xf32>
        %parallel_loop3A_447 = arith.addf %parallel_loop3A_435, %parallel_loop3A_446 : vector<16xf32>
        %parallel_loop3A_448 = arith.constant 0 : i32
        %parallel_loop3A_449 = vector.broadcast %parallel_loop3A_448 : i32 to vector<16xi32>
        %parallel_loop3A_450 = arith.cmpi slt, %broadcast_in_dim3A_83, %parallel_loop3A_449 : vector<16xi32>
        %parallel_loop3A_451 = arith.constant 16 : i32
        %parallel_loop3A_452 = vector.broadcast %parallel_loop3A_451 : i32 to vector<16xi32>
        %parallel_loop3A_453 = arith.addi %broadcast_in_dim3A_83, %parallel_loop3A_452 : vector<16xi32>
        %parallel_loop3A_454 = arith.select %parallel_loop3A_450, %parallel_loop3A_453, %broadcast_in_dim3A_83 : vector<16xi1>, vector<16xi32>
        %parallel_loop3A_455 = vector.shape_cast %parallel_loop3A_454 : vector<16xi32> to vector<16x1xi32>
        %parallel_loop3A_456 = vector.shape_cast %parallel_loop3A_455 : vector<16x1xi32> to vector<16xi32>
        %parallel_loop3A_457 = tpu.dynamic_gather %parallel_loop3A_388[%parallel_loop3A_456] in [0] : vector<16xf32>, vector<16xi32> -> vector<16xf32>
        %parallel_loop3A_458 = arith.mulf %parallel_loop3A_457, %get3A_51 : vector<16xf32>
        %parallel_loop3A_459 = arith.addf %parallel_loop3A_447, %parallel_loop3A_458 : vector<16xf32>
        %parallel_loop3A_460 = arith.constant 0 : i32
        %parallel_loop3A_461 = vector.broadcast %parallel_loop3A_460 : i32 to vector<16xi32>
        %parallel_loop3A_462 = arith.cmpi slt, %broadcast_in_dim3A_85, %parallel_loop3A_461 : vector<16xi32>
        %parallel_loop3A_463 = arith.constant 16 : i32
        %parallel_loop3A_464 = vector.broadcast %parallel_loop3A_463 : i32 to vector<16xi32>
        %parallel_loop3A_465 = arith.addi %broadcast_in_dim3A_85, %parallel_loop3A_464 : vector<16xi32>
        %parallel_loop3A_466 = arith.select %parallel_loop3A_462, %parallel_loop3A_465, %broadcast_in_dim3A_85 : vector<16xi1>, vector<16xi32>
        %parallel_loop3A_467 = vector.shape_cast %parallel_loop3A_466 : vector<16xi32> to vector<16x1xi32>
        %parallel_loop3A_468 = vector.shape_cast %parallel_loop3A_467 : vector<16x1xi32> to vector<16xi32>
        %parallel_loop3A_469 = tpu.dynamic_gather %parallel_loop3A_388[%parallel_loop3A_468] in [0] : vector<16xf32>, vector<16xi32> -> vector<16xf32>
        %parallel_loop3A_470 = arith.mulf %parallel_loop3A_469, %get3A_56 : vector<16xf32>
        %parallel_loop3A_471 = arith.addf %parallel_loop3A_459, %parallel_loop3A_470 : vector<16xf32>
        %parallel_loop3A_472 = arith.constant 0 : i32
        %parallel_loop3A_473 = vector.broadcast %parallel_loop3A_472 : i32 to vector<16xi32>
        %parallel_loop3A_474 = arith.cmpi slt, %broadcast_in_dim3A_87, %parallel_loop3A_473 : vector<16xi32>
        %parallel_loop3A_475 = arith.constant 16 : i32
        %parallel_loop3A_476 = vector.broadcast %parallel_loop3A_475 : i32 to vector<16xi32>
        %parallel_loop3A_477 = arith.addi %broadcast_in_dim3A_87, %parallel_loop3A_476 : vector<16xi32>
        %parallel_loop3A_478 = arith.select %parallel_loop3A_474, %parallel_loop3A_477, %broadcast_in_dim3A_87 : vector<16xi1>, vector<16xi32>
        %parallel_loop3A_479 = vector.shape_cast %parallel_loop3A_478 : vector<16xi32> to vector<16x1xi32>
        %parallel_loop3A_480 = vector.shape_cast %parallel_loop3A_479 : vector<16x1xi32> to vector<16xi32>
        %parallel_loop3A_481 = tpu.dynamic_gather %parallel_loop3A_388[%parallel_loop3A_480] in [0] : vector<16xf32>, vector<16xi32> -> vector<16xf32>
        %parallel_loop3A_482 = arith.mulf %parallel_loop3A_481, %get3A_61 : vector<16xf32>
        %parallel_loop3A_483 = arith.addf %parallel_loop3A_471, %parallel_loop3A_482 : vector<16xf32>
        %parallel_loop3A_484 = arith.constant 0 : i32
        %parallel_loop3A_485 = vector.broadcast %parallel_loop3A_484 : i32 to vector<16xi32>
        %parallel_loop3A_486 = arith.cmpi slt, %broadcast_in_dim3A_89, %parallel_loop3A_485 : vector<16xi32>
        %parallel_loop3A_487 = arith.constant 16 : i32
        %parallel_loop3A_488 = vector.broadcast %parallel_loop3A_487 : i32 to vector<16xi32>
        %parallel_loop3A_489 = arith.addi %broadcast_in_dim3A_89, %parallel_loop3A_488 : vector<16xi32>
        %parallel_loop3A_490 = arith.select %parallel_loop3A_486, %parallel_loop3A_489, %broadcast_in_dim3A_89 : vector<16xi1>, vector<16xi32>
        %parallel_loop3A_491 = vector.shape_cast %parallel_loop3A_490 : vector<16xi32> to vector<16x1xi32>
        %parallel_loop3A_492 = vector.shape_cast %parallel_loop3A_491 : vector<16x1xi32> to vector<16xi32>
        %parallel_loop3A_493 = tpu.dynamic_gather %parallel_loop3A_388[%parallel_loop3A_492] in [0] : vector<16xf32>, vector<16xi32> -> vector<16xf32>
        %parallel_loop3A_494 = arith.mulf %parallel_loop3A_493, %get3A_66 : vector<16xf32>
        %parallel_loop3A_495 = arith.addf %parallel_loop3A_483, %parallel_loop3A_494 : vector<16xf32>
        %parallel_loop3A_496 = arith.constant 0 : i32
        %parallel_loop3A_497 = vector.broadcast %parallel_loop3A_496 : i32 to vector<16xi32>
        %parallel_loop3A_498 = arith.cmpi slt, %broadcast_in_dim3A_91, %parallel_loop3A_497 : vector<16xi32>
        %parallel_loop3A_499 = arith.constant 16 : i32
        %parallel_loop3A_500 = vector.broadcast %parallel_loop3A_499 : i32 to vector<16xi32>
        %parallel_loop3A_501 = arith.addi %broadcast_in_dim3A_91, %parallel_loop3A_500 : vector<16xi32>
        %parallel_loop3A_502 = arith.select %parallel_loop3A_498, %parallel_loop3A_501, %broadcast_in_dim3A_91 : vector<16xi1>, vector<16xi32>
        %parallel_loop3A_503 = vector.shape_cast %parallel_loop3A_502 : vector<16xi32> to vector<16x1xi32>
        %parallel_loop3A_504 = vector.shape_cast %parallel_loop3A_503 : vector<16x1xi32> to vector<16xi32>
        %parallel_loop3A_505 = tpu.dynamic_gather %parallel_loop3A_388[%parallel_loop3A_504] in [0] : vector<16xf32>, vector<16xi32> -> vector<16xf32>
        %parallel_loop3A_506 = arith.mulf %parallel_loop3A_505, %get3A_71 : vector<16xf32>
        %parallel_loop3A_507 = arith.addf %parallel_loop3A_495, %parallel_loop3A_506 : vector<16xf32>
        %parallel_loop3A_508 = arith.constant 0.000000e+00 : f32
        %parallel_loop3A_509 = vector.broadcast %parallel_loop3A_508 : f32 to vector<16xf32>
        %parallel_loop3A_510 = arith.maximumf %parallel_loop3A_507, %parallel_loop3A_509 : vector<16xf32>
        %parallel_loop3A_511 = arith.constant 0 : i32
        %parallel_loop3A_512 = arith.index_cast %parallel_loop3A_511 : i32 to index
        %parallel_loop3A_513 = arith.index_cast %parallel_loop3A_372 : i32 to index
        %parallel_loop3A_514 = arith.constant 0 : index
        %parallel_loop3A_515 = tpu.vector_load %arg12[%parallel_loop3A_512, %parallel_loop3A_513, %parallel_loop3A_514] {strides = array<i32>} : memref<2x80x16xf32, #tpu.memory_space<vmem>>, vector<1x1x16xf32>,
        %parallel_loop3A_516 = vector.shape_cast %parallel_loop3A_515 : vector<1x1x16xf32> to vector<16xf32>
        %parallel_loop3A_517 = vector.shape_cast %parallel_loop3A_510 : vector<16xf32> to vector<1x1x16xf32>
        tpu.vector_store %arg12[%parallel_loop3A_512, %parallel_loop3A_513, %parallel_loop3A_514], %parallel_loop3A_517 {strides = array<i32>} : memref<2x80x16xf32, #tpu.memory_space<vmem>>, vector<1x1x16xf32>,
      } {sc.loop_unroll_factor = 10 : i64, sc.parallel_access}
      %dma_start3A_285 = arith.constant 0 : i32
      %dma_start3A_286 = arith.constant 0 : i32
      %dma_start3A_287 = arith.constant 0 : i32
      %dma_start3A_288 = tpu.memref_slice %arg12[%dma_start3A_285, %dma_start3A_286, %dma_start3A_287] : memref<2x80x16xf32, #tpu.memory_space<vmem>> -> memref<1x80x16xf32, #tpu.memory_space<vmem>>
      %dma_start3A_289 = tpu.memref_squeeze %dma_start3A_288 : memref<1x80x16xf32, #tpu.memory_space<vmem>> -> memref<80x16xf32, #tpu.memory_space<vmem>>
      %dma_start3A_290 = arith.constant 0 : i32
      %dma_start3A_291 = tpu.memref_slice %arg9[%mul3A_223, %dma_start3A_290] : memref<125x80xi32, #tpu.memory_space<vmem>> -> memref<1x80xi32, #tpu.memory_space<vmem>>
      %dma_start3A_292 = tpu.memref_squeeze %dma_start3A_291 : memref<1x80xi32, #tpu.memory_space<vmem>> -> memref<80xi32, #tpu.memory_space<vmem>>
      %dma_start3A_293 = arith.constant 0 : i32
      %dma_start3A_294 = arith.constant 0 : i32
      %dma_start3A_295 = tpu.memref_slice %arg15[%dma_start3A_293, %dma_start3A_294] : memref<10000x16xf32, #tpu.memory_space<vmem_shared>> -> memref<10000x16xf32, #tpu.memory_space<vmem_shared>>
      tpu.enqueue_indirect_dma source(%dma_start3A_289 : memref<80x16xf32, #tpu.memory_space<vmem>>) target(%dma_start3A_295 : memref<10000x16xf32, #tpu.memory_space<vmem_shared>>) offsets(%dma_start3A_292 : memref<80xi32, #tpu.memory_space<vmem>>) semaphore(%arg22 : memref<!tpu.dma_semaphore, #tpu.memory_space<semaphore_mem>>) {add = true}
      %add3A_296 = arith.constant 2 : i32
      %add3A_297 = arith.addi %mul3A_223, %add3A_296 : i32
      %dma_start3A_298 = arith.constant 0 : i32
      %dma_start3A_299 = arith.constant 0 : i32
      %dma_start3A_300 = arith.constant 0 : i32
      %dma_start3A_301 = tpu.memref_slice %arg10[%dma_start3A_298, %dma_start3A_299, %dma_start3A_300] : memref<2x80x16xf32, #tpu.memory_space<vmem>> -> memref<1x80x16xf32, #tpu.memory_space<vmem>>
      %dma_start3A_302 = tpu.memref_squeeze %dma_start3A_301 : memref<1x80x16xf32, #tpu.memory_space<vmem>> -> memref<80x16xf32, #tpu.memory_space<vmem>>
      %dma_start3A_303 = arith.constant 0 : i32
      %dma_start3A_304 = tpu.memref_slice %arg9[%add3A_297, %dma_start3A_303] : memref<125x80xi32, #tpu.memory_space<vmem>> -> memref<1x80xi32, #tpu.memory_space<vmem>>
      %dma_start3A_305 = tpu.memref_squeeze %dma_start3A_304 : memref<1x80xi32, #tpu.memory_space<vmem>> -> memref<80xi32, #tpu.memory_space<vmem>>
      %dma_start3A_306 = arith.constant 0 : i32
      %dma_start3A_307 = arith.constant 0 : i32
      %dma_start3A_308 = tpu.memref_slice %arg16[%dma_start3A_306, %dma_start3A_307] : memref<10000x16xf32, #tpu.memory_space<vmem_shared>> -> memref<10000x16xf32, #tpu.memory_space<vmem_shared>>
      tpu.enqueue_indirect_dma source(%dma_start3A_308 : memref<10000x16xf32, #tpu.memory_space<vmem_shared>>) target(%dma_start3A_302 : memref<80x16xf32, #tpu.memory_space<vmem>>) offsets(%dma_start3A_305 : memref<80xi32, #tpu.memory_space<vmem>>) semaphore(%arg18 : memref<!tpu.dma_semaphore, #tpu.memory_space<semaphore_mem>>)
      %dma_start3A_309 = arith.constant 0 : i32
      %dma_start3A_310 = arith.constant 0 : i32
      %dma_start3A_311 = arith.constant 0 : i32
      %dma_start3A_312 = tpu.memref_slice %arg11[%dma_start3A_309, %dma_start3A_310, %dma_start3A_311] : memref<2x80x16xf32, #tpu.memory_space<vmem>> -> memref<1x80x16xf32, #tpu.memory_space<vmem>>
      %dma_start3A_313 = tpu.memref_squeeze %dma_start3A_312 : memref<1x80x16xf32, #tpu.memory_space<vmem>> -> memref<80x16xf32, #tpu.memory_space<vmem>>
      %dma_start3A_314 = arith.constant 0 : i32
      %dma_start3A_315 = tpu.memref_slice %arg8[%add3A_297, %dma_start3A_314] : memref<125x80xi32, #tpu.memory_space<vmem>> -> memref<1x80xi32, #tpu.memory_space<vmem>>
      %dma_start3A_316 = tpu.memref_squeeze %dma_start3A_315 : memref<1x80xi32, #tpu.memory_space<vmem>> -> memref<80xi32, #tpu.memory_space<vmem>>
      %dma_start3A_317 = arith.constant 0 : i32
      %dma_start3A_318 = arith.constant 0 : i32
      %dma_start3A_319 = tpu.memref_slice %arg17[%dma_start3A_317, %dma_start3A_318] : memref<10000x16xf32, #tpu.memory_space<vmem_shared>> -> memref<10000x16xf32, #tpu.memory_space<vmem_shared>>
      tpu.enqueue_indirect_dma source(%dma_start3A_319 : memref<10000x16xf32, #tpu.memory_space<vmem_shared>>) target(%dma_start3A_313 : memref<80x16xf32, #tpu.memory_space<vmem>>) offsets(%dma_start3A_316 : memref<80xi32, #tpu.memory_space<vmem>>) semaphore(%arg19 : memref<!tpu.dma_semaphore, #tpu.memory_space<semaphore_mem>>)
      %add3A_320 = arith.constant 1 : i32
      %add3A_321 = arith.addi %mul3A_223, %add3A_320 : i32
      %dma_wait3A_322 = arith.constant 1 : i32
      %dma_wait3A_323 = arith.constant 0 : i32
      %dma_wait3A_324 = arith.constant 0 : i32
      %dma_wait3A_325 = tpu.memref_slice %arg10[%dma_wait3A_322, %dma_wait3A_323, %dma_wait3A_324] : memref<2x80x16xf32, #tpu.memory_space<vmem>> -> memref<1x80x16xf32, #tpu.memory_space<vmem>>
      %dma_wait3A_326 = tpu.memref_squeeze %dma_wait3A_325 : memref<1x80x16xf32, #tpu.memory_space<vmem>> -> memref<80x16xf32, #tpu.memory_space<vmem>>
      %dma_wait3A_327 = arith.constant 0 : i32
      %dma_wait3A_328 = tpu.memref_slice %arg9[%add3A_321, %dma_wait3A_327] : memref<125x80xi32, #tpu.memory_space<vmem>> -> memref<1x80xi32, #tpu.memory_space<vmem>>
      %dma_wait3A_329 = tpu.memref_squeeze %dma_wait3A_328 : memref<1x80xi32, #tpu.memory_space<vmem>> -> memref<80xi32, #tpu.memory_space<vmem>>
      %dma_wait3A_330 = arith.constant 0 : i32
      %dma_wait3A_331 = arith.constant 0 : i32
      %dma_wait3A_332 = tpu.memref_slice %arg16[%dma_wait3A_330, %dma_wait3A_331] : memref<10000x16xf32, #tpu.memory_space<vmem_shared>> -> memref<10000x16xf32, #tpu.memory_space<vmem_shared>>
      tpu.wait_indirect_dma semaphore(%arg20 : memref<!tpu.dma_semaphore, #tpu.memory_space<semaphore_mem>>) src(%dma_wait3A_332 : memref<10000x16xf32, #tpu.memory_space<vmem_shared>>) dst(%dma_wait3A_326 : memref<80x16xf32, #tpu.memory_space<vmem>>)
      %dma_wait3A_333 = arith.constant 1 : i32
      %dma_wait3A_334 = arith.constant 0 : i32
      %dma_wait3A_335 = arith.constant 0 : i32
      %dma_wait3A_336 = tpu.memref_slice %arg11[%dma_wait3A_333, %dma_wait3A_334, %dma_wait3A_335] : memref<2x80x16xf32, #tpu.memory_space<vmem>> -> memref<1x80x16xf32, #tpu.memory_space<vmem>>
      %dma_wait3A_337 = tpu.memref_squeeze %dma_wait3A_336 : memref<1x80x16xf32, #tpu.memory_space<vmem>> -> memref<80x16xf32, #tpu.memory_space<vmem>>
      %dma_wait3A_338 = arith.constant 0 : i32
      %dma_wait3A_339 = tpu.memref_slice %arg8[%add3A_321, %dma_wait3A_338] : memref<125x80xi32, #tpu.memory_space<vmem>> -> memref<1x80xi32, #tpu.memory_space<vmem>>
      %dma_wait3A_340 = tpu.memref_squeeze %dma_wait3A_339 : memref<1x80xi32, #tpu.memory_space<vmem>> -> memref<80xi32, #tpu.memory_space<vmem>>
      %dma_wait3A_341 = arith.constant 0 : i32
      %dma_wait3A_342 = arith.constant 0 : i32
      %dma_wait3A_343 = tpu.memref_slice %arg17[%dma_wait3A_341, %dma_wait3A_342] : memref<10000x16xf32, #tpu.memory_space<vmem_shared>> -> memref<10000x16xf32, #tpu.memory_space<vmem_shared>>
      tpu.wait_indirect_dma semaphore(%arg21 : memref<!tpu.dma_semaphore, #tpu.memory_space<semaphore_mem>>) src(%dma_wait3A_343 : memref<10000x16xf32, #tpu.memory_space<vmem_shared>>) dst(%dma_wait3A_337 : memref<80x16xf32, #tpu.memory_space<vmem>>)
      %dma_wait3A_344 = arith.constant 1 : i32
      %dma_wait3A_345 = arith.constant 0 : i32
      %dma_wait3A_346 = arith.constant 0 : i32
      %dma_wait3A_347 = arith.constant 0 : i32
      %dma_wait3A_348 = tpu.memref_slice %arg12[%dma_wait3A_344, %dma_wait3A_346, %dma_wait3A_347] : memref<2x80x16xf32, #tpu.memory_space<vmem>> -> memref<1x80x16xf32, #tpu.memory_space<vmem>>
      %dma_wait3A_349 = tpu.memref_squeeze %dma_wait3A_348 : memref<1x80x16xf32, #tpu.memory_space<vmem>> -> memref<80x16xf32, #tpu.memory_space<vmem>>
      %dma_wait3A_350 = arith.constant 0 : i32
      %dma_wait3A_351 = tpu.memref_slice %arg9[%dma_wait3A_345, %dma_wait3A_350] : memref<125x80xi32, #tpu.memory_space<vmem>> -> memref<1x80xi32, #tpu.memory_space<vmem>>
      %dma_wait3A_352 = tpu.memref_squeeze %dma_wait3A_351 : memref<1x80xi32, #tpu.memory_space<vmem>> -> memref<80xi32, #tpu.memory_space<vmem>>
      %dma_wait3A_353 = arith.constant 0 : i32
      %dma_wait3A_354 = arith.constant 0 : i32
      %dma_wait3A_355 = tpu.memref_slice %arg15[%dma_wait3A_353, %dma_wait3A_354] : memref<10000x16xf32, #tpu.memory_space<vmem_shared>> -> memref<10000x16xf32, #tpu.memory_space<vmem_shared>>
      tpu.wait_indirect_dma semaphore(%arg23 : memref<!tpu.dma_semaphore, #tpu.memory_space<semaphore_mem>>) src(%dma_wait3A_349 : memref<80x16xf32, #tpu.memory_space<vmem>>) dst(%dma_wait3A_355 : memref<10000x16xf32, #tpu.memory_space<vmem_shared>>)
      %add3A_356 = arith.constant 1 : i32
      %add3A_357 = arith.addi %mul3A_223, %add3A_356 : i32
      %parallel_loop3A_358 = arith.constant 0 : i32
      %parallel_loop3A_359 = arith.constant 80 : i32
      %parallel_loop3A_360 = arith.constant 1 : i32
      scf.for %parallel_loop3A_372 = %parallel_loop3A_358 to %parallel_loop3A_359 step %parallel_loop3A_360  : i32 {
        %parallel_loop3A_373 = arith.constant 1 : i32
        %parallel_loop3A_374 = arith.index_cast %parallel_loop3A_373 : i32 to index
        %parallel_loop3A_375 = arith.index_cast %parallel_loop3A_372 : i32 to index
        %parallel_loop3A_376 = arith.constant 0 : index
        %parallel_loop3A_377 = tpu.vector_load %arg10[%parallel_loop3A_374, %parallel_loop3A_375, %parallel_loop3A_376] {strides = array<i32>} : memref<2x80x16xf32, #tpu.memory_space<vmem>>, vector<1x1x16xf32>,
        %parallel_loop3A_378 = vector.shape_cast %parallel_loop3A_377 : vector<1x1x16xf32> to vector<16xf32>
        %parallel_loop3A_379 = arith.constant 1 : i32
        %parallel_loop3A_380 = arith.index_cast %parallel_loop3A_379 : i32 to index
        %parallel_loop3A_381 = arith.index_cast %parallel_loop3A_372 : i32 to index
        %parallel_loop3A_382 = arith.constant 0 : index
        %parallel_loop3A_383 = tpu.vector_load %arg11[%parallel_loop3A_380, %parallel_loop3A_381, %parallel_loop3A_382] {strides = array<i32>} : memref<2x80x16xf32, #tpu.memory_space<vmem>>, vector<1x1x16xf32>,
        %parallel_loop3A_384 = vector.shape_cast %parallel_loop3A_383 : vector<1x1x16xf32> to vector<16xf32>
        %parallel_loop3A_385 = arith.addf %parallel_loop3A_378, %parallel_loop3A_384 : vector<16xf32>
        %parallel_loop3A_386 = arith.constant 0.000000e+00 : f32
        %parallel_loop3A_387 = vector.broadcast %parallel_loop3A_386 : f32 to vector<16xf32>
        %parallel_loop3A_388 = arith.maximumf %parallel_loop3A_385, %parallel_loop3A_387 : vector<16xf32>
        %parallel_loop3A_389 = arith.constant 0 : i32
        %parallel_loop3A_390 = vector.broadcast %parallel_loop3A_389 : i32 to vector<16xi32>
        %parallel_loop3A_391 = arith.cmpi slt, %broadcast_in_dim3A_73, %parallel_loop3A_390 : vector<16xi32>
        %parallel_loop3A_392 = arith.constant 16 : i32
        %parallel_loop3A_393 = vector.broadcast %parallel_loop3A_392 : i32 to vector<16xi32>
        %parallel_loop3A_394 = arith.addi %broadcast_in_dim3A_73, %parallel_loop3A_393 : vector<16xi32>
        %parallel_loop3A_395 = arith.select %parallel_loop3A_391, %parallel_loop3A_394, %broadcast_in_dim3A_73 : vector<16xi1>, vector<16xi32>
        %parallel_loop3A_396 = vector.shape_cast %parallel_loop3A_395 : vector<16xi32> to vector<16x1xi32>
        %parallel_loop3A_397 = vector.shape_cast %parallel_loop3A_396 : vector<16x1xi32> to vector<16xi32>
        %parallel_loop3A_398 = tpu.dynamic_gather %parallel_loop3A_388[%parallel_loop3A_397] in [0] : vector<16xf32>, vector<16xi32> -> vector<16xf32>
        %parallel_loop3A_399 = arith.mulf %parallel_loop3A_398, %get3A_26 : vector<16xf32>
        %parallel_loop3A_400 = arith.constant 0 : i32
        %parallel_loop3A_401 = vector.broadcast %parallel_loop3A_400 : i32 to vector<16xi32>
        %parallel_loop3A_402 = arith.cmpi slt, %broadcast_in_dim3A_75, %parallel_loop3A_401 : vector<16xi32>
        %parallel_loop3A_403 = arith.constant 16 : i32
        %parallel_loop3A_404 = vector.broadcast %parallel_loop3A_403 : i32 to vector<16xi32>
        %parallel_loop3A_405 = arith.addi %broadcast_in_dim3A_75, %parallel_loop3A_404 : vector<16xi32>
        %parallel_loop3A_406 = arith.select %parallel_loop3A_402, %parallel_loop3A_405, %broadcast_in_dim3A_75 : vector<16xi1>, vector<16xi32>
        %parallel_loop3A_407 = vector.shape_cast %parallel_loop3A_406 : vector<16xi32> to vector<16x1xi32>
        %parallel_loop3A_408 = vector.shape_cast %parallel_loop3A_407 : vector<16x1xi32> to vector<16xi32>
        %parallel_loop3A_409 = tpu.dynamic_gather %parallel_loop3A_388[%parallel_loop3A_408] in [0] : vector<16xf32>, vector<16xi32> -> vector<16xf32>
        %parallel_loop3A_410 = arith.mulf %parallel_loop3A_409, %get3A_31 : vector<16xf32>
        %parallel_loop3A_411 = arith.addf %parallel_loop3A_399, %parallel_loop3A_410 : vector<16xf32>
        %parallel_loop3A_412 = arith.constant 0 : i32
        %parallel_loop3A_413 = vector.broadcast %parallel_loop3A_412 : i32 to vector<16xi32>
        %parallel_loop3A_414 = arith.cmpi slt, %broadcast_in_dim3A_77, %parallel_loop3A_413 : vector<16xi32>
        %parallel_loop3A_415 = arith.constant 16 : i32
        %parallel_loop3A_416 = vector.broadcast %parallel_loop3A_415 : i32 to vector<16xi32>
        %parallel_loop3A_417 = arith.addi %broadcast_in_dim3A_77, %parallel_loop3A_416 : vector<16xi32>
        %parallel_loop3A_418 = arith.select %parallel_loop3A_414, %parallel_loop3A_417, %broadcast_in_dim3A_77 : vector<16xi1>, vector<16xi32>
        %parallel_loop3A_419 = vector.shape_cast %parallel_loop3A_418 : vector<16xi32> to vector<16x1xi32>
        %parallel_loop3A_420 = vector.shape_cast %parallel_loop3A_419 : vector<16x1xi32> to vector<16xi32>
        %parallel_loop3A_421 = tpu.dynamic_gather %parallel_loop3A_388[%parallel_loop3A_420] in [0] : vector<16xf32>, vector<16xi32> -> vector<16xf32>
        %parallel_loop3A_422 = arith.mulf %parallel_loop3A_421, %get3A_36 : vector<16xf32>
        %parallel_loop3A_423 = arith.addf %parallel_loop3A_411, %parallel_loop3A_422 : vector<16xf32>
        %parallel_loop3A_424 = arith.constant 0 : i32
        %parallel_loop3A_425 = vector.broadcast %parallel_loop3A_424 : i32 to vector<16xi32>
        %parallel_loop3A_426 = arith.cmpi slt, %broadcast_in_dim3A_79, %parallel_loop3A_425 : vector<16xi32>
        %parallel_loop3A_427 = arith.constant 16 : i32
        %parallel_loop3A_428 = vector.broadcast %parallel_loop3A_427 : i32 to vector<16xi32>
        %parallel_loop3A_429 = arith.addi %broadcast_in_dim3A_79, %parallel_loop3A_428 : vector<16xi32>
        %parallel_loop3A_430 = arith.select %parallel_loop3A_426, %parallel_loop3A_429, %broadcast_in_dim3A_79 : vector<16xi1>, vector<16xi32>
        %parallel_loop3A_431 = vector.shape_cast %parallel_loop3A_430 : vector<16xi32> to vector<16x1xi32>
        %parallel_loop3A_432 = vector.shape_cast %parallel_loop3A_431 : vector<16x1xi32> to vector<16xi32>
        %parallel_loop3A_433 = tpu.dynamic_gather %parallel_loop3A_388[%parallel_loop3A_432] in [0] : vector<16xf32>, vector<16xi32> -> vector<16xf32>
        %parallel_loop3A_434 = arith.mulf %parallel_loop3A_433, %get3A_41 : vector<16xf32>
        %parallel_loop3A_435 = arith.addf %parallel_loop3A_423, %parallel_loop3A_434 : vector<16xf32>
        %parallel_loop3A_436 = arith.constant 0 : i32
        %parallel_loop3A_437 = vector.broadcast %parallel_loop3A_436 : i32 to vector<16xi32>
        %parallel_loop3A_438 = arith.cmpi slt, %broadcast_in_dim3A_81, %parallel_loop3A_437 : vector<16xi32>
        %parallel_loop3A_439 = arith.constant 16 : i32
        %parallel_loop3A_440 = vector.broadcast %parallel_loop3A_439 : i32 to vector<16xi32>
        %parallel_loop3A_441 = arith.addi %broadcast_in_dim3A_81, %parallel_loop3A_440 : vector<16xi32>
        %parallel_loop3A_442 = arith.select %parallel_loop3A_438, %parallel_loop3A_441, %broadcast_in_dim3A_81 : vector<16xi1>, vector<16xi32>
        %parallel_loop3A_443 = vector.shape_cast %parallel_loop3A_442 : vector<16xi32> to vector<16x1xi32>
        %parallel_loop3A_444 = vector.shape_cast %parallel_loop3A_443 : vector<16x1xi32> to vector<16xi32>
        %parallel_loop3A_445 = tpu.dynamic_gather %parallel_loop3A_388[%parallel_loop3A_444] in [0] : vector<16xf32>, vector<16xi32> -> vector<16xf32>
        %parallel_loop3A_446 = arith.mulf %parallel_loop3A_445, %get3A_46 : vector<16xf32>
        %parallel_loop3A_447 = arith.addf %parallel_loop3A_435, %parallel_loop3A_446 : vector<16xf32>
        %parallel_loop3A_448 = arith.constant 0 : i32
        %parallel_loop3A_449 = vector.broadcast %parallel_loop3A_448 : i32 to vector<16xi32>
        %parallel_loop3A_450 = arith.cmpi slt, %broadcast_in_dim3A_83, %parallel_loop3A_449 : vector<16xi32>
        %parallel_loop3A_451 = arith.constant 16 : i32
        %parallel_loop3A_452 = vector.broadcast %parallel_loop3A_451 : i32 to vector<16xi32>
        %parallel_loop3A_453 = arith.addi %broadcast_in_dim3A_83, %parallel_loop3A_452 : vector<16xi32>
        %parallel_loop3A_454 = arith.select %parallel_loop3A_450, %parallel_loop3A_453, %broadcast_in_dim3A_83 : vector<16xi1>, vector<16xi32>
        %parallel_loop3A_455 = vector.shape_cast %parallel_loop3A_454 : vector<16xi32> to vector<16x1xi32>
        %parallel_loop3A_456 = vector.shape_cast %parallel_loop3A_455 : vector<16x1xi32> to vector<16xi32>
        %parallel_loop3A_457 = tpu.dynamic_gather %parallel_loop3A_388[%parallel_loop3A_456] in [0] : vector<16xf32>, vector<16xi32> -> vector<16xf32>
        %parallel_loop3A_458 = arith.mulf %parallel_loop3A_457, %get3A_51 : vector<16xf32>
        %parallel_loop3A_459 = arith.addf %parallel_loop3A_447, %parallel_loop3A_458 : vector<16xf32>
        %parallel_loop3A_460 = arith.constant 0 : i32
        %parallel_loop3A_461 = vector.broadcast %parallel_loop3A_460 : i32 to vector<16xi32>
        %parallel_loop3A_462 = arith.cmpi slt, %broadcast_in_dim3A_85, %parallel_loop3A_461 : vector<16xi32>
        %parallel_loop3A_463 = arith.constant 16 : i32
        %parallel_loop3A_464 = vector.broadcast %parallel_loop3A_463 : i32 to vector<16xi32>
        %parallel_loop3A_465 = arith.addi %broadcast_in_dim3A_85, %parallel_loop3A_464 : vector<16xi32>
        %parallel_loop3A_466 = arith.select %parallel_loop3A_462, %parallel_loop3A_465, %broadcast_in_dim3A_85 : vector<16xi1>, vector<16xi32>
        %parallel_loop3A_467 = vector.shape_cast %parallel_loop3A_466 : vector<16xi32> to vector<16x1xi32>
        %parallel_loop3A_468 = vector.shape_cast %parallel_loop3A_467 : vector<16x1xi32> to vector<16xi32>
        %parallel_loop3A_469 = tpu.dynamic_gather %parallel_loop3A_388[%parallel_loop3A_468] in [0] : vector<16xf32>, vector<16xi32> -> vector<16xf32>
        %parallel_loop3A_470 = arith.mulf %parallel_loop3A_469, %get3A_56 : vector<16xf32>
        %parallel_loop3A_471 = arith.addf %parallel_loop3A_459, %parallel_loop3A_470 : vector<16xf32>
        %parallel_loop3A_472 = arith.constant 0 : i32
        %parallel_loop3A_473 = vector.broadcast %parallel_loop3A_472 : i32 to vector<16xi32>
        %parallel_loop3A_474 = arith.cmpi slt, %broadcast_in_dim3A_87, %parallel_loop3A_473 : vector<16xi32>
        %parallel_loop3A_475 = arith.constant 16 : i32
        %parallel_loop3A_476 = vector.broadcast %parallel_loop3A_475 : i32 to vector<16xi32>
        %parallel_loop3A_477 = arith.addi %broadcast_in_dim3A_87, %parallel_loop3A_476 : vector<16xi32>
        %parallel_loop3A_478 = arith.select %parallel_loop3A_474, %parallel_loop3A_477, %broadcast_in_dim3A_87 : vector<16xi1>, vector<16xi32>
        %parallel_loop3A_479 = vector.shape_cast %parallel_loop3A_478 : vector<16xi32> to vector<16x1xi32>
        %parallel_loop3A_480 = vector.shape_cast %parallel_loop3A_479 : vector<16x1xi32> to vector<16xi32>
        %parallel_loop3A_481 = tpu.dynamic_gather %parallel_loop3A_388[%parallel_loop3A_480] in [0] : vector<16xf32>, vector<16xi32> -> vector<16xf32>
        %parallel_loop3A_482 = arith.mulf %parallel_loop3A_481, %get3A_61 : vector<16xf32>
        %parallel_loop3A_483 = arith.addf %parallel_loop3A_471, %parallel_loop3A_482 : vector<16xf32>
        %parallel_loop3A_484 = arith.constant 0 : i32
        %parallel_loop3A_485 = vector.broadcast %parallel_loop3A_484 : i32 to vector<16xi32>
        %parallel_loop3A_486 = arith.cmpi slt, %broadcast_in_dim3A_89, %parallel_loop3A_485 : vector<16xi32>
        %parallel_loop3A_487 = arith.constant 16 : i32
        %parallel_loop3A_488 = vector.broadcast %parallel_loop3A_487 : i32 to vector<16xi32>
        %parallel_loop3A_489 = arith.addi %broadcast_in_dim3A_89, %parallel_loop3A_488 : vector<16xi32>
        %parallel_loop3A_490 = arith.select %parallel_loop3A_486, %parallel_loop3A_489, %broadcast_in_dim3A_89 : vector<16xi1>, vector<16xi32>
        %parallel_loop3A_491 = vector.shape_cast %parallel_loop3A_490 : vector<16xi32> to vector<16x1xi32>
        %parallel_loop3A_492 = vector.shape_cast %parallel_loop3A_491 : vector<16x1xi32> to vector<16xi32>
        %parallel_loop3A_493 = tpu.dynamic_gather %parallel_loop3A_388[%parallel_loop3A_492] in [0] : vector<16xf32>, vector<16xi32> -> vector<16xf32>
        %parallel_loop3A_494 = arith.mulf %parallel_loop3A_493, %get3A_66 : vector<16xf32>
        %parallel_loop3A_495 = arith.addf %parallel_loop3A_483, %parallel_loop3A_494 : vector<16xf32>
        %parallel_loop3A_496 = arith.constant 0 : i32
        %parallel_loop3A_497 = vector.broadcast %parallel_loop3A_496 : i32 to vector<16xi32>
        %parallel_loop3A_498 = arith.cmpi slt, %broadcast_in_dim3A_91, %parallel_loop3A_497 : vector<16xi32>
        %parallel_loop3A_499 = arith.constant 16 : i32
        %parallel_loop3A_500 = vector.broadcast %parallel_loop3A_499 : i32 to vector<16xi32>
        %parallel_loop3A_501 = arith.addi %broadcast_in_dim3A_91, %parallel_loop3A_500 : vector<16xi32>
        %parallel_loop3A_502 = arith.select %parallel_loop3A_498, %parallel_loop3A_501, %broadcast_in_dim3A_91 : vector<16xi1>, vector<16xi32>
        %parallel_loop3A_503 = vector.shape_cast %parallel_loop3A_502 : vector<16xi32> to vector<16x1xi32>
        %parallel_loop3A_504 = vector.shape_cast %parallel_loop3A_503 : vector<16x1xi32> to vector<16xi32>
        %parallel_loop3A_505 = tpu.dynamic_gather %parallel_loop3A_388[%parallel_loop3A_504] in [0] : vector<16xf32>, vector<16xi32> -> vector<16xf32>
        %parallel_loop3A_506 = arith.mulf %parallel_loop3A_505, %get3A_71 : vector<16xf32>
        %parallel_loop3A_507 = arith.addf %parallel_loop3A_495, %parallel_loop3A_506 : vector<16xf32>
        %parallel_loop3A_508 = arith.constant 0.000000e+00 : f32
        %parallel_loop3A_509 = vector.broadcast %parallel_loop3A_508 : f32 to vector<16xf32>
        %parallel_loop3A_510 = arith.maximumf %parallel_loop3A_507, %parallel_loop3A_509 : vector<16xf32>
        %parallel_loop3A_511 = arith.constant 1 : i32
        %parallel_loop3A_512 = arith.index_cast %parallel_loop3A_511 : i32 to index
        %parallel_loop3A_513 = arith.index_cast %parallel_loop3A_372 : i32 to index
        %parallel_loop3A_514 = arith.constant 0 : index
        %parallel_loop3A_515 = tpu.vector_load %arg12[%parallel_loop3A_512, %parallel_loop3A_513, %parallel_loop3A_514] {strides = array<i32>} : memref<2x80x16xf32, #tpu.memory_space<vmem>>, vector<1x1x16xf32>,
        %parallel_loop3A_516 = vector.shape_cast %parallel_loop3A_515 : vector<1x1x16xf32> to vector<16xf32>
        %parallel_loop3A_517 = vector.shape_cast %parallel_loop3A_510 : vector<16xf32> to vector<1x1x16xf32>
        tpu.vector_store %arg12[%parallel_loop3A_512, %parallel_loop3A_513, %parallel_loop3A_514], %parallel_loop3A_517 {strides = array<i32>} : memref<2x80x16xf32, #tpu.memory_space<vmem>>, vector<1x1x16xf32>,
      } {sc.loop_unroll_factor = 10 : i64, sc.parallel_access}
      %dma_start3A_361 = arith.constant 1 : i32
      %dma_start3A_362 = arith.constant 0 : i32
      %dma_start3A_363 = arith.constant 0 : i32
      %dma_start3A_364 = tpu.memref_slice %arg12[%dma_start3A_361, %dma_start3A_362, %dma_start3A_363] : memref<2x80x16xf32, #tpu.memory_space<vmem>> -> memref<1x80x16xf32, #tpu.memory_space<vmem>>
      %dma_start3A_365 = tpu.memref_squeeze %dma_start3A_364 : memref<1x80x16xf32, #tpu.memory_space<vmem>> -> memref<80x16xf32, #tpu.memory_space<vmem>>
      %dma_start3A_366 = arith.constant 0 : i32
      %dma_start3A_367 = tpu.memref_slice %arg9[%add3A_357, %dma_start3A_366] : memref<125x80xi32, #tpu.memory_space<vmem>> -> memref<1x80xi32, #tpu.memory_space<vmem>>
      %dma_start3A_368 = tpu.memref_squeeze %dma_start3A_367 : memref<1x80xi32, #tpu.memory_space<vmem>> -> memref<80xi32, #tpu.memory_space<vmem>>
      %dma_start3A_369 = arith.constant 0 : i32
      %dma_start3A_370 = arith.constant 0 : i32
      %dma_start3A_371 = tpu.memref_slice %arg15[%dma_start3A_369, %dma_start3A_370] : memref<10000x16xf32, #tpu.memory_space<vmem_shared>> -> memref<10000x16xf32, #tpu.memory_space<vmem_shared>>
      tpu.enqueue_indirect_dma source(%dma_start3A_365 : memref<80x16xf32, #tpu.memory_space<vmem>>) target(%dma_start3A_371 : memref<10000x16xf32, #tpu.memory_space<vmem_shared>>) offsets(%dma_start3A_368 : memref<80xi32, #tpu.memory_space<vmem>>) semaphore(%arg23 : memref<!tpu.dma_semaphore, #tpu.memory_space<semaphore_mem>>) {add = true}
    }
    %scan3A_144 = arith.constant 62 : i32
    %dma_wait3A = arith.constant 124 : i32
    %dma_wait3A_145 = arith.constant 0 : i32
    %dma_wait3A_146 = arith.constant 0 : i32
    %dma_wait3A_147 = arith.constant 0 : i32
    %dma_wait3A_148 = tpu.memref_slice %arg10[%dma_wait3A_145, %dma_wait3A_146, %dma_wait3A_147] : memref<2x80x16xf32, #tpu.memory_space<vmem>> -> memref<1x80x16xf32, #tpu.memory_space<vmem>>
    %dma_wait3A_149 = tpu.memref_squeeze %dma_wait3A_148 : memref<1x80x16xf32, #tpu.memory_space<vmem>> -> memref<80x16xf32, #tpu.memory_space<vmem>>
    %dma_wait3A_150 = arith.constant 0 : i32
    %dma_wait3A_151 = tpu.memref_slice %arg9[%dma_wait3A, %dma_wait3A_150] : memref<125x80xi32, #tpu.memory_space<vmem>> -> memref<1x80xi32, #tpu.memory_space<vmem>>
    %dma_wait3A_152 = tpu.memref_squeeze %dma_wait3A_151 : memref<1x80xi32, #tpu.memory_space<vmem>> -> memref<80xi32, #tpu.memory_space<vmem>>
    %dma_wait3A_153 = arith.constant 0 : i32
    %dma_wait3A_154 = arith.constant 0 : i32
    %dma_wait3A_155 = tpu.memref_slice %arg16[%dma_wait3A_153, %dma_wait3A_154] : memref<10000x16xf32, #tpu.memory_space<vmem_shared>> -> memref<10000x16xf32, #tpu.memory_space<vmem_shared>>
    tpu.wait_indirect_dma semaphore(%arg18 : memref<!tpu.dma_semaphore, #tpu.memory_space<semaphore_mem>>) src(%dma_wait3A_155 : memref<10000x16xf32, #tpu.memory_space<vmem_shared>>) dst(%dma_wait3A_149 : memref<80x16xf32, #tpu.memory_space<vmem>>)
    %dma_wait3A_156 = arith.constant 124 : i32
    %dma_wait3A_157 = arith.constant 0 : i32
    %dma_wait3A_158 = arith.constant 0 : i32
    %dma_wait3A_159 = arith.constant 0 : i32
    %dma_wait3A_160 = tpu.memref_slice %arg11[%dma_wait3A_157, %dma_wait3A_158, %dma_wait3A_159] : memref<2x80x16xf32, #tpu.memory_space<vmem>> -> memref<1x80x16xf32, #tpu.memory_space<vmem>>
    %dma_wait3A_161 = tpu.memref_squeeze %dma_wait3A_160 : memref<1x80x16xf32, #tpu.memory_space<vmem>> -> memref<80x16xf32, #tpu.memory_space<vmem>>
    %dma_wait3A_162 = arith.constant 0 : i32
    %dma_wait3A_163 = tpu.memref_slice %arg8[%dma_wait3A_156, %dma_wait3A_162] : memref<125x80xi32, #tpu.memory_space<vmem>> -> memref<1x80xi32, #tpu.memory_space<vmem>>
    %dma_wait3A_164 = tpu.memref_squeeze %dma_wait3A_163 : memref<1x80xi32, #tpu.memory_space<vmem>> -> memref<80xi32, #tpu.memory_space<vmem>>
    %dma_wait3A_165 = arith.constant 0 : i32
    %dma_wait3A_166 = arith.constant 0 : i32
    %dma_wait3A_167 = tpu.memref_slice %arg17[%dma_wait3A_165, %dma_wait3A_166] : memref<10000x16xf32, #tpu.memory_space<vmem_shared>> -> memref<10000x16xf32, #tpu.memory_space<vmem_shared>>
    tpu.wait_indirect_dma semaphore(%arg19 : memref<!tpu.dma_semaphore, #tpu.memory_space<semaphore_mem>>) src(%dma_wait3A_167 : memref<10000x16xf32, #tpu.memory_space<vmem_shared>>) dst(%dma_wait3A_161 : memref<80x16xf32, #tpu.memory_space<vmem>>)
    %dma_wait3A_168 = arith.constant 0 : i32
    %dma_wait3A_169 = arith.constant 0 : i32
    %dma_wait3A_170 = arith.constant 0 : i32
    %dma_wait3A_171 = arith.constant 0 : i32
    %dma_wait3A_172 = tpu.memref_slice %arg12[%dma_wait3A_168, %dma_wait3A_170, %dma_wait3A_171] : memref<2x80x16xf32, #tpu.memory_space<vmem>> -> memref<1x80x16xf32, #tpu.memory_space<vmem>>
    %dma_wait3A_173 = tpu.memref_squeeze %dma_wait3A_172 : memref<1x80x16xf32, #tpu.memory_space<vmem>> -> memref<80x16xf32, #tpu.memory_space<vmem>>
    %dma_wait3A_174 = arith.constant 0 : i32
    %dma_wait3A_175 = tpu.memref_slice %arg9[%dma_wait3A_169, %dma_wait3A_174] : memref<125x80xi32, #tpu.memory_space<vmem>> -> memref<1x80xi32, #tpu.memory_space<vmem>>
    %dma_wait3A_176 = tpu.memref_squeeze %dma_wait3A_175 : memref<1x80xi32, #tpu.memory_space<vmem>> -> memref<80xi32, #tpu.memory_space<vmem>>
    %dma_wait3A_177 = arith.constant 0 : i32
    %dma_wait3A_178 = arith.constant 0 : i32
    %dma_wait3A_179 = tpu.memref_slice %arg15[%dma_wait3A_177, %dma_wait3A_178] : memref<10000x16xf32, #tpu.memory_space<vmem_shared>> -> memref<10000x16xf32, #tpu.memory_space<vmem_shared>>
    tpu.wait_indirect_dma semaphore(%arg22 : memref<!tpu.dma_semaphore, #tpu.memory_space<semaphore_mem>>) src(%dma_wait3A_173 : memref<80x16xf32, #tpu.memory_space<vmem>>) dst(%dma_wait3A_179 : memref<10000x16xf32, #tpu.memory_space<vmem_shared>>)
    %parallel_loop3A = arith.constant 0 : i32
    %parallel_loop3A_180 = arith.constant 80 : i32
    %parallel_loop3A_181 = arith.constant 1 : i32
    scf.for %parallel_loop3A_221 = %parallel_loop3A to %parallel_loop3A_180 step %parallel_loop3A_181  : i32 {
      %parallel_loop3A_222 = arith.constant 0 : i32
      %parallel_loop3A_223 = arith.index_cast %parallel_loop3A_222 : i32 to index
      %parallel_loop3A_224 = arith.index_cast %parallel_loop3A_221 : i32 to index
      %parallel_loop3A_225 = arith.constant 0 : index
      %parallel_loop3A_226 = tpu.vector_load %arg10[%parallel_loop3A_223, %parallel_loop3A_224, %parallel_loop3A_225] {strides = array<i32>} : memref<2x80x16xf32, #tpu.memory_space<vmem>>, vector<1x1x16xf32>,
      %parallel_loop3A_227 = vector.shape_cast %parallel_loop3A_226 : vector<1x1x16xf32> to vector<16xf32>
      %parallel_loop3A_228 = arith.constant 0 : i32
      %parallel_loop3A_229 = arith.index_cast %parallel_loop3A_228 : i32 to index
      %parallel_loop3A_230 = arith.index_cast %parallel_loop3A_221 : i32 to index
      %parallel_loop3A_231 = arith.constant 0 : index
      %parallel_loop3A_232 = tpu.vector_load %arg11[%parallel_loop3A_229, %parallel_loop3A_230, %parallel_loop3A_231] {strides = array<i32>} : memref<2x80x16xf32, #tpu.memory_space<vmem>>, vector<1x1x16xf32>,
      %parallel_loop3A_233 = vector.shape_cast %parallel_loop3A_232 : vector<1x1x16xf32> to vector<16xf32>
      %parallel_loop3A_234 = arith.addf %parallel_loop3A_227, %parallel_loop3A_233 : vector<16xf32>
      %parallel_loop3A_235 = arith.constant 0.000000e+00 : f32
      %parallel_loop3A_236 = vector.broadcast %parallel_loop3A_235 : f32 to vector<16xf32>
      %parallel_loop3A_237 = arith.maximumf %parallel_loop3A_234, %parallel_loop3A_236 : vector<16xf32>
      %parallel_loop3A_238 = arith.constant 0 : i32
      %parallel_loop3A_239 = vector.broadcast %parallel_loop3A_238 : i32 to vector<16xi32>
      %parallel_loop3A_240 = arith.cmpi slt, %broadcast_in_dim3A_73, %parallel_loop3A_239 : vector<16xi32>
      %parallel_loop3A_241 = arith.constant 16 : i32
      %parallel_loop3A_242 = vector.broadcast %parallel_loop3A_241 : i32 to vector<16xi32>
      %parallel_loop3A_243 = arith.addi %broadcast_in_dim3A_73, %parallel_loop3A_242 : vector<16xi32>
      %parallel_loop3A_244 = arith.select %parallel_loop3A_240, %parallel_loop3A_243, %broadcast_in_dim3A_73 : vector<16xi1>, vector<16xi32>
      %parallel_loop3A_245 = vector.shape_cast %parallel_loop3A_244 : vector<16xi32> to vector<16x1xi32>
      %parallel_loop3A_246 = vector.shape_cast %parallel_loop3A_245 : vector<16x1xi32> to vector<16xi32>
      %parallel_loop3A_247 = tpu.dynamic_gather %parallel_loop3A_237[%parallel_loop3A_246] in [0] : vector<16xf32>, vector<16xi32> -> vector<16xf32>
      %parallel_loop3A_248 = arith.mulf %parallel_loop3A_247, %get3A_26 : vector<16xf32>
      %parallel_loop3A_249 = arith.constant 0 : i32
      %parallel_loop3A_250 = vector.broadcast %parallel_loop3A_249 : i32 to vector<16xi32>
      %parallel_loop3A_251 = arith.cmpi slt, %broadcast_in_dim3A_75, %parallel_loop3A_250 : vector<16xi32>
      %parallel_loop3A_252 = arith.constant 16 : i32
      %parallel_loop3A_253 = vector.broadcast %parallel_loop3A_252 : i32 to vector<16xi32>
      %parallel_loop3A_254 = arith.addi %broadcast_in_dim3A_75, %parallel_loop3A_253 : vector<16xi32>
      %parallel_loop3A_255 = arith.select %parallel_loop3A_251, %parallel_loop3A_254, %broadcast_in_dim3A_75 : vector<16xi1>, vector<16xi32>
      %parallel_loop3A_256 = vector.shape_cast %parallel_loop3A_255 : vector<16xi32> to vector<16x1xi32>
      %parallel_loop3A_257 = vector.shape_cast %parallel_loop3A_256 : vector<16x1xi32> to vector<16xi32>
      %parallel_loop3A_258 = tpu.dynamic_gather %parallel_loop3A_237[%parallel_loop3A_257] in [0] : vector<16xf32>, vector<16xi32> -> vector<16xf32>
      %parallel_loop3A_259 = arith.mulf %parallel_loop3A_258, %get3A_31 : vector<16xf32>
      %parallel_loop3A_260 = arith.addf %parallel_loop3A_248, %parallel_loop3A_259 : vector<16xf32>
      %parallel_loop3A_261 = arith.constant 0 : i32
      %parallel_loop3A_262 = vector.broadcast %parallel_loop3A_261 : i32 to vector<16xi32>
      %parallel_loop3A_263 = arith.cmpi slt, %broadcast_in_dim3A_77, %parallel_loop3A_262 : vector<16xi32>
      %parallel_loop3A_264 = arith.constant 16 : i32
      %parallel_loop3A_265 = vector.broadcast %parallel_loop3A_264 : i32 to vector<16xi32>
      %parallel_loop3A_266 = arith.addi %broadcast_in_dim3A_77, %parallel_loop3A_265 : vector<16xi32>
      %parallel_loop3A_267 = arith.select %parallel_loop3A_263, %parallel_loop3A_266, %broadcast_in_dim3A_77 : vector<16xi1>, vector<16xi32>
      %parallel_loop3A_268 = vector.shape_cast %parallel_loop3A_267 : vector<16xi32> to vector<16x1xi32>
      %parallel_loop3A_269 = vector.shape_cast %parallel_loop3A_268 : vector<16x1xi32> to vector<16xi32>
      %parallel_loop3A_270 = tpu.dynamic_gather %parallel_loop3A_237[%parallel_loop3A_269] in [0] : vector<16xf32>, vector<16xi32> -> vector<16xf32>
      %parallel_loop3A_271 = arith.mulf %parallel_loop3A_270, %get3A_36 : vector<16xf32>
      %parallel_loop3A_272 = arith.addf %parallel_loop3A_260, %parallel_loop3A_271 : vector<16xf32>
      %parallel_loop3A_273 = arith.constant 0 : i32
      %parallel_loop3A_274 = vector.broadcast %parallel_loop3A_273 : i32 to vector<16xi32>
      %parallel_loop3A_275 = arith.cmpi slt, %broadcast_in_dim3A_79, %parallel_loop3A_274 : vector<16xi32>
      %parallel_loop3A_276 = arith.constant 16 : i32
      %parallel_loop3A_277 = vector.broadcast %parallel_loop3A_276 : i32 to vector<16xi32>
      %parallel_loop3A_278 = arith.addi %broadcast_in_dim3A_79, %parallel_loop3A_277 : vector<16xi32>
      %parallel_loop3A_279 = arith.select %parallel_loop3A_275, %parallel_loop3A_278, %broadcast_in_dim3A_79 : vector<16xi1>, vector<16xi32>
      %parallel_loop3A_280 = vector.shape_cast %parallel_loop3A_279 : vector<16xi32> to vector<16x1xi32>
      %parallel_loop3A_281 = vector.shape_cast %parallel_loop3A_280 : vector<16x1xi32> to vector<16xi32>
      %parallel_loop3A_282 = tpu.dynamic_gather %parallel_loop3A_237[%parallel_loop3A_281] in [0] : vector<16xf32>, vector<16xi32> -> vector<16xf32>
      %parallel_loop3A_283 = arith.mulf %parallel_loop3A_282, %get3A_41 : vector<16xf32>
      %parallel_loop3A_284 = arith.addf %parallel_loop3A_272, %parallel_loop3A_283 : vector<16xf32>
      %parallel_loop3A_285 = arith.constant 0 : i32
      %parallel_loop3A_286 = vector.broadcast %parallel_loop3A_285 : i32 to vector<16xi32>
      %parallel_loop3A_287 = arith.cmpi slt, %broadcast_in_dim3A_81, %parallel_loop3A_286 : vector<16xi32>
      %parallel_loop3A_288 = arith.constant 16 : i32
      %parallel_loop3A_289 = vector.broadcast %parallel_loop3A_288 : i32 to vector<16xi32>
      %parallel_loop3A_290 = arith.addi %broadcast_in_dim3A_81, %parallel_loop3A_289 : vector<16xi32>
      %parallel_loop3A_291 = arith.select %parallel_loop3A_287, %parallel_loop3A_290, %broadcast_in_dim3A_81 : vector<16xi1>, vector<16xi32>
      %parallel_loop3A_292 = vector.shape_cast %parallel_loop3A_291 : vector<16xi32> to vector<16x1xi32>
      %parallel_loop3A_293 = vector.shape_cast %parallel_loop3A_292 : vector<16x1xi32> to vector<16xi32>
      %parallel_loop3A_294 = tpu.dynamic_gather %parallel_loop3A_237[%parallel_loop3A_293] in [0] : vector<16xf32>, vector<16xi32> -> vector<16xf32>
      %parallel_loop3A_295 = arith.mulf %parallel_loop3A_294, %get3A_46 : vector<16xf32>
      %parallel_loop3A_296 = arith.addf %parallel_loop3A_284, %parallel_loop3A_295 : vector<16xf32>
      %parallel_loop3A_297 = arith.constant 0 : i32
      %parallel_loop3A_298 = vector.broadcast %parallel_loop3A_297 : i32 to vector<16xi32>
      %parallel_loop3A_299 = arith.cmpi slt, %broadcast_in_dim3A_83, %parallel_loop3A_298 : vector<16xi32>
      %parallel_loop3A_300 = arith.constant 16 : i32
      %parallel_loop3A_301 = vector.broadcast %parallel_loop3A_300 : i32 to vector<16xi32>
      %parallel_loop3A_302 = arith.addi %broadcast_in_dim3A_83, %parallel_loop3A_301 : vector<16xi32>
      %parallel_loop3A_303 = arith.select %parallel_loop3A_299, %parallel_loop3A_302, %broadcast_in_dim3A_83 : vector<16xi1>, vector<16xi32>
      %parallel_loop3A_304 = vector.shape_cast %parallel_loop3A_303 : vector<16xi32> to vector<16x1xi32>
      %parallel_loop3A_305 = vector.shape_cast %parallel_loop3A_304 : vector<16x1xi32> to vector<16xi32>
      %parallel_loop3A_306 = tpu.dynamic_gather %parallel_loop3A_237[%parallel_loop3A_305] in [0] : vector<16xf32>, vector<16xi32> -> vector<16xf32>
      %parallel_loop3A_307 = arith.mulf %parallel_loop3A_306, %get3A_51 : vector<16xf32>
      %parallel_loop3A_308 = arith.addf %parallel_loop3A_296, %parallel_loop3A_307 : vector<16xf32>
      %parallel_loop3A_309 = arith.constant 0 : i32
      %parallel_loop3A_310 = vector.broadcast %parallel_loop3A_309 : i32 to vector<16xi32>
      %parallel_loop3A_311 = arith.cmpi slt, %broadcast_in_dim3A_85, %parallel_loop3A_310 : vector<16xi32>
      %parallel_loop3A_312 = arith.constant 16 : i32
      %parallel_loop3A_313 = vector.broadcast %parallel_loop3A_312 : i32 to vector<16xi32>
      %parallel_loop3A_314 = arith.addi %broadcast_in_dim3A_85, %parallel_loop3A_313 : vector<16xi32>
      %parallel_loop3A_315 = arith.select %parallel_loop3A_311, %parallel_loop3A_314, %broadcast_in_dim3A_85 : vector<16xi1>, vector<16xi32>
      %parallel_loop3A_316 = vector.shape_cast %parallel_loop3A_315 : vector<16xi32> to vector<16x1xi32>
      %parallel_loop3A_317 = vector.shape_cast %parallel_loop3A_316 : vector<16x1xi32> to vector<16xi32>
      %parallel_loop3A_318 = tpu.dynamic_gather %parallel_loop3A_237[%parallel_loop3A_317] in [0] : vector<16xf32>, vector<16xi32> -> vector<16xf32>
      %parallel_loop3A_319 = arith.mulf %parallel_loop3A_318, %get3A_56 : vector<16xf32>
      %parallel_loop3A_320 = arith.addf %parallel_loop3A_308, %parallel_loop3A_319 : vector<16xf32>
      %parallel_loop3A_321 = arith.constant 0 : i32
      %parallel_loop3A_322 = vector.broadcast %parallel_loop3A_321 : i32 to vector<16xi32>
      %parallel_loop3A_323 = arith.cmpi slt, %broadcast_in_dim3A_87, %parallel_loop3A_322 : vector<16xi32>
      %parallel_loop3A_324 = arith.constant 16 : i32
      %parallel_loop3A_325 = vector.broadcast %parallel_loop3A_324 : i32 to vector<16xi32>
      %parallel_loop3A_326 = arith.addi %broadcast_in_dim3A_87, %parallel_loop3A_325 : vector<16xi32>
      %parallel_loop3A_327 = arith.select %parallel_loop3A_323, %parallel_loop3A_326, %broadcast_in_dim3A_87 : vector<16xi1>, vector<16xi32>
      %parallel_loop3A_328 = vector.shape_cast %parallel_loop3A_327 : vector<16xi32> to vector<16x1xi32>
      %parallel_loop3A_329 = vector.shape_cast %parallel_loop3A_328 : vector<16x1xi32> to vector<16xi32>
      %parallel_loop3A_330 = tpu.dynamic_gather %parallel_loop3A_237[%parallel_loop3A_329] in [0] : vector<16xf32>, vector<16xi32> -> vector<16xf32>
      %parallel_loop3A_331 = arith.mulf %parallel_loop3A_330, %get3A_61 : vector<16xf32>
      %parallel_loop3A_332 = arith.addf %parallel_loop3A_320, %parallel_loop3A_331 : vector<16xf32>
      %parallel_loop3A_333 = arith.constant 0 : i32
      %parallel_loop3A_334 = vector.broadcast %parallel_loop3A_333 : i32 to vector<16xi32>
      %parallel_loop3A_335 = arith.cmpi slt, %broadcast_in_dim3A_89, %parallel_loop3A_334 : vector<16xi32>
      %parallel_loop3A_336 = arith.constant 16 : i32
      %parallel_loop3A_337 = vector.broadcast %parallel_loop3A_336 : i32 to vector<16xi32>
      %parallel_loop3A_338 = arith.addi %broadcast_in_dim3A_89, %parallel_loop3A_337 : vector<16xi32>
      %parallel_loop3A_339 = arith.select %parallel_loop3A_335, %parallel_loop3A_338, %broadcast_in_dim3A_89 : vector<16xi1>, vector<16xi32>
      %parallel_loop3A_340 = vector.shape_cast %parallel_loop3A_339 : vector<16xi32> to vector<16x1xi32>
      %parallel_loop3A_341 = vector.shape_cast %parallel_loop3A_340 : vector<16x1xi32> to vector<16xi32>
      %parallel_loop3A_342 = tpu.dynamic_gather %parallel_loop3A_237[%parallel_loop3A_341] in [0] : vector<16xf32>, vector<16xi32> -> vector<16xf32>
      %parallel_loop3A_343 = arith.mulf %parallel_loop3A_342, %get3A_66 : vector<16xf32>
      %parallel_loop3A_344 = arith.addf %parallel_loop3A_332, %parallel_loop3A_343 : vector<16xf32>
      %parallel_loop3A_345 = arith.constant 0 : i32
      %parallel_loop3A_346 = vector.broadcast %parallel_loop3A_345 : i32 to vector<16xi32>
      %parallel_loop3A_347 = arith.cmpi slt, %broadcast_in_dim3A_91, %parallel_loop3A_346 : vector<16xi32>
      %parallel_loop3A_348 = arith.constant 16 : i32
      %parallel_loop3A_349 = vector.broadcast %parallel_loop3A_348 : i32 to vector<16xi32>
      %parallel_loop3A_350 = arith.addi %broadcast_in_dim3A_91, %parallel_loop3A_349 : vector<16xi32>
      %parallel_loop3A_351 = arith.select %parallel_loop3A_347, %parallel_loop3A_350, %broadcast_in_dim3A_91 : vector<16xi1>, vector<16xi32>
      %parallel_loop3A_352 = vector.shape_cast %parallel_loop3A_351 : vector<16xi32> to vector<16x1xi32>
      %parallel_loop3A_353 = vector.shape_cast %parallel_loop3A_352 : vector<16x1xi32> to vector<16xi32>
      %parallel_loop3A_354 = tpu.dynamic_gather %parallel_loop3A_237[%parallel_loop3A_353] in [0] : vector<16xf32>, vector<16xi32> -> vector<16xf32>
      %parallel_loop3A_355 = arith.mulf %parallel_loop3A_354, %get3A_71 : vector<16xf32>
      %parallel_loop3A_356 = arith.addf %parallel_loop3A_344, %parallel_loop3A_355 : vector<16xf32>
      %parallel_loop3A_357 = arith.constant 0.000000e+00 : f32
      %parallel_loop3A_358 = vector.broadcast %parallel_loop3A_357 : f32 to vector<16xf32>
      %parallel_loop3A_359 = arith.maximumf %parallel_loop3A_356, %parallel_loop3A_358 : vector<16xf32>
      %parallel_loop3A_360 = arith.constant 0 : i32
      %parallel_loop3A_361 = arith.index_cast %parallel_loop3A_360 : i32 to index
      %parallel_loop3A_362 = arith.index_cast %parallel_loop3A_221 : i32 to index
      %parallel_loop3A_363 = arith.constant 0 : index
      %parallel_loop3A_364 = tpu.vector_load %arg12[%parallel_loop3A_361, %parallel_loop3A_362, %parallel_loop3A_363] {strides = array<i32>} : memref<2x80x16xf32, #tpu.memory_space<vmem>>, vector<1x1x16xf32>,
      %parallel_loop3A_365 = vector.shape_cast %parallel_loop3A_364 : vector<1x1x16xf32> to vector<16xf32>
      %parallel_loop3A_366 = vector.shape_cast %parallel_loop3A_359 : vector<16xf32> to vector<1x1x16xf32>
      tpu.vector_store %arg12[%parallel_loop3A_361, %parallel_loop3A_362, %parallel_loop3A_363], %parallel_loop3A_366 {strides = array<i32>} : memref<2x80x16xf32, #tpu.memory_space<vmem>>, vector<1x1x16xf32>,
    } {sc.loop_unroll_factor = 10 : i64, sc.parallel_access}
    %dma_start3A_182 = arith.constant 0 : i32
    %dma_start3A_183 = arith.constant 124 : i32
    %dma_start3A_184 = arith.constant 0 : i32
    %dma_start3A_185 = arith.constant 0 : i32
    %dma_start3A_186 = tpu.memref_slice %arg12[%dma_start3A_182, %dma_start3A_184, %dma_start3A_185] : memref<2x80x16xf32, #tpu.memory_space<vmem>> -> memref<1x80x16xf32, #tpu.memory_space<vmem>>
    %dma_start3A_187 = tpu.memref_squeeze %dma_start3A_186 : memref<1x80x16xf32, #tpu.memory_space<vmem>> -> memref<80x16xf32, #tpu.memory_space<vmem>>
    %dma_start3A_188 = arith.constant 0 : i32
    %dma_start3A_189 = tpu.memref_slice %arg9[%dma_start3A_183, %dma_start3A_188] : memref<125x80xi32, #tpu.memory_space<vmem>> -> memref<1x80xi32, #tpu.memory_space<vmem>>
    %dma_start3A_190 = tpu.memref_squeeze %dma_start3A_189 : memref<1x80xi32, #tpu.memory_space<vmem>> -> memref<80xi32, #tpu.memory_space<vmem>>
    %dma_start3A_191 = arith.constant 0 : i32
    %dma_start3A_192 = arith.constant 0 : i32
    %dma_start3A_193 = tpu.memref_slice %arg15[%dma_start3A_191, %dma_start3A_192] : memref<10000x16xf32, #tpu.memory_space<vmem_shared>> -> memref<10000x16xf32, #tpu.memory_space<vmem_shared>>
    tpu.enqueue_indirect_dma source(%dma_start3A_187 : memref<80x16xf32, #tpu.memory_space<vmem>>) target(%dma_start3A_193 : memref<10000x16xf32, #tpu.memory_space<vmem_shared>>) offsets(%dma_start3A_190 : memref<80xi32, #tpu.memory_space<vmem>>) semaphore(%arg22 : memref<!tpu.dma_semaphore, #tpu.memory_space<semaphore_mem>>) {add = true}
    %dma_wait3A_194 = arith.constant 0 : i32
    %dma_wait3A_195 = arith.constant 0 : i32
    %dma_wait3A_196 = arith.constant 0 : i32
    %dma_wait3A_197 = arith.constant 0 : i32
    %dma_wait3A_198 = tpu.memref_slice %arg12[%dma_wait3A_194, %dma_wait3A_196, %dma_wait3A_197] : memref<2x80x16xf32, #tpu.memory_space<vmem>> -> memref<1x80x16xf32, #tpu.memory_space<vmem>>
    %dma_wait3A_199 = tpu.memref_squeeze %dma_wait3A_198 : memref<1x80x16xf32, #tpu.memory_space<vmem>> -> memref<80x16xf32, #tpu.memory_space<vmem>>
    %dma_wait3A_200 = arith.constant 0 : i32
    %dma_wait3A_201 = tpu.memref_slice %arg9[%dma_wait3A_195, %dma_wait3A_200] : memref<125x80xi32, #tpu.memory_space<vmem>> -> memref<1x80xi32, #tpu.memory_space<vmem>>
    %dma_wait3A_202 = tpu.memref_squeeze %dma_wait3A_201 : memref<1x80xi32, #tpu.memory_space<vmem>> -> memref<80xi32, #tpu.memory_space<vmem>>
    %dma_wait3A_203 = arith.constant 0 : i32
    %dma_wait3A_204 = arith.constant 0 : i32
    %dma_wait3A_205 = tpu.memref_slice %arg15[%dma_wait3A_203, %dma_wait3A_204] : memref<10000x16xf32, #tpu.memory_space<vmem_shared>> -> memref<10000x16xf32, #tpu.memory_space<vmem_shared>>
    tpu.wait_indirect_dma semaphore(%arg22 : memref<!tpu.dma_semaphore, #tpu.memory_space<semaphore_mem>>) src(%dma_wait3A_199 : memref<80x16xf32, #tpu.memory_space<vmem>>) dst(%dma_wait3A_205 : memref<10000x16xf32, #tpu.memory_space<vmem_shared>>)
    %dma_wait3A_206 = arith.constant 1 : i32
    %dma_wait3A_207 = arith.constant 0 : i32
    %dma_wait3A_208 = arith.constant 0 : i32
    %dma_wait3A_209 = arith.constant 0 : i32
    %dma_wait3A_210 = tpu.memref_slice %arg12[%dma_wait3A_206, %dma_wait3A_208, %dma_wait3A_209] : memref<2x80x16xf32, #tpu.memory_space<vmem>> -> memref<1x80x16xf32, #tpu.memory_space<vmem>>
    %dma_wait3A_211 = tpu.memref_squeeze %dma_wait3A_210 : memref<1x80x16xf32, #tpu.memory_space<vmem>> -> memref<80x16xf32, #tpu.memory_space<vmem>>
    %dma_wait3A_212 = arith.constant 0 : i32
    %dma_wait3A_213 = tpu.memref_slice %arg9[%dma_wait3A_207, %dma_wait3A_212] : memref<125x80xi32, #tpu.memory_space<vmem>> -> memref<1x80xi32, #tpu.memory_space<vmem>>
    %dma_wait3A_214 = tpu.memref_squeeze %dma_wait3A_213 : memref<1x80xi32, #tpu.memory_space<vmem>> -> memref<80xi32, #tpu.memory_space<vmem>>
    %dma_wait3A_215 = arith.constant 0 : i32
    %dma_wait3A_216 = arith.constant 0 : i32
    %dma_wait3A_217 = tpu.memref_slice %arg15[%dma_wait3A_215, %dma_wait3A_216] : memref<10000x16xf32, #tpu.memory_space<vmem_shared>> -> memref<10000x16xf32, #tpu.memory_space<vmem_shared>>
    tpu.wait_indirect_dma semaphore(%arg23 : memref<!tpu.dma_semaphore, #tpu.memory_space<semaphore_mem>>) src(%dma_wait3A_211 : memref<80x16xf32, #tpu.memory_space<vmem>>) dst(%dma_wait3A_217 : memref<10000x16xf32, #tpu.memory_space<vmem_shared>>)
    %barrier3A_218 = arith.constant 0 : index
    tpu.barrier barrier_id(%barrier3A_218)
    %mul3A_219 = arith.constant 625 : i32
    %mul3A_220 = arith.muli %arg1, %mul3A_219 : i32
    "tpu.region"() ({
      %run_scoped3A = tpu.sem_alloc : memref<!tpu.dma_semaphore, #tpu.memory_space<semaphore_mem>>
      %dma_start3A_221 = arith.constant 0 : i32
      %dma_start3A_222 = arith.constant 0 : i32
      %dma_start3A_223 = tpu.memref_slice %arg7[%add3A, %dma_start3A_221, %dma_start3A_222] : memref<32x625x16xf32, #tpu.memory_space<hbm>> -> memref<1x625x16xf32, #tpu.memory_space<hbm>>
      %dma_start3A_224 = tpu.memref_squeeze %dma_start3A_223 : memref<1x625x16xf32, #tpu.memory_space<hbm>> -> memref<625x16xf32, #tpu.memory_space<hbm>>
      %dma_start3A_225 = arith.constant 0 : i32
      %dma_start3A_226 = tpu.memref_slice %arg15[%mul3A_220, %dma_start3A_225] : memref<10000x16xf32, #tpu.memory_space<vmem_shared>> -> memref<625x16xf32, #tpu.memory_space<vmem_shared>>
      tpu.enqueue_dma source(%dma_start3A_226 : memref<625x16xf32, #tpu.memory_space<vmem_shared>>) target(%dma_start3A_224 : memref<625x16xf32, #tpu.memory_space<hbm>>) target_semaphore(%run_scoped3A : memref<!tpu.dma_semaphore, #tpu.memory_space<semaphore_mem>>)
      %dma_wait3A_227 = arith.constant 0 : i32
      %dma_wait3A_228 = arith.constant 0 : i32
      %dma_wait3A_229 = tpu.memref_slice %arg7[%add3A, %dma_wait3A_227, %dma_wait3A_228] : memref<32x625x16xf32, #tpu.memory_space<hbm>> -> memref<1x625x16xf32, #tpu.memory_space<hbm>>
      %dma_wait3A_230 = tpu.memref_squeeze %dma_wait3A_229 : memref<1x625x16xf32, #tpu.memory_space<hbm>> -> memref<625x16xf32, #tpu.memory_space<hbm>>
      %dma_wait3A_231 = arith.constant 0 : i32
      %dma_wait3A_232 = tpu.memref_slice %arg15[%mul3A_220, %dma_wait3A_231] : memref<10000x16xf32, #tpu.memory_space<vmem_shared>> -> memref<625x16xf32, #tpu.memory_space<vmem_shared>>
      tpu.wait_dma2 semaphore(%run_scoped3A : memref<!tpu.dma_semaphore, #tpu.memory_space<semaphore_mem>>) src(%dma_wait3A_232 : memref<625x16xf32, #tpu.memory_space<vmem_shared>>) dst(%dma_wait3A_230 : memref<625x16xf32, #tpu.memory_space<hbm>>)
      tpu.yield
    }) : () -> ()
    return
  }
}

#map = affine_map<(d0, d1) -> (0, 0)>
#map1 = affine_map<(d0, d1) -> (0, 0, 0)>
module attributes {stable_mosaic.version = 14 : i64} {
  func.func @edge_kernel(%arg0: i32, %arg1: i32, %arg2: memref<10000x16xf32, #tpu.memory_space<hbm>>, %arg3: memref<10000x16xf32, #tpu.memory_space<hbm>>, %arg4: memref<32x125x80xi32, #tpu.memory_space<hbm>>, %arg5: memref<32x125x80xi32, #tpu.memory_space<hbm>>, %arg6: memref<16x16xf32, #tpu.memory_space<hbm>>, %arg7: memref<32x625x16xf32, #tpu.memory_space<hbm>>, %arg8: memref<125x80xi32, #tpu.memory_space<vmem>>, %arg9: memref<125x80xi32, #tpu.memory_space<vmem>>, %arg10: memref<2x80x16xf32, #tpu.memory_space<vmem>>, %arg11: memref<2x80x16xf32, #tpu.memory_space<vmem>>, %arg12: memref<2x80x16xf32, #tpu.memory_space<vmem>>, %arg13: memref<16x16xf32, #tpu.memory_space<vmem>>, %arg14: memref<625x16xf32, #tpu.memory_space<vmem>>, %arg15: memref<10000x16xf32, #tpu.memory_space<vmem_shared>>, %arg16: memref<10000x16xf32, #tpu.memory_space<vmem_shared>>, %arg17: memref<10000x16xf32, #tpu.memory_space<vmem_shared>>, %arg18: memref<!tpu.dma_semaphore, #tpu.memory_space<semaphore_mem>>, %arg19: memref<!tpu.dma_semaphore, #tpu.memory_space<semaphore_mem>>, %arg20: memref<!tpu.dma_semaphore, #tpu.memory_space<semaphore_mem>>, %arg21: memref<!tpu.dma_semaphore, #tpu.memory_space<semaphore_mem>>, %arg22: memref<!tpu.dma_semaphore, #tpu.memory_space<semaphore_mem>>, %arg23: memref<!tpu.dma_semaphore, #tpu.memory_space<semaphore_mem>>) attributes {dimension_semantics = [#tpu.dimension_semantics<core_parallel>, #tpu.dimension_semantics<subcore_parallel>], iteration_bounds = array<i64: 2, 16>, scalar_prefetch = 0 : i64, scratch_operands = 16 : i64, tpu.core_type = #tpu.core_type<sc_vector_subcore>, window_params = [{transform_indices = #map}, {transform_indices = #map}, {transform_indices = #map1}, {transform_indices = #map1}, {transform_indices = #map}, {transform_indices = #map1}]} {
    %mul3A = arith.constant 16 : i32
    %mul3A_0 = arith.muli %arg0, %mul3A : i32
    %add3A = arith.addi %mul3A_0, %arg1 : i32
    %broadcast_in_dim3A = arith.constant 0.000000e+00 : f32
    %broadcast_in_dim3A_1 = vector.broadcast %broadcast_in_dim3A : f32 to vector<16xf32>
    %scan3A = arith.constant 0 : i32
    %scan3A_2 = arith.constant 0 : i32
    %scan3A_3 = arith.constant 625 : i32
    %scan3A_4 = arith.addi %scan3A_2, %scan3A_3 : i32
    %scan3A_5 = arith.constant 1 : i32
    scf.for %scan3A_221 = %scan3A_2 to %scan3A_4 step %scan3A_5  : i32 {
      %swap3A = arith.index_cast %scan3A_221 : i32 to index
      %swap3A_222 = arith.constant 0 : index
      %swap3A_223 = tpu.vector_load %arg14[%swap3A, %swap3A_222] {strides = array<i32>} : memref<625x16xf32, #tpu.memory_space<vmem>>, vector<1x16xf32>,
      %swap3A_224 = vector.shape_cast %swap3A_223 : vector<1x16xf32> to vector<16xf32>
      %swap3A_225 = vector.shape_cast %broadcast_in_dim3A_1 : vector<16xf32> to vector<1x16xf32>
      tpu.vector_store %arg14[%swap3A, %swap3A_222], %swap3A_225 {strides = array<i32>} : memref<625x16xf32, #tpu.memory_space<vmem>>, vector<1x16xf32>,
    }
    %scan3A_6 = arith.constant 625 : i32
    %scan3A_7 = arith.constant 0 : i32
    %scan3A_8 = arith.constant 0 : i32
    %scan3A_9 = arith.constant 80 : i32
    %scan3A_10 = arith.addi %scan3A_8, %scan3A_9 : i32
    %scan3A_11 = arith.constant 1 : i32
    scf.for %scan3A_221 = %scan3A_8 to %scan3A_10 step %scan3A_11  : i32 {
      %swap3A = arith.constant 0 : i32
      %swap3A_222 = arith.index_cast %swap3A : i32 to index
      %swap3A_223 = arith.index_cast %scan3A_221 : i32 to index
      %swap3A_224 = arith.constant 0 : index
      %swap3A_225 = tpu.vector_load %arg12[%swap3A_222, %swap3A_223, %swap3A_224] {strides = array<i32>} : memref<2x80x16xf32, #tpu.memory_space<vmem>>, vector<1x1x16xf32>,
      %swap3A_226 = vector.shape_cast %swap3A_225 : vector<1x1x16xf32> to vector<16xf32>
      %swap3A_227 = vector.shape_cast %broadcast_in_dim3A_1 : vector<16xf32> to vector<1x1x16xf32>
      tpu.vector_store %arg12[%swap3A_222, %swap3A_223, %swap3A_224], %swap3A_227 {strides = array<i32>} : memref<2x80x16xf32, #tpu.memory_space<vmem>>, vector<1x1x16xf32>,
      %swap3A_228 = arith.constant 1 : i32
      %swap3A_229 = arith.index_cast %swap3A_228 : i32 to index
      %swap3A_230 = arith.index_cast %scan3A_221 : i32 to index
      %swap3A_231 = arith.constant 0 : index
      %swap3A_232 = tpu.vector_load %arg12[%swap3A_229, %swap3A_230, %swap3A_231] {strides = array<i32>} : memref<2x80x16xf32, #tpu.memory_space<vmem>>, vector<1x1x16xf32>,
      %swap3A_233 = vector.shape_cast %swap3A_232 : vector<1x1x16xf32> to vector<16xf32>
      %swap3A_234 = vector.shape_cast %broadcast_in_dim3A_1 : vector<16xf32> to vector<1x1x16xf32>
      tpu.vector_store %arg12[%swap3A_229, %swap3A_230, %swap3A_231], %swap3A_234 {strides = array<i32>} : memref<2x80x16xf32, #tpu.memory_space<vmem>>, vector<1x1x16xf32>,
    }
    %scan3A_12 = arith.constant 80 : i32
    %mul3A_13 = arith.constant 625 : i32
    %mul3A_14 = arith.muli %arg1, %mul3A_13 : i32
    "tpu.region"() ({
      %run_scoped3A = tpu.sem_alloc : memref<!tpu.dma_semaphore, #tpu.memory_space<semaphore_mem>>
      %dma_start3A_221 = arith.constant 0 : i32
      %dma_start3A_222 = tpu.memref_slice %arg15[%mul3A_14, %dma_start3A_221] : memref<10000x16xf32, #tpu.memory_space<vmem_shared>> -> memref<625x16xf32, #tpu.memory_space<vmem_shared>>
      %dma_start3A_223 = arith.constant 0 : i32
      %dma_start3A_224 = tpu.memref_slice %arg15[%mul3A_14, %dma_start3A_223] : memref<10000x16xf32, #tpu.memory_space<vmem_shared>> -> memref<625x16xf32, #tpu.memory_space<vmem_shared>>
      tpu.enqueue_dma source(%arg14 : memref<625x16xf32, #tpu.memory_space<vmem>>) target(%dma_start3A_224 : memref<625x16xf32, #tpu.memory_space<vmem_shared>>) target_semaphore(%run_scoped3A : memref<!tpu.dma_semaphore, #tpu.memory_space<semaphore_mem>>)
      %dma_wait3A_225 = arith.constant 0 : i32
      %dma_wait3A_226 = tpu.memref_slice %arg15[%mul3A_14, %dma_wait3A_225] : memref<10000x16xf32, #tpu.memory_space<vmem_shared>> -> memref<625x16xf32, #tpu.memory_space<vmem_shared>>
      %dma_wait3A_227 = arith.constant 0 : i32
      %dma_wait3A_228 = tpu.memref_slice %arg15[%mul3A_14, %dma_wait3A_227] : memref<10000x16xf32, #tpu.memory_space<vmem_shared>> -> memref<625x16xf32, #tpu.memory_space<vmem_shared>>
      tpu.wait_dma2 semaphore(%run_scoped3A : memref<!tpu.dma_semaphore, #tpu.memory_space<semaphore_mem>>) src(%arg14 : memref<625x16xf32, #tpu.memory_space<vmem>>) dst(%dma_wait3A_228 : memref<625x16xf32, #tpu.memory_space<vmem_shared>>)
      tpu.yield
    }) : () -> ()
    "tpu.region"() ({
      %run_scoped3A = tpu.sem_alloc : memref<!tpu.dma_semaphore, #tpu.memory_space<semaphore_mem>>
      tpu.enqueue_dma source(%arg6 : memref<16x16xf32, #tpu.memory_space<hbm>>) target(%arg13 : memref<16x16xf32, #tpu.memory_space<vmem>>) target_semaphore(%run_scoped3A : memref<!tpu.dma_semaphore, #tpu.memory_space<semaphore_mem>>)
      tpu.wait_dma2 semaphore(%run_scoped3A : memref<!tpu.dma_semaphore, #tpu.memory_space<semaphore_mem>>) src(%arg6 : memref<16x16xf32, #tpu.memory_space<hbm>>) dst(%arg13 : memref<16x16xf32, #tpu.memory_space<vmem>>)
      tpu.yield
    }) : () -> ()
    "tpu.region"() ({
      %run_scoped3A = tpu.sem_alloc : memref<!tpu.dma_semaphore, #tpu.memory_space<semaphore_mem>>
      %dma_start3A_221 = arith.constant 0 : i32
      %dma_start3A_222 = arith.constant 0 : i32
      %dma_start3A_223 = tpu.memref_slice %arg4[%add3A, %dma_start3A_221, %dma_start3A_222] : memref<32x125x80xi32, #tpu.memory_space<hbm>> -> memref<1x125x80xi32, #tpu.memory_space<hbm>>
      %dma_start3A_224 = tpu.memref_squeeze %dma_start3A_223 : memref<1x125x80xi32, #tpu.memory_space<hbm>> -> memref<125x80xi32, #tpu.memory_space<hbm>>
      %dma_start3A_225 = arith.constant 0 : i32
      %dma_start3A_226 = arith.constant 0 : i32
      %dma_start3A_227 = tpu.memref_slice %arg4[%add3A, %dma_start3A_225, %dma_start3A_226] : memref<32x125x80xi32, #tpu.memory_space<hbm>> -> memref<1x125x80xi32, #tpu.memory_space<hbm>>
      %dma_start3A_228 = tpu.memref_squeeze %dma_start3A_227 : memref<1x125x80xi32, #tpu.memory_space<hbm>> -> memref<125x80xi32, #tpu.memory_space<hbm>>
      tpu.enqueue_dma source(%dma_start3A_228 : memref<125x80xi32, #tpu.memory_space<hbm>>) target(%arg8 : memref<125x80xi32, #tpu.memory_space<vmem>>) target_semaphore(%run_scoped3A : memref<!tpu.dma_semaphore, #tpu.memory_space<semaphore_mem>>)
      %dma_wait3A_229 = arith.constant 0 : i32
      %dma_wait3A_230 = arith.constant 0 : i32
      %dma_wait3A_231 = tpu.memref_slice %arg4[%add3A, %dma_wait3A_229, %dma_wait3A_230] : memref<32x125x80xi32, #tpu.memory_space<hbm>> -> memref<1x125x80xi32, #tpu.memory_space<hbm>>
      %dma_wait3A_232 = tpu.memref_squeeze %dma_wait3A_231 : memref<1x125x80xi32, #tpu.memory_space<hbm>> -> memref<125x80xi32, #tpu.memory_space<hbm>>
      %dma_wait3A_233 = arith.constant 0 : i32
      %dma_wait3A_234 = arith.constant 0 : i32
      %dma_wait3A_235 = tpu.memref_slice %arg4[%add3A, %dma_wait3A_233, %dma_wait3A_234] : memref<32x125x80xi32, #tpu.memory_space<hbm>> -> memref<1x125x80xi32, #tpu.memory_space<hbm>>
      %dma_wait3A_236 = tpu.memref_squeeze %dma_wait3A_235 : memref<1x125x80xi32, #tpu.memory_space<hbm>> -> memref<125x80xi32, #tpu.memory_space<hbm>>
      tpu.wait_dma2 semaphore(%run_scoped3A : memref<!tpu.dma_semaphore, #tpu.memory_space<semaphore_mem>>) src(%dma_wait3A_236 : memref<125x80xi32, #tpu.memory_space<hbm>>) dst(%arg8 : memref<125x80xi32, #tpu.memory_space<vmem>>)
      tpu.yield
    }) : () -> ()
    "tpu.region"() ({
      %run_scoped3A = tpu.sem_alloc : memref<!tpu.dma_semaphore, #tpu.memory_space<semaphore_mem>>
      %dma_start3A_221 = arith.constant 0 : i32
      %dma_start3A_222 = arith.constant 0 : i32
      %dma_start3A_223 = tpu.memref_slice %arg5[%add3A, %dma_start3A_221, %dma_start3A_222] : memref<32x125x80xi32, #tpu.memory_space<hbm>> -> memref<1x125x80xi32, #tpu.memory_space<hbm>>
      %dma_start3A_224 = tpu.memref_squeeze %dma_start3A_223 : memref<1x125x80xi32, #tpu.memory_space<hbm>> -> memref<125x80xi32, #tpu.memory_space<hbm>>
      %dma_start3A_225 = arith.constant 0 : i32
      %dma_start3A_226 = arith.constant 0 : i32
      %dma_start3A_227 = tpu.memref_slice %arg5[%add3A, %dma_start3A_225, %dma_start3A_226] : memref<32x125x80xi32, #tpu.memory_space<hbm>> -> memref<1x125x80xi32, #tpu.memory_space<hbm>>
      %dma_start3A_228 = tpu.memref_squeeze %dma_start3A_227 : memref<1x125x80xi32, #tpu.memory_space<hbm>> -> memref<125x80xi32, #tpu.memory_space<hbm>>
      tpu.enqueue_dma source(%dma_start3A_228 : memref<125x80xi32, #tpu.memory_space<hbm>>) target(%arg9 : memref<125x80xi32, #tpu.memory_space<vmem>>) target_semaphore(%run_scoped3A : memref<!tpu.dma_semaphore, #tpu.memory_space<semaphore_mem>>)
      %dma_wait3A_229 = arith.constant 0 : i32
      %dma_wait3A_230 = arith.constant 0 : i32
      %dma_wait3A_231 = tpu.memref_slice %arg5[%add3A, %dma_wait3A_229, %dma_wait3A_230] : memref<32x125x80xi32, #tpu.memory_space<hbm>> -> memref<1x125x80xi32, #tpu.memory_space<hbm>>
      %dma_wait3A_232 = tpu.memref_squeeze %dma_wait3A_231 : memref<1x125x80xi32, #tpu.memory_space<hbm>> -> memref<125x80xi32, #tpu.memory_space<hbm>>
      %dma_wait3A_233 = arith.constant 0 : i32
      %dma_wait3A_234 = arith.constant 0 : i32
      %dma_wait3A_235 = tpu.memref_slice %arg5[%add3A, %dma_wait3A_233, %dma_wait3A_234] : memref<32x125x80xi32, #tpu.memory_space<hbm>> -> memref<1x125x80xi32, #tpu.memory_space<hbm>>
      %dma_wait3A_236 = tpu.memref_squeeze %dma_wait3A_235 : memref<1x125x80xi32, #tpu.memory_space<hbm>> -> memref<125x80xi32, #tpu.memory_space<hbm>>
      tpu.wait_dma2 semaphore(%run_scoped3A : memref<!tpu.dma_semaphore, #tpu.memory_space<semaphore_mem>>) src(%dma_wait3A_236 : memref<125x80xi32, #tpu.memory_space<hbm>>) dst(%arg9 : memref<125x80xi32, #tpu.memory_space<vmem>>)
      tpu.yield
    }) : () -> ()
    %mul3A_15 = arith.constant 625 : i32
    %mul3A_16 = arith.muli %arg1, %mul3A_15 : i32
    %mul3A_17 = arith.constant 625 : i32
    %mul3A_18 = arith.muli %arg1, %mul3A_17 : i32
    "tpu.region"() ({
      %run_scoped3A = tpu.sem_alloc : memref<!tpu.dma_semaphore, #tpu.memory_space<semaphore_mem>>
      %dma_start3A_221 = arith.constant 0 : i32
      %dma_start3A_222 = tpu.memref_slice %arg16[%mul3A_18, %dma_start3A_221] : memref<10000x16xf32, #tpu.memory_space<vmem_shared>> -> memref<625x16xf32, #tpu.memory_space<vmem_shared>>
      %dma_start3A_223 = arith.constant 0 : i32
      %dma_start3A_224 = tpu.memref_slice %arg2[%mul3A_16, %dma_start3A_223] : memref<10000x16xf32, #tpu.memory_space<hbm>> -> memref<625x16xf32, #tpu.memory_space<hbm>>
      tpu.enqueue_dma source(%dma_start3A_224 : memref<625x16xf32, #tpu.memory_space<hbm>>) target(%dma_start3A_222 : memref<625x16xf32, #tpu.memory_space<vmem_shared>>) target_semaphore(%run_scoped3A : memref<!tpu.dma_semaphore, #tpu.memory_space<semaphore_mem>>)
      %dma_wait3A_225 = arith.constant 0 : i32
      %dma_wait3A_226 = tpu.memref_slice %arg16[%mul3A_18, %dma_wait3A_225] : memref<10000x16xf32, #tpu.memory_space<vmem_shared>> -> memref<625x16xf32, #tpu.memory_space<vmem_shared>>
      %dma_wait3A_227 = arith.constant 0 : i32
      %dma_wait3A_228 = tpu.memref_slice %arg2[%mul3A_16, %dma_wait3A_227] : memref<10000x16xf32, #tpu.memory_space<hbm>> -> memref<625x16xf32, #tpu.memory_space<hbm>>
      tpu.wait_dma2 semaphore(%run_scoped3A : memref<!tpu.dma_semaphore, #tpu.memory_space<semaphore_mem>>) src(%dma_wait3A_228 : memref<625x16xf32, #tpu.memory_space<hbm>>) dst(%dma_wait3A_226 : memref<625x16xf32, #tpu.memory_space<vmem_shared>>)
      tpu.yield
    }) : () -> ()
    %mul3A_19 = arith.constant 625 : i32
    %mul3A_20 = arith.muli %arg1, %mul3A_19 : i32
    %mul3A_21 = arith.constant 625 : i32
    %mul3A_22 = arith.muli %arg1, %mul3A_21 : i32
    "tpu.region"() ({
      %run_scoped3A = tpu.sem_alloc : memref<!tpu.dma_semaphore, #tpu.memory_space<semaphore_mem>>
      %dma_start3A_221 = arith.constant 0 : i32
      %dma_start3A_222 = tpu.memref_slice %arg17[%mul3A_22, %dma_start3A_221] : memref<10000x16xf32, #tpu.memory_space<vmem_shared>> -> memref<625x16xf32, #tpu.memory_space<vmem_shared>>
      %dma_start3A_223 = arith.constant 0 : i32
      %dma_start3A_224 = tpu.memref_slice %arg3[%mul3A_20, %dma_start3A_223] : memref<10000x16xf32, #tpu.memory_space<hbm>> -> memref<625x16xf32, #tpu.memory_space<hbm>>
      tpu.enqueue_dma source(%dma_start3A_224 : memref<625x16xf32, #tpu.memory_space<hbm>>) target(%dma_start3A_222 : memref<625x16xf32, #tpu.memory_space<vmem_shared>>) target_semaphore(%run_scoped3A : memref<!tpu.dma_semaphore, #tpu.memory_space<semaphore_mem>>)
      %dma_wait3A_225 = arith.constant 0 : i32
      %dma_wait3A_226 = tpu.memref_slice %arg17[%mul3A_22, %dma_wait3A_225] : memref<10000x16xf32, #tpu.memory_space<vmem_shared>> -> memref<625x16xf32, #tpu.memory_space<vmem_shared>>
      %dma_wait3A_227 = arith.constant 0 : i32
      %dma_wait3A_228 = tpu.memref_slice %arg3[%mul3A_20, %dma_wait3A_227] : memref<10000x16xf32, #tpu.memory_space<hbm>> -> memref<625x16xf32, #tpu.memory_space<hbm>>
      tpu.wait_dma2 semaphore(%run_scoped3A : memref<!tpu.dma_semaphore, #tpu.memory_space<semaphore_mem>>) src(%dma_wait3A_228 : memref<625x16xf32, #tpu.memory_space<hbm>>) dst(%dma_wait3A_226 : memref<625x16xf32, #tpu.memory_space<vmem_shared>>)
      tpu.yield
    }) : () -> ()
    %barrier3A = arith.constant 0 : index
    tpu.barrier barrier_id(%barrier3A)
    %get3A = arith.constant 0 : i32
    %get3A_23 = arith.index_cast %get3A : i32 to index
    %get3A_24 = arith.constant 0 : index
    %get3A_25 = tpu.vector_load %arg13[%get3A_23, %get3A_24] {strides = array<i32>} : memref<16x16xf32, #tpu.memory_space<vmem>>, vector<1x16xf32>,
    %get3A_26 = vector.shape_cast %get3A_25 : vector<1x16xf32> to vector<16xf32>
    %get3A_27 = arith.constant 1 : i32
    %get3A_28 = arith.index_cast %get3A_27 : i32 to index
    %get3A_29 = arith.constant 0 : index
    %get3A_30 = tpu.vector_load %arg13[%get3A_28, %get3A_29] {strides = array<i32>} : memref<16x16xf32, #tpu.memory_space<vmem>>, vector<1x16xf32>,
    %get3A_31 = vector.shape_cast %get3A_30 : vector<1x16xf32> to vector<16xf32>
    %get3A_32 = arith.constant 2 : i32
    %get3A_33 = arith.index_cast %get3A_32 : i32 to index
    %get3A_34 = arith.constant 0 : index
    %get3A_35 = tpu.vector_load %arg13[%get3A_33, %get3A_34] {strides = array<i32>} : memref<16x16xf32, #tpu.memory_space<vmem>>, vector<1x16xf32>,
    %get3A_36 = vector.shape_cast %get3A_35 : vector<1x16xf32> to vector<16xf32>
    %get3A_37 = arith.constant 3 : i32
    %get3A_38 = arith.index_cast %get3A_37 : i32 to index
    %get3A_39 = arith.constant 0 : index
    %get3A_40 = tpu.vector_load %arg13[%get3A_38, %get3A_39] {strides = array<i32>} : memref<16x16xf32, #tpu.memory_space<vmem>>, vector<1x16xf32>,
    %get3A_41 = vector.shape_cast %get3A_40 : vector<1x16xf32> to vector<16xf32>
    %get3A_42 = arith.constant 4 : i32
    %get3A_43 = arith.index_cast %get3A_42 : i32 to index
    %get3A_44 = arith.constant 0 : index
    %get3A_45 = tpu.vector_load %arg13[%get3A_43, %get3A_44] {strides = array<i32>} : memref<16x16xf32, #tpu.memory_space<vmem>>, vector<1x16xf32>,
    %get3A_46 = vector.shape_cast %get3A_45 : vector<1x16xf32> to vector<16xf32>
    %get3A_47 = arith.constant 5 : i32
    %get3A_48 = arith.index_cast %get3A_47 : i32 to index
    %get3A_49 = arith.constant 0 : index
    %get3A_50 = tpu.vector_load %arg13[%get3A_48, %get3A_49] {strides = array<i32>} : memref<16x16xf32, #tpu.memory_space<vmem>>, vector<1x16xf32>,
    %get3A_51 = vector.shape_cast %get3A_50 : vector<1x16xf32> to vector<16xf32>
    %get3A_52 = arith.constant 6 : i32
    %get3A_53 = arith.index_cast %get3A_52 : i32 to index
    %get3A_54 = arith.constant 0 : index
    %get3A_55 = tpu.vector_load %arg13[%get3A_53, %get3A_54] {strides = array<i32>} : memref<16x16xf32, #tpu.memory_space<vmem>>, vector<1x16xf32>,
    %get3A_56 = vector.shape_cast %get3A_55 : vector<1x16xf32> to vector<16xf32>
    %get3A_57 = arith.constant 7 : i32
    %get3A_58 = arith.index_cast %get3A_57 : i32 to index
    %get3A_59 = arith.constant 0 : index
    %get3A_60 = tpu.vector_load %arg13[%get3A_58, %get3A_59] {strides = array<i32>} : memref<16x16xf32, #tpu.memory_space<vmem>>, vector<1x16xf32>,
    %get3A_61 = vector.shape_cast %get3A_60 : vector<1x16xf32> to vector<16xf32>
    %get3A_62 = arith.constant 8 : i32
    %get3A_63 = arith.index_cast %get3A_62 : i32 to index
    %get3A_64 = arith.constant 0 : index
    %get3A_65 = tpu.vector_load %arg13[%get3A_63, %get3A_64] {strides = array<i32>} : memref<16x16xf32, #tpu.memory_space<vmem>>, vector<1x16xf32>,
    %get3A_66 = vector.shape_cast %get3A_65 : vector<1x16xf32> to vector<16xf32>
    %get3A_67 = arith.constant 9 : i32
    %get3A_68 = arith.index_cast %get3A_67 : i32 to index
    %get3A_69 = arith.constant 0 : index
    %get3A_70 = tpu.vector_load %arg13[%get3A_68, %get3A_69] {strides = array<i32>} : memref<16x16xf32, #tpu.memory_space<vmem>>, vector<1x16xf32>,
    %get3A_71 = vector.shape_cast %get3A_70 : vector<1x16xf32> to vector<16xf32>
    %broadcast_in_dim3A_72 = arith.constant 0 : i32
    %broadcast_in_dim3A_73 = vector.broadcast %broadcast_in_dim3A_72 : i32 to vector<16xi32>
    %broadcast_in_dim3A_74 = arith.constant 1 : i32
    %broadcast_in_dim3A_75 = vector.broadcast %broadcast_in_dim3A_74 : i32 to vector<16xi32>
    %broadcast_in_dim3A_76 = arith.constant 2 : i32
    %broadcast_in_dim3A_77 = vector.broadcast %broadcast_in_dim3A_76 : i32 to vector<16xi32>
    %broadcast_in_dim3A_78 = arith.constant 3 : i32
    %broadcast_in_dim3A_79 = vector.broadcast %broadcast_in_dim3A_78 : i32 to vector<16xi32>
    %broadcast_in_dim3A_80 = arith.constant 4 : i32
    %broadcast_in_dim3A_81 = vector.broadcast %broadcast_in_dim3A_80 : i32 to vector<16xi32>
    %broadcast_in_dim3A_82 = arith.constant 5 : i32
    %broadcast_in_dim3A_83 = vector.broadcast %broadcast_in_dim3A_82 : i32 to vector<16xi32>
    %broadcast_in_dim3A_84 = arith.constant 6 : i32
    %broadcast_in_dim3A_85 = vector.broadcast %broadcast_in_dim3A_84 : i32 to vector<16xi32>
    %broadcast_in_dim3A_86 = arith.constant 7 : i32
    %broadcast_in_dim3A_87 = vector.broadcast %broadcast_in_dim3A_86 : i32 to vector<16xi32>
    %broadcast_in_dim3A_88 = arith.constant 8 : i32
    %broadcast_in_dim3A_89 = vector.broadcast %broadcast_in_dim3A_88 : i32 to vector<16xi32>
    %broadcast_in_dim3A_90 = arith.constant 9 : i32
    %broadcast_in_dim3A_91 = vector.broadcast %broadcast_in_dim3A_90 : i32 to vector<16xi32>
    %dma_start3A = arith.constant 0 : i32
    %dma_start3A_92 = arith.constant 0 : i32
    %dma_start3A_93 = arith.constant 0 : i32
    %dma_start3A_94 = arith.constant 0 : i32
    %dma_start3A_95 = tpu.memref_slice %arg10[%dma_start3A_92, %dma_start3A_93, %dma_start3A_94] : memref<2x80x16xf32, #tpu.memory_space<vmem>> -> memref<1x80x16xf32, #tpu.memory_space<vmem>>
    %dma_start3A_96 = tpu.memref_squeeze %dma_start3A_95 : memref<1x80x16xf32, #tpu.memory_space<vmem>> -> memref<80x16xf32, #tpu.memory_space<vmem>>
    %dma_start3A_97 = arith.constant 0 : i32
    %dma_start3A_98 = tpu.memref_slice %arg9[%dma_start3A, %dma_start3A_97] : memref<125x80xi32, #tpu.memory_space<vmem>> -> memref<1x80xi32, #tpu.memory_space<vmem>>
    %dma_start3A_99 = tpu.memref_squeeze %dma_start3A_98 : memref<1x80xi32, #tpu.memory_space<vmem>> -> memref<80xi32, #tpu.memory_space<vmem>>
    %dma_start3A_100 = arith.constant 0 : i32
    %dma_start3A_101 = arith.constant 0 : i32
    %dma_start3A_102 = tpu.memref_slice %arg16[%dma_start3A_100, %dma_start3A_101] : memref<10000x16xf32, #tpu.memory_space<vmem_shared>> -> memref<10000x16xf32, #tpu.memory_space<vmem_shared>>
    tpu.enqueue_indirect_dma source(%dma_start3A_102 : memref<10000x16xf32, #tpu.memory_space<vmem_shared>>) target(%dma_start3A_96 : memref<80x16xf32, #tpu.memory_space<vmem>>) offsets(%dma_start3A_99 : memref<80xi32, #tpu.memory_space<vmem>>) semaphore(%arg18 : memref<!tpu.dma_semaphore, #tpu.memory_space<semaphore_mem>>)
    %dma_start3A_103 = arith.constant 0 : i32
    %dma_start3A_104 = arith.constant 0 : i32
    %dma_start3A_105 = arith.constant 0 : i32
    %dma_start3A_106 = arith.constant 0 : i32
    %dma_start3A_107 = tpu.memref_slice %arg11[%dma_start3A_104, %dma_start3A_105, %dma_start3A_106] : memref<2x80x16xf32, #tpu.memory_space<vmem>> -> memref<1x80x16xf32, #tpu.memory_space<vmem>>
    %dma_start3A_108 = tpu.memref_squeeze %dma_start3A_107 : memref<1x80x16xf32, #tpu.memory_space<vmem>> -> memref<80x16xf32, #tpu.memory_space<vmem>>
    %dma_start3A_109 = arith.constant 0 : i32
    %dma_start3A_110 = tpu.memref_slice %arg8[%dma_start3A_103, %dma_start3A_109] : memref<125x80xi32, #tpu.memory_space<vmem>> -> memref<1x80xi32, #tpu.memory_space<vmem>>
    %dma_start3A_111 = tpu.memref_squeeze %dma_start3A_110 : memref<1x80xi32, #tpu.memory_space<vmem>> -> memref<80xi32, #tpu.memory_space<vmem>>
    %dma_start3A_112 = arith.constant 0 : i32
    %dma_start3A_113 = arith.constant 0 : i32
    %dma_start3A_114 = tpu.memref_slice %arg17[%dma_start3A_112, %dma_start3A_113] : memref<10000x16xf32, #tpu.memory_space<vmem_shared>> -> memref<10000x16xf32, #tpu.memory_space<vmem_shared>>
    tpu.enqueue_indirect_dma source(%dma_start3A_114 : memref<10000x16xf32, #tpu.memory_space<vmem_shared>>) target(%dma_start3A_108 : memref<80x16xf32, #tpu.memory_space<vmem>>) offsets(%dma_start3A_111 : memref<80xi32, #tpu.memory_space<vmem>>) semaphore(%arg19 : memref<!tpu.dma_semaphore, #tpu.memory_space<semaphore_mem>>)
    %dma_start3A_115 = arith.constant 0 : i32
    %dma_start3A_116 = arith.constant 0 : i32
    %dma_start3A_117 = arith.constant 0 : i32
    %dma_start3A_118 = arith.constant 0 : i32
    %dma_start3A_119 = tpu.memref_slice %arg12[%dma_start3A_115, %dma_start3A_117, %dma_start3A_118] : memref<2x80x16xf32, #tpu.memory_space<vmem>> -> memref<1x80x16xf32, #tpu.memory_space<vmem>>
    %dma_start3A_120 = tpu.memref_squeeze %dma_start3A_119 : memref<1x80x16xf32, #tpu.memory_space<vmem>> -> memref<80x16xf32, #tpu.memory_space<vmem>>
    %dma_start3A_121 = arith.constant 0 : i32
    %dma_start3A_122 = tpu.memref_slice %arg9[%dma_start3A_116, %dma_start3A_121] : memref<125x80xi32, #tpu.memory_space<vmem>> -> memref<1x80xi32, #tpu.memory_space<vmem>>
    %dma_start3A_123 = tpu.memref_squeeze %dma_start3A_122 : memref<1x80xi32, #tpu.memory_space<vmem>> -> memref<80xi32, #tpu.memory_space<vmem>>
    %dma_start3A_124 = arith.constant 0 : i32
    %dma_start3A_125 = arith.constant 0 : i32
    %dma_start3A_126 = tpu.memref_slice %arg15[%dma_start3A_124, %dma_start3A_125] : memref<10000x16xf32, #tpu.memory_space<vmem_shared>> -> memref<10000x16xf32, #tpu.memory_space<vmem_shared>>
    tpu.enqueue_indirect_dma source(%dma_start3A_120 : memref<80x16xf32, #tpu.memory_space<vmem>>) target(%dma_start3A_126 : memref<10000x16xf32, #tpu.memory_space<vmem_shared>>) offsets(%dma_start3A_123 : memref<80xi32, #tpu.memory_space<vmem>>) semaphore(%arg22 : memref<!tpu.dma_semaphore, #tpu.memory_space<semaphore_mem>>) {add = true}
    %dma_start3A_127 = arith.constant 1 : i32
    %dma_start3A_128 = arith.constant 0 : i32
    %dma_start3A_129 = arith.constant 0 : i32
    %dma_start3A_130 = arith.constant 0 : i32
    %dma_start3A_131 = tpu.memref_slice %arg12[%dma_start3A_127, %dma_start3A_129, %dma_start3A_130] : memref<2x80x16xf32, #tpu.memory_space<vmem>> -> memref<1x80x16xf32, #tpu.memory_space<vmem>>
    %dma_start3A_132 = tpu.memref_squeeze %dma_start3A_131 : memref<1x80x16xf32, #tpu.memory_space<vmem>> -> memref<80x16xf32, #tpu.memory_space<vmem>>
    %dma_start3A_133 = arith.constant 0 : i32
    %dma_start3A_134 = tpu.memref_slice %arg9[%dma_start3A_128, %dma_start3A_133] : memref<125x80xi32, #tpu.memory_space<vmem>> -> memref<1x80xi32, #tpu.memory_space<vmem>>
    %dma_start3A_135 = tpu.memref_squeeze %dma_start3A_134 : memref<1x80xi32, #tpu.memory_space<vmem>> -> memref<80xi32, #tpu.memory_space<vmem>>
    %dma_start3A_136 = arith.constant 0 : i32
    %dma_start3A_137 = arith.constant 0 : i32
    %dma_start3A_138 = tpu.memref_slice %arg15[%dma_start3A_136, %dma_start3A_137] : memref<10000x16xf32, #tpu.memory_space<vmem_shared>> -> memref<10000x16xf32, #tpu.memory_space<vmem_shared>>
    tpu.enqueue_indirect_dma source(%dma_start3A_132 : memref<80x16xf32, #tpu.memory_space<vmem>>) target(%dma_start3A_138 : memref<10000x16xf32, #tpu.memory_space<vmem_shared>>) offsets(%dma_start3A_135 : memref<80xi32, #tpu.memory_space<vmem>>) semaphore(%arg23 : memref<!tpu.dma_semaphore, #tpu.memory_space<semaphore_mem>>) {add = true}
    %scan3A_139 = arith.constant 0 : i32
    %scan3A_140 = arith.constant 0 : i32
    %scan3A_141 = arith.constant 62 : i32
    %scan3A_142 = arith.addi %scan3A_140, %scan3A_141 : i32
    %scan3A_143 = arith.constant 1 : i32
    scf.for %scan3A_221 = %scan3A_140 to %scan3A_142 step %scan3A_143  : i32 {
      %mul3A_222 = arith.constant 2 : i32
      %mul3A_223 = arith.muli %mul3A_222, %scan3A_221 : i32
      %add3A_224 = arith.constant 1 : i32
      %add3A_225 = arith.addi %mul3A_223, %add3A_224 : i32
      %dma_start3A_226 = arith.constant 1 : i32
      %dma_start3A_227 = arith.constant 0 : i32
      %dma_start3A_228 = arith.constant 0 : i32
      %dma_start3A_229 = tpu.memref_slice %arg10[%dma_start3A_226, %dma_start3A_227, %dma_start3A_228] : memref<2x80x16xf32, #tpu.memory_space<vmem>> -> memref<1x80x16xf32, #tpu.memory_space<vmem>>
      %dma_start3A_230 = tpu.memref_squeeze %dma_start3A_229 : memref<1x80x16xf32, #tpu.memory_space<vmem>> -> memref<80x16xf32, #tpu.memory_space<vmem>>
      %dma_start3A_231 = arith.constant 0 : i32
      %dma_start3A_232 = tpu.memref_slice %arg9[%add3A_225, %dma_start3A_231] : memref<125x80xi32, #tpu.memory_space<vmem>> -> memref<1x80xi32, #tpu.memory_space<vmem>>
      %dma_start3A_233 = tpu.memref_squeeze %dma_start3A_232 : memref<1x80xi32, #tpu.memory_space<vmem>> -> memref<80xi32, #tpu.memory_space<vmem>>
      %dma_start3A_234 = arith.constant 0 : i32
      %dma_start3A_235 = arith.constant 0 : i32
      %dma_start3A_236 = tpu.memref_slice %arg16[%dma_start3A_234, %dma_start3A_235] : memref<10000x16xf32, #tpu.memory_space<vmem_shared>> -> memref<10000x16xf32, #tpu.memory_space<vmem_shared>>
      tpu.enqueue_indirect_dma source(%dma_start3A_236 : memref<10000x16xf32, #tpu.memory_space<vmem_shared>>) target(%dma_start3A_230 : memref<80x16xf32, #tpu.memory_space<vmem>>) offsets(%dma_start3A_233 : memref<80xi32, #tpu.memory_space<vmem>>) semaphore(%arg20 : memref<!tpu.dma_semaphore, #tpu.memory_space<semaphore_mem>>)
      %dma_start3A_237 = arith.constant 1 : i32
      %dma_start3A_238 = arith.constant 0 : i32
      %dma_start3A_239 = arith.constant 0 : i32
      %dma_start3A_240 = tpu.memref_slice %arg11[%dma_start3A_237, %dma_start3A_238, %dma_start3A_239] : memref<2x80x16xf32, #tpu.memory_space<vmem>> -> memref<1x80x16xf32, #tpu.memory_space<vmem>>
      %dma_start3A_241 = tpu.memref_squeeze %dma_start3A_240 : memref<1x80x16xf32, #tpu.memory_space<vmem>> -> memref<80x16xf32, #tpu.memory_space<vmem>>
      %dma_start3A_242 = arith.constant 0 : i32
      %dma_start3A_243 = tpu.memref_slice %arg8[%add3A_225, %dma_start3A_242] : memref<125x80xi32, #tpu.memory_space<vmem>> -> memref<1x80xi32, #tpu.memory_space<vmem>>
      %dma_start3A_244 = tpu.memref_squeeze %dma_start3A_243 : memref<1x80xi32, #tpu.memory_space<vmem>> -> memref<80xi32, #tpu.memory_space<vmem>>
      %dma_start3A_245 = arith.constant 0 : i32
      %dma_start3A_246 = arith.constant 0 : i32
      %dma_start3A_247 = tpu.memref_slice %arg17[%dma_start3A_245, %dma_start3A_246] : memref<10000x16xf32, #tpu.memory_space<vmem_shared>> -> memref<10000x16xf32, #tpu.memory_space<vmem_shared>>
      tpu.enqueue_indirect_dma source(%dma_start3A_247 : memref<10000x16xf32, #tpu.memory_space<vmem_shared>>) target(%dma_start3A_241 : memref<80x16xf32, #tpu.memory_space<vmem>>) offsets(%dma_start3A_244 : memref<80xi32, #tpu.memory_space<vmem>>) semaphore(%arg21 : memref<!tpu.dma_semaphore, #tpu.memory_space<semaphore_mem>>)
      %dma_wait3A_248 = arith.constant 0 : i32
      %dma_wait3A_249 = arith.constant 0 : i32
      %dma_wait3A_250 = arith.constant 0 : i32
      %dma_wait3A_251 = tpu.memref_slice %arg10[%dma_wait3A_248, %dma_wait3A_249, %dma_wait3A_250] : memref<2x80x16xf32, #tpu.memory_space<vmem>> -> memref<1x80x16xf32, #tpu.memory_space<vmem>>
      %dma_wait3A_252 = tpu.memref_squeeze %dma_wait3A_251 : memref<1x80x16xf32, #tpu.memory_space<vmem>> -> memref<80x16xf32, #tpu.memory_space<vmem>>
      %dma_wait3A_253 = arith.constant 0 : i32
      %dma_wait3A_254 = tpu.memref_slice %arg9[%mul3A_223, %dma_wait3A_253] : memref<125x80xi32, #tpu.memory_space<vmem>> -> memref<1x80xi32, #tpu.memory_space<vmem>>
      %dma_wait3A_255 = tpu.memref_squeeze %dma_wait3A_254 : memref<1x80xi32, #tpu.memory_space<vmem>> -> memref<80xi32, #tpu.memory_space<vmem>>
      %dma_wait3A_256 = arith.constant 0 : i32
      %dma_wait3A_257 = arith.constant 0 : i32
      %dma_wait3A_258 = tpu.memref_slice %arg16[%dma_wait3A_256, %dma_wait3A_257] : memref<10000x16xf32, #tpu.memory_space<vmem_shared>> -> memref<10000x16xf32, #tpu.memory_space<vmem_shared>>
      tpu.wait_indirect_dma semaphore(%arg18 : memref<!tpu.dma_semaphore, #tpu.memory_space<semaphore_mem>>) src(%dma_wait3A_258 : memref<10000x16xf32, #tpu.memory_space<vmem_shared>>) dst(%dma_wait3A_252 : memref<80x16xf32, #tpu.memory_space<vmem>>)
      %dma_wait3A_259 = arith.constant 0 : i32
      %dma_wait3A_260 = arith.constant 0 : i32
      %dma_wait3A_261 = arith.constant 0 : i32
      %dma_wait3A_262 = tpu.memref_slice %arg11[%dma_wait3A_259, %dma_wait3A_260, %dma_wait3A_261] : memref<2x80x16xf32, #tpu.memory_space<vmem>> -> memref<1x80x16xf32, #tpu.memory_space<vmem>>
      %dma_wait3A_263 = tpu.memref_squeeze %dma_wait3A_262 : memref<1x80x16xf32, #tpu.memory_space<vmem>> -> memref<80x16xf32, #tpu.memory_space<vmem>>
      %dma_wait3A_264 = arith.constant 0 : i32
      %dma_wait3A_265 = tpu.memref_slice %arg8[%mul3A_223, %dma_wait3A_264] : memref<125x80xi32, #tpu.memory_space<vmem>> -> memref<1x80xi32, #tpu.memory_space<vmem>>
      %dma_wait3A_266 = tpu.memref_squeeze %dma_wait3A_265 : memref<1x80xi32, #tpu.memory_space<vmem>> -> memref<80xi32, #tpu.memory_space<vmem>>
      %dma_wait3A_267 = arith.constant 0 : i32
      %dma_wait3A_268 = arith.constant 0 : i32
      %dma_wait3A_269 = tpu.memref_slice %arg17[%dma_wait3A_267, %dma_wait3A_268] : memref<10000x16xf32, #tpu.memory_space<vmem_shared>> -> memref<10000x16xf32, #tpu.memory_space<vmem_shared>>
      tpu.wait_indirect_dma semaphore(%arg19 : memref<!tpu.dma_semaphore, #tpu.memory_space<semaphore_mem>>) src(%dma_wait3A_269 : memref<10000x16xf32, #tpu.memory_space<vmem_shared>>) dst(%dma_wait3A_263 : memref<80x16xf32, #tpu.memory_space<vmem>>)
      %dma_wait3A_270 = arith.constant 0 : i32
      %dma_wait3A_271 = arith.constant 0 : i32
      %dma_wait3A_272 = arith.constant 0 : i32
      %dma_wait3A_273 = arith.constant 0 : i32
      %dma_wait3A_274 = tpu.memref_slice %arg12[%dma_wait3A_270, %dma_wait3A_272, %dma_wait3A_273] : memref<2x80x16xf32, #tpu.memory_space<vmem>> -> memref<1x80x16xf32, #tpu.memory_space<vmem>>
      %dma_wait3A_275 = tpu.memref_squeeze %dma_wait3A_274 : memref<1x80x16xf32, #tpu.memory_space<vmem>> -> memref<80x16xf32, #tpu.memory_space<vmem>>
      %dma_wait3A_276 = arith.constant 0 : i32
      %dma_wait3A_277 = tpu.memref_slice %arg9[%dma_wait3A_271, %dma_wait3A_276] : memref<125x80xi32, #tpu.memory_space<vmem>> -> memref<1x80xi32, #tpu.memory_space<vmem>>
      %dma_wait3A_278 = tpu.memref_squeeze %dma_wait3A_277 : memref<1x80xi32, #tpu.memory_space<vmem>> -> memref<80xi32, #tpu.memory_space<vmem>>
      %dma_wait3A_279 = arith.constant 0 : i32
      %dma_wait3A_280 = arith.constant 0 : i32
      %dma_wait3A_281 = tpu.memref_slice %arg15[%dma_wait3A_279, %dma_wait3A_280] : memref<10000x16xf32, #tpu.memory_space<vmem_shared>> -> memref<10000x16xf32, #tpu.memory_space<vmem_shared>>
      tpu.wait_indirect_dma semaphore(%arg22 : memref<!tpu.dma_semaphore, #tpu.memory_space<semaphore_mem>>) src(%dma_wait3A_275 : memref<80x16xf32, #tpu.memory_space<vmem>>) dst(%dma_wait3A_281 : memref<10000x16xf32, #tpu.memory_space<vmem_shared>>)
      %parallel_loop3A_282 = arith.constant 0 : i32
      %parallel_loop3A_283 = arith.constant 80 : i32
      %parallel_loop3A_284 = arith.constant 1 : i32
      scf.for %parallel_loop3A_372 = %parallel_loop3A_282 to %parallel_loop3A_283 step %parallel_loop3A_284  : i32 {
        %parallel_loop3A_373 = arith.constant 0 : i32
        %parallel_loop3A_374 = arith.index_cast %parallel_loop3A_373 : i32 to index
        %parallel_loop3A_375 = arith.index_cast %parallel_loop3A_372 : i32 to index
        %parallel_loop3A_376 = arith.constant 0 : index
        %parallel_loop3A_377 = tpu.vector_load %arg10[%parallel_loop3A_374, %parallel_loop3A_375, %parallel_loop3A_376] {strides = array<i32>} : memref<2x80x16xf32, #tpu.memory_space<vmem>>, vector<1x1x16xf32>,
        %parallel_loop3A_378 = vector.shape_cast %parallel_loop3A_377 : vector<1x1x16xf32> to vector<16xf32>
        %parallel_loop3A_379 = arith.constant 0 : i32
        %parallel_loop3A_380 = arith.index_cast %parallel_loop3A_379 : i32 to index
        %parallel_loop3A_381 = arith.index_cast %parallel_loop3A_372 : i32 to index
        %parallel_loop3A_382 = arith.constant 0 : index
        %parallel_loop3A_383 = tpu.vector_load %arg11[%parallel_loop3A_380, %parallel_loop3A_381, %parallel_loop3A_382] {strides = array<i32>} : memref<2x80x16xf32, #tpu.memory_space<vmem>>, vector<1x1x16xf32>,
        %parallel_loop3A_384 = vector.shape_cast %parallel_loop3A_383 : vector<1x1x16xf32> to vector<16xf32>
        %parallel_loop3A_385 = arith.addf %parallel_loop3A_378, %parallel_loop3A_384 : vector<16xf32>
        %parallel_loop3A_386 = arith.constant 0.000000e+00 : f32
        %parallel_loop3A_387 = vector.broadcast %parallel_loop3A_386 : f32 to vector<16xf32>
        %parallel_loop3A_388 = arith.maximumf %parallel_loop3A_385, %parallel_loop3A_387 : vector<16xf32>
        %parallel_loop3A_389 = arith.constant 0 : i32
        %parallel_loop3A_390 = vector.broadcast %parallel_loop3A_389 : i32 to vector<16xi32>
        %parallel_loop3A_391 = arith.cmpi slt, %broadcast_in_dim3A_73, %parallel_loop3A_390 : vector<16xi32>
        %parallel_loop3A_392 = arith.constant 16 : i32
        %parallel_loop3A_393 = vector.broadcast %parallel_loop3A_392 : i32 to vector<16xi32>
        %parallel_loop3A_394 = arith.addi %broadcast_in_dim3A_73, %parallel_loop3A_393 : vector<16xi32>
        %parallel_loop3A_395 = arith.select %parallel_loop3A_391, %parallel_loop3A_394, %broadcast_in_dim3A_73 : vector<16xi1>, vector<16xi32>
        %parallel_loop3A_396 = vector.shape_cast %parallel_loop3A_395 : vector<16xi32> to vector<16x1xi32>
        %parallel_loop3A_397 = vector.shape_cast %parallel_loop3A_396 : vector<16x1xi32> to vector<16xi32>
        %parallel_loop3A_398 = tpu.dynamic_gather %parallel_loop3A_388[%parallel_loop3A_397] in [0] : vector<16xf32>, vector<16xi32> -> vector<16xf32>
        %parallel_loop3A_399 = arith.mulf %parallel_loop3A_398, %get3A_26 : vector<16xf32>
        %parallel_loop3A_400 = arith.constant 0 : i32
        %parallel_loop3A_401 = vector.broadcast %parallel_loop3A_400 : i32 to vector<16xi32>
        %parallel_loop3A_402 = arith.cmpi slt, %broadcast_in_dim3A_75, %parallel_loop3A_401 : vector<16xi32>
        %parallel_loop3A_403 = arith.constant 16 : i32
        %parallel_loop3A_404 = vector.broadcast %parallel_loop3A_403 : i32 to vector<16xi32>
        %parallel_loop3A_405 = arith.addi %broadcast_in_dim3A_75, %parallel_loop3A_404 : vector<16xi32>
        %parallel_loop3A_406 = arith.select %parallel_loop3A_402, %parallel_loop3A_405, %broadcast_in_dim3A_75 : vector<16xi1>, vector<16xi32>
        %parallel_loop3A_407 = vector.shape_cast %parallel_loop3A_406 : vector<16xi32> to vector<16x1xi32>
        %parallel_loop3A_408 = vector.shape_cast %parallel_loop3A_407 : vector<16x1xi32> to vector<16xi32>
        %parallel_loop3A_409 = tpu.dynamic_gather %parallel_loop3A_388[%parallel_loop3A_408] in [0] : vector<16xf32>, vector<16xi32> -> vector<16xf32>
        %parallel_loop3A_410 = arith.mulf %parallel_loop3A_409, %get3A_31 : vector<16xf32>
        %parallel_loop3A_411 = arith.addf %parallel_loop3A_399, %parallel_loop3A_410 : vector<16xf32>
        %parallel_loop3A_412 = arith.constant 0 : i32
        %parallel_loop3A_413 = vector.broadcast %parallel_loop3A_412 : i32 to vector<16xi32>
        %parallel_loop3A_414 = arith.cmpi slt, %broadcast_in_dim3A_77, %parallel_loop3A_413 : vector<16xi32>
        %parallel_loop3A_415 = arith.constant 16 : i32
        %parallel_loop3A_416 = vector.broadcast %parallel_loop3A_415 : i32 to vector<16xi32>
        %parallel_loop3A_417 = arith.addi %broadcast_in_dim3A_77, %parallel_loop3A_416 : vector<16xi32>
        %parallel_loop3A_418 = arith.select %parallel_loop3A_414, %parallel_loop3A_417, %broadcast_in_dim3A_77 : vector<16xi1>, vector<16xi32>
        %parallel_loop3A_419 = vector.shape_cast %parallel_loop3A_418 : vector<16xi32> to vector<16x1xi32>
        %parallel_loop3A_420 = vector.shape_cast %parallel_loop3A_419 : vector<16x1xi32> to vector<16xi32>
        %parallel_loop3A_421 = tpu.dynamic_gather %parallel_loop3A_388[%parallel_loop3A_420] in [0] : vector<16xf32>, vector<16xi32> -> vector<16xf32>
        %parallel_loop3A_422 = arith.mulf %parallel_loop3A_421, %get3A_36 : vector<16xf32>
        %parallel_loop3A_423 = arith.addf %parallel_loop3A_411, %parallel_loop3A_422 : vector<16xf32>
        %parallel_loop3A_424 = arith.constant 0 : i32
        %parallel_loop3A_425 = vector.broadcast %parallel_loop3A_424 : i32 to vector<16xi32>
        %parallel_loop3A_426 = arith.cmpi slt, %broadcast_in_dim3A_79, %parallel_loop3A_425 : vector<16xi32>
        %parallel_loop3A_427 = arith.constant 16 : i32
        %parallel_loop3A_428 = vector.broadcast %parallel_loop3A_427 : i32 to vector<16xi32>
        %parallel_loop3A_429 = arith.addi %broadcast_in_dim3A_79, %parallel_loop3A_428 : vector<16xi32>
        %parallel_loop3A_430 = arith.select %parallel_loop3A_426, %parallel_loop3A_429, %broadcast_in_dim3A_79 : vector<16xi1>, vector<16xi32>
        %parallel_loop3A_431 = vector.shape_cast %parallel_loop3A_430 : vector<16xi32> to vector<16x1xi32>
        %parallel_loop3A_432 = vector.shape_cast %parallel_loop3A_431 : vector<16x1xi32> to vector<16xi32>
        %parallel_loop3A_433 = tpu.dynamic_gather %parallel_loop3A_388[%parallel_loop3A_432] in [0] : vector<16xf32>, vector<16xi32> -> vector<16xf32>
        %parallel_loop3A_434 = arith.mulf %parallel_loop3A_433, %get3A_41 : vector<16xf32>
        %parallel_loop3A_435 = arith.addf %parallel_loop3A_423, %parallel_loop3A_434 : vector<16xf32>
        %parallel_loop3A_436 = arith.constant 0 : i32
        %parallel_loop3A_437 = vector.broadcast %parallel_loop3A_436 : i32 to vector<16xi32>
        %parallel_loop3A_438 = arith.cmpi slt, %broadcast_in_dim3A_81, %parallel_loop3A_437 : vector<16xi32>
        %parallel_loop3A_439 = arith.constant 16 : i32
        %parallel_loop3A_440 = vector.broadcast %parallel_loop3A_439 : i32 to vector<16xi32>
        %parallel_loop3A_441 = arith.addi %broadcast_in_dim3A_81, %parallel_loop3A_440 : vector<16xi32>
        %parallel_loop3A_442 = arith.select %parallel_loop3A_438, %parallel_loop3A_441, %broadcast_in_dim3A_81 : vector<16xi1>, vector<16xi32>
        %parallel_loop3A_443 = vector.shape_cast %parallel_loop3A_442 : vector<16xi32> to vector<16x1xi32>
        %parallel_loop3A_444 = vector.shape_cast %parallel_loop3A_443 : vector<16x1xi32> to vector<16xi32>
        %parallel_loop3A_445 = tpu.dynamic_gather %parallel_loop3A_388[%parallel_loop3A_444] in [0] : vector<16xf32>, vector<16xi32> -> vector<16xf32>
        %parallel_loop3A_446 = arith.mulf %parallel_loop3A_445, %get3A_46 : vector<16xf32>
        %parallel_loop3A_447 = arith.addf %parallel_loop3A_435, %parallel_loop3A_446 : vector<16xf32>
        %parallel_loop3A_448 = arith.constant 0 : i32
        %parallel_loop3A_449 = vector.broadcast %parallel_loop3A_448 : i32 to vector<16xi32>
        %parallel_loop3A_450 = arith.cmpi slt, %broadcast_in_dim3A_83, %parallel_loop3A_449 : vector<16xi32>
        %parallel_loop3A_451 = arith.constant 16 : i32
        %parallel_loop3A_452 = vector.broadcast %parallel_loop3A_451 : i32 to vector<16xi32>
        %parallel_loop3A_453 = arith.addi %broadcast_in_dim3A_83, %parallel_loop3A_452 : vector<16xi32>
        %parallel_loop3A_454 = arith.select %parallel_loop3A_450, %parallel_loop3A_453, %broadcast_in_dim3A_83 : vector<16xi1>, vector<16xi32>
        %parallel_loop3A_455 = vector.shape_cast %parallel_loop3A_454 : vector<16xi32> to vector<16x1xi32>
        %parallel_loop3A_456 = vector.shape_cast %parallel_loop3A_455 : vector<16x1xi32> to vector<16xi32>
        %parallel_loop3A_457 = tpu.dynamic_gather %parallel_loop3A_388[%parallel_loop3A_456] in [0] : vector<16xf32>, vector<16xi32> -> vector<16xf32>
        %parallel_loop3A_458 = arith.mulf %parallel_loop3A_457, %get3A_51 : vector<16xf32>
        %parallel_loop3A_459 = arith.addf %parallel_loop3A_447, %parallel_loop3A_458 : vector<16xf32>
        %parallel_loop3A_460 = arith.constant 0 : i32
        %parallel_loop3A_461 = vector.broadcast %parallel_loop3A_460 : i32 to vector<16xi32>
        %parallel_loop3A_462 = arith.cmpi slt, %broadcast_in_dim3A_85, %parallel_loop3A_461 : vector<16xi32>
        %parallel_loop3A_463 = arith.constant 16 : i32
        %parallel_loop3A_464 = vector.broadcast %parallel_loop3A_463 : i32 to vector<16xi32>
        %parallel_loop3A_465 = arith.addi %broadcast_in_dim3A_85, %parallel_loop3A_464 : vector<16xi32>
        %parallel_loop3A_466 = arith.select %parallel_loop3A_462, %parallel_loop3A_465, %broadcast_in_dim3A_85 : vector<16xi1>, vector<16xi32>
        %parallel_loop3A_467 = vector.shape_cast %parallel_loop3A_466 : vector<16xi32> to vector<16x1xi32>
        %parallel_loop3A_468 = vector.shape_cast %parallel_loop3A_467 : vector<16x1xi32> to vector<16xi32>
        %parallel_loop3A_469 = tpu.dynamic_gather %parallel_loop3A_388[%parallel_loop3A_468] in [0] : vector<16xf32>, vector<16xi32> -> vector<16xf32>
        %parallel_loop3A_470 = arith.mulf %parallel_loop3A_469, %get3A_56 : vector<16xf32>
        %parallel_loop3A_471 = arith.addf %parallel_loop3A_459, %parallel_loop3A_470 : vector<16xf32>
        %parallel_loop3A_472 = arith.constant 0 : i32
        %parallel_loop3A_473 = vector.broadcast %parallel_loop3A_472 : i32 to vector<16xi32>
        %parallel_loop3A_474 = arith.cmpi slt, %broadcast_in_dim3A_87, %parallel_loop3A_473 : vector<16xi32>
        %parallel_loop3A_475 = arith.constant 16 : i32
        %parallel_loop3A_476 = vector.broadcast %parallel_loop3A_475 : i32 to vector<16xi32>
        %parallel_loop3A_477 = arith.addi %broadcast_in_dim3A_87, %parallel_loop3A_476 : vector<16xi32>
        %parallel_loop3A_478 = arith.select %parallel_loop3A_474, %parallel_loop3A_477, %broadcast_in_dim3A_87 : vector<16xi1>, vector<16xi32>
        %parallel_loop3A_479 = vector.shape_cast %parallel_loop3A_478 : vector<16xi32> to vector<16x1xi32>
        %parallel_loop3A_480 = vector.shape_cast %parallel_loop3A_479 : vector<16x1xi32> to vector<16xi32>
        %parallel_loop3A_481 = tpu.dynamic_gather %parallel_loop3A_388[%parallel_loop3A_480] in [0] : vector<16xf32>, vector<16xi32> -> vector<16xf32>
        %parallel_loop3A_482 = arith.mulf %parallel_loop3A_481, %get3A_61 : vector<16xf32>
        %parallel_loop3A_483 = arith.addf %parallel_loop3A_471, %parallel_loop3A_482 : vector<16xf32>
        %parallel_loop3A_484 = arith.constant 0 : i32
        %parallel_loop3A_485 = vector.broadcast %parallel_loop3A_484 : i32 to vector<16xi32>
        %parallel_loop3A_486 = arith.cmpi slt, %broadcast_in_dim3A_89, %parallel_loop3A_485 : vector<16xi32>
        %parallel_loop3A_487 = arith.constant 16 : i32
        %parallel_loop3A_488 = vector.broadcast %parallel_loop3A_487 : i32 to vector<16xi32>
        %parallel_loop3A_489 = arith.addi %broadcast_in_dim3A_89, %parallel_loop3A_488 : vector<16xi32>
        %parallel_loop3A_490 = arith.select %parallel_loop3A_486, %parallel_loop3A_489, %broadcast_in_dim3A_89 : vector<16xi1>, vector<16xi32>
        %parallel_loop3A_491 = vector.shape_cast %parallel_loop3A_490 : vector<16xi32> to vector<16x1xi32>
        %parallel_loop3A_492 = vector.shape_cast %parallel_loop3A_491 : vector<16x1xi32> to vector<16xi32>
        %parallel_loop3A_493 = tpu.dynamic_gather %parallel_loop3A_388[%parallel_loop3A_492] in [0] : vector<16xf32>, vector<16xi32> -> vector<16xf32>
        %parallel_loop3A_494 = arith.mulf %parallel_loop3A_493, %get3A_66 : vector<16xf32>
        %parallel_loop3A_495 = arith.addf %parallel_loop3A_483, %parallel_loop3A_494 : vector<16xf32>
        %parallel_loop3A_496 = arith.constant 0 : i32
        %parallel_loop3A_497 = vector.broadcast %parallel_loop3A_496 : i32 to vector<16xi32>
        %parallel_loop3A_498 = arith.cmpi slt, %broadcast_in_dim3A_91, %parallel_loop3A_497 : vector<16xi32>
        %parallel_loop3A_499 = arith.constant 16 : i32
        %parallel_loop3A_500 = vector.broadcast %parallel_loop3A_499 : i32 to vector<16xi32>
        %parallel_loop3A_501 = arith.addi %broadcast_in_dim3A_91, %parallel_loop3A_500 : vector<16xi32>
        %parallel_loop3A_502 = arith.select %parallel_loop3A_498, %parallel_loop3A_501, %broadcast_in_dim3A_91 : vector<16xi1>, vector<16xi32>
        %parallel_loop3A_503 = vector.shape_cast %parallel_loop3A_502 : vector<16xi32> to vector<16x1xi32>
        %parallel_loop3A_504 = vector.shape_cast %parallel_loop3A_503 : vector<16x1xi32> to vector<16xi32>
        %parallel_loop3A_505 = tpu.dynamic_gather %parallel_loop3A_388[%parallel_loop3A_504] in [0] : vector<16xf32>, vector<16xi32> -> vector<16xf32>
        %parallel_loop3A_506 = arith.mulf %parallel_loop3A_505, %get3A_71 : vector<16xf32>
        %parallel_loop3A_507 = arith.addf %parallel_loop3A_495, %parallel_loop3A_506 : vector<16xf32>
        %parallel_loop3A_508 = arith.constant 0.000000e+00 : f32
        %parallel_loop3A_509 = vector.broadcast %parallel_loop3A_508 : f32 to vector<16xf32>
        %parallel_loop3A_510 = arith.maximumf %parallel_loop3A_507, %parallel_loop3A_509 : vector<16xf32>
        %parallel_loop3A_511 = arith.constant 0 : i32
        %parallel_loop3A_512 = arith.index_cast %parallel_loop3A_511 : i32 to index
        %parallel_loop3A_513 = arith.index_cast %parallel_loop3A_372 : i32 to index
        %parallel_loop3A_514 = arith.constant 0 : index
        %parallel_loop3A_515 = tpu.vector_load %arg12[%parallel_loop3A_512, %parallel_loop3A_513, %parallel_loop3A_514] {strides = array<i32>} : memref<2x80x16xf32, #tpu.memory_space<vmem>>, vector<1x1x16xf32>,
        %parallel_loop3A_516 = vector.shape_cast %parallel_loop3A_515 : vector<1x1x16xf32> to vector<16xf32>
        %parallel_loop3A_517 = vector.shape_cast %parallel_loop3A_510 : vector<16xf32> to vector<1x1x16xf32>
        tpu.vector_store %arg12[%parallel_loop3A_512, %parallel_loop3A_513, %parallel_loop3A_514], %parallel_loop3A_517 {strides = array<i32>} : memref<2x80x16xf32, #tpu.memory_space<vmem>>, vector<1x1x16xf32>,
      } {sc.loop_unroll_factor = 10 : i64, sc.parallel_access}
      %dma_start3A_285 = arith.constant 0 : i32
      %dma_start3A_286 = arith.constant 0 : i32
      %dma_start3A_287 = arith.constant 0 : i32
      %dma_start3A_288 = tpu.memref_slice %arg12[%dma_start3A_285, %dma_start3A_286, %dma_start3A_287] : memref<2x80x16xf32, #tpu.memory_space<vmem>> -> memref<1x80x16xf32, #tpu.memory_space<vmem>>
      %dma_start3A_289 = tpu.memref_squeeze %dma_start3A_288 : memref<1x80x16xf32, #tpu.memory_space<vmem>> -> memref<80x16xf32, #tpu.memory_space<vmem>>
      %dma_start3A_290 = arith.constant 0 : i32
      %dma_start3A_291 = tpu.memref_slice %arg9[%mul3A_223, %dma_start3A_290] : memref<125x80xi32, #tpu.memory_space<vmem>> -> memref<1x80xi32, #tpu.memory_space<vmem>>
      %dma_start3A_292 = tpu.memref_squeeze %dma_start3A_291 : memref<1x80xi32, #tpu.memory_space<vmem>> -> memref<80xi32, #tpu.memory_space<vmem>>
      %dma_start3A_293 = arith.constant 0 : i32
      %dma_start3A_294 = arith.constant 0 : i32
      %dma_start3A_295 = tpu.memref_slice %arg15[%dma_start3A_293, %dma_start3A_294] : memref<10000x16xf32, #tpu.memory_space<vmem_shared>> -> memref<10000x16xf32, #tpu.memory_space<vmem_shared>>
      tpu.enqueue_indirect_dma source(%dma_start3A_289 : memref<80x16xf32, #tpu.memory_space<vmem>>) target(%dma_start3A_295 : memref<10000x16xf32, #tpu.memory_space<vmem_shared>>) offsets(%dma_start3A_292 : memref<80xi32, #tpu.memory_space<vmem>>) semaphore(%arg22 : memref<!tpu.dma_semaphore, #tpu.memory_space<semaphore_mem>>) {add = true}
      %add3A_296 = arith.constant 2 : i32
      %add3A_297 = arith.addi %mul3A_223, %add3A_296 : i32
      %dma_start3A_298 = arith.constant 0 : i32
      %dma_start3A_299 = arith.constant 0 : i32
      %dma_start3A_300 = arith.constant 0 : i32
      %dma_start3A_301 = tpu.memref_slice %arg10[%dma_start3A_298, %dma_start3A_299, %dma_start3A_300] : memref<2x80x16xf32, #tpu.memory_space<vmem>> -> memref<1x80x16xf32, #tpu.memory_space<vmem>>
      %dma_start3A_302 = tpu.memref_squeeze %dma_start3A_301 : memref<1x80x16xf32, #tpu.memory_space<vmem>> -> memref<80x16xf32, #tpu.memory_space<vmem>>
      %dma_start3A_303 = arith.constant 0 : i32
      %dma_start3A_304 = tpu.memref_slice %arg9[%add3A_297, %dma_start3A_303] : memref<125x80xi32, #tpu.memory_space<vmem>> -> memref<1x80xi32, #tpu.memory_space<vmem>>
      %dma_start3A_305 = tpu.memref_squeeze %dma_start3A_304 : memref<1x80xi32, #tpu.memory_space<vmem>> -> memref<80xi32, #tpu.memory_space<vmem>>
      %dma_start3A_306 = arith.constant 0 : i32
      %dma_start3A_307 = arith.constant 0 : i32
      %dma_start3A_308 = tpu.memref_slice %arg16[%dma_start3A_306, %dma_start3A_307] : memref<10000x16xf32, #tpu.memory_space<vmem_shared>> -> memref<10000x16xf32, #tpu.memory_space<vmem_shared>>
      tpu.enqueue_indirect_dma source(%dma_start3A_308 : memref<10000x16xf32, #tpu.memory_space<vmem_shared>>) target(%dma_start3A_302 : memref<80x16xf32, #tpu.memory_space<vmem>>) offsets(%dma_start3A_305 : memref<80xi32, #tpu.memory_space<vmem>>) semaphore(%arg18 : memref<!tpu.dma_semaphore, #tpu.memory_space<semaphore_mem>>)
      %dma_start3A_309 = arith.constant 0 : i32
      %dma_start3A_310 = arith.constant 0 : i32
      %dma_start3A_311 = arith.constant 0 : i32
      %dma_start3A_312 = tpu.memref_slice %arg11[%dma_start3A_309, %dma_start3A_310, %dma_start3A_311] : memref<2x80x16xf32, #tpu.memory_space<vmem>> -> memref<1x80x16xf32, #tpu.memory_space<vmem>>
      %dma_start3A_313 = tpu.memref_squeeze %dma_start3A_312 : memref<1x80x16xf32, #tpu.memory_space<vmem>> -> memref<80x16xf32, #tpu.memory_space<vmem>>
      %dma_start3A_314 = arith.constant 0 : i32
      %dma_start3A_315 = tpu.memref_slice %arg8[%add3A_297, %dma_start3A_314] : memref<125x80xi32, #tpu.memory_space<vmem>> -> memref<1x80xi32, #tpu.memory_space<vmem>>
      %dma_start3A_316 = tpu.memref_squeeze %dma_start3A_315 : memref<1x80xi32, #tpu.memory_space<vmem>> -> memref<80xi32, #tpu.memory_space<vmem>>
      %dma_start3A_317 = arith.constant 0 : i32
      %dma_start3A_318 = arith.constant 0 : i32
      %dma_start3A_319 = tpu.memref_slice %arg17[%dma_start3A_317, %dma_start3A_318] : memref<10000x16xf32, #tpu.memory_space<vmem_shared>> -> memref<10000x16xf32, #tpu.memory_space<vmem_shared>>
      tpu.enqueue_indirect_dma source(%dma_start3A_319 : memref<10000x16xf32, #tpu.memory_space<vmem_shared>>) target(%dma_start3A_313 : memref<80x16xf32, #tpu.memory_space<vmem>>) offsets(%dma_start3A_316 : memref<80xi32, #tpu.memory_space<vmem>>) semaphore(%arg19 : memref<!tpu.dma_semaphore, #tpu.memory_space<semaphore_mem>>)
      %add3A_320 = arith.constant 1 : i32
      %add3A_321 = arith.addi %mul3A_223, %add3A_320 : i32
      %dma_wait3A_322 = arith.constant 1 : i32
      %dma_wait3A_323 = arith.constant 0 : i32
      %dma_wait3A_324 = arith.constant 0 : i32
      %dma_wait3A_325 = tpu.memref_slice %arg10[%dma_wait3A_322, %dma_wait3A_323, %dma_wait3A_324] : memref<2x80x16xf32, #tpu.memory_space<vmem>> -> memref<1x80x16xf32, #tpu.memory_space<vmem>>
      %dma_wait3A_326 = tpu.memref_squeeze %dma_wait3A_325 : memref<1x80x16xf32, #tpu.memory_space<vmem>> -> memref<80x16xf32, #tpu.memory_space<vmem>>
      %dma_wait3A_327 = arith.constant 0 : i32
      %dma_wait3A_328 = tpu.memref_slice %arg9[%add3A_321, %dma_wait3A_327] : memref<125x80xi32, #tpu.memory_space<vmem>> -> memref<1x80xi32, #tpu.memory_space<vmem>>
      %dma_wait3A_329 = tpu.memref_squeeze %dma_wait3A_328 : memref<1x80xi32, #tpu.memory_space<vmem>> -> memref<80xi32, #tpu.memory_space<vmem>>
      %dma_wait3A_330 = arith.constant 0 : i32
      %dma_wait3A_331 = arith.constant 0 : i32
      %dma_wait3A_332 = tpu.memref_slice %arg16[%dma_wait3A_330, %dma_wait3A_331] : memref<10000x16xf32, #tpu.memory_space<vmem_shared>> -> memref<10000x16xf32, #tpu.memory_space<vmem_shared>>
      tpu.wait_indirect_dma semaphore(%arg20 : memref<!tpu.dma_semaphore, #tpu.memory_space<semaphore_mem>>) src(%dma_wait3A_332 : memref<10000x16xf32, #tpu.memory_space<vmem_shared>>) dst(%dma_wait3A_326 : memref<80x16xf32, #tpu.memory_space<vmem>>)
      %dma_wait3A_333 = arith.constant 1 : i32
      %dma_wait3A_334 = arith.constant 0 : i32
      %dma_wait3A_335 = arith.constant 0 : i32
      %dma_wait3A_336 = tpu.memref_slice %arg11[%dma_wait3A_333, %dma_wait3A_334, %dma_wait3A_335] : memref<2x80x16xf32, #tpu.memory_space<vmem>> -> memref<1x80x16xf32, #tpu.memory_space<vmem>>
      %dma_wait3A_337 = tpu.memref_squeeze %dma_wait3A_336 : memref<1x80x16xf32, #tpu.memory_space<vmem>> -> memref<80x16xf32, #tpu.memory_space<vmem>>
      %dma_wait3A_338 = arith.constant 0 : i32
      %dma_wait3A_339 = tpu.memref_slice %arg8[%add3A_321, %dma_wait3A_338] : memref<125x80xi32, #tpu.memory_space<vmem>> -> memref<1x80xi32, #tpu.memory_space<vmem>>
      %dma_wait3A_340 = tpu.memref_squeeze %dma_wait3A_339 : memref<1x80xi32, #tpu.memory_space<vmem>> -> memref<80xi32, #tpu.memory_space<vmem>>
      %dma_wait3A_341 = arith.constant 0 : i32
      %dma_wait3A_342 = arith.constant 0 : i32
      %dma_wait3A_343 = tpu.memref_slice %arg17[%dma_wait3A_341, %dma_wait3A_342] : memref<10000x16xf32, #tpu.memory_space<vmem_shared>> -> memref<10000x16xf32, #tpu.memory_space<vmem_shared>>
      tpu.wait_indirect_dma semaphore(%arg21 : memref<!tpu.dma_semaphore, #tpu.memory_space<semaphore_mem>>) src(%dma_wait3A_343 : memref<10000x16xf32, #tpu.memory_space<vmem_shared>>) dst(%dma_wait3A_337 : memref<80x16xf32, #tpu.memory_space<vmem>>)
      %dma_wait3A_344 = arith.constant 1 : i32
      %dma_wait3A_345 = arith.constant 0 : i32
      %dma_wait3A_346 = arith.constant 0 : i32
      %dma_wait3A_347 = arith.constant 0 : i32
      %dma_wait3A_348 = tpu.memref_slice %arg12[%dma_wait3A_344, %dma_wait3A_346, %dma_wait3A_347] : memref<2x80x16xf32, #tpu.memory_space<vmem>> -> memref<1x80x16xf32, #tpu.memory_space<vmem>>
      %dma_wait3A_349 = tpu.memref_squeeze %dma_wait3A_348 : memref<1x80x16xf32, #tpu.memory_space<vmem>> -> memref<80x16xf32, #tpu.memory_space<vmem>>
      %dma_wait3A_350 = arith.constant 0 : i32
      %dma_wait3A_351 = tpu.memref_slice %arg9[%dma_wait3A_345, %dma_wait3A_350] : memref<125x80xi32, #tpu.memory_space<vmem>> -> memref<1x80xi32, #tpu.memory_space<vmem>>
      %dma_wait3A_352 = tpu.memref_squeeze %dma_wait3A_351 : memref<1x80xi32, #tpu.memory_space<vmem>> -> memref<80xi32, #tpu.memory_space<vmem>>
      %dma_wait3A_353 = arith.constant 0 : i32
      %dma_wait3A_354 = arith.constant 0 : i32
      %dma_wait3A_355 = tpu.memref_slice %arg15[%dma_wait3A_353, %dma_wait3A_354] : memref<10000x16xf32, #tpu.memory_space<vmem_shared>> -> memref<10000x16xf32, #tpu.memory_space<vmem_shared>>
      tpu.wait_indirect_dma semaphore(%arg23 : memref<!tpu.dma_semaphore, #tpu.memory_space<semaphore_mem>>) src(%dma_wait3A_349 : memref<80x16xf32, #tpu.memory_space<vmem>>) dst(%dma_wait3A_355 : memref<10000x16xf32, #tpu.memory_space<vmem_shared>>)
      %add3A_356 = arith.constant 1 : i32
      %add3A_357 = arith.addi %mul3A_223, %add3A_356 : i32
      %parallel_loop3A_358 = arith.constant 0 : i32
      %parallel_loop3A_359 = arith.constant 80 : i32
      %parallel_loop3A_360 = arith.constant 1 : i32
      scf.for %parallel_loop3A_372 = %parallel_loop3A_358 to %parallel_loop3A_359 step %parallel_loop3A_360  : i32 {
        %parallel_loop3A_373 = arith.constant 1 : i32
        %parallel_loop3A_374 = arith.index_cast %parallel_loop3A_373 : i32 to index
        %parallel_loop3A_375 = arith.index_cast %parallel_loop3A_372 : i32 to index
        %parallel_loop3A_376 = arith.constant 0 : index
        %parallel_loop3A_377 = tpu.vector_load %arg10[%parallel_loop3A_374, %parallel_loop3A_375, %parallel_loop3A_376] {strides = array<i32>} : memref<2x80x16xf32, #tpu.memory_space<vmem>>, vector<1x1x16xf32>,
        %parallel_loop3A_378 = vector.shape_cast %parallel_loop3A_377 : vector<1x1x16xf32> to vector<16xf32>
        %parallel_loop3A_379 = arith.constant 1 : i32
        %parallel_loop3A_380 = arith.index_cast %parallel_loop3A_379 : i32 to index
        %parallel_loop3A_381 = arith.index_cast %parallel_loop3A_372 : i32 to index
        %parallel_loop3A_382 = arith.constant 0 : index
        %parallel_loop3A_383 = tpu.vector_load %arg11[%parallel_loop3A_380, %parallel_loop3A_381, %parallel_loop3A_382] {strides = array<i32>} : memref<2x80x16xf32, #tpu.memory_space<vmem>>, vector<1x1x16xf32>,
        %parallel_loop3A_384 = vector.shape_cast %parallel_loop3A_383 : vector<1x1x16xf32> to vector<16xf32>
        %parallel_loop3A_385 = arith.addf %parallel_loop3A_378, %parallel_loop3A_384 : vector<16xf32>
        %parallel_loop3A_386 = arith.constant 0.000000e+00 : f32
        %parallel_loop3A_387 = vector.broadcast %parallel_loop3A_386 : f32 to vector<16xf32>
        %parallel_loop3A_388 = arith.maximumf %parallel_loop3A_385, %parallel_loop3A_387 : vector<16xf32>
        %parallel_loop3A_389 = arith.constant 0 : i32
        %parallel_loop3A_390 = vector.broadcast %parallel_loop3A_389 : i32 to vector<16xi32>
        %parallel_loop3A_391 = arith.cmpi slt, %broadcast_in_dim3A_73, %parallel_loop3A_390 : vector<16xi32>
        %parallel_loop3A_392 = arith.constant 16 : i32
        %parallel_loop3A_393 = vector.broadcast %parallel_loop3A_392 : i32 to vector<16xi32>
        %parallel_loop3A_394 = arith.addi %broadcast_in_dim3A_73, %parallel_loop3A_393 : vector<16xi32>
        %parallel_loop3A_395 = arith.select %parallel_loop3A_391, %parallel_loop3A_394, %broadcast_in_dim3A_73 : vector<16xi1>, vector<16xi32>
        %parallel_loop3A_396 = vector.shape_cast %parallel_loop3A_395 : vector<16xi32> to vector<16x1xi32>
        %parallel_loop3A_397 = vector.shape_cast %parallel_loop3A_396 : vector<16x1xi32> to vector<16xi32>
        %parallel_loop3A_398 = tpu.dynamic_gather %parallel_loop3A_388[%parallel_loop3A_397] in [0] : vector<16xf32>, vector<16xi32> -> vector<16xf32>
        %parallel_loop3A_399 = arith.mulf %parallel_loop3A_398, %get3A_26 : vector<16xf32>
        %parallel_loop3A_400 = arith.constant 0 : i32
        %parallel_loop3A_401 = vector.broadcast %parallel_loop3A_400 : i32 to vector<16xi32>
        %parallel_loop3A_402 = arith.cmpi slt, %broadcast_in_dim3A_75, %parallel_loop3A_401 : vector<16xi32>
        %parallel_loop3A_403 = arith.constant 16 : i32
        %parallel_loop3A_404 = vector.broadcast %parallel_loop3A_403 : i32 to vector<16xi32>
        %parallel_loop3A_405 = arith.addi %broadcast_in_dim3A_75, %parallel_loop3A_404 : vector<16xi32>
        %parallel_loop3A_406 = arith.select %parallel_loop3A_402, %parallel_loop3A_405, %broadcast_in_dim3A_75 : vector<16xi1>, vector<16xi32>
        %parallel_loop3A_407 = vector.shape_cast %parallel_loop3A_406 : vector<16xi32> to vector<16x1xi32>
        %parallel_loop3A_408 = vector.shape_cast %parallel_loop3A_407 : vector<16x1xi32> to vector<16xi32>
        %parallel_loop3A_409 = tpu.dynamic_gather %parallel_loop3A_388[%parallel_loop3A_408] in [0] : vector<16xf32>, vector<16xi32> -> vector<16xf32>
        %parallel_loop3A_410 = arith.mulf %parallel_loop3A_409, %get3A_31 : vector<16xf32>
        %parallel_loop3A_411 = arith.addf %parallel_loop3A_399, %parallel_loop3A_410 : vector<16xf32>
        %parallel_loop3A_412 = arith.constant 0 : i32
        %parallel_loop3A_413 = vector.broadcast %parallel_loop3A_412 : i32 to vector<16xi32>
        %parallel_loop3A_414 = arith.cmpi slt, %broadcast_in_dim3A_77, %parallel_loop3A_413 : vector<16xi32>
        %parallel_loop3A_415 = arith.constant 16 : i32
        %parallel_loop3A_416 = vector.broadcast %parallel_loop3A_415 : i32 to vector<16xi32>
        %parallel_loop3A_417 = arith.addi %broadcast_in_dim3A_77, %parallel_loop3A_416 : vector<16xi32>
        %parallel_loop3A_418 = arith.select %parallel_loop3A_414, %parallel_loop3A_417, %broadcast_in_dim3A_77 : vector<16xi1>, vector<16xi32>
        %parallel_loop3A_419 = vector.shape_cast %parallel_loop3A_418 : vector<16xi32> to vector<16x1xi32>
        %parallel_loop3A_420 = vector.shape_cast %parallel_loop3A_419 : vector<16x1xi32> to vector<16xi32>
        %parallel_loop3A_421 = tpu.dynamic_gather %parallel_loop3A_388[%parallel_loop3A_420] in [0] : vector<16xf32>, vector<16xi32> -> vector<16xf32>
        %parallel_loop3A_422 = arith.mulf %parallel_loop3A_421, %get3A_36 : vector<16xf32>
        %parallel_loop3A_423 = arith.addf %parallel_loop3A_411, %parallel_loop3A_422 : vector<16xf32>
        %parallel_loop3A_424 = arith.constant 0 : i32
        %parallel_loop3A_425 = vector.broadcast %parallel_loop3A_424 : i32 to vector<16xi32>
        %parallel_loop3A_426 = arith.cmpi slt, %broadcast_in_dim3A_79, %parallel_loop3A_425 : vector<16xi32>
        %parallel_loop3A_427 = arith.constant 16 : i32
        %parallel_loop3A_428 = vector.broadcast %parallel_loop3A_427 : i32 to vector<16xi32>
        %parallel_loop3A_429 = arith.addi %broadcast_in_dim3A_79, %parallel_loop3A_428 : vector<16xi32>
        %parallel_loop3A_430 = arith.select %parallel_loop3A_426, %parallel_loop3A_429, %broadcast_in_dim3A_79 : vector<16xi1>, vector<16xi32>
        %parallel_loop3A_431 = vector.shape_cast %parallel_loop3A_430 : vector<16xi32> to vector<16x1xi32>
        %parallel_loop3A_432 = vector.shape_cast %parallel_loop3A_431 : vector<16x1xi32> to vector<16xi32>
        %parallel_loop3A_433 = tpu.dynamic_gather %parallel_loop3A_388[%parallel_loop3A_432] in [0] : vector<16xf32>, vector<16xi32> -> vector<16xf32>
        %parallel_loop3A_434 = arith.mulf %parallel_loop3A_433, %get3A_41 : vector<16xf32>
        %parallel_loop3A_435 = arith.addf %parallel_loop3A_423, %parallel_loop3A_434 : vector<16xf32>
        %parallel_loop3A_436 = arith.constant 0 : i32
        %parallel_loop3A_437 = vector.broadcast %parallel_loop3A_436 : i32 to vector<16xi32>
        %parallel_loop3A_438 = arith.cmpi slt, %broadcast_in_dim3A_81, %parallel_loop3A_437 : vector<16xi32>
        %parallel_loop3A_439 = arith.constant 16 : i32
        %parallel_loop3A_440 = vector.broadcast %parallel_loop3A_439 : i32 to vector<16xi32>
        %parallel_loop3A_441 = arith.addi %broadcast_in_dim3A_81, %parallel_loop3A_440 : vector<16xi32>
        %parallel_loop3A_442 = arith.select %parallel_loop3A_438, %parallel_loop3A_441, %broadcast_in_dim3A_81 : vector<16xi1>, vector<16xi32>
        %parallel_loop3A_443 = vector.shape_cast %parallel_loop3A_442 : vector<16xi32> to vector<16x1xi32>
        %parallel_loop3A_444 = vector.shape_cast %parallel_loop3A_443 : vector<16x1xi32> to vector<16xi32>
        %parallel_loop3A_445 = tpu.dynamic_gather %parallel_loop3A_388[%parallel_loop3A_444] in [0] : vector<16xf32>, vector<16xi32> -> vector<16xf32>
        %parallel_loop3A_446 = arith.mulf %parallel_loop3A_445, %get3A_46 : vector<16xf32>
        %parallel_loop3A_447 = arith.addf %parallel_loop3A_435, %parallel_loop3A_446 : vector<16xf32>
        %parallel_loop3A_448 = arith.constant 0 : i32
        %parallel_loop3A_449 = vector.broadcast %parallel_loop3A_448 : i32 to vector<16xi32>
        %parallel_loop3A_450 = arith.cmpi slt, %broadcast_in_dim3A_83, %parallel_loop3A_449 : vector<16xi32>
        %parallel_loop3A_451 = arith.constant 16 : i32
        %parallel_loop3A_452 = vector.broadcast %parallel_loop3A_451 : i32 to vector<16xi32>
        %parallel_loop3A_453 = arith.addi %broadcast_in_dim3A_83, %parallel_loop3A_452 : vector<16xi32>
        %parallel_loop3A_454 = arith.select %parallel_loop3A_450, %parallel_loop3A_453, %broadcast_in_dim3A_83 : vector<16xi1>, vector<16xi32>
        %parallel_loop3A_455 = vector.shape_cast %parallel_loop3A_454 : vector<16xi32> to vector<16x1xi32>
        %parallel_loop3A_456 = vector.shape_cast %parallel_loop3A_455 : vector<16x1xi32> to vector<16xi32>
        %parallel_loop3A_457 = tpu.dynamic_gather %parallel_loop3A_388[%parallel_loop3A_456] in [0] : vector<16xf32>, vector<16xi32> -> vector<16xf32>
        %parallel_loop3A_458 = arith.mulf %parallel_loop3A_457, %get3A_51 : vector<16xf32>
        %parallel_loop3A_459 = arith.addf %parallel_loop3A_447, %parallel_loop3A_458 : vector<16xf32>
        %parallel_loop3A_460 = arith.constant 0 : i32
        %parallel_loop3A_461 = vector.broadcast %parallel_loop3A_460 : i32 to vector<16xi32>
        %parallel_loop3A_462 = arith.cmpi slt, %broadcast_in_dim3A_85, %parallel_loop3A_461 : vector<16xi32>
        %parallel_loop3A_463 = arith.constant 16 : i32
        %parallel_loop3A_464 = vector.broadcast %parallel_loop3A_463 : i32 to vector<16xi32>
        %parallel_loop3A_465 = arith.addi %broadcast_in_dim3A_85, %parallel_loop3A_464 : vector<16xi32>
        %parallel_loop3A_466 = arith.select %parallel_loop3A_462, %parallel_loop3A_465, %broadcast_in_dim3A_85 : vector<16xi1>, vector<16xi32>
        %parallel_loop3A_467 = vector.shape_cast %parallel_loop3A_466 : vector<16xi32> to vector<16x1xi32>
        %parallel_loop3A_468 = vector.shape_cast %parallel_loop3A_467 : vector<16x1xi32> to vector<16xi32>
        %parallel_loop3A_469 = tpu.dynamic_gather %parallel_loop3A_388[%parallel_loop3A_468] in [0] : vector<16xf32>, vector<16xi32> -> vector<16xf32>
        %parallel_loop3A_470 = arith.mulf %parallel_loop3A_469, %get3A_56 : vector<16xf32>
        %parallel_loop3A_471 = arith.addf %parallel_loop3A_459, %parallel_loop3A_470 : vector<16xf32>
        %parallel_loop3A_472 = arith.constant 0 : i32
        %parallel_loop3A_473 = vector.broadcast %parallel_loop3A_472 : i32 to vector<16xi32>
        %parallel_loop3A_474 = arith.cmpi slt, %broadcast_in_dim3A_87, %parallel_loop3A_473 : vector<16xi32>
        %parallel_loop3A_475 = arith.constant 16 : i32
        %parallel_loop3A_476 = vector.broadcast %parallel_loop3A_475 : i32 to vector<16xi32>
        %parallel_loop3A_477 = arith.addi %broadcast_in_dim3A_87, %parallel_loop3A_476 : vector<16xi32>
        %parallel_loop3A_478 = arith.select %parallel_loop3A_474, %parallel_loop3A_477, %broadcast_in_dim3A_87 : vector<16xi1>, vector<16xi32>
        %parallel_loop3A_479 = vector.shape_cast %parallel_loop3A_478 : vector<16xi32> to vector<16x1xi32>
        %parallel_loop3A_480 = vector.shape_cast %parallel_loop3A_479 : vector<16x1xi32> to vector<16xi32>
        %parallel_loop3A_481 = tpu.dynamic_gather %parallel_loop3A_388[%parallel_loop3A_480] in [0] : vector<16xf32>, vector<16xi32> -> vector<16xf32>
        %parallel_loop3A_482 = arith.mulf %parallel_loop3A_481, %get3A_61 : vector<16xf32>
        %parallel_loop3A_483 = arith.addf %parallel_loop3A_471, %parallel_loop3A_482 : vector<16xf32>
        %parallel_loop3A_484 = arith.constant 0 : i32
        %parallel_loop3A_485 = vector.broadcast %parallel_loop3A_484 : i32 to vector<16xi32>
        %parallel_loop3A_486 = arith.cmpi slt, %broadcast_in_dim3A_89, %parallel_loop3A_485 : vector<16xi32>
        %parallel_loop3A_487 = arith.constant 16 : i32
        %parallel_loop3A_488 = vector.broadcast %parallel_loop3A_487 : i32 to vector<16xi32>
        %parallel_loop3A_489 = arith.addi %broadcast_in_dim3A_89, %parallel_loop3A_488 : vector<16xi32>
        %parallel_loop3A_490 = arith.select %parallel_loop3A_486, %parallel_loop3A_489, %broadcast_in_dim3A_89 : vector<16xi1>, vector<16xi32>
        %parallel_loop3A_491 = vector.shape_cast %parallel_loop3A_490 : vector<16xi32> to vector<16x1xi32>
        %parallel_loop3A_492 = vector.shape_cast %parallel_loop3A_491 : vector<16x1xi32> to vector<16xi32>
        %parallel_loop3A_493 = tpu.dynamic_gather %parallel_loop3A_388[%parallel_loop3A_492] in [0] : vector<16xf32>, vector<16xi32> -> vector<16xf32>
        %parallel_loop3A_494 = arith.mulf %parallel_loop3A_493, %get3A_66 : vector<16xf32>
        %parallel_loop3A_495 = arith.addf %parallel_loop3A_483, %parallel_loop3A_494 : vector<16xf32>
        %parallel_loop3A_496 = arith.constant 0 : i32
        %parallel_loop3A_497 = vector.broadcast %parallel_loop3A_496 : i32 to vector<16xi32>
        %parallel_loop3A_498 = arith.cmpi slt, %broadcast_in_dim3A_91, %parallel_loop3A_497 : vector<16xi32>
        %parallel_loop3A_499 = arith.constant 16 : i32
        %parallel_loop3A_500 = vector.broadcast %parallel_loop3A_499 : i32 to vector<16xi32>
        %parallel_loop3A_501 = arith.addi %broadcast_in_dim3A_91, %parallel_loop3A_500 : vector<16xi32>
        %parallel_loop3A_502 = arith.select %parallel_loop3A_498, %parallel_loop3A_501, %broadcast_in_dim3A_91 : vector<16xi1>, vector<16xi32>
        %parallel_loop3A_503 = vector.shape_cast %parallel_loop3A_502 : vector<16xi32> to vector<16x1xi32>
        %parallel_loop3A_504 = vector.shape_cast %parallel_loop3A_503 : vector<16x1xi32> to vector<16xi32>
        %parallel_loop3A_505 = tpu.dynamic_gather %parallel_loop3A_388[%parallel_loop3A_504] in [0] : vector<16xf32>, vector<16xi32> -> vector<16xf32>
        %parallel_loop3A_506 = arith.mulf %parallel_loop3A_505, %get3A_71 : vector<16xf32>
        %parallel_loop3A_507 = arith.addf %parallel_loop3A_495, %parallel_loop3A_506 : vector<16xf32>
        %parallel_loop3A_508 = arith.constant 0.000000e+00 : f32
        %parallel_loop3A_509 = vector.broadcast %parallel_loop3A_508 : f32 to vector<16xf32>
        %parallel_loop3A_510 = arith.maximumf %parallel_loop3A_507, %parallel_loop3A_509 : vector<16xf32>
        %parallel_loop3A_511 = arith.constant 1 : i32
        %parallel_loop3A_512 = arith.index_cast %parallel_loop3A_511 : i32 to index
        %parallel_loop3A_513 = arith.index_cast %parallel_loop3A_372 : i32 to index
        %parallel_loop3A_514 = arith.constant 0 : index
        %parallel_loop3A_515 = tpu.vector_load %arg12[%parallel_loop3A_512, %parallel_loop3A_513, %parallel_loop3A_514] {strides = array<i32>} : memref<2x80x16xf32, #tpu.memory_space<vmem>>, vector<1x1x16xf32>,
        %parallel_loop3A_516 = vector.shape_cast %parallel_loop3A_515 : vector<1x1x16xf32> to vector<16xf32>
        %parallel_loop3A_517 = vector.shape_cast %parallel_loop3A_510 : vector<16xf32> to vector<1x1x16xf32>
        tpu.vector_store %arg12[%parallel_loop3A_512, %parallel_loop3A_513, %parallel_loop3A_514], %parallel_loop3A_517 {strides = array<i32>} : memref<2x80x16xf32, #tpu.memory_space<vmem>>, vector<1x1x16xf32>,
      } {sc.loop_unroll_factor = 10 : i64, sc.parallel_access}
      %dma_start3A_361 = arith.constant 1 : i32
      %dma_start3A_362 = arith.constant 0 : i32
      %dma_start3A_363 = arith.constant 0 : i32
      %dma_start3A_364 = tpu.memref_slice %arg12[%dma_start3A_361, %dma_start3A_362, %dma_start3A_363] : memref<2x80x16xf32, #tpu.memory_space<vmem>> -> memref<1x80x16xf32, #tpu.memory_space<vmem>>
      %dma_start3A_365 = tpu.memref_squeeze %dma_start3A_364 : memref<1x80x16xf32, #tpu.memory_space<vmem>> -> memref<80x16xf32, #tpu.memory_space<vmem>>
      %dma_start3A_366 = arith.constant 0 : i32
      %dma_start3A_367 = tpu.memref_slice %arg9[%add3A_357, %dma_start3A_366] : memref<125x80xi32, #tpu.memory_space<vmem>> -> memref<1x80xi32, #tpu.memory_space<vmem>>
      %dma_start3A_368 = tpu.memref_squeeze %dma_start3A_367 : memref<1x80xi32, #tpu.memory_space<vmem>> -> memref<80xi32, #tpu.memory_space<vmem>>
      %dma_start3A_369 = arith.constant 0 : i32
      %dma_start3A_370 = arith.constant 0 : i32
      %dma_start3A_371 = tpu.memref_slice %arg15[%dma_start3A_369, %dma_start3A_370] : memref<10000x16xf32, #tpu.memory_space<vmem_shared>> -> memref<10000x16xf32, #tpu.memory_space<vmem_shared>>
      tpu.enqueue_indirect_dma source(%dma_start3A_365 : memref<80x16xf32, #tpu.memory_space<vmem>>) target(%dma_start3A_371 : memref<10000x16xf32, #tpu.memory_space<vmem_shared>>) offsets(%dma_start3A_368 : memref<80xi32, #tpu.memory_space<vmem>>) semaphore(%arg23 : memref<!tpu.dma_semaphore, #tpu.memory_space<semaphore_mem>>) {add = true}
    }
    %scan3A_144 = arith.constant 62 : i32
    %dma_wait3A = arith.constant 124 : i32
    %dma_wait3A_145 = arith.constant 0 : i32
    %dma_wait3A_146 = arith.constant 0 : i32
    %dma_wait3A_147 = arith.constant 0 : i32
    %dma_wait3A_148 = tpu.memref_slice %arg10[%dma_wait3A_145, %dma_wait3A_146, %dma_wait3A_147] : memref<2x80x16xf32, #tpu.memory_space<vmem>> -> memref<1x80x16xf32, #tpu.memory_space<vmem>>
    %dma_wait3A_149 = tpu.memref_squeeze %dma_wait3A_148 : memref<1x80x16xf32, #tpu.memory_space<vmem>> -> memref<80x16xf32, #tpu.memory_space<vmem>>
    %dma_wait3A_150 = arith.constant 0 : i32
    %dma_wait3A_151 = tpu.memref_slice %arg9[%dma_wait3A, %dma_wait3A_150] : memref<125x80xi32, #tpu.memory_space<vmem>> -> memref<1x80xi32, #tpu.memory_space<vmem>>
    %dma_wait3A_152 = tpu.memref_squeeze %dma_wait3A_151 : memref<1x80xi32, #tpu.memory_space<vmem>> -> memref<80xi32, #tpu.memory_space<vmem>>
    %dma_wait3A_153 = arith.constant 0 : i32
    %dma_wait3A_154 = arith.constant 0 : i32
    %dma_wait3A_155 = tpu.memref_slice %arg16[%dma_wait3A_153, %dma_wait3A_154] : memref<10000x16xf32, #tpu.memory_space<vmem_shared>> -> memref<10000x16xf32, #tpu.memory_space<vmem_shared>>
    tpu.wait_indirect_dma semaphore(%arg18 : memref<!tpu.dma_semaphore, #tpu.memory_space<semaphore_mem>>) src(%dma_wait3A_155 : memref<10000x16xf32, #tpu.memory_space<vmem_shared>>) dst(%dma_wait3A_149 : memref<80x16xf32, #tpu.memory_space<vmem>>)
    %dma_wait3A_156 = arith.constant 124 : i32
    %dma_wait3A_157 = arith.constant 0 : i32
    %dma_wait3A_158 = arith.constant 0 : i32
    %dma_wait3A_159 = arith.constant 0 : i32
    %dma_wait3A_160 = tpu.memref_slice %arg11[%dma_wait3A_157, %dma_wait3A_158, %dma_wait3A_159] : memref<2x80x16xf32, #tpu.memory_space<vmem>> -> memref<1x80x16xf32, #tpu.memory_space<vmem>>
    %dma_wait3A_161 = tpu.memref_squeeze %dma_wait3A_160 : memref<1x80x16xf32, #tpu.memory_space<vmem>> -> memref<80x16xf32, #tpu.memory_space<vmem>>
    %dma_wait3A_162 = arith.constant 0 : i32
    %dma_wait3A_163 = tpu.memref_slice %arg8[%dma_wait3A_156, %dma_wait3A_162] : memref<125x80xi32, #tpu.memory_space<vmem>> -> memref<1x80xi32, #tpu.memory_space<vmem>>
    %dma_wait3A_164 = tpu.memref_squeeze %dma_wait3A_163 : memref<1x80xi32, #tpu.memory_space<vmem>> -> memref<80xi32, #tpu.memory_space<vmem>>
    %dma_wait3A_165 = arith.constant 0 : i32
    %dma_wait3A_166 = arith.constant 0 : i32
    %dma_wait3A_167 = tpu.memref_slice %arg17[%dma_wait3A_165, %dma_wait3A_166] : memref<10000x16xf32, #tpu.memory_space<vmem_shared>> -> memref<10000x16xf32, #tpu.memory_space<vmem_shared>>
    tpu.wait_indirect_dma semaphore(%arg19 : memref<!tpu.dma_semaphore, #tpu.memory_space<semaphore_mem>>) src(%dma_wait3A_167 : memref<10000x16xf32, #tpu.memory_space<vmem_shared>>) dst(%dma_wait3A_161 : memref<80x16xf32, #tpu.memory_space<vmem>>)
    %dma_wait3A_168 = arith.constant 0 : i32
    %dma_wait3A_169 = arith.constant 0 : i32
    %dma_wait3A_170 = arith.constant 0 : i32
    %dma_wait3A_171 = arith.constant 0 : i32
    %dma_wait3A_172 = tpu.memref_slice %arg12[%dma_wait3A_168, %dma_wait3A_170, %dma_wait3A_171] : memref<2x80x16xf32, #tpu.memory_space<vmem>> -> memref<1x80x16xf32, #tpu.memory_space<vmem>>
    %dma_wait3A_173 = tpu.memref_squeeze %dma_wait3A_172 : memref<1x80x16xf32, #tpu.memory_space<vmem>> -> memref<80x16xf32, #tpu.memory_space<vmem>>
    %dma_wait3A_174 = arith.constant 0 : i32
    %dma_wait3A_175 = tpu.memref_slice %arg9[%dma_wait3A_169, %dma_wait3A_174] : memref<125x80xi32, #tpu.memory_space<vmem>> -> memref<1x80xi32, #tpu.memory_space<vmem>>
    %dma_wait3A_176 = tpu.memref_squeeze %dma_wait3A_175 : memref<1x80xi32, #tpu.memory_space<vmem>> -> memref<80xi32, #tpu.memory_space<vmem>>
    %dma_wait3A_177 = arith.constant 0 : i32
    %dma_wait3A_178 = arith.constant 0 : i32
    %dma_wait3A_179 = tpu.memref_slice %arg15[%dma_wait3A_177, %dma_wait3A_178] : memref<10000x16xf32, #tpu.memory_space<vmem_shared>> -> memref<10000x16xf32, #tpu.memory_space<vmem_shared>>
    tpu.wait_indirect_dma semaphore(%arg22 : memref<!tpu.dma_semaphore, #tpu.memory_space<semaphore_mem>>) src(%dma_wait3A_173 : memref<80x16xf32, #tpu.memory_space<vmem>>) dst(%dma_wait3A_179 : memref<10000x16xf32, #tpu.memory_space<vmem_shared>>)
    %parallel_loop3A = arith.constant 0 : i32
    %parallel_loop3A_180 = arith.constant 80 : i32
    %parallel_loop3A_181 = arith.constant 1 : i32
    scf.for %parallel_loop3A_221 = %parallel_loop3A to %parallel_loop3A_180 step %parallel_loop3A_181  : i32 {
      %parallel_loop3A_222 = arith.constant 0 : i32
      %parallel_loop3A_223 = arith.index_cast %parallel_loop3A_222 : i32 to index
      %parallel_loop3A_224 = arith.index_cast %parallel_loop3A_221 : i32 to index
      %parallel_loop3A_225 = arith.constant 0 : index
      %parallel_loop3A_226 = tpu.vector_load %arg10[%parallel_loop3A_223, %parallel_loop3A_224, %parallel_loop3A_225] {strides = array<i32>} : memref<2x80x16xf32, #tpu.memory_space<vmem>>, vector<1x1x16xf32>,
      %parallel_loop3A_227 = vector.shape_cast %parallel_loop3A_226 : vector<1x1x16xf32> to vector<16xf32>
      %parallel_loop3A_228 = arith.constant 0 : i32
      %parallel_loop3A_229 = arith.index_cast %parallel_loop3A_228 : i32 to index
      %parallel_loop3A_230 = arith.index_cast %parallel_loop3A_221 : i32 to index
      %parallel_loop3A_231 = arith.constant 0 : index
      %parallel_loop3A_232 = tpu.vector_load %arg11[%parallel_loop3A_229, %parallel_loop3A_230, %parallel_loop3A_231] {strides = array<i32>} : memref<2x80x16xf32, #tpu.memory_space<vmem>>, vector<1x1x16xf32>,
      %parallel_loop3A_233 = vector.shape_cast %parallel_loop3A_232 : vector<1x1x16xf32> to vector<16xf32>
      %parallel_loop3A_234 = arith.addf %parallel_loop3A_227, %parallel_loop3A_233 : vector<16xf32>
      %parallel_loop3A_235 = arith.constant 0.000000e+00 : f32
      %parallel_loop3A_236 = vector.broadcast %parallel_loop3A_235 : f32 to vector<16xf32>
      %parallel_loop3A_237 = arith.maximumf %parallel_loop3A_234, %parallel_loop3A_236 : vector<16xf32>
      %parallel_loop3A_238 = arith.constant 0 : i32
      %parallel_loop3A_239 = vector.broadcast %parallel_loop3A_238 : i32 to vector<16xi32>
      %parallel_loop3A_240 = arith.cmpi slt, %broadcast_in_dim3A_73, %parallel_loop3A_239 : vector<16xi32>
      %parallel_loop3A_241 = arith.constant 16 : i32
      %parallel_loop3A_242 = vector.broadcast %parallel_loop3A_241 : i32 to vector<16xi32>
      %parallel_loop3A_243 = arith.addi %broadcast_in_dim3A_73, %parallel_loop3A_242 : vector<16xi32>
      %parallel_loop3A_244 = arith.select %parallel_loop3A_240, %parallel_loop3A_243, %broadcast_in_dim3A_73 : vector<16xi1>, vector<16xi32>
      %parallel_loop3A_245 = vector.shape_cast %parallel_loop3A_244 : vector<16xi32> to vector<16x1xi32>
      %parallel_loop3A_246 = vector.shape_cast %parallel_loop3A_245 : vector<16x1xi32> to vector<16xi32>
      %parallel_loop3A_247 = tpu.dynamic_gather %parallel_loop3A_237[%parallel_loop3A_246] in [0] : vector<16xf32>, vector<16xi32> -> vector<16xf32>
      %parallel_loop3A_248 = arith.mulf %parallel_loop3A_247, %get3A_26 : vector<16xf32>
      %parallel_loop3A_249 = arith.constant 0 : i32
      %parallel_loop3A_250 = vector.broadcast %parallel_loop3A_249 : i32 to vector<16xi32>
      %parallel_loop3A_251 = arith.cmpi slt, %broadcast_in_dim3A_75, %parallel_loop3A_250 : vector<16xi32>
      %parallel_loop3A_252 = arith.constant 16 : i32
      %parallel_loop3A_253 = vector.broadcast %parallel_loop3A_252 : i32 to vector<16xi32>
      %parallel_loop3A_254 = arith.addi %broadcast_in_dim3A_75, %parallel_loop3A_253 : vector<16xi32>
      %parallel_loop3A_255 = arith.select %parallel_loop3A_251, %parallel_loop3A_254, %broadcast_in_dim3A_75 : vector<16xi1>, vector<16xi32>
      %parallel_loop3A_256 = vector.shape_cast %parallel_loop3A_255 : vector<16xi32> to vector<16x1xi32>
      %parallel_loop3A_257 = vector.shape_cast %parallel_loop3A_256 : vector<16x1xi32> to vector<16xi32>
      %parallel_loop3A_258 = tpu.dynamic_gather %parallel_loop3A_237[%parallel_loop3A_257] in [0] : vector<16xf32>, vector<16xi32> -> vector<16xf32>
      %parallel_loop3A_259 = arith.mulf %parallel_loop3A_258, %get3A_31 : vector<16xf32>
      %parallel_loop3A_260 = arith.addf %parallel_loop3A_248, %parallel_loop3A_259 : vector<16xf32>
      %parallel_loop3A_261 = arith.constant 0 : i32
      %parallel_loop3A_262 = vector.broadcast %parallel_loop3A_261 : i32 to vector<16xi32>
      %parallel_loop3A_263 = arith.cmpi slt, %broadcast_in_dim3A_77, %parallel_loop3A_262 : vector<16xi32>
      %parallel_loop3A_264 = arith.constant 16 : i32
      %parallel_loop3A_265 = vector.broadcast %parallel_loop3A_264 : i32 to vector<16xi32>
      %parallel_loop3A_266 = arith.addi %broadcast_in_dim3A_77, %parallel_loop3A_265 : vector<16xi32>
      %parallel_loop3A_267 = arith.select %parallel_loop3A_263, %parallel_loop3A_266, %broadcast_in_dim3A_77 : vector<16xi1>, vector<16xi32>
      %parallel_loop3A_268 = vector.shape_cast %parallel_loop3A_267 : vector<16xi32> to vector<16x1xi32>
      %parallel_loop3A_269 = vector.shape_cast %parallel_loop3A_268 : vector<16x1xi32> to vector<16xi32>
      %parallel_loop3A_270 = tpu.dynamic_gather %parallel_loop3A_237[%parallel_loop3A_269] in [0] : vector<16xf32>, vector<16xi32> -> vector<16xf32>
      %parallel_loop3A_271 = arith.mulf %parallel_loop3A_270, %get3A_36 : vector<16xf32>
      %parallel_loop3A_272 = arith.addf %parallel_loop3A_260, %parallel_loop3A_271 : vector<16xf32>
      %parallel_loop3A_273 = arith.constant 0 : i32
      %parallel_loop3A_274 = vector.broadcast %parallel_loop3A_273 : i32 to vector<16xi32>
      %parallel_loop3A_275 = arith.cmpi slt, %broadcast_in_dim3A_79, %parallel_loop3A_274 : vector<16xi32>
      %parallel_loop3A_276 = arith.constant 16 : i32
      %parallel_loop3A_277 = vector.broadcast %parallel_loop3A_276 : i32 to vector<16xi32>
      %parallel_loop3A_278 = arith.addi %broadcast_in_dim3A_79, %parallel_loop3A_277 : vector<16xi32>
      %parallel_loop3A_279 = arith.select %parallel_loop3A_275, %parallel_loop3A_278, %broadcast_in_dim3A_79 : vector<16xi1>, vector<16xi32>
      %parallel_loop3A_280 = vector.shape_cast %parallel_loop3A_279 : vector<16xi32> to vector<16x1xi32>
      %parallel_loop3A_281 = vector.shape_cast %parallel_loop3A_280 : vector<16x1xi32> to vector<16xi32>
      %parallel_loop3A_282 = tpu.dynamic_gather %parallel_loop3A_237[%parallel_loop3A_281] in [0] : vector<16xf32>, vector<16xi32> -> vector<16xf32>
      %parallel_loop3A_283 = arith.mulf %parallel_loop3A_282, %get3A_41 : vector<16xf32>
      %parallel_loop3A_284 = arith.addf %parallel_loop3A_272, %parallel_loop3A_283 : vector<16xf32>
      %parallel_loop3A_285 = arith.constant 0 : i32
      %parallel_loop3A_286 = vector.broadcast %parallel_loop3A_285 : i32 to vector<16xi32>
      %parallel_loop3A_287 = arith.cmpi slt, %broadcast_in_dim3A_81, %parallel_loop3A_286 : vector<16xi32>
      %parallel_loop3A_288 = arith.constant 16 : i32
      %parallel_loop3A_289 = vector.broadcast %parallel_loop3A_288 : i32 to vector<16xi32>
      %parallel_loop3A_290 = arith.addi %broadcast_in_dim3A_81, %parallel_loop3A_289 : vector<16xi32>
      %parallel_loop3A_291 = arith.select %parallel_loop3A_287, %parallel_loop3A_290, %broadcast_in_dim3A_81 : vector<16xi1>, vector<16xi32>
      %parallel_loop3A_292 = vector.shape_cast %parallel_loop3A_291 : vector<16xi32> to vector<16x1xi32>
      %parallel_loop3A_293 = vector.shape_cast %parallel_loop3A_292 : vector<16x1xi32> to vector<16xi32>
      %parallel_loop3A_294 = tpu.dynamic_gather %parallel_loop3A_237[%parallel_loop3A_293] in [0] : vector<16xf32>, vector<16xi32> -> vector<16xf32>
      %parallel_loop3A_295 = arith.mulf %parallel_loop3A_294, %get3A_46 : vector<16xf32>
      %parallel_loop3A_296 = arith.addf %parallel_loop3A_284, %parallel_loop3A_295 : vector<16xf32>
      %parallel_loop3A_297 = arith.constant 0 : i32
      %parallel_loop3A_298 = vector.broadcast %parallel_loop3A_297 : i32 to vector<16xi32>
      %parallel_loop3A_299 = arith.cmpi slt, %broadcast_in_dim3A_83, %parallel_loop3A_298 : vector<16xi32>
      %parallel_loop3A_300 = arith.constant 16 : i32
      %parallel_loop3A_301 = vector.broadcast %parallel_loop3A_300 : i32 to vector<16xi32>
      %parallel_loop3A_302 = arith.addi %broadcast_in_dim3A_83, %parallel_loop3A_301 : vector<16xi32>
      %parallel_loop3A_303 = arith.select %parallel_loop3A_299, %parallel_loop3A_302, %broadcast_in_dim3A_83 : vector<16xi1>, vector<16xi32>
      %parallel_loop3A_304 = vector.shape_cast %parallel_loop3A_303 : vector<16xi32> to vector<16x1xi32>
      %parallel_loop3A_305 = vector.shape_cast %parallel_loop3A_304 : vector<16x1xi32> to vector<16xi32>
      %parallel_loop3A_306 = tpu.dynamic_gather %parallel_loop3A_237[%parallel_loop3A_305] in [0] : vector<16xf32>, vector<16xi32> -> vector<16xf32>
      %parallel_loop3A_307 = arith.mulf %parallel_loop3A_306, %get3A_51 : vector<16xf32>
      %parallel_loop3A_308 = arith.addf %parallel_loop3A_296, %parallel_loop3A_307 : vector<16xf32>
      %parallel_loop3A_309 = arith.constant 0 : i32
      %parallel_loop3A_310 = vector.broadcast %parallel_loop3A_309 : i32 to vector<16xi32>
      %parallel_loop3A_311 = arith.cmpi slt, %broadcast_in_dim3A_85, %parallel_loop3A_310 : vector<16xi32>
      %parallel_loop3A_312 = arith.constant 16 : i32
      %parallel_loop3A_313 = vector.broadcast %parallel_loop3A_312 : i32 to vector<16xi32>
      %parallel_loop3A_314 = arith.addi %broadcast_in_dim3A_85, %parallel_loop3A_313 : vector<16xi32>
      %parallel_loop3A_315 = arith.select %parallel_loop3A_311, %parallel_loop3A_314, %broadcast_in_dim3A_85 : vector<16xi1>, vector<16xi32>
      %parallel_loop3A_316 = vector.shape_cast %parallel_loop3A_315 : vector<16xi32> to vector<16x1xi32>
      %parallel_loop3A_317 = vector.shape_cast %parallel_loop3A_316 : vector<16x1xi32> to vector<16xi32>
      %parallel_loop3A_318 = tpu.dynamic_gather %parallel_loop3A_237[%parallel_loop3A_317] in [0] : vector<16xf32>, vector<16xi32> -> vector<16xf32>
      %parallel_loop3A_319 = arith.mulf %parallel_loop3A_318, %get3A_56 : vector<16xf32>
      %parallel_loop3A_320 = arith.addf %parallel_loop3A_308, %parallel_loop3A_319 : vector<16xf32>
      %parallel_loop3A_321 = arith.constant 0 : i32
      %parallel_loop3A_322 = vector.broadcast %parallel_loop3A_321 : i32 to vector<16xi32>
      %parallel_loop3A_323 = arith.cmpi slt, %broadcast_in_dim3A_87, %parallel_loop3A_322 : vector<16xi32>
      %parallel_loop3A_324 = arith.constant 16 : i32
      %parallel_loop3A_325 = vector.broadcast %parallel_loop3A_324 : i32 to vector<16xi32>
      %parallel_loop3A_326 = arith.addi %broadcast_in_dim3A_87, %parallel_loop3A_325 : vector<16xi32>
      %parallel_loop3A_327 = arith.select %parallel_loop3A_323, %parallel_loop3A_326, %broadcast_in_dim3A_87 : vector<16xi1>, vector<16xi32>
      %parallel_loop3A_328 = vector.shape_cast %parallel_loop3A_327 : vector<16xi32> to vector<16x1xi32>
      %parallel_loop3A_329 = vector.shape_cast %parallel_loop3A_328 : vector<16x1xi32> to vector<16xi32>
      %parallel_loop3A_330 = tpu.dynamic_gather %parallel_loop3A_237[%parallel_loop3A_329] in [0] : vector<16xf32>, vector<16xi32> -> vector<16xf32>
      %parallel_loop3A_331 = arith.mulf %parallel_loop3A_330, %get3A_61 : vector<16xf32>
      %parallel_loop3A_332 = arith.addf %parallel_loop3A_320, %parallel_loop3A_331 : vector<16xf32>
      %parallel_loop3A_333 = arith.constant 0 : i32
      %parallel_loop3A_334 = vector.broadcast %parallel_loop3A_333 : i32 to vector<16xi32>
      %parallel_loop3A_335 = arith.cmpi slt, %broadcast_in_dim3A_89, %parallel_loop3A_334 : vector<16xi32>
      %parallel_loop3A_336 = arith.constant 16 : i32
      %parallel_loop3A_337 = vector.broadcast %parallel_loop3A_336 : i32 to vector<16xi32>
      %parallel_loop3A_338 = arith.addi %broadcast_in_dim3A_89, %parallel_loop3A_337 : vector<16xi32>
      %parallel_loop3A_339 = arith.select %parallel_loop3A_335, %parallel_loop3A_338, %broadcast_in_dim3A_89 : vector<16xi1>, vector<16xi32>
      %parallel_loop3A_340 = vector.shape_cast %parallel_loop3A_339 : vector<16xi32> to vector<16x1xi32>
      %parallel_loop3A_341 = vector.shape_cast %parallel_loop3A_340 : vector<16x1xi32> to vector<16xi32>
      %parallel_loop3A_342 = tpu.dynamic_gather %parallel_loop3A_237[%parallel_loop3A_341] in [0] : vector<16xf32>, vector<16xi32> -> vector<16xf32>
      %parallel_loop3A_343 = arith.mulf %parallel_loop3A_342, %get3A_66 : vector<16xf32>
      %parallel_loop3A_344 = arith.addf %parallel_loop3A_332, %parallel_loop3A_343 : vector<16xf32>
      %parallel_loop3A_345 = arith.constant 0 : i32
      %parallel_loop3A_346 = vector.broadcast %parallel_loop3A_345 : i32 to vector<16xi32>
      %parallel_loop3A_347 = arith.cmpi slt, %broadcast_in_dim3A_91, %parallel_loop3A_346 : vector<16xi32>
      %parallel_loop3A_348 = arith.constant 16 : i32
      %parallel_loop3A_349 = vector.broadcast %parallel_loop3A_348 : i32 to vector<16xi32>
      %parallel_loop3A_350 = arith.addi %broadcast_in_dim3A_91, %parallel_loop3A_349 : vector<16xi32>
      %parallel_loop3A_351 = arith.select %parallel_loop3A_347, %parallel_loop3A_350, %broadcast_in_dim3A_91 : vector<16xi1>, vector<16xi32>
      %parallel_loop3A_352 = vector.shape_cast %parallel_loop3A_351 : vector<16xi32> to vector<16x1xi32>
      %parallel_loop3A_353 = vector.shape_cast %parallel_loop3A_352 : vector<16x1xi32> to vector<16xi32>
      %parallel_loop3A_354 = tpu.dynamic_gather %parallel_loop3A_237[%parallel_loop3A_353] in [0] : vector<16xf32>, vector<16xi32> -> vector<16xf32>
      %parallel_loop3A_355 = arith.mulf %parallel_loop3A_354, %get3A_71 : vector<16xf32>
      %parallel_loop3A_356 = arith.addf %parallel_loop3A_344, %parallel_loop3A_355 : vector<16xf32>
      %parallel_loop3A_357 = arith.constant 0.000000e+00 : f32
      %parallel_loop3A_358 = vector.broadcast %parallel_loop3A_357 : f32 to vector<16xf32>
      %parallel_loop3A_359 = arith.maximumf %parallel_loop3A_356, %parallel_loop3A_358 : vector<16xf32>
      %parallel_loop3A_360 = arith.constant 0 : i32
      %parallel_loop3A_361 = arith.index_cast %parallel_loop3A_360 : i32 to index
      %parallel_loop3A_362 = arith.index_cast %parallel_loop3A_221 : i32 to index
      %parallel_loop3A_363 = arith.constant 0 : index
      %parallel_loop3A_364 = tpu.vector_load %arg12[%parallel_loop3A_361, %parallel_loop3A_362, %parallel_loop3A_363] {strides = array<i32>} : memref<2x80x16xf32, #tpu.memory_space<vmem>>, vector<1x1x16xf32>,
      %parallel_loop3A_365 = vector.shape_cast %parallel_loop3A_364 : vector<1x1x16xf32> to vector<16xf32>
      %parallel_loop3A_366 = vector.shape_cast %parallel_loop3A_359 : vector<16xf32> to vector<1x1x16xf32>
      tpu.vector_store %arg12[%parallel_loop3A_361, %parallel_loop3A_362, %parallel_loop3A_363], %parallel_loop3A_366 {strides = array<i32>} : memref<2x80x16xf32, #tpu.memory_space<vmem>>, vector<1x1x16xf32>,
    } {sc.loop_unroll_factor = 10 : i64, sc.parallel_access}
    %dma_start3A_182 = arith.constant 0 : i32
    %dma_start3A_183 = arith.constant 124 : i32
    %dma_start3A_184 = arith.constant 0 : i32
    %dma_start3A_185 = arith.constant 0 : i32
    %dma_start3A_186 = tpu.memref_slice %arg12[%dma_start3A_182, %dma_start3A_184, %dma_start3A_185] : memref<2x80x16xf32, #tpu.memory_space<vmem>> -> memref<1x80x16xf32, #tpu.memory_space<vmem>>
    %dma_start3A_187 = tpu.memref_squeeze %dma_start3A_186 : memref<1x80x16xf32, #tpu.memory_space<vmem>> -> memref<80x16xf32, #tpu.memory_space<vmem>>
    %dma_start3A_188 = arith.constant 0 : i32
    %dma_start3A_189 = tpu.memref_slice %arg9[%dma_start3A_183, %dma_start3A_188] : memref<125x80xi32, #tpu.memory_space<vmem>> -> memref<1x80xi32, #tpu.memory_space<vmem>>
    %dma_start3A_190 = tpu.memref_squeeze %dma_start3A_189 : memref<1x80xi32, #tpu.memory_space<vmem>> -> memref<80xi32, #tpu.memory_space<vmem>>
    %dma_start3A_191 = arith.constant 0 : i32
    %dma_start3A_192 = arith.constant 0 : i32
    %dma_start3A_193 = tpu.memref_slice %arg15[%dma_start3A_191, %dma_start3A_192] : memref<10000x16xf32, #tpu.memory_space<vmem_shared>> -> memref<10000x16xf32, #tpu.memory_space<vmem_shared>>
    tpu.enqueue_indirect_dma source(%dma_start3A_187 : memref<80x16xf32, #tpu.memory_space<vmem>>) target(%dma_start3A_193 : memref<10000x16xf32, #tpu.memory_space<vmem_shared>>) offsets(%dma_start3A_190 : memref<80xi32, #tpu.memory_space<vmem>>) semaphore(%arg22 : memref<!tpu.dma_semaphore, #tpu.memory_space<semaphore_mem>>) {add = true}
    %dma_wait3A_194 = arith.constant 0 : i32
    %dma_wait3A_195 = arith.constant 0 : i32
    %dma_wait3A_196 = arith.constant 0 : i32
    %dma_wait3A_197 = arith.constant 0 : i32
    %dma_wait3A_198 = tpu.memref_slice %arg12[%dma_wait3A_194, %dma_wait3A_196, %dma_wait3A_197] : memref<2x80x16xf32, #tpu.memory_space<vmem>> -> memref<1x80x16xf32, #tpu.memory_space<vmem>>
    %dma_wait3A_199 = tpu.memref_squeeze %dma_wait3A_198 : memref<1x80x16xf32, #tpu.memory_space<vmem>> -> memref<80x16xf32, #tpu.memory_space<vmem>>
    %dma_wait3A_200 = arith.constant 0 : i32
    %dma_wait3A_201 = tpu.memref_slice %arg9[%dma_wait3A_195, %dma_wait3A_200] : memref<125x80xi32, #tpu.memory_space<vmem>> -> memref<1x80xi32, #tpu.memory_space<vmem>>
    %dma_wait3A_202 = tpu.memref_squeeze %dma_wait3A_201 : memref<1x80xi32, #tpu.memory_space<vmem>> -> memref<80xi32, #tpu.memory_space<vmem>>
    %dma_wait3A_203 = arith.constant 0 : i32
    %dma_wait3A_204 = arith.constant 0 : i32
    %dma_wait3A_205 = tpu.memref_slice %arg15[%dma_wait3A_203, %dma_wait3A_204] : memref<10000x16xf32, #tpu.memory_space<vmem_shared>> -> memref<10000x16xf32, #tpu.memory_space<vmem_shared>>
    tpu.wait_indirect_dma semaphore(%arg22 : memref<!tpu.dma_semaphore, #tpu.memory_space<semaphore_mem>>) src(%dma_wait3A_199 : memref<80x16xf32, #tpu.memory_space<vmem>>) dst(%dma_wait3A_205 : memref<10000x16xf32, #tpu.memory_space<vmem_shared>>)
    %dma_wait3A_206 = arith.constant 1 : i32
    %dma_wait3A_207 = arith.constant 0 : i32
    %dma_wait3A_208 = arith.constant 0 : i32
    %dma_wait3A_209 = arith.constant 0 : i32
    %dma_wait3A_210 = tpu.memref_slice %arg12[%dma_wait3A_206, %dma_wait3A_208, %dma_wait3A_209] : memref<2x80x16xf32, #tpu.memory_space<vmem>> -> memref<1x80x16xf32, #tpu.memory_space<vmem>>
    %dma_wait3A_211 = tpu.memref_squeeze %dma_wait3A_210 : memref<1x80x16xf32, #tpu.memory_space<vmem>> -> memref<80x16xf32, #tpu.memory_space<vmem>>
    %dma_wait3A_212 = arith.constant 0 : i32
    %dma_wait3A_213 = tpu.memref_slice %arg9[%dma_wait3A_207, %dma_wait3A_212] : memref<125x80xi32, #tpu.memory_space<vmem>> -> memref<1x80xi32, #tpu.memory_space<vmem>>
    %dma_wait3A_214 = tpu.memref_squeeze %dma_wait3A_213 : memref<1x80xi32, #tpu.memory_space<vmem>> -> memref<80xi32, #tpu.memory_space<vmem>>
    %dma_wait3A_215 = arith.constant 0 : i32
    %dma_wait3A_216 = arith.constant 0 : i32
    %dma_wait3A_217 = tpu.memref_slice %arg15[%dma_wait3A_215, %dma_wait3A_216] : memref<10000x16xf32, #tpu.memory_space<vmem_shared>> -> memref<10000x16xf32, #tpu.memory_space<vmem_shared>>
    tpu.wait_indirect_dma semaphore(%arg23 : memref<!tpu.dma_semaphore, #tpu.memory_space<semaphore_mem>>) src(%dma_wait3A_211 : memref<80x16xf32, #tpu.memory_space<vmem>>) dst(%dma_wait3A_217 : memref<10000x16xf32, #tpu.memory_space<vmem_shared>>)
    %barrier3A_218 = arith.constant 0 : index
    tpu.barrier barrier_id(%barrier3A_218)
    %mul3A_219 = arith.constant 625 : i32
    %mul3A_220 = arith.muli %arg1, %mul3A_219 : i32
    "tpu.region"() ({
      %run_scoped3A = tpu.sem_alloc : memref<!tpu.dma_semaphore, #tpu.memory_space<semaphore_mem>>
      %dma_start3A_221 = arith.constant 0 : i32
      %dma_start3A_222 = arith.constant 0 : i32
      %dma_start3A_223 = tpu.memref_slice %arg7[%add3A, %dma_start3A_221, %dma_start3A_222] : memref<32x625x16xf32, #tpu.memory_space<hbm>> -> memref<1x625x16xf32, #tpu.memory_space<hbm>>
      %dma_start3A_224 = tpu.memref_squeeze %dma_start3A_223 : memref<1x625x16xf32, #tpu.memory_space<hbm>> -> memref<625x16xf32, #tpu.memory_space<hbm>>
      %dma_start3A_225 = arith.constant 0 : i32
      %dma_start3A_226 = tpu.memref_slice %arg15[%mul3A_220, %dma_start3A_225] : memref<10000x16xf32, #tpu.memory_space<vmem_shared>> -> memref<625x16xf32, #tpu.memory_space<vmem_shared>>
      tpu.enqueue_dma source(%dma_start3A_226 : memref<625x16xf32, #tpu.memory_space<vmem_shared>>) target(%dma_start3A_224 : memref<625x16xf32, #tpu.memory_space<hbm>>) target_semaphore(%run_scoped3A : memref<!tpu.dma_semaphore, #tpu.memory_space<semaphore_mem>>)
      %dma_wait3A_227 = arith.constant 0 : i32
      %dma_wait3A_228 = arith.constant 0 : i32
      %dma_wait3A_229 = tpu.memref_slice %arg7[%add3A, %dma_wait3A_227, %dma_wait3A_228] : memref<32x625x16xf32, #tpu.memory_space<hbm>> -> memref<1x625x16xf32, #tpu.memory_space<hbm>>
      %dma_wait3A_230 = tpu.memref_squeeze %dma_wait3A_229 : memref<1x625x16xf32, #tpu.memory_space<hbm>> -> memref<625x16xf32, #tpu.memory_space<hbm>>
      %dma_wait3A_231 = arith.constant 0 : i32
      %dma_wait3A_232 = tpu.memref_slice %arg15[%mul3A_220, %dma_wait3A_231] : memref<10000x16xf32, #tpu.memory_space<vmem_shared>> -> memref<625x16xf32, #tpu.memory_space<vmem_shared>>
      tpu.wait_dma2 semaphore(%run_scoped3A : memref<!tpu.dma_semaphore, #tpu.memory_space<semaphore_mem>>) src(%dma_wait3A_232 : memref<625x16xf32, #tpu.memory_space<vmem_shared>>) dst(%dma_wait3A_230 : memref<625x16xf32, #tpu.memory_space<hbm>>)
      tpu.yield
    }) : () -> ()
    return
  }
}

module attributes {stable_mosaic.version = 14 : i64} {
  func.func @body(%arg0: memref<10000x128xf32, #tpu.memory_space<vmem>>, %arg1: memref<128x16xf32, #tpu.memory_space<vmem>>, %arg2: memref<128x16xf32, #tpu.memory_space<vmem>>, %arg3: memref<10000x16xf32, #tpu.memory_space<vmem>>, %arg4: memref<10000x16xf32, #tpu.memory_space<vmem>>) attributes {dimension_semantics = [], scalar_prefetch = 0 : i64, scratch_operands = 0 : i64, tpu.core_type = #tpu.core_type<tc>} {
    %get3A = arith.constant 0 : index
    %get3A_0 = arith.constant 0 : index
    %get3A_1 = vector.load %arg0[%get3A, %get3A_0] : memref<10000x128xf32, #tpu.memory_space<vmem>>, vector<10000x128xf32>
    %get3A_2 = arith.constant 0 : index
    %get3A_3 = arith.constant 0 : index
    %get3A_4 = vector.load %arg1[%get3A_2, %get3A_3] : memref<128x16xf32, #tpu.memory_space<vmem>>, vector<128x16xf32>
    %dot_general3A = arith.constant dense<0.000000e+00> : vector<10000x16xf32>
    %dot_general3A_5 = tpu.matmul %get3A_1, %get3A_4, %dot_general3A {dimension_numbers = #tpu.dot_dimension_numbers<[1], [0], [0], [1], [0, 0, 1, 1], [], []>, transpose_lhs_hint = false} : vector<10000x128xf32>, vector<128x16xf32>, vector<10000x16xf32> -> vector<10000x16xf32>
    %swap3A = arith.constant 0 : index
    %swap3A_6 = arith.constant 0 : index
    %swap3A_7 = vector.load %arg3[%swap3A, %swap3A_6] : memref<10000x16xf32, #tpu.memory_space<vmem>>, vector<10000x16xf32>
    tpu.vector_store %arg3[%swap3A, %swap3A_6], %dot_general3A_5 {strides = array<i32>} : memref<10000x16xf32, #tpu.memory_space<vmem>>, vector<10000x16xf32>,
    %get3A_8 = arith.constant 0 : index
    %get3A_9 = arith.constant 0 : index
    %get3A_10 = vector.load %arg2[%get3A_8, %get3A_9] : memref<128x16xf32, #tpu.memory_space<vmem>>, vector<128x16xf32>
    %dot_general3A_11 = arith.constant dense<0.000000e+00> : vector<10000x16xf32>
    %dot_general3A_12 = tpu.matmul %get3A_1, %get3A_10, %dot_general3A_11 {dimension_numbers = #tpu.dot_dimension_numbers<[1], [0], [0], [1], [0, 0, 1, 1], [], []>, transpose_lhs_hint = false} : vector<10000x128xf32>, vector<128x16xf32>, vector<10000x16xf32> -> vector<10000x16xf32>
    %swap3A_13 = arith.constant 0 : index
    %swap3A_14 = arith.constant 0 : index
    %swap3A_15 = vector.load %arg4[%swap3A_13, %swap3A_14] : memref<10000x16xf32, #tpu.memory_space<vmem>>, vector<10000x16xf32>
    tpu.vector_store %arg4[%swap3A_13, %swap3A_14], %dot_general3A_12 {strides = array<i32>} : memref<10000x16xf32, #tpu.memory_space<vmem>>, vector<10000x16xf32>,
    return
  }
}

module attributes {stable_mosaic.version = 14 : i64} {
  func.func @body(%arg0: memref<2x10000x16xf32, #tpu.memory_space<vmem>>, %arg1: memref<16x16xf32, #tpu.memory_space<vmem>>, %arg2: memref<16x16xf32, #tpu.memory_space<vmem>>, %arg3: memref<10000x16xf32, #tpu.memory_space<vmem>>, %arg4: memref<10000x16xf32, #tpu.memory_space<vmem>>) attributes {dimension_semantics = [], scalar_prefetch = 0 : i64, scratch_operands = 0 : i64, tpu.core_type = #tpu.core_type<tc>} {
    %get3A = arith.constant 0 : index
    %get3A_0 = arith.constant 0 : index
    %get3A_1 = arith.constant 0 : index
    %get3A_2 = vector.load %arg0[%get3A, %get3A_0, %get3A_1] : memref<2x10000x16xf32, #tpu.memory_space<vmem>>, vector<1x10000x16xf32>
    %get3A_3 = vector.shape_cast %get3A_2 : vector<1x10000x16xf32> to vector<10000x16xf32>
    %get3A_4 = arith.constant 1 : index
    %get3A_5 = arith.constant 0 : index
    %get3A_6 = arith.constant 0 : index
    %get3A_7 = vector.load %arg0[%get3A_4, %get3A_5, %get3A_6] : memref<2x10000x16xf32, #tpu.memory_space<vmem>>, vector<1x10000x16xf32>
    %get3A_8 = vector.shape_cast %get3A_7 : vector<1x10000x16xf32> to vector<10000x16xf32>
    %add3A = arith.addf %get3A_3, %get3A_8 : vector<10000x16xf32>
    %max3A = arith.constant 0.000000e+00 : f32
    %max3A_9 = vector.broadcast %max3A : f32 to vector<10000x16xf32>
    %max3A_10 = arith.maximumf %add3A, %max3A_9 : vector<10000x16xf32>
    %get3A_11 = arith.constant 0 : index
    %get3A_12 = arith.constant 0 : index
    %get3A_13 = vector.load %arg1[%get3A_11, %get3A_12] : memref<16x16xf32, #tpu.memory_space<vmem>>, vector<16x16xf32>
    %dot_general3A = arith.constant dense<0.000000e+00> : vector<10000x16xf32>
    %dot_general3A_14 = tpu.matmul %max3A_10, %get3A_13, %dot_general3A {dimension_numbers = #tpu.dot_dimension_numbers<[1], [0], [0], [1], [0, 0, 1, 1], [], []>, transpose_lhs_hint = false} : vector<10000x16xf32>, vector<16x16xf32>, vector<10000x16xf32> -> vector<10000x16xf32>
    %swap3A = arith.constant 0 : index
    %swap3A_15 = arith.constant 0 : index
    %swap3A_16 = vector.load %arg3[%swap3A, %swap3A_15] : memref<10000x16xf32, #tpu.memory_space<vmem>>, vector<10000x16xf32>
    tpu.vector_store %arg3[%swap3A, %swap3A_15], %dot_general3A_14 {strides = array<i32>} : memref<10000x16xf32, #tpu.memory_space<vmem>>, vector<10000x16xf32>,
    %get3A_17 = arith.constant 0 : index
    %get3A_18 = arith.constant 0 : index
    %get3A_19 = vector.load %arg2[%get3A_17, %get3A_18] : memref<16x16xf32, #tpu.memory_space<vmem>>, vector<16x16xf32>
    %dot_general3A_20 = arith.constant dense<0.000000e+00> : vector<10000x16xf32>
    %dot_general3A_21 = tpu.matmul %max3A_10, %get3A_19, %dot_general3A_20 {dimension_numbers = #tpu.dot_dimension_numbers<[1], [0], [0], [1], [0, 0, 1, 1], [], []>, transpose_lhs_hint = false} : vector<10000x16xf32>, vector<16x16xf32>, vector<10000x16xf32> -> vector<10000x16xf32>
    %swap3A_22 = arith.constant 0 : index
    %swap3A_23 = arith.constant 0 : index
    %swap3A_24 = vector.load %arg4[%swap3A_22, %swap3A_23] : memref<10000x16xf32, #tpu.memory_space<vmem>>, vector<10000x16xf32>
    tpu.vector_store %arg4[%swap3A_22, %swap3A_23], %dot_general3A_21 {strides = array<i32>} : memref<10000x16xf32, #tpu.memory_space<vmem>>, vector<10000x16xf32>,
    return
  }
}

module attributes {stable_mosaic.version = 14 : i64} {
  func.func @body(%arg0: memref<2x10000x16xf32, #tpu.memory_space<vmem>>, %arg1: memref<16x128xf32, #tpu.memory_space<vmem>>, %arg2: memref<128x128xf32, #tpu.memory_space<vmem>>, %arg3: memref<10000x128xf32, #tpu.memory_space<vmem>>) attributes {dimension_semantics = [], scalar_prefetch = 0 : i64, scratch_operands = 0 : i64, tpu.core_type = #tpu.core_type<tc>} {
    %get3A = arith.constant 0 : index
    %get3A_0 = arith.constant 0 : index
    %get3A_1 = arith.constant 0 : index
    %get3A_2 = vector.load %arg0[%get3A, %get3A_0, %get3A_1] : memref<2x10000x16xf32, #tpu.memory_space<vmem>>, vector<1x10000x16xf32>
    %get3A_3 = vector.shape_cast %get3A_2 : vector<1x10000x16xf32> to vector<10000x16xf32>
    %get3A_4 = arith.constant 1 : index
    %get3A_5 = arith.constant 0 : index
    %get3A_6 = arith.constant 0 : index
    %get3A_7 = vector.load %arg0[%get3A_4, %get3A_5, %get3A_6] : memref<2x10000x16xf32, #tpu.memory_space<vmem>>, vector<1x10000x16xf32>
    %get3A_8 = vector.shape_cast %get3A_7 : vector<1x10000x16xf32> to vector<10000x16xf32>
    %add3A = arith.addf %get3A_3, %get3A_8 : vector<10000x16xf32>
    %max3A = arith.constant 0.000000e+00 : f32
    %max3A_9 = vector.broadcast %max3A : f32 to vector<10000x16xf32>
    %max3A_10 = arith.maximumf %add3A, %max3A_9 : vector<10000x16xf32>
    %get3A_11 = arith.constant 0 : index
    %get3A_12 = arith.constant 0 : index
    %get3A_13 = vector.load %arg1[%get3A_11, %get3A_12] : memref<16x128xf32, #tpu.memory_space<vmem>>, vector<16x128xf32>
    %dot_general3A = arith.constant dense<0.000000e+00> : vector<10000x128xf32>
    %dot_general3A_14 = tpu.matmul %max3A_10, %get3A_13, %dot_general3A {dimension_numbers = #tpu.dot_dimension_numbers<[1], [0], [0], [1], [0, 0, 1, 1], [], []>, transpose_lhs_hint = false} : vector<10000x16xf32>, vector<16x128xf32>, vector<10000x128xf32> -> vector<10000x128xf32>
    %max3A_15 = arith.constant 0.000000e+00 : f32
    %max3A_16 = vector.broadcast %max3A_15 : f32 to vector<10000x128xf32>
    %max3A_17 = arith.maximumf %dot_general3A_14, %max3A_16 : vector<10000x128xf32>
    %get3A_18 = arith.constant 0 : index
    %get3A_19 = arith.constant 0 : index
    %get3A_20 = vector.load %arg2[%get3A_18, %get3A_19] : memref<128x128xf32, #tpu.memory_space<vmem>>, vector<128x128xf32>
    %dot_general3A_21 = arith.constant dense<0.000000e+00> : vector<10000x128xf32>
    %dot_general3A_22 = tpu.matmul %max3A_17, %get3A_20, %dot_general3A_21 {dimension_numbers = #tpu.dot_dimension_numbers<[1], [0], [0], [1], [0, 0, 1, 1], [], []>, transpose_lhs_hint = false} : vector<10000x128xf32>, vector<128x128xf32>, vector<10000x128xf32> -> vector<10000x128xf32>
    %max3A_23 = arith.constant 0.000000e+00 : f32
    %max3A_24 = vector.broadcast %max3A_23 : f32 to vector<10000x128xf32>
    %max3A_25 = arith.maximumf %dot_general3A_22, %max3A_24 : vector<10000x128xf32>
    %swap3A = arith.constant 0 : index
    %swap3A_26 = arith.constant 0 : index
    %swap3A_27 = vector.load %arg3[%swap3A, %swap3A_26] : memref<10000x128xf32, #tpu.memory_space<vmem>>, vector<10000x128xf32>
    tpu.vector_store %arg3[%swap3A, %swap3A_26], %max3A_25 {strides = array<i32>} : memref<10000x128xf32, #tpu.memory_space<vmem>>, vector<10000x128xf32>,
    return
  }
}

</mosaic_0001>

<sc_bundles>
// kernel: kernel.10.cloned.1.call-start
scs
__scs_entry_jumppad:
0x0: {  	(pc) =	sbr.rel $0x88, $3  }
0x1: {  	(tag) =	ssettag $0x0;
	lr =	simm.s32 $0x1  }
0x2: {  	[smem:$0x3F99] =	sst lr;
	_ =	strace $0xD0000000  }
0x3: {  	_ = 	snop  }
0x4: {  	_ = 	snop  }
0x5: {  	_ = 	snop  }
0x6: {  	_ = 	snop  }
0x7: {  	_ = 	snop  }
__scs_overlays_trampoline_lowered:
0x8: {  	[smem:$0x3FA8] =	sst s0  }
0x9: {  	[smem:$0x3FA9] =	sst s1  }
0xa: {  	[smem:$0x3FAA] =	sst s2  }
0xb: {  	[smem:$0x3FAB] =	sst s3  }
0xc: {  	[smem:$0x3FAC] =	sst s4  }
0xd: {  	[smem:$0x3FAD] =	sst s5  }
0xe: {  	[smem:$0x3FAE] =	sst s6  }
0xf: {  	[smem:$0x3FAF] =	sst s7  }
0x10: {  	[smem:$0x3FB0] =	sst s8  }
0x11: {  	[smem:$0x3FB1] =	sst s9;
	s0 =	simm.s32 @!p0 $0x0  }
0x12: {  	s1 =	sld [smem:$0x3F97];
	s0 =	simm.s32 @p0 $0x1  }
0x13: {  	[smem:$0x3FB2] =	sst s0;
	s0 =	simm.s32 @!p1 $0x0  }
0x14: {  	s2 =	sld [smem:$0x3F96];
	s0 =	simm.s32 @p1 $0x1  }
0x15: {  	[smem:$0x3FB3] =	sst s0;
	s0 =	simm.s32 @!p2 $0x0  }
0x16: {  	s3 =	sld [smem:$0x3FDB];
	s0 =	simm.s32 @p2 $0x1  }
0x17: {  	s4 =	simm.s32 $0x1BF5;
	[smem:$0x3FB5] =	sst s0  }
0x18: {  	s0 =	sld [smem:$0x3F98];
	_ =	swait.ge [sflag:s4], $0x0  }
0x19: {  	s7 =	sld [smem:$0x3F99]  }
0x1a: {  	s8 =	sadd.s32 $0xFFFFE003, lr  }
0x1b: {  	s9 =	sadd.s32 $0xFFFFFEF7, lr;
	s5 =	simm.s32 $0xFFFFFFFF;
	p2 =	slt.u32 s8, $0xFFFFF086  }
0x1c: {  	p1 =	slt.u32 s9, $0xF7A;
	s5 =	simm.s32 @!p2 $0x0  }
0x1d: {  	s5 =	simm.s32 @p1 $0x1;
	p0 =	seq.s32 s7, s2  }
0x1e: {  	s7 =	smul.u32 @!p0 $0xF7A, s2;
	p2 =	seq.s32 @!p0 s5, $0x0  }
0x1f: {  	s9 =	smul.u32 $0xF7A, s1;
	s8 =	simm.s32 @!p0 $0x1BF5;
	p2 =	por !p2, p0  }
0x20: {  	[sflag:s8] =	ssyncset.s32 @!p0 $0xFFFFF086;
	s6 =	sadd.s32 @!p0 s3, s7;
	s7 =	simm.s32 @!p0 $0x108  }
0x21: {  	s3 =	sadd.s32 s3, s9;
	s6 =	sadd.s32 @!p0 $0x88, s6;
	s7 =	simm.s32 @p2 $0x1082  }
0x22: {  	[simem:s7], [sflag:s8] =	dma.local @!p0 [hbm:s6], $0xF7A  }
0x23: {  	s9 =	sor.u32 $0xD0000000, s2;
	s6 =	simm.s32 $0x108;
	_ =	swait.ge @!p0 [sflag:s8], $0x0  }
0x24: {  	s3 =	sadd.s32 $0x88, s3;
	s6 =	simm.s32 @!p1 $0x1082;
	[sflag:s4] =	ssyncset.s32 $0xFFFFF086  }
0x25: {  	[simem:s6], [sflag:s4] =	dma.local [hbm:s3], $0xF7A  }
0x26: {  	[smem:$0x3F99] =	sst s1;
	(tag) =	ssettag s2;
	_ =	strace s9  }
0x27: {  	s1 =	sld [smem:$0x3FA9]  }
0x28: {  	s2 =	sld [smem:$0x3FAA]  }
0x29: {  	s4 =	sld [smem:$0x3FAC]  }
0x2a: {  	p0 =	seq.s32 s5, $0x0;
	s5 =	sld [smem:$0x3FAD]  }
0x2b: {  	s6 =	sld [smem:$0x3FAE]  }
0x2c: {  	s7 =	sld [smem:$0x3FAF]  }
0x2d: {  	s3 =	simm.s32 $0x108;
	s8 =	sld [smem:$0x3FB0]  }
0x2e: {  	s3 =	simm.s32 @!p0 $0x1082;
	s9 =	sld [smem:$0x3FB1]  }
0x2f: {  	lr =	sadd.s32 s0, s3;
	s0 =	sld [smem:$0x3FA8]  }
0x30: {  	s3 =	sld [smem:$0x3FAB]  }
0x31: {  	[smem:$0x3FB4] =	sst s10  }
0x32: {  	s10 =	sld [smem:$0x3FB2];
	_ =	sdelay $0x3  }
0x33: {  	p0 =	seq.s32 s10, $0x1;
	s10 =	sld [smem:$0x3FB4];
	_ =	sdelay $0x3  }
0x34: {  	[smem:$0x3FB4] =	sst s10  }
0x35: {  	s10 =	sld [smem:$0x3FB3];
	_ =	sdelay $0x3  }
0x36: {  	p1 =	seq.s32 s10, $0x1;
	s10 =	sld [smem:$0x3FB4];
	_ =	sdelay $0x3  }
0x37: {  	[smem:$0x3FB4] =	sst s10  }
0x38: {  	s10 =	sld [smem:$0x3FB5]  }
0x39: {  	_ = 	snop;
	(pc) =	sbr.ind lr, $3  }
0x3a: {  	_ = 	snop  }
0x3b: {  	_ = 	snop  }
0x3c: {  	p2 =	seq.s32 s10, $0x1;
	s10 =	sld [smem:$0x3FB4]  }
0x3d: {  	_ =	shalt  }
0x3e: {  	_ =	shalt  }
0x3f: {  	_ =	shalt  }
0x40: {  	_ =	shalt  }
0x41: {  	_ =	shalt  }
0x42: {  	_ =	shalt  }
0x43: {  	_ =	shalt  }
0x44: {  	_ =	shalt  }
0x45: {  	_ =	shalt  }
0x46: {  	_ =	shalt  }
0x47: {  	_ =	shalt  }
0x48: {  	_ =	shalt  }
0x49: {  	_ =	shalt  }
0x4a: {  	_ =	shalt  }
0x4b: {  	_ =	shalt  }
0x4c: {  	_ =	shalt  }
0x4d: {  	_ =	shalt  }
0x4e: {  	_ =	shalt  }
0x4f: {  	_ =	shalt  }
0x50: {  	_ =	shalt  }
0x51: {  	_ =	shalt  }
0x52: {  	_ =	shalt  }
0x53: {  	_ =	shalt  }
0x54: {  	_ =	shalt  }
0x55: {  	_ =	shalt  }
0x56: {  	_ =	shalt  }
0x57: {  	_ =	shalt  }
0x58: {  	_ =	shalt  }
0x59: {  	_ =	shalt  }
0x5a: {  	_ =	shalt  }
0x5b: {  	_ =	shalt  }
0x5c: {  	_ =	shalt  }
0x5d: {  	_ =	shalt  }
0x5e: {  	_ =	shalt  }
0x5f: {  	_ =	shalt  }
0x60: {  	_ =	shalt  }
0x61: {  	_ =	shalt  }
0x62: {  	_ =	shalt  }
0x63: {  	_ =	shalt  }
0x64: {  	_ =	shalt  }
0x65: {  	_ =	shalt  }
0x66: {  	_ =	shalt  }
0x67: {  	_ =	shalt  }
0x68: {  	_ =	shalt  }
0x69: {  	_ =	shalt  }
0x6a: {  	_ =	shalt  }
0x6b: {  	_ =	shalt  }
0x6c: {  	_ =	shalt  }
0x6d: {  	_ =	shalt  }
0x6e: {  	_ =	shalt  }
0x6f: {  	_ =	shalt  }
0x70: {  	_ =	shalt  }
0x71: {  	_ =	shalt  }
0x72: {  	_ =	shalt  }
0x73: {  	_ =	shalt  }
0x74: {  	_ =	shalt  }
0x75: {  	_ =	shalt  }
0x76: {  	_ =	shalt  }
0x77: {  	_ =	shalt  }
0x78: {  	_ =	shalt  }
0x79: {  	_ =	shalt  }
0x7a: {  	_ =	shalt  }
0x7b: {  	_ =	shalt  }
0x7c: {  	_ =	shalt  }
0x7d: {  	_ =	shalt  }
0x7e: {  	_ =	shalt  }
0x7f: {  	_ =	shalt  }
0x80: {  	_ =	shalt  }
0x81: {  	_ =	shalt  }
0x82: {  	_ =	shalt  }
0x83: {  	_ =	shalt  }
0x84: {  	_ =	shalt  }
0x85: {  	_ =	shalt  }
0x86: {  	_ =	shalt  }
0x87: {  	_ =	shalt  }
.Lfunc_end0:
.L_simem_size_0:
called_computation.1_lowered:
.L_overlay_start_0:
0x88: {  	s2 =	sld [smem:$0x3FD9]  }
0x89: {  	s3 =	sld [smem:$0x3FFE];
	_ =	sdelay $0x1  }
0x8a: {  	s1 =	srdreg.scid  }
0x8b: {  	s0 =	sand.u32 $0x1, s1  }
0x8c: {  	s17 =	sshll.u32 s0, $0xA;
	s2 =	sadd.s32 s3, s2  }
0x8d: {  	s2 =	sadd.s32 s2, s17  }
0x8e: {  	[smem:$0x3FC0] =	sst s2  }
0x8f: {  	_ = 	snop  }
0x90: {  	s2 =	sld [smem:$0x3FD0];
	(tm) =	ssettm $0x1  }
0x91: {  	s18 =	sld [smem:$0x3FFB];
	_ =	sdelay $0x3  }
0x92: {  	_ =	strace s18  }
0x93: {  	s3 =	sld [smem:$0x3FFC];
	_ =	sdelay $0x3  }
0x94: {  	_ =	strace s3  }
0x95: {  	s3 =	sld [smem:$0x3FFD];
	_ =	sdelay $0x3  }
0x96: {  	_ =	strace s3  }
0x97: {  	_ =	strace $0x8FFFFFFF  }
0x98: {  	s19 =	sld [smem:$0x3FDB];
	_ =	sdelay $0x1  }
0x99: {  	s4 =	simm.s32 $_scs_section_size  }
0x9a: {  	s5 =	simm.s32 $_size__tile_overlayer_lowered;
	s6 =	simm.s32 $_tile_overlayer_lowered  }
0x9b: {  	s22 =	simm.s32 $0x1BFF;
	s21 =	sshll.u32 s6, $0x1;
	s3 =	sadd.s32 s4, s19  }
0x9c: {  	s7 =	simm.s32 $0x0;
	s20 =	sshll.u32 s5, $0x1;
	s5 =	sadd.s32 s21, s3  }
0x9d: {  	[timem:s7], [sflag:s22] =	dma.local [hbm:s5], s20  }
0x9e: {  	_ =	swait.ge [sflag:s22], s20  }
0x9f: {  	s4 =	ssub.s32 $0x0, s20;
	[sflag:s22] =	ssyncset.done $0x0  }
0xa0: {  	[sflag:s22] =	ssyncadd.s32 s4;
	_ =	sdelay $0x1  }
0xa1: {  	s23 =	simm.s32 $0x1B8B  }
0xa2: {  	_ =	swait.ge [sflag:s23], $0x1  }
0xa3: {  	[sflag:s23] =	ssyncset.done $0x0  }
0xa4: {  	s25 =	simm.s32 $0x1B8E;
	s24 =	sld [smem:$0x3FFE];
	[sflag:s23] =	ssyncadd.s32 $0xFFFFFFFF  }
0xa5: {  	s26 =	simm.s32 $execute0_lowered;
	[smem:$0x3FD2] =	sst s25  }
0xa6: {  	s5 =	sshll.u32 s26, $0x1;
	_ =	strace $0x80000049;
	[dreg:$0x1] =	wrdreg $0xFFFFFFFF  }
0xa7: {  	s28 =	simm.s32 $_size_execute0_lowered;
	s3 =	sadd.s32 s3, s5;
	[dreg:$0x0] =	wrdreg $0x0  }
0xa8: {  	s5 =	sshll.u32 s28, $0x1;
	[dreg:$0x2] =	wrdreg s3  }
0xa9: {  	[dreg:$0x3] =	wrdreg s5  }
0xaa: {  	[dreg:$0x4] =	wrdreg $0xC0  }
0xab: {  	_ =	task [dreg:s7], $0x5FFFF  }
0xac: {  	[dreg:$0x1] =	wrdreg $0xFFFFFFFF  }
0xad: {  	[dreg:$0x0] =	wrdreg $0x60  }
0xae: {  	[dreg:$0x2] =	wrdreg s24  }
0xaf: {  	[dreg:$0x3] =	wrdreg s2  }
0xb0: {  	[dreg:$0x4] =	wrdreg $0x94300  }
0xb1: {  	[dreg:$0x5] =	wrdreg $0xBB400  }
0xb2: {  	[dreg:$0x6] =	wrdreg $0xE2500  }
0xb3: {  	[dreg:$0x7] =	wrdreg $0x9  }
0xb4: {  	_ =	task.clear_ibuf [dreg:s7], $0x8FFFF;
	_ =	strace $0x90000049  }
0xb5: {  	s29 =	simm.s32 $0x9;
	_ =	strace $0x8000004B  }
0xb6: {  	_ =	swait.ge [sflag:s29], $0x1  }
0xb7: {  	[sflag:s29] =	ssyncadd.s32 $0xFFFFFFFF  }
0xb8: {  	_ =	strace $0x9000004B  }
0xb9: {  	_ =	sfence  }
0xba: {  	s30 =	sld [smem:$0x0];
	_ =	sdelay $0x2  }
0xbb: {  	s31 =	sshll.u32 s1, $0xD;
	s1 =	sshrl.u32 s1, $0x2  }
0xbc: {  	s3 =	sand.u32 $0x4000, s31;
	s1 =	sadd.s32 s1, s30  }
0xbd: {  	s0 =	sor.u32 s3, s0;
	s1 =	sshll.u32 s1, $0x11  }
0xbe: {  	s0 =	sor.u32 s1, s0  }
0xbf: {  	s0 =	sadd.s32 $0x8F2B, s0  }
0xc0: {  	[sflag:s0] =	ssyncadd.remote.s32 $0x1  }
0xc1: {  	_ =	sfence.sel $0xFFFF  }
0xc2: {  	[dreg:$0x0] =	wrdreg $0xFFFFFFFF;
	(pc) =	sbr.abs _section_cstart, $3  }
0xc3: {  	[dreg:$0x1] =	wrdreg $0xFFFFFFFF  }
0xc4: {  	_ =	task.clear_ibuf [dreg:s7], $0x2FFFF;
	_ =	strace $0x9FFFFFFF  }
0xc5: {  	(tm) =	ssettm $0x7FFFFFFF  }
tec
execute0_lowered:
.L_overlay_start_1:
0x0: {  	(tag) =	ssettag $0x1  }
0x1: {  	s0 =	rddreg [dreg:$0x0]  }
0x2: {  	s2 =	rddreg [dreg:$0x1]  }
0x3: {  	s1 =	rddreg [dreg:$0x2];
	s4 =	srdreg.scid  }
0x4: {  	s3 =	rddreg [dreg:$0x3];
	s9 =	stileid.u32;
	s5 =	simm.s32 $0x0  }
0x5: {  	s15 =	simm.s32 $0x7;
	s17 =	simm.s32 $0x2710;
	s20 =	simm.s32 $0x50  }
0x6: {  	s28 =	simm.s32 $0x1;
	s29 =	simm.s32 $0x2;
	s30 =	simm.s32 $0x5  }
0x7: {  	s31 =	simm.s32 $0x3;
	s6 =	sand.u32 $0x1, s4;
	s4 =	rddreg [dreg:$0x4]  }
0x8: {  	s14 =	simm.s32 $0x6;
	s8 =	smul.u32 $0x2710, s9;
	[smem:$0x7FF] =	sst s5  }
0x9: {  	s22 =	sadd.s32 $0x1F400, s0;
	s7 =	sshll.u32 s6, $0x4;
	_ =	strace $0x8000004A  }
0xa: {  	s6 =	ssub.s32 $0x2, s6;
	[dreg:$0x6] =	wrdreg s22;
	s22 =	simm.s32 $0x5820  }
0xb: {  	s7 =	sor.u32 s9, s7;
	s21 =	sshrl.u32 s8, $0x3;
	s23 =	sshrl.u32 s6, $0x1  }
0xc: {  	s24 =	sadd.s32 s8, s3;
	s10 =	smul.u32 $0x4E2, s7;
	s9 =	sadd.s32 s21, s0  }
0xd: {  	s6 =	ssub.s32 s6, s23;
	s7 =	sadd.s32 s8, s1;
	s8 =	sadd.s32 s8, s4  }
0xe: {  	s18 =	sshrl.u32 s24, $0x3;
	s21 =	simm.s32 $0x4E20;
	s25 =	sadd.s32 $0x6600, s9  }
0xf: {  	s23 =	simm.s32 $0x6220;
	s9 =	sadd.s32 $0x1600, s9;
	[dreg:$0x9] =	wrdreg s25  }
0x10: {  	s24 =	simm.s32 $0x6720;
	s26 =	smax.u32 s6, $0x1;
	[dreg:$0xa] =	wrdreg s9  }
0x11: {  	v0 =	vimm.f32 $0.0e+00;
	v1 =	vimm.s32 $0x0;
	s0 =	sadd.s32 s10, s0;
	s2 =	sadd.s32 s2, s10;
	[dreg:$0xc] =	wrdreg s26  }
0x12: {  	v2 =	vimm.s32 $0x1;
	v3 =	vimm.s32 $0x2;
	v4 =	vimm.s32 $0x3;
	s19 =	sshrl.u32 s8, $0x3;
	s11 =	sadd.s32 $0xB600, s0;
	[dreg:$0x8] =	wrdreg s2  }
0x13: {  	v5 =	vimm.s32 $0x4;
	v6 =	vimm.s32 $0x5;
	v7 =	vimm.s32 $0x6;
	s25 =	simm.s32 $0x5320;
	s0 =	sadd.s32 $0x15400, s0;
	[dreg:$0x7] =	wrdreg s11  }
0x14: {  	v8 =	vimm.s32 $0x7;
	v9 =	vimm.s32 $0x8;
	v10 =	vimm.s32 $0x9;
	s26 =	simm.s32 $0x5D20;
	s2 =	simm.s32 $0x4;
	[dreg:$0xb] =	wrdreg s0  }
.LBB2_1:
0x15: {  	s0 =	simm.s32 $0x0  }
.LBB2_2:
0x16: {  	p0 =	sne.s32 s0, $0x9C00  }
.Ltmp0:
0x17: {  	_ = 	snop;
	(pc) =	sbr.rel @p0 .LBB2_2-.Ltmp0, $3  }
0x18: {  	_ =	sdelay $0x1  }
0x19: {  	s6 =	sshra.s32 s0, $0x2  }
0x1a: {  	s0 =	sadd.s32 $0x40, s0;
	[tilespmem:s6+$0x6D20] =	vst v0  }
0x1b: {  	s0 =	simm.s32 $0x40;
	s6 =	simm.s32 $0x0  }
.LBB2_4:
0x1c: {  	p0 =	sne.s32 s0, $0x13C0;
	[tilespmem:s6+$0x6220] =	vst v0;
	s8 =	smov.u32 s0;
	s0 =	sadd.s32 $0x40, s0  }
.Ltmp1:
0x1d: {  	[tilespmem:s6+$0x6720] =	vst v0;
	(pc) =	sbr.rel @p0 .LBB2_4-.Ltmp1, $2  }
0x1e: {  	_ =	sdelay $0x2  }
0x1f: {  	s6 =	sshra.s32 s8, $0x2  }
0x20: {  	[tilespmem:s6+$0x6220] =	vst v0  }
0x21: {  	[tilespmem:s6+$0x6720] =	vst v0;
	s0 =	simm.s32 $0x6D20  }
0x22: {  	[spmem:s7] =	stream.linear.scatter [tilespmem:s0], [sflag:$0x7], $0x2710, $0x38;
	[tilespmem:$0x10960] =	vst v63  }
0x23: {  	_ =	swait.ge [sflag:s15], $0x2710  }
0x24: {  	s8 =	simm.s32 $0x6C20;
	[sflag:s15] =	ssyncset.done $0x0  }
0x25: {  	s0 =	simm.s32 $0x0;
	s16 =	rddreg [dreg:$0x6];
	[sflag:s15] =	ssyncadd.s32 $0xFFFFD8F0  }
0x26: {  	[tilespmem:s8], [sflag:$0x7] =	stream.linear.gather [hbm4b:s16+s0], $0x100, $0x38;
	[tilespmem:$0x10960] =	vst v63  }
0x27: {  	_ =	swait.ge [sflag:s15], $0x100  }
0x28: {  	[sflag:s15] =	ssyncset.done $0x0  }
0x29: {  	s9 =	rddreg [dreg:$0x7];
	[sflag:s15] =	ssyncadd.s32 $0xFFFFFF00  }
0x2a: {  	[tilespmem:s0], [sflag:$0x7] =	stream.linear.gather [hbm4b:s9+s0], $0x2710, $0x38;
	[tilespmem:$0x10960] =	vst v63  }
0x2b: {  	_ =	swait.ge [sflag:s15], $0x2710  }
0x2c: {  	[sflag:s15] =	ssyncset.done $0x0  }
0x2d: {  	s10 =	rddreg [dreg:$0x8];
	[sflag:s15] =	ssyncadd.s32 $0xFFFFD8F0  }
0x2e: {  	[tilespmem:s17], [sflag:$0x7] =	stream.linear.gather [hbm4b:s10+s0], $0x2710, $0x38;
	[tilespmem:$0x10960] =	vst v63  }
0x2f: {  	s11 =	stileid.u32;
	_ =	swait.ge [sflag:s15], $0x2710  }
0x30: {  	s6 =	sshll.u32 s11, $0x6;
	[sflag:s15] =	ssyncset.done $0x0  }
0x31: {  	s16 =	sor.u32 $0x1C07, s6;
	s12 =	rddreg [dreg:$0x9];
	[sflag:s15] =	ssyncadd.s32 $0xFFFFD8F0  }
0x32: {  	[spmem:s18], [sflag:s16] =	dma.local [hbm:s12], $0x4E2  }
0x33: {  	_ =	swait.ge [sflag:s15], $0x4E2  }
0x34: {  	[sflag:s15] =	ssyncset.done $0x0  }
0x35: {  	s13 =	rddreg [dreg:$0xa];
	[sflag:s15] =	ssyncadd.s32 $0xFFFFFB1E  }
0x36: {  	[spmem:s19], [sflag:s16] =	dma.local [hbm:s13], $0x4E2  }
0x37: {  	_ =	swait.ge [sflag:s15], $0x4E2  }
0x38: {  	[sflag:s15] =	ssyncset.done $0x0  }
0x39: {  	[sflag:s15] =	ssyncadd.s32 $0xFFFFFB1E  }
0x3a: {  	[bflag:$0x0] =	sbarrier.arrive $0xFFFF  }
0x3b: {  	v12 =	vld [tilespmem:$0x6C20]  }
0x3c: {  	v13 =	vld [tilespmem:$0x6C30]  }
0x3d: {  	v14 =	vld [tilespmem:$0x6C40]  }
0x3e: {  	v15 =	vld [tilespmem:$0x6C50]  }
0x3f: {  	v16 =	vld [tilespmem:$0x6C60]  }
0x40: {  	v17 =	vld [tilespmem:$0x6C70]  }
0x41: {  	v19 =	vld [tilespmem:$0x6C80]  }
0x42: {  	v20 =	vld [tilespmem:$0x6C90]  }
0x43: {  	v18 =	vld [tilespmem:$0x6CA0]  }
0x44: {  	v11 =	vld [tilespmem:$0x6CB0];
	[tilespmem:s21], [sflag:$0x1] =	stream.indirect.gather [spmem:s3], $0x10, s17, s20, $0xb8  }
0x45: {  	_ = 	snop  }
0x46: {  	[tilespmem:s22], [sflag:$0x2] =	stream.indirect.gather [spmem:s4], $0x10, s0, s20, $0xb8;
	[tilespmem:$0x10960] =	vst v63  }
0x47: {  	_ = 	snop  }
0x48: {  	[spmem:s1] =	stream.indirect.scatter.add.f32 [tilespmem:s23], [sflag:$0x5], $0x10, s17, s20, $0xb8;
	[tilespmem:$0x10960] =	vst v63  }
0x49: {  	_ = 	snop  }
0x4a: {  	[spmem:s1] =	stream.indirect.scatter.add.f32 [tilespmem:s24], [sflag:$0x6], $0x10, s17, s20, $0xb8;
	[tilespmem:$0x10960] =	vst v63  }
.LBB2_6:
0x4b: {  	s8 =	smul.u32 $0xA0, s0;
	_ =	sdelay $0x1  }
0x4c: {  	s6 =	sadd.s32 $0x2760, s8  }
0x4d: {  	[tilespmem:s25], [sflag:$0x3] =	stream.indirect.gather [spmem:s3], $0x10, s6, s20, $0xb8;
	[tilespmem:$0x10960] =	vst v63  }
0x4e: {  	s9 =	sadd.s32 $0x50, s8  }
0x4f: {  	[tilespmem:s26], [sflag:$0x4] =	stream.indirect.gather [spmem:s4], $0x10, s9, s20, $0xb8;
	[tilespmem:$0x10960] =	vst v63  }
0x50: {  	_ =	swait.ge [sflag:s28], $0x500  }
0x51: {  	[sflag:s28] =	ssyncset.done $0x0  }
0x52: {  	[sflag:s28] =	ssyncadd.s32 $0xFFFFFB00  }
0x53: {  	_ =	swait.ge [sflag:s29], $0x500  }
0x54: {  	[sflag:s29] =	ssyncset.done $0x0  }
0x55: {  	[sflag:s29] =	ssyncadd.s32 $0xFFFFFB00  }
0x56: {  	_ =	swait.ge [sflag:s30], $0x500  }
0x57: {  	[sflag:s30] =	ssyncset.done $0x0  }
0x58: {  	s10 =	simm.s32 $0x4E70;
	[sflag:s30] =	ssyncadd.s32 $0xFFFFFB00  }
0x59: {  	s9 =	simm.s32 $0x5870;
	v21 =	vld [tilespmem:s10+$0x40]  }
0x5a: {  	v22 =	vld [tilespmem:s9+$0x40]  }
0x5b: {  	v23 =	vld [tilespmem:s10+$0xFFFFFFC0]  }
0x5c: {  	v24 =	vld [tilespmem:s9+$0xFFFFFFC0]  }
0x5d: {  	v25 =	vld [tilespmem:s10+$0xFFFFFFD0]  }
0x5e: {  	v26 =	vld [tilespmem:s10+$0xFFFFFFE0]  }
0x5f: {  	v28 =	vld [tilespmem:s9+$0xFFFFFFE0]  }
0x60: {  	v31 =	vld [tilespmem:s9+$0xFFFFFFF0];
	v21 =	vadd.f32 v22, v21  }
0x61: {  	v22 =	vld [tilespmem:s9+$0xFFFFFFD0]  }
0x62: {  	v23 =	vadd.f32 v24, v23;
	v24 =	vld [tilespmem:s10+$0xFFFFFFF0];
	v27 =	vmax.f32 v21, $0.0e+00  }
0x63: {  	v21 =	vperm.xlane v27, v1;
	v29 =	vperm.xlane v27, v2  }
0x64: {  	v30 =	vperm.xlane v27, v3;
	v35 =	vperm.xlane v27, v5  }
0x65: {  	v26 =	vadd.f32 v28, v26;
	v54 =	vperm.xlane v27, v6;
	v40 =	vperm.xlane v27, v8  }
0x66: {  	v32 =	vmul.f32 v21, v12;
	v29 =	vmul.f32 v29, v13;
	v22 =	vadd.f32 v22, v25  }
0x67: {  	v33 =	vld [tilespmem:s9+$0x0];
	v21 =	vmax.f32 v23, $0.0e+00;
	v24 =	vadd.f32 v31, v24;
	v40 =	vmul.f32 v40, v20  }
0x68: {  	v28 =	vld [tilespmem:s10+$0x10];
	v34 =	vperm.xlane v21, v1;
	v36 =	vperm.xlane v21, v2;
	v23 =	vadd.f32 v29, v32  }
0x69: {  	v31 =	vld [tilespmem:s9+$0x10];
	v29 =	vmul.f32 v30, v14;
	v30 =	vperm.xlane v27, v4;
	v22 =	vmax.f32 v22, $0.0e+00  }
0x6a: {  	v25 =	vld [tilespmem:s10+$0x0];
	v24 =	vmax.f32 v24, $0.0e+00;
	v37 =	vperm.xlane v22, v1;
	v39 =	vperm.xlane v22, v2  }
0x6b: {  	v58 =	vperm.xlane v24, v1;
	v59 =	vperm.xlane v24, v2  }
0x6c: {  	v34 =	vmul.f32 v34, v12;
	v36 =	vmul.f32 v36, v13  }
0x6d: {  	v29 =	vadd.f32 v29, v23;
	v30 =	vmul.f32 v30, v15;
	v23 =	vmax.f32 v26, $0.0e+00  }
0x6e: {  	v28 =	vadd.f32 v31, v28;
	v31 =	vperm.xlane v23, v1;
	v57 =	vperm.xlane v23, v2  }
0x6f: {  	v25 =	vadd.f32 v33, v25;
	v37 =	vmul.f32 v37, v12;
	v39 =	vmul.f32 v39, v13  }
0x70: {  	v53 =	vld [tilespmem:s9+$0xFFFFFFB0];
	v33 =	vmul.f32 v58, v12;
	v29 =	vadd.f32 v30, v29;
	v30 =	vmul.f32 v35, v16  }
0x71: {  	v26 =	vld [tilespmem:s10+$0xFFFFFFB0];
	v58 =	vperm.xlane v22, v3;
	v35 =	vmul.f32 v54, v17;
	v25 =	vmax.f32 v25, $0.0e+00  }
0x72: {  	v31 =	vmul.f32 v31, v12;
	v30 =	vadd.f32 v30, v29;
	v29 =	vperm.xlane v27, v7  }
0x73: {  	v55 =	vld [tilespmem:s10+$0x20];
	v60 =	vperm.xlane v25, v1;
	v61 =	vperm.xlane v25, v2  }
0x74: {  	v38 =	vld [tilespmem:s9+$0x20];
	v42 =	vmul.f32 v29, v19;
	v29 =	vperm.xlane v27, v9  }
0x75: {  	v27 =	vperm.xlane v27, v10;
	v30 =	vadd.f32 v35, v30;
	v35 =	vmul.f32 v57, v13  }
0x76: {  	v26 =	vadd.f32 v53, v26;
	v32 =	vmul.f32 v60, v12;
	v63 =	vmul.f32 v61, v13  }
0x77: {  	v57 =	vperm.xlane v21, v3;
	v60 =	vperm.xlane v24, v3  }
0x78: {  	v41 =	vld [tilespmem:s10+$0x30];
	v61 =	vperm.xlane v25, v3;
	v43 =	vmul.f32 v29, v18;
	v29 =	vmax.f32 v26, $0.0e+00  }
0x79: {  	v56 =	vld [tilespmem:s9+$0x30];
	v45 =	vmul.f32 v27, v11;
	v27 =	vadd.f32 v38, v55;
	v38 =	vmul.f32 v59, v13  }
0x7a: {  	v30 =	vadd.f32 v42, v30;
	v59 =	vperm.xlane v23, v3;
	v42 =	vmul.f32 v57, v14  }
0x7b: {  	v31 =	vadd.f32 v35, v31;
	v35 =	vmul.f32 v58, v14;
	v57 =	vperm.xlane v21, v4  }
0x7c: {  	v26 =	vmax.f32 v28, $0.0e+00;
	v58 =	vperm.xlane v22, v4;
	v44 =	vperm.xlane v29, v1  }
0x7d: {  	v46 =	vperm.xlane v29, v2;
	v47 =	vperm.xlane v26, v1  }
0x7e: {  	v28 =	vadd.f32 v56, v41;
	v48 =	vperm.xlane v26, v2;
	v55 =	vperm.xlane v29, v3  }
0x7f: {  	v27 =	vmax.f32 v27, $0.0e+00;
	v33 =	vadd.f32 v38, v33;
	v38 =	vmul.f32 v60, v14  }
0x80: {  	v28 =	vmax.f32 v28, $0.0e+00;
	v60 =	vperm.xlane v24, v4;
	v49 =	vperm.xlane v27, v1  }
0x81: {  	v50 =	vperm.xlane v27, v2;
	v51 =	vperm.xlane v28, v1  }
0x82: {  	v34 =	vadd.f32 v36, v34;
	v44 =	vmul.f32 v44, v12;
	v62 =	vperm.xlane v28, v2  }
0x83: {  	v30 =	vadd.f32 v40, v30;
	v46 =	vmul.f32 v46, v13;
	v41 =	vmul.f32 v47, v12  }
0x84: {  	v32 =	vadd.f32 v63, v32;
	v63 =	vperm.xlane v27, v3;
	v47 =	vmul.f32 v55, v14  }
0x85: {  	v55 =	vperm.xlane v29, v4;
	v30 =	vadd.f32 v43, v30;
	v43 =	vmul.f32 v48, v13  }
0x86: {  	v33 =	vadd.f32 v38, v33;
	v38 =	vmul.f32 v60, v15;
	v60 =	vperm.xlane v24, v5  }
0x87: {  	v37 =	vadd.f32 v39, v37;
	v52 =	vmul.f32 v49, v12;
	v53 =	vmul.f32 v50, v13  }
0x88: {  	v34 =	vadd.f32 v42, v34;
	v54 =	vmul.f32 v51, v12;
	v56 =	vmul.f32 v62, v13  }
0x89: {  	v62 =	vperm.xlane v26, v3;
	v51 =	vperm.xlane v28, v3;
	v30 =	vadd.f32 v45, v30  }
0x8a: {  	v41 =	vadd.f32 v43, v41;
	v43 =	vmul.f32 v57, v15;
	v57 =	vperm.xlane v21, v5  }
0x8b: {  	v33 =	vadd.f32 v38, v33;
	v38 =	vmul.f32 v60, v16;
	v60 =	vperm.xlane v22, v6  }
0x8c: {  	v45 =	vadd.f32 v53, v52;
	v52 =	vmul.f32 v59, v14;
	v53 =	vmul.f32 v61, v14  }
0x8d: {  	v36 =	vadd.f32 v56, v54;
	v40 =	vmul.f32 v62, v14;
	v54 =	vmul.f32 v63, v14  }
0x8e: {  	v44 =	vadd.f32 v46, v44;
	v56 =	vmul.f32 v51, v14;
	v59 =	vperm.xlane v23, v4  }
0x8f: {  	v35 =	vadd.f32 v35, v37;
	v61 =	vperm.xlane v25, v4;
	v62 =	vperm.xlane v26, v4  }
0x90: {  	v44 =	vadd.f32 v47, v44;
	v63 =	vperm.xlane v27, v4;
	v51 =	vperm.xlane v28, v4  }
0x91: {  	v47 =	vmul.f32 v55, v15;
	v34 =	vadd.f32 v43, v34;
	v43 =	vperm.xlane v28, v9  }
0x92: {  	v31 =	vadd.f32 v52, v31;
	v32 =	vadd.f32 v53, v32;
	v52 =	vmul.f32 v58, v15  }
0x93: {  	v42 =	vadd.f32 v54, v45;
	v53 =	vmul.f32 v59, v15;
	v54 =	vmul.f32 v61, v15  }
0x94: {  	v40 =	vadd.f32 v40, v41;
	v46 =	vmul.f32 v62, v15;
	v55 =	vmul.f32 v63, v15  }
0x95: {  	v36 =	vadd.f32 v56, v36;
	v41 =	vmul.f32 v51, v15;
	v56 =	vperm.xlane v29, v5  }
0x96: {  	v33 =	vadd.f32 v38, v33;
	v58 =	vperm.xlane v22, v5;
	v59 =	vperm.xlane v23, v5  }
0x97: {  	v39 =	vadd.f32 v47, v44;
	v61 =	vperm.xlane v25, v5;
	v62 =	vperm.xlane v26, v5  }
0x98: {  	v63 =	vperm.xlane v27, v5;
	v35 =	vadd.f32 v52, v35;
	v52 =	vperm.xlane v28, v5  }
0x99: {  	v31 =	vadd.f32 v53, v31;
	v45 =	vmul.f32 v56, v16;
	v53 =	vmul.f32 v57, v16  }
0x9a: {  	v32 =	vadd.f32 v54, v32;
	v37 =	vmul.f32 v58, v16;
	v54 =	vmul.f32 v59, v16  }
0x9b: {  	v42 =	vadd.f32 v55, v42;
	v55 =	vmul.f32 v61, v16;
	v44 =	vmul.f32 v62, v16  }
0x9c: {  	v40 =	vadd.f32 v46, v40;
	v56 =	vmul.f32 v63, v16;
	v57 =	vperm.xlane v29, v6  }
0x9d: {  	v36 =	vadd.f32 v41, v36;
	v59 =	vperm.xlane v21, v6;
	v61 =	vperm.xlane v23, v6  }
0x9e: {  	v62 =	vperm.xlane v24, v6;
	v63 =	vperm.xlane v25, v6;
	v39 =	vadd.f32 v45, v39  }
0x9f: {  	v34 =	vadd.f32 v53, v34;
	v58 =	vmul.f32 v52, v16;
	v52 =	vperm.xlane v26, v6  }
0xa0: {  	v31 =	vadd.f32 v54, v31;
	v53 =	vperm.xlane v27, v6;
	v54 =	vperm.xlane v28, v6  }
0xa1: {  	v32 =	vadd.f32 v55, v32;
	v47 =	vmul.f32 v57, v17;
	v55 =	vmul.f32 v59, v17  }
0xa2: {  	v42 =	vadd.f32 v56, v42;
	v56 =	vmul.f32 v60, v17;
	v57 =	vmul.f32 v61, v17  }
0xa3: {  	v35 =	vadd.f32 v37, v35;
	v38 =	vmul.f32 v62, v17;
	v60 =	vperm.xlane v29, v7  }
0xa4: {  	v40 =	vadd.f32 v44, v40;
	v61 =	vperm.xlane v21, v7;
	v62 =	vperm.xlane v22, v7  }
0xa5: {  	v36 =	vadd.f32 v58, v36;
	v58 =	vmul.f32 v63, v17;
	v45 =	vmul.f32 v52, v17  }
0xa6: {  	v39 =	vadd.f32 v47, v39;
	v59 =	vmul.f32 v53, v17;
	v44 =	vmul.f32 v54, v17  }
0xa7: {  	v34 =	vadd.f32 v55, v34;
	v63 =	vperm.xlane v23, v7;
	v52 =	vperm.xlane v24, v7  }
0xa8: {  	v35 =	vadd.f32 v56, v35;
	v53 =	vperm.xlane v25, v7;
	v54 =	vperm.xlane v26, v7  }
0xa9: {  	v31 =	vadd.f32 v57, v31;
	v55 =	vperm.xlane v27, v7;
	v56 =	vperm.xlane v28, v7  }
0xaa: {  	v33 =	vadd.f32 v38, v33;
	v46 =	vmul.f32 v60, v19;
	v57 =	vmul.f32 v61, v19  }
0xab: {  	v37 =	vmul.f32 v62, v19;
	v61 =	vperm.xlane v29, v8;
	v32 =	vadd.f32 v58, v32  }
0xac: {  	v40 =	vadd.f32 v45, v40;
	v58 =	vmul.f32 v63, v19;
	v38 =	vmul.f32 v52, v19  }
0xad: {  	v42 =	vadd.f32 v59, v42;
	v59 =	vmul.f32 v53, v19;
	v41 =	vmul.f32 v54, v19  }
0xae: {  	v36 =	vadd.f32 v44, v36;
	v60 =	vmul.f32 v55, v19;
	v62 =	vmul.f32 v56, v19  }
0xaf: {  	v39 =	vadd.f32 v46, v39;
	v63 =	vperm.xlane v21, v8;
	v52 =	vperm.xlane v22, v8  }
0xb0: {  	v34 =	vadd.f32 v57, v34;
	v53 =	vperm.xlane v23, v8;
	v54 =	vperm.xlane v24, v8  }
0xb1: {  	v35 =	vadd.f32 v37, v35;
	v55 =	vperm.xlane v25, v8;
	v56 =	vperm.xlane v26, v8  }
0xb2: {  	v57 =	vperm.xlane v27, v8;
	v47 =	vmul.f32 v61, v20;
	v31 =	vadd.f32 v58, v31  }
0xb3: {  	v33 =	vadd.f32 v38, v33;
	v32 =	vadd.f32 v59, v32;
	v58 =	vperm.xlane v28, v8  }
0xb4: {  	v42 =	vadd.f32 v60, v42;
	v59 =	vmul.f32 v63, v20;
	v60 =	vmul.f32 v52, v20  }
0xb5: {  	v48 =	vadd.f32 v62, v36;
	v61 =	vmul.f32 v53, v20;
	v62 =	vmul.f32 v54, v20  }
0xb6: {  	v40 =	vadd.f32 v41, v40;
	v63 =	vmul.f32 v55, v20;
	v46 =	vmul.f32 v56, v20  }
0xb7: {  	v39 =	vadd.f32 v47, v39;
	v56 =	vmul.f32 v57, v20;
	v57 =	vperm.xlane v29, v9  }
0xb8: {  	v52 =	vperm.xlane v23, v9;
	v53 =	vmax.f32 v30, $0.0e+00;
	v49 =	vadd.f32 v59, v34  }
0xb9: {  	v41 =	vmul.f32 v58, v20;
	v38 =	vadd.f32 v60, v35;
	v58 =	vperm.xlane v21, v9  }
0xba: {  	v37 =	vadd.f32 v61, v31;
	v59 =	vperm.xlane v22, v9;
	v35 =	vadd.f32 v62, v33  }
0xbb: {  	v60 =	vperm.xlane v24, v9;
	v36 =	vadd.f32 v63, v32;
	v61 =	vperm.xlane v25, v9  }
0xbc: {  	v31 =	vadd.f32 v46, v40;
	v62 =	vperm.xlane v26, v9;
	v63 =	vperm.xlane v27, v9  }
0xbd: {  	v32 =	vadd.f32 v56, v42;
	v30 =	vmul.f32 v57, v18;
	v44 =	vmul.f32 v52, v18  }
0xbe: {  	v50 =	vmul.f32 v58, v18;
	v34 =	vadd.f32 v41, v48;
	v45 =	vmul.f32 v59, v18  }
0xbf: {  	s11 =	simm.s32 $0x6270;
	v39 =	vadd.f32 v30, v39;
	v42 =	vmul.f32 v60, v18;
	v30 =	vmul.f32 v61, v18  }
0xc0: {  	s12 =	simm.s32 $0x0;
	s13 =	simm.s32 $0x4F10;
	s10 =	simm.s32 $0x6270;
	[tilespmem:s11+$0x40] =	vst v53;
	v41 =	vmul.f32 v62, v18;
	v40 =	vmul.f32 v63, v18;
	v33 =	vadd.f32 v50, v49  }
.LBB2_7:
0xc1: {  	v46 =	vld [tilespmem:s13+$0x40];
	v29 =	vperm.xlane v29, v10;
	v45 =	vadd.f32 v45, v38;
	v43 =	vmul.f32 v43, v18;
	s9 =	sadd.s32 $0xA0, s9  }
0xc2: {  	s12 =	sadd.s32 $0xA, s12;
	v21 =	vperm.xlane v21, v10;
	v22 =	vperm.xlane v22, v10;
	v44 =	vadd.f32 v44, v37;
	v47 =	vld [tilespmem:s9+$0x40]  }
0xc3: {  	v23 =	vperm.xlane v23, v10;
	v35 =	vadd.f32 v42, v35;
	v24 =	vperm.xlane v24, v10;
	p0 =	slt.u32 s12, $0x46;
	v48 =	vld [tilespmem:s9+$0xFFFFFFB0]  }
0xc4: {  	v30 =	vadd.f32 v30, v36;
	v25 =	vperm.xlane v25, v10;
	v26 =	vperm.xlane v26, v10;
	v42 =	vld [tilespmem:s13+$0xFFFFFFC0]  }
0xc5: {  	v27 =	vperm.xlane v27, v10;
	v28 =	vperm.xlane v28, v10;
	v31 =	vadd.f32 v41, v31;
	v36 =	vld [tilespmem:s9+$0xFFFFFFC0]  }
0xc6: {  	v38 =	vadd.f32 v40, v32;
	v29 =	vmul.f32 v29, v11;
	v37 =	vadd.f32 v43, v34;
	v41 =	vld [tilespmem:s13+$0xFFFFFFD0]  }
0xc7: {  	v21 =	vmul.f32 v21, v11;
	v22 =	vmul.f32 v22, v11;
	v34 =	vld [tilespmem:s9+$0xFFFFFFD0];
	v40 =	vadd.f32 v47, v46  }
0xc8: {  	v32 =	vadd.f32 v29, v39;
	v39 =	vmul.f32 v23, v11;
	v46 =	vmul.f32 v24, v11;
	v43 =	vld [tilespmem:s13+$0xFFFFFFE0]  }
0xc9: {  	v47 =	vmul.f32 v26, v11;
	v23 =	vld [tilespmem:s9+$0xFFFFFFE0];
	v29 =	vmax.f32 v40, $0.0e+00;
	v40 =	vmul.f32 v25, v11  }
0xca: {  	v24 =	vadd.f32 v36, v42;
	v25 =	vld [tilespmem:s13+$0xFFFFFFF0];
	v26 =	vperm.xlane v29, v1;
	v36 =	vperm.xlane v29, v2  }
0xcb: {  	v50 =	vmul.f32 v27, v11;
	v33 =	vadd.f32 v21, v33;
	v49 =	vperm.xlane v29, v3;
	v42 =	vld [tilespmem:s9+$0xFFFFFFF0]  }
0xcc: {  	v27 =	vadd.f32 v34, v41;
	v41 =	vld [tilespmem:s13+$0x0];
	v26 =	vmul.f32 v26, v12;
	v36 =	vmul.f32 v36, v13  }
0xcd: {  	v21 =	vmax.f32 v24, $0.0e+00;
	v34 =	vadd.f32 v22, v45;
	v45 =	vmul.f32 v28, v11;
	v51 =	vld [tilespmem:s9+$0x0]  }
0xce: {  	v28 =	vld [tilespmem:s13+$0x10];
	v24 =	vadd.f32 v36, v26;
	v26 =	vmul.f32 v49, v14;
	v36 =	vperm.xlane v29, v4  }
0xcf: {  	v49 =	vperm.xlane v21, v1;
	v22 =	vmax.f32 v27, $0.0e+00;
	v23 =	vadd.f32 v23, v43;
	v27 =	vld [tilespmem:s9+$0x10]  }
0xd0: {  	v43 =	vld [tilespmem:s13+$0x20];
	v24 =	vadd.f32 v26, v24;
	v26 =	vmul.f32 v36, v15;
	v36 =	vperm.xlane v29, v5  }
0xd1: {  	v52 =	vperm.xlane v21, v2;
	v23 =	vmax.f32 v23, $0.0e+00;
	v25 =	vadd.f32 v42, v25;
	v42 =	vld [tilespmem:s9+$0x20]  }
0xd2: {  	v54 =	vperm.xlane v29, v6;
	v53 =	vld [tilespmem:s13+$0x30];
	v26 =	vadd.f32 v26, v24;
	v36 =	vmul.f32 v36, v16  }
0xd3: {  	v55 =	vperm.xlane v22, v1;
	v24 =	vmax.f32 v25, $0.0e+00;
	v25 =	vadd.f32 v51, v41;
	v41 =	vld [tilespmem:s9+$0x30]  }
0xd4: {  	v51 =	vld [tilespmem:s13+$0xFFFFFFB0];
	v26 =	vadd.f32 v36, v26;
	v36 =	vmul.f32 v54, v17;
	v54 =	vperm.xlane v29, v7  }
0xd5: {  	v56 =	vperm.xlane v22, v2;
	v25 =	vmax.f32 v25, $0.0e+00;
	v27 =	vadd.f32 v27, v28  }
0xd6: {  	v28 =	vadd.f32 v36, v26;
	v36 =	vmul.f32 v54, v19;
	v54 =	vperm.xlane v29, v8  }
0xd7: {  	v57 =	vperm.xlane v23, v1;
	v26 =	vmax.f32 v27, $0.0e+00;
	v27 =	vadd.f32 v42, v43  }
0xd8: {  	v42 =	vperm.xlane v29, v9;
	v28 =	vadd.f32 v36, v28;
	v36 =	vmul.f32 v54, v20  }
0xd9: {  	v27 =	vmax.f32 v27, $0.0e+00;
	v41 =	vadd.f32 v41, v53;
	v43 =	vadd.f32 v48, v51  }
0xda: {  	v42 =	vmul.f32 v42, v18;
	v48 =	vperm.xlane v29, v10;
	v36 =	vadd.f32 v36, v28  }
0xdb: {  	v28 =	vmax.f32 v41, $0.0e+00;
	v29 =	vmax.f32 v43, $0.0e+00;
	v43 =	vperm.xlane v23, v2  }
0xdc: {  	v41 =	vperm.xlane v29, v1;
	v36 =	vadd.f32 v42, v36;
	v42 =	vmul.f32 v48, v11  }
0xdd: {  	v39 =	vadd.f32 v39, v44;
	v51 =	vperm.xlane v24, v1;
	v48 =	vperm.xlane v29, v2  }
0xde: {  	v44 =	vperm.xlane v24, v2;
	v53 =	vperm.xlane v25, v1;
	v36 =	vadd.f32 v42, v36  }
0xdf: {  	v46 =	vadd.f32 v46, v35;
	v54 =	vperm.xlane v26, v1;
	v42 =	vperm.xlane v25, v2  }
0xe0: {  	s11 =	sadd.s32 $0xA0, s11;
	v58 =	vperm.xlane v26, v2;
	v59 =	vperm.xlane v27, v1;
	v35 =	vmax.f32 v36, $0.0e+00  }
0xe1: {  	v60 =	vperm.xlane v27, v2;
	v61 =	vperm.xlane v28, v1;
	v36 =	vadd.f32 v40, v30;
	[tilespmem:s11+$0x40] =	vst v35  }
0xe2: {  	v40 =	vmul.f32 v41, v12;
	v41 =	vperm.xlane v28, v2;
	v35 =	vadd.f32 v47, v31  }
0xe3: {  	v47 =	vmul.f32 v48, v13;
	v48 =	vmul.f32 v49, v12;
	v31 =	vadd.f32 v50, v38  }
0xe4: {  	v30 =	vadd.f32 v45, v37;
	v38 =	vmul.f32 v52, v13;
	v49 =	vmul.f32 v55, v12  }
0xe5: {  	v45 =	vmul.f32 v57, v12;
	v37 =	vadd.f32 v47, v40;
	v40 =	vmul.f32 v56, v13  }
0xe6: {  	v43 =	vmul.f32 v43, v13;
	v38 =	vadd.f32 v38, v48;
	v47 =	vmul.f32 v51, v12  }
0xe7: {  	v44 =	vmul.f32 v44, v13;
	v48 =	vmul.f32 v53, v12;
	v40 =	vadd.f32 v40, v49  }
0xe8: {  	v42 =	vmul.f32 v42, v13;
	v43 =	vadd.f32 v43, v45;
	v45 =	vmul.f32 v54, v12  }
0xe9: {  	v44 =	vadd.f32 v44, v47;
	v47 =	vmul.f32 v58, v13;
	v49 =	vmul.f32 v59, v12  }
0xea: {  	v50 =	vmul.f32 v61, v12;
	v42 =	vadd.f32 v42, v48;
	v48 =	vmul.f32 v60, v13  }
0xeb: {  	v41 =	vmul.f32 v41, v13;
	v51 =	vperm.xlane v29, v3;
	v45 =	vadd.f32 v47, v45  }
0xec: {  	v52 =	vperm.xlane v22, v3;
	v47 =	vperm.xlane v21, v3;
	v48 =	vadd.f32 v48, v49  }
0xed: {  	v53 =	vperm.xlane v24, v3;
	v41 =	vadd.f32 v41, v50;
	v49 =	vperm.xlane v23, v3  }
0xee: {  	v32 =	vmax.f32 v32, $0.0e+00;
	v54 =	vperm.xlane v26, v3;
	v50 =	vperm.xlane v25, v3  }
0xef: {  	v55 =	vperm.xlane v27, v3;
	v56 =	vperm.xlane v28, v3;
	[tilespmem:s10+$0xFFFFFFB0] =	vst v32;
	v32 =	vmax.f32 v33, $0.0e+00  }
0xf0: {  	v47 =	vmul.f32 v47, v14;
	v33 =	vmul.f32 v51, v14;
	[tilespmem:s10+$0xFFFFFFC0] =	vst v32;
	v32 =	vmax.f32 v34, $0.0e+00  }
0xf1: {  	v49 =	vmul.f32 v49, v14;
	v34 =	vmul.f32 v52, v14;
	[tilespmem:s10+$0xFFFFFFD0] =	vst v32;
	v32 =	vmax.f32 v39, $0.0e+00  }
0xf2: {  	v33 =	vadd.f32 v33, v37;
	v37 =	vmul.f32 v53, v14;
	v39 =	vmul.f32 v50, v14;
	[tilespmem:s10+$0xFFFFFFE0] =	vst v32  }
0xf3: {  	v32 =	vadd.f32 v47, v38;
	v38 =	vmul.f32 v54, v14;
	v47 =	vmul.f32 v55, v14  }
0xf4: {  	v50 =	vperm.xlane v29, v4;
	v34 =	vadd.f32 v34, v40;
	v40 =	vmul.f32 v56, v14  }
0xf5: {  	v43 =	vadd.f32 v49, v43;
	v51 =	vperm.xlane v21, v4;
	v52 =	vperm.xlane v22, v4  }
0xf6: {  	v49 =	vperm.xlane v23, v4;
	v37 =	vadd.f32 v37, v44;
	v44 =	vperm.xlane v24, v4  }
0xf7: {  	v53 =	vperm.xlane v26, v4;
	v39 =	vadd.f32 v39, v42;
	v42 =	vperm.xlane v25, v4  }
0xf8: {  	v54 =	vperm.xlane v28, v4;
	v38 =	vadd.f32 v38, v45;
	v45 =	vperm.xlane v27, v4  }
0xf9: {  	v50 =	vmul.f32 v50, v15;
	v47 =	vadd.f32 v47, v48;
	v40 =	vadd.f32 v40, v41  }
0xfa: {  	v46 =	vmax.f32 v46, $0.0e+00;
	v41 =	vmul.f32 v51, v15;
	v48 =	vmul.f32 v52, v15  }
0xfb: {  	v49 =	vmul.f32 v49, v15;
	v33 =	vadd.f32 v50, v33;
	v44 =	vmul.f32 v44, v15;
	[tilespmem:s10+$0xFFFFFFF0] =	vst v46  }
0xfc: {  	v32 =	vadd.f32 v41, v32;
	v41 =	vmul.f32 v42, v15;
	v42 =	vmul.f32 v53, v15  }
0xfd: {  	v34 =	vadd.f32 v48, v34;
	v45 =	vmul.f32 v45, v15;
	v46 =	vmul.f32 v54, v15  }
0xfe: {  	v43 =	vadd.f32 v49, v43;
	v50 =	vperm.xlane v21, v5;
	v48 =	vperm.xlane v29, v5  }
0xff: {  	v49 =	vperm.xlane v22, v5;
	v51 =	vperm.xlane v23, v5;
	v37 =	vadd.f32 v44, v37  }
0x100: {  	v44 =	vperm.xlane v24, v5;
	v39 =	vadd.f32 v41, v39;
	v41 =	vperm.xlane v25, v5  }
0x101: {  	v52 =	vperm.xlane v27, v5;
	v38 =	vadd.f32 v42, v38;
	v42 =	vperm.xlane v26, v5  }
0x102: {  	v45 =	vadd.f32 v45, v47;
	v40 =	vadd.f32 v46, v40;
	v46 =	vperm.xlane v28, v5  }
0x103: {  	v36 =	vmax.f32 v36, $0.0e+00;
	v47 =	vmul.f32 v48, v16;
	v48 =	vmul.f32 v50, v16  }
0x104: {  	v35 =	vmax.f32 v35, $0.0e+00;
	v49 =	vmul.f32 v49, v16;
	v50 =	vmul.f32 v51, v16;
	[tilespmem:s10+$0x0] =	vst v36  }
0x105: {  	v33 =	vadd.f32 v47, v33;
	v41 =	vmul.f32 v41, v16;
	v36 =	vmul.f32 v44, v16;
	[tilespmem:s10+$0x10] =	vst v35  }
0x106: {  	v32 =	vadd.f32 v48, v32;
	v35 =	vmul.f32 v42, v16;
	v42 =	vmul.f32 v52, v16  }
0x107: {  	v34 =	vadd.f32 v49, v34;
	v46 =	vmul.f32 v46, v16;
	v44 =	vperm.xlane v29, v6  }
0x108: {  	v47 =	vperm.xlane v21, v6;
	v48 =	vperm.xlane v22, v6;
	v43 =	vadd.f32 v50, v43  }
0x109: {  	v49 =	vperm.xlane v23, v6;
	v36 =	vadd.f32 v36, v37;
	v37 =	vperm.xlane v24, v6  }
0x10a: {  	v50 =	vperm.xlane v26, v6;
	v39 =	vadd.f32 v41, v39;
	v41 =	vperm.xlane v25, v6  }
0x10b: {  	v51 =	vperm.xlane v28, v6;
	v35 =	vadd.f32 v35, v38;
	v38 =	vperm.xlane v27, v6  }
0x10c: {  	v40 =	vadd.f32 v46, v40;
	v44 =	vmul.f32 v44, v17;
	v42 =	vadd.f32 v42, v45  }
0x10d: {  	v31 =	vmax.f32 v31, $0.0e+00;
	v46 =	vmul.f32 v48, v17;
	v45 =	vmul.f32 v47, v17  }
0x10e: {  	v33 =	vadd.f32 v44, v33;
	v44 =	vmul.f32 v49, v17;
	v37 =	vmul.f32 v37, v17;
	[tilespmem:s10+$0x20] =	vst v31  }
0x10f: {  	v31 =	vadd.f32 v45, v32;
	v32 =	vmul.f32 v41, v17;
	v41 =	vmul.f32 v50, v17  }
0x110: {  	v34 =	vadd.f32 v46, v34;
	v38 =	vmul.f32 v38, v17;
	v45 =	vmul.f32 v51, v17  }
0x111: {  	v46 =	vperm.xlane v29, v7;
	v47 =	vperm.xlane v21, v7;
	v43 =	vadd.f32 v44, v43  }
0x112: {  	v48 =	vperm.xlane v23, v7;
	v44 =	vperm.xlane v22, v7;
	v36 =	vadd.f32 v37, v36  }
0x113: {  	v37 =	vperm.xlane v24, v7;
	v32 =	vadd.f32 v32, v39;
	v39 =	vperm.xlane v25, v7  }
0x114: {  	v49 =	vperm.xlane v27, v7;
	v35 =	vadd.f32 v41, v35;
	v41 =	vperm.xlane v26, v7  }
0x115: {  	v38 =	vadd.f32 v38, v42;
	v42 =	vperm.xlane v28, v7;
	v40 =	vadd.f32 v45, v40  }
0x116: {  	v30 =	vmax.f32 v30, $0.0e+00;
	v45 =	vmul.f32 v46, v19;
	v46 =	vmul.f32 v47, v19  }
0x117: {  	v44 =	vmul.f32 v44, v19;
	v47 =	vmul.f32 v48, v19;
	[tilespmem:s10+$0x30] =	vst v30;
	s10 =	smov.u32 s11  }
0x118: {  	v30 =	vadd.f32 v45, v33;
	v33 =	vmul.f32 v37, v19;
	v37 =	vmul.f32 v39, v19  }
0x119: {  	v31 =	vadd.f32 v46, v31;
	v39 =	vmul.f32 v41, v19;
	v41 =	vmul.f32 v49, v19  }
0x11a: {  	v42 =	vmul.f32 v42, v19;
	v34 =	vadd.f32 v44, v34;
	v45 =	vperm.xlane v29, v8  }
0x11b: {  	v44 =	vperm.xlane v21, v8;
	v46 =	vperm.xlane v22, v8;
	v43 =	vadd.f32 v47, v43  }
0x11c: {  	v47 =	vperm.xlane v23, v8;
	v33 =	vadd.f32 v33, v36;
	v36 =	vperm.xlane v24, v8  }
0x11d: {  	v48 =	vperm.xlane v26, v8;
	v32 =	vadd.f32 v37, v32;
	v37 =	vperm.xlane v25, v8  }
0x11e: {  	v49 =	vperm.xlane v28, v8;
	v39 =	vadd.f32 v39, v35;
	v35 =	vperm.xlane v27, v8  }
0x11f: {  	v40 =	vadd.f32 v42, v40;
	v45 =	vmul.f32 v45, v20;
	v41 =	vadd.f32 v41, v38  }
0x120: {  	v42 =	vmul.f32 v46, v20;
	v38 =	vmul.f32 v44, v20  }
0x121: {  	v44 =	vmul.f32 v47, v20;
	v30 =	vadd.f32 v45, v30;
	v36 =	vmul.f32 v36, v20  }
0x122: {  	v46 =	vadd.f32 v38, v31;
	v31 =	vmul.f32 v37, v20;
	v45 =	vmul.f32 v48, v20  }
0x123: {  	v38 =	vadd.f32 v42, v34;
	v34 =	vmul.f32 v35, v20;
	v42 =	vmul.f32 v49, v20  }
0x124: {  	v47 =	vperm.xlane v29, v9;
	v48 =	vperm.xlane v21, v9;
	v37 =	vadd.f32 v44, v43  }
0x125: {  	v44 =	vperm.xlane v22, v9;
	v49 =	vperm.xlane v23, v9;
	v35 =	vadd.f32 v36, v33  }
0x126: {  	v50 =	vperm.xlane v25, v9;
	v33 =	vperm.xlane v24, v9;
	v36 =	vadd.f32 v31, v32  }
0x127: {  	v52 =	vperm.xlane v27, v9;
	v51 =	vperm.xlane v26, v9;
	v31 =	vadd.f32 v45, v39  }
.Ltmp2:
0x128: {  	v43 =	vperm.xlane v28, v9;
	v32 =	vadd.f32 v34, v41;
	v34 =	vadd.f32 v42, v40;
	(pc) =	sbr.rel @p0 .LBB2_7-.Ltmp2, $4  }
0x129: {  	v39 =	vmul.f32 v47, v18;
	v40 =	vmul.f32 v48, v18  }
0x12a: {  	v45 =	vmul.f32 v44, v18;
	v44 =	vmul.f32 v49, v18  }
0x12b: {  	v39 =	vadd.f32 v39, v30;
	v42 =	vmul.f32 v33, v18;
	v30 =	vmul.f32 v50, v18  }
0x12c: {  	s13 =	sadd.s32 $0xA0, s13;
	v41 =	vmul.f32 v51, v18;
	v33 =	vadd.f32 v40, v46;
	v40 =	vmul.f32 v52, v18  }
0x12d: {  	v29 =	vperm.xlane v29, v10;
	v43 =	vmul.f32 v43, v18  }
0x12e: {  	v38 =	vadd.f32 v45, v38;
	v21 =	vperm.xlane v21, v10;
	v22 =	vperm.xlane v22, v10  }
0x12f: {  	v37 =	vadd.f32 v44, v37;
	v23 =	vperm.xlane v23, v10;
	v24 =	vperm.xlane v24, v10  }
0x130: {  	v35 =	vadd.f32 v42, v35;
	v25 =	vperm.xlane v25, v10;
	v26 =	vperm.xlane v26, v10  }
0x131: {  	v30 =	vadd.f32 v30, v36;
	v27 =	vperm.xlane v27, v10;
	v29 =	vmul.f32 v29, v11  }
0x132: {  	v28 =	vperm.xlane v28, v10;
	v31 =	vadd.f32 v41, v31;
	v21 =	vmul.f32 v21, v11  }
0x133: {  	v32 =	vadd.f32 v40, v32;
	v22 =	vmul.f32 v22, v11;
	v29 =	vadd.f32 v29, v39  }
0x134: {  	v34 =	vadd.f32 v43, v34;
	v23 =	vmul.f32 v23, v11;
	v21 =	vadd.f32 v21, v33  }
0x135: {  	v24 =	vmul.f32 v24, v11;
	v22 =	vadd.f32 v22, v38;
	v29 =	vmax.f32 v29, $0.0e+00  }
0x136: {  	v25 =	vmul.f32 v25, v11;
	v23 =	vadd.f32 v23, v37;
	v21 =	vmax.f32 v21, $0.0e+00;
	[tilespmem:s10+$0xFFFFFFB0] =	vst v29  }
0x137: {  	v26 =	vmul.f32 v26, v11;
	v24 =	vadd.f32 v24, v35;
	[tilespmem:s10+$0xFFFFFFC0] =	vst v21;
	v21 =	vmax.f32 v22, $0.0e+00  }
0x138: {  	v25 =	vadd.f32 v25, v30;
	v22 =	vmul.f32 v27, v11;
	[tilespmem:s10+$0xFFFFFFD0] =	vst v21;
	v21 =	vmax.f32 v23, $0.0e+00  }
0x139: {  	v26 =	vadd.f32 v26, v31;
	v23 =	vmul.f32 v28, v11;
	[tilespmem:s10+$0xFFFFFFE0] =	vst v21;
	v21 =	vmax.f32 v24, $0.0e+00  }
0x13a: {  	v22 =	vadd.f32 v22, v32;
	[tilespmem:s10+$0xFFFFFFF0] =	vst v21;
	v21 =	vmax.f32 v25, $0.0e+00  }
0x13b: {  	s9 =	smul.u32 $0x280, s0;
	v23 =	vadd.f32 v23, v34;
	[tilespmem:s10+$0x0] =	vst v21;
	v21 =	vmax.f32 v26, $0.0e+00  }
0x13c: {  	[tilespmem:s10+$0x10] =	vst v21;
	v21 =	vmax.f32 v22, $0.0e+00  }
0x13d: {  	s9 =	sshra.s32 s9, $0x2;
	[tilespmem:s10+$0x20] =	vst v21;
	v21 =	vmax.f32 v23, $0.0e+00  }
0x13e: {  	s9 =	sadd.s32 $0x2710, s9;
	[tilespmem:s10+$0x30] =	vst v21  }
0x13f: {  	[spmem:s1] =	stream.indirect.scatter.add.f32 [tilespmem:s23], [sflag:$0x5], $0x10, s9, s20, $0xb8;
	[tilespmem:$0x10960] =	vst v63  }
0x140: {  	s11 =	sadd.s32 $0x27B0, s8  }
0x141: {  	[tilespmem:s21], [sflag:$0x1] =	stream.indirect.gather [spmem:s3], $0x10, s11, s20, $0xb8;
	[tilespmem:$0x10960] =	vst v63  }
0x142: {  	s12 =	sadd.s32 $0xA0, s8  }
0x143: {  	[tilespmem:s22], [sflag:$0x2] =	stream.indirect.gather [spmem:s4], $0x10, s12, s20, $0xb8;
	[tilespmem:$0x10960] =	vst v63  }
0x144: {  	_ =	swait.ge [sflag:s31], $0x500  }
0x145: {  	[sflag:s31] =	ssyncset.done $0x0  }
0x146: {  	[sflag:s31] =	ssyncadd.s32 $0xFFFFFB00  }
0x147: {  	_ =	swait.ge [sflag:s2], $0x500  }
0x148: {  	[sflag:s2] =	ssyncset.done $0x0  }
0x149: {  	[sflag:s2] =	ssyncadd.s32 $0xFFFFFB00  }
0x14a: {  	_ =	swait.ge [sflag:s14], $0x500  }
0x14b: {  	[sflag:s14] =	ssyncset.done $0x0  }
0x14c: {  	s13 =	simm.s32 $0x53B0;
	[sflag:s14] =	ssyncadd.s32 $0xFFFFFB00  }
0x14d: {  	s8 =	simm.s32 $0x5DB0;
	v21 =	vld [tilespmem:s13+$0x0]  }
0x14e: {  	v22 =	vld [tilespmem:s8+$0x0]  }
0x14f: {  	v23 =	vld [tilespmem:s13+$0xFFFFFF80]  }
0x150: {  	v24 =	vld [tilespmem:s8+$0xFFFFFF80]  }
0x151: {  	v25 =	vld [tilespmem:s13+$0xFFFFFF90]  }
0x152: {  	v26 =	vld [tilespmem:s13+$0xFFFFFFA0]  }
0x153: {  	v28 =	vld [tilespmem:s8+$0xFFFFFFA0];
	v21 =	vadd.f32 v22, v21  }
0x154: {  	v22 =	vld [tilespmem:s8+$0xFFFFFF90]  }
0x155: {  	v31 =	vld [tilespmem:s8+$0xFFFFFFB0];
	v27 =	vmax.f32 v21, $0.0e+00  }
0x156: {  	v23 =	vadd.f32 v24, v23;
	v24 =	vld [tilespmem:s13+$0xFFFFFFB0];
	v21 =	vperm.xlane v27, v1;
	v29 =	vperm.xlane v27, v2  }
0x157: {  	v30 =	vperm.xlane v27, v3;
	v57 =	vperm.xlane v27, v5  }
0x158: {  	v26 =	vadd.f32 v28, v26;
	v58 =	vperm.xlane v27, v6;
	v61 =	vperm.xlane v27, v8  }
0x159: {  	v55 =	vld [tilespmem:s8+$0xFFFFFFC0];
	v54 =	vmul.f32 v21, v12;
	v29 =	vmul.f32 v29, v13;
	v22 =	vadd.f32 v22, v25  }
0x15a: {  	v28 =	vld [tilespmem:s13+$0xFFFFFFD0];
	v21 =	vmax.f32 v23, $0.0e+00;
	v35 =	vmul.f32 v58, v17;
	v40 =	vmul.f32 v61, v20  }
0x15b: {  	v25 =	vld [tilespmem:s13+$0xFFFFFFC0];
	v24 =	vadd.f32 v31, v24;
	v34 =	vperm.xlane v21, v1;
	v36 =	vperm.xlane v21, v2  }
0x15c: {  	v31 =	vld [tilespmem:s8+$0xFFFFFFD0];
	v23 =	vadd.f32 v29, v54;
	v29 =	vmul.f32 v30, v14;
	v22 =	vmax.f32 v22, $0.0e+00  }
0x15d: {  	v30 =	vperm.xlane v27, v4;
	v24 =	vmax.f32 v24, $0.0e+00;
	v37 =	vperm.xlane v22, v1  }
0x15e: {  	v39 =	vperm.xlane v22, v2;
	v58 =	vperm.xlane v24, v1  }
0x15f: {  	v34 =	vmul.f32 v34, v12;
	v36 =	vmul.f32 v36, v13  }
0x160: {  	v56 =	vld [tilespmem:s8+$0xFFFFFF70];
	v29 =	vadd.f32 v29, v23;
	v30 =	vmul.f32 v30, v15;
	v23 =	vmax.f32 v26, $0.0e+00  }
0x161: {  	v26 =	vld [tilespmem:s13+$0xFFFFFF70];
	v25 =	vadd.f32 v55, v25;
	v28 =	vadd.f32 v31, v28;
	v31 =	vperm.xlane v23, v1  }
0x162: {  	v55 =	vperm.xlane v23, v2;
	v29 =	vadd.f32 v30, v29;
	v30 =	vmul.f32 v57, v16  }
0x163: {  	v59 =	vld [tilespmem:s13+$0xFFFFFFE0];
	v37 =	vmul.f32 v37, v12;
	v39 =	vmul.f32 v39, v13  }
0x164: {  	v60 =	vld [tilespmem:s8+$0xFFFFFFE0];
	v33 =	vmul.f32 v58, v12;
	v30 =	vadd.f32 v30, v29;
	v29 =	vperm.xlane v27, v7  }
0x165: {  	v58 =	vperm.xlane v22, v3;
	v25 =	vmax.f32 v25, $0.0e+00;
	v31 =	vmul.f32 v31, v12  }
0x166: {  	v26 =	vadd.f32 v56, v26;
	v63 =	vmul.f32 v29, v19;
	v29 =	vperm.xlane v27, v9  }
0x167: {  	v61 =	vperm.xlane v25, v2;
	v27 =	vperm.xlane v27, v10;
	v30 =	vadd.f32 v35, v30  }
0x168: {  	v35 =	vmul.f32 v55, v13;
	v54 =	vmul.f32 v29, v18;
	v29 =	vmax.f32 v26, $0.0e+00  }
0x169: {  	v62 =	vld [tilespmem:s13+$0xFFFFFFF0];
	v57 =	vmul.f32 v27, v11;
	v27 =	vadd.f32 v60, v59;
	v59 =	vperm.xlane v24, v2  }
0x16a: {  	v53 =	vld [tilespmem:s8+$0xFFFFFFF0];
	v60 =	vperm.xlane v25, v1;
	v30 =	vadd.f32 v63, v30;
	v63 =	vmul.f32 v61, v13  }
0x16b: {  	v31 =	vadd.f32 v35, v31;
	v61 =	vperm.xlane v25, v3;
	v35 =	vmul.f32 v58, v14  }
0x16c: {  	v26 =	vmax.f32 v28, $0.0e+00;
	v58 =	vperm.xlane v22, v4;
	v56 =	vperm.xlane v29, v1  }
0x16d: {  	v46 =	vperm.xlane v29, v2;
	v47 =	vperm.xlane v26, v1  }
0x16e: {  	v48 =	vperm.xlane v26, v2;
	v55 =	vperm.xlane v29, v3  }
0x16f: {  	v28 =	vadd.f32 v53, v62;
	v38 =	vmul.f32 v59, v13;
	v32 =	vmul.f32 v60, v12  }
0x170: {  	v27 =	vmax.f32 v27, $0.0e+00;
	v59 =	vperm.xlane v23, v3;
	v60 =	vperm.xlane v24, v3  }
0x171: {  	v28 =	vmax.f32 v28, $0.0e+00;
	v49 =	vperm.xlane v27, v1;
	v50 =	vperm.xlane v27, v2  }
0x172: {  	v51 =	vperm.xlane v28, v1;
	v44 =	vmul.f32 v56, v12  }
0x173: {  	v62 =	vperm.xlane v28, v2;
	v46 =	vmul.f32 v46, v13  }
0x174: {  	v30 =	vadd.f32 v40, v30;
	v41 =	vmul.f32 v47, v12;
	v43 =	vmul.f32 v48, v13  }
0x175: {  	v47 =	vmul.f32 v55, v14;
	v55 =	vperm.xlane v29, v4;
	v33 =	vadd.f32 v38, v33  }
0x176: {  	v32 =	vadd.f32 v63, v32;
	v63 =	vperm.xlane v27, v3;
	v38 =	vmul.f32 v60, v14  }
0x177: {  	v34 =	vadd.f32 v36, v34;
	v60 =	vperm.xlane v24, v4;
	v52 =	vmul.f32 v49, v12  }
0x178: {  	v30 =	vadd.f32 v54, v30;
	v53 =	vmul.f32 v50, v13;
	v54 =	vmul.f32 v51, v12  }
0x179: {  	v37 =	vadd.f32 v39, v37;
	v56 =	vmul.f32 v62, v13;
	v62 =	vperm.xlane v26, v3  }
0x17a: {  	v51 =	vperm.xlane v28, v3;
	v30 =	vadd.f32 v57, v30;
	v57 =	vperm.xlane v21, v3  }
0x17b: {  	v33 =	vadd.f32 v38, v33;
	v38 =	vmul.f32 v60, v15;
	v60 =	vperm.xlane v24, v5  }
0x17c: {  	v45 =	vadd.f32 v53, v52;
	v52 =	vmul.f32 v59, v14;
	v53 =	vmul.f32 v61, v14  }
0x17d: {  	v36 =	vadd.f32 v56, v54;
	v40 =	vmul.f32 v62, v14;
	v54 =	vmul.f32 v63, v14  }
0x17e: {  	v35 =	vadd.f32 v35, v37;
	v56 =	vmul.f32 v51, v14;
	v59 =	vperm.xlane v23, v4  }
0x17f: {  	v44 =	vadd.f32 v46, v44;
	v61 =	vperm.xlane v25, v4;
	v62 =	vperm.xlane v26, v4  }
0x180: {  	v41 =	vadd.f32 v43, v41;
	v63 =	vperm.xlane v27, v4;
	v51 =	vperm.xlane v28, v4  }
0x181: {  	v44 =	vadd.f32 v47, v44;
	v47 =	vmul.f32 v55, v15;
	v42 =	vmul.f32 v57, v14  }
0x182: {  	v57 =	vperm.xlane v21, v4;
	v33 =	vadd.f32 v38, v33;
	v38 =	vmul.f32 v60, v16  }
0x183: {  	v60 =	vperm.xlane v22, v6;
	v31 =	vadd.f32 v52, v31;
	v52 =	vmul.f32 v58, v15  }
0x184: {  	v32 =	vadd.f32 v53, v32;
	v53 =	vmul.f32 v59, v15;
	v46 =	vmul.f32 v62, v15  }
0x185: {  	v40 =	vadd.f32 v40, v41;
	v55 =	vmul.f32 v63, v15;
	v41 =	vmul.f32 v51, v15  }
0x186: {  	v36 =	vadd.f32 v56, v36;
	v56 =	vperm.xlane v29, v5;
	v58 =	vperm.xlane v22, v5  }
0x187: {  	v39 =	vadd.f32 v47, v44;
	v59 =	vperm.xlane v23, v5;
	v62 =	vperm.xlane v26, v5  }
0x188: {  	v63 =	vperm.xlane v27, v5;
	v34 =	vadd.f32 v42, v34;
	v43 =	vmul.f32 v57, v15  }
0x189: {  	v42 =	vadd.f32 v54, v45;
	v54 =	vmul.f32 v61, v15;
	v57 =	vperm.xlane v21, v5  }
0x18a: {  	v61 =	vperm.xlane v25, v5;
	v33 =	vadd.f32 v38, v33;
	v35 =	vadd.f32 v52, v35  }
0x18b: {  	v31 =	vadd.f32 v53, v31;
	v52 =	vperm.xlane v28, v5;
	v45 =	vmul.f32 v56, v16  }
0x18c: {  	v40 =	vadd.f32 v46, v40;
	v37 =	vmul.f32 v58, v16;
	v44 =	vmul.f32 v62, v16  }
0x18d: {  	v36 =	vadd.f32 v41, v36;
	v56 =	vmul.f32 v63, v16;
	v62 =	vperm.xlane v24, v6  }
0x18e: {  	v63 =	vperm.xlane v25, v6;
	v32 =	vadd.f32 v54, v32;
	v53 =	vmul.f32 v57, v16  }
0x18f: {  	v42 =	vadd.f32 v55, v42;
	v54 =	vmul.f32 v59, v16;
	v55 =	vmul.f32 v61, v16  }
0x190: {  	v34 =	vadd.f32 v43, v34;
	v57 =	vperm.xlane v29, v6;
	v59 =	vperm.xlane v21, v6  }
0x191: {  	v61 =	vperm.xlane v23, v6;
	v43 =	vperm.xlane v28, v9;
	v39 =	vadd.f32 v45, v39  }
0x192: {  	v35 =	vadd.f32 v37, v35;
	v58 =	vmul.f32 v52, v16;
	v52 =	vperm.xlane v26, v6  }
0x193: {  	v38 =	vmul.f32 v62, v17;
	v62 =	vperm.xlane v22, v7;
	v34 =	vadd.f32 v53, v34  }
0x194: {  	v31 =	vadd.f32 v54, v31;
	v53 =	vperm.xlane v27, v6;
	v54 =	vperm.xlane v28, v6  }
0x195: {  	v32 =	vadd.f32 v55, v32;
	v47 =	vmul.f32 v57, v17;
	v55 =	vmul.f32 v59, v17  }
0x196: {  	v42 =	vadd.f32 v56, v42;
	v56 =	vmul.f32 v60, v17;
	v57 =	vmul.f32 v61, v17  }
0x197: {  	v40 =	vadd.f32 v44, v40;
	v60 =	vperm.xlane v29, v7;
	v61 =	vperm.xlane v21, v7  }
0x198: {  	v36 =	vadd.f32 v58, v36;
	v58 =	vmul.f32 v63, v17;
	v45 =	vmul.f32 v52, v17  }
0x199: {  	v63 =	vperm.xlane v23, v7;
	v33 =	vadd.f32 v38, v33;
	v52 =	vperm.xlane v24, v7  }
0x19a: {  	v37 =	vmul.f32 v62, v19;
	v39 =	vadd.f32 v47, v39;
	v59 =	vmul.f32 v53, v17  }
0x19b: {  	v34 =	vadd.f32 v55, v34;
	v44 =	vmul.f32 v54, v17;
	v53 =	vperm.xlane v25, v7  }
0x19c: {  	v35 =	vadd.f32 v56, v35;
	v54 =	vperm.xlane v26, v7;
	v55 =	vperm.xlane v27, v7  }
0x19d: {  	v31 =	vadd.f32 v57, v31;
	v56 =	vperm.xlane v28, v7;
	v46 =	vmul.f32 v60, v19  }
0x19e: {  	v57 =	vmul.f32 v61, v19;
	v61 =	vperm.xlane v29, v8;
	v32 =	vadd.f32 v58, v32  }
0x19f: {  	v40 =	vadd.f32 v45, v40;
	v58 =	vmul.f32 v63, v19;
	v38 =	vmul.f32 v52, v19  }
0x1a0: {  	v63 =	vperm.xlane v21, v8;
	v52 =	vperm.xlane v22, v8;
	v42 =	vadd.f32 v59, v42  }
0x1a1: {  	v36 =	vadd.f32 v44, v36;
	v59 =	vmul.f32 v53, v19;
	v41 =	vmul.f32 v54, v19  }
0x1a2: {  	v39 =	vadd.f32 v46, v39;
	v60 =	vmul.f32 v55, v19;
	v62 =	vmul.f32 v56, v19  }
0x1a3: {  	v34 =	vadd.f32 v57, v34;
	v53 =	vperm.xlane v23, v8;
	v54 =	vperm.xlane v24, v8  }
0x1a4: {  	v35 =	vadd.f32 v37, v35;
	v55 =	vperm.xlane v25, v8;
	v56 =	vperm.xlane v26, v8  }
0x1a5: {  	v57 =	vperm.xlane v27, v8;
	v47 =	vmul.f32 v61, v20;
	v31 =	vadd.f32 v58, v31  }
0x1a6: {  	v33 =	vadd.f32 v38, v33;
	v58 =	vperm.xlane v28, v8;
	v32 =	vadd.f32 v59, v32  }
0x1a7: {  	v42 =	vadd.f32 v60, v42;
	v59 =	vmul.f32 v63, v20;
	v60 =	vmul.f32 v52, v20  }
0x1a8: {  	v48 =	vadd.f32 v62, v36;
	v61 =	vmul.f32 v53, v20;
	v62 =	vmul.f32 v54, v20  }
0x1a9: {  	v40 =	vadd.f32 v41, v40;
	v63 =	vmul.f32 v55, v20;
	v46 =	vmul.f32 v56, v20  }
0x1aa: {  	v39 =	vadd.f32 v47, v39;
	v56 =	vmul.f32 v57, v20;
	v57 =	vperm.xlane v29, v9  }
0x1ab: {  	v52 =	vperm.xlane v23, v9;
	v53 =	vmax.f32 v30, $0.0e+00;
	v41 =	vmul.f32 v58, v20  }
0x1ac: {  	v58 =	vperm.xlane v21, v9;
	v49 =	vadd.f32 v59, v34;
	v38 =	vadd.f32 v60, v35  }
0x1ad: {  	v37 =	vadd.f32 v61, v31;
	v59 =	vperm.xlane v22, v9;
	v35 =	vadd.f32 v62, v33  }
0x1ae: {  	v60 =	vperm.xlane v24, v9;
	v36 =	vadd.f32 v63, v32;
	v61 =	vperm.xlane v25, v9  }
0x1af: {  	v31 =	vadd.f32 v46, v40;
	v62 =	vperm.xlane v26, v9;
	v63 =	vperm.xlane v27, v9  }
0x1b0: {  	v32 =	vadd.f32 v56, v42;
	v30 =	vmul.f32 v57, v18;
	v44 =	vmul.f32 v52, v18  }
0x1b1: {  	v50 =	vmul.f32 v58, v18;
	v34 =	vadd.f32 v41, v48;
	v45 =	vmul.f32 v59, v18  }
0x1b2: {  	s10 =	simm.s32 $0x67B0;
	v39 =	vadd.f32 v30, v39;
	v42 =	vmul.f32 v60, v18;
	v30 =	vmul.f32 v61, v18  }
0x1b3: {  	s9 =	simm.s32 $0x67B0;
	s11 =	simm.s32 $0x0;
	s12 =	simm.s32 $0x5450;
	[tilespmem:s10+$0x0] =	vst v53;
	v41 =	vmul.f32 v62, v18;
	v40 =	vmul.f32 v63, v18;
	v33 =	vadd.f32 v50, v49  }
.LBB2_9:
0x1b4: {  	v46 =	vld [tilespmem:s12+$0x0];
	v29 =	vperm.xlane v29, v10;
	v45 =	vadd.f32 v45, v38;
	v43 =	vmul.f32 v43, v18;
	s8 =	sadd.s32 $0xA0, s8  }
0x1b5: {  	s11 =	sadd.s32 $0xA, s11;
	v21 =	vperm.xlane v21, v10;
	v22 =	vperm.xlane v22, v10;
	v44 =	vadd.f32 v44, v37;
	v47 =	vld [tilespmem:s8+$0x0]  }
0x1b6: {  	v23 =	vperm.xlane v23, v10;
	v35 =	vadd.f32 v42, v35;
	v24 =	vperm.xlane v24, v10;
	p0 =	slt.u32 s11, $0x46;
	v48 =	vld [tilespmem:s8+$0xFFFFFF70]  }
0x1b7: {  	v30 =	vadd.f32 v30, v36;
	v25 =	vperm.xlane v25, v10;
	v26 =	vperm.xlane v26, v10;
	v42 =	vld [tilespmem:s12+$0xFFFFFF80]  }
0x1b8: {  	v27 =	vperm.xlane v27, v10;
	v28 =	vperm.xlane v28, v10;
	v31 =	vadd.f32 v41, v31;
	v36 =	vld [tilespmem:s8+$0xFFFFFF80]  }
0x1b9: {  	v38 =	vadd.f32 v40, v32;
	v29 =	vmul.f32 v29, v11;
	v37 =	vadd.f32 v43, v34;
	v41 =	vld [tilespmem:s12+$0xFFFFFF90]  }
0x1ba: {  	v21 =	vmul.f32 v21, v11;
	v22 =	vmul.f32 v22, v11;
	v34 =	vld [tilespmem:s8+$0xFFFFFF90];
	v40 =	vadd.f32 v47, v46  }
0x1bb: {  	v32 =	vadd.f32 v29, v39;
	v39 =	vmul.f32 v23, v11;
	v46 =	vmul.f32 v24, v11;
	v43 =	vld [tilespmem:s12+$0xFFFFFFA0]  }
0x1bc: {  	v47 =	vmul.f32 v26, v11;
	v23 =	vld [tilespmem:s8+$0xFFFFFFA0];
	v29 =	vmax.f32 v40, $0.0e+00;
	v40 =	vmul.f32 v25, v11  }
0x1bd: {  	v24 =	vadd.f32 v36, v42;
	v25 =	vld [tilespmem:s12+$0xFFFFFFB0];
	v26 =	vperm.xlane v29, v1;
	v36 =	vperm.xlane v29, v2  }
0x1be: {  	v50 =	vmul.f32 v27, v11;
	v33 =	vadd.f32 v21, v33;
	v49 =	vperm.xlane v29, v3;
	v42 =	vld [tilespmem:s8+$0xFFFFFFB0]  }
0x1bf: {  	v27 =	vadd.f32 v34, v41;
	v41 =	vld [tilespmem:s12+$0xFFFFFFC0];
	v26 =	vmul.f32 v26, v12;
	v36 =	vmul.f32 v36, v13  }
0x1c0: {  	v21 =	vmax.f32 v24, $0.0e+00;
	v34 =	vadd.f32 v22, v45;
	v45 =	vmul.f32 v28, v11;
	v51 =	vld [tilespmem:s8+$0xFFFFFFC0]  }
0x1c1: {  	v28 =	vld [tilespmem:s12+$0xFFFFFFD0];
	v24 =	vadd.f32 v36, v26;
	v26 =	vmul.f32 v49, v14;
	v36 =	vperm.xlane v29, v4  }
0x1c2: {  	v49 =	vperm.xlane v21, v1;
	v22 =	vmax.f32 v27, $0.0e+00;
	v23 =	vadd.f32 v23, v43;
	v27 =	vld [tilespmem:s8+$0xFFFFFFD0]  }
0x1c3: {  	v43 =	vld [tilespmem:s12+$0xFFFFFFE0];
	v24 =	vadd.f32 v26, v24;
	v26 =	vmul.f32 v36, v15;
	v36 =	vperm.xlane v29, v5  }
0x1c4: {  	v52 =	vperm.xlane v21, v2;
	v23 =	vmax.f32 v23, $0.0e+00;
	v25 =	vadd.f32 v42, v25;
	v42 =	vld [tilespmem:s8+$0xFFFFFFE0]  }
0x1c5: {  	v54 =	vperm.xlane v29, v6;
	v53 =	vld [tilespmem:s12+$0xFFFFFFF0];
	v26 =	vadd.f32 v26, v24;
	v36 =	vmul.f32 v36, v16  }
0x1c6: {  	v55 =	vperm.xlane v22, v1;
	v24 =	vmax.f32 v25, $0.0e+00;
	v25 =	vadd.f32 v51, v41;
	v41 =	vld [tilespmem:s8+$0xFFFFFFF0]  }
0x1c7: {  	v51 =	vld [tilespmem:s12+$0xFFFFFF70];
	v26 =	vadd.f32 v36, v26;
	v36 =	vmul.f32 v54, v17;
	v54 =	vperm.xlane v29, v7  }
0x1c8: {  	v56 =	vperm.xlane v22, v2;
	v25 =	vmax.f32 v25, $0.0e+00;
	v27 =	vadd.f32 v27, v28  }
0x1c9: {  	v28 =	vadd.f32 v36, v26;
	v36 =	vmul.f32 v54, v19;
	v54 =	vperm.xlane v29, v8  }
0x1ca: {  	v57 =	vperm.xlane v23, v1;
	v26 =	vmax.f32 v27, $0.0e+00;
	v27 =	vadd.f32 v42, v43  }
0x1cb: {  	v42 =	vperm.xlane v29, v9;
	v28 =	vadd.f32 v36, v28;
	v36 =	vmul.f32 v54, v20  }
0x1cc: {  	v27 =	vmax.f32 v27, $0.0e+00;
	v41 =	vadd.f32 v41, v53;
	v43 =	vadd.f32 v48, v51  }
0x1cd: {  	v42 =	vmul.f32 v42, v18;
	v48 =	vperm.xlane v29, v10;
	v36 =	vadd.f32 v36, v28  }
0x1ce: {  	v28 =	vmax.f32 v41, $0.0e+00;
	v29 =	vmax.f32 v43, $0.0e+00;
	v43 =	vperm.xlane v23, v2  }
0x1cf: {  	v41 =	vperm.xlane v29, v1;
	v36 =	vadd.f32 v42, v36;
	v42 =	vmul.f32 v48, v11  }
0x1d0: {  	v39 =	vadd.f32 v39, v44;
	v51 =	vperm.xlane v24, v1;
	v48 =	vperm.xlane v29, v2  }
0x1d1: {  	v44 =	vperm.xlane v24, v2;
	v53 =	vperm.xlane v25, v1;
	v36 =	vadd.f32 v42, v36  }
0x1d2: {  	v46 =	vadd.f32 v46, v35;
	v54 =	vperm.xlane v26, v1;
	v42 =	vperm.xlane v25, v2  }
0x1d3: {  	s10 =	sadd.s32 $0xA0, s10;
	v58 =	vperm.xlane v26, v2;
	v59 =	vperm.xlane v27, v1;
	v35 =	vmax.f32 v36, $0.0e+00  }
0x1d4: {  	v60 =	vperm.xlane v27, v2;
	v61 =	vperm.xlane v28, v1;
	v36 =	vadd.f32 v40, v30;
	[tilespmem:s10+$0x0] =	vst v35  }
0x1d5: {  	v40 =	vmul.f32 v41, v12;
	v41 =	vperm.xlane v28, v2;
	v35 =	vadd.f32 v47, v31  }
0x1d6: {  	v47 =	vmul.f32 v48, v13;
	v48 =	vmul.f32 v49, v12;
	v31 =	vadd.f32 v50, v38  }
0x1d7: {  	v30 =	vadd.f32 v45, v37;
	v38 =	vmul.f32 v52, v13;
	v49 =	vmul.f32 v55, v12  }
0x1d8: {  	v45 =	vmul.f32 v57, v12;
	v37 =	vadd.f32 v47, v40;
	v40 =	vmul.f32 v56, v13  }
0x1d9: {  	v43 =	vmul.f32 v43, v13;
	v38 =	vadd.f32 v38, v48;
	v47 =	vmul.f32 v51, v12  }
0x1da: {  	v44 =	vmul.f32 v44, v13;
	v48 =	vmul.f32 v53, v12;
	v40 =	vadd.f32 v40, v49  }
0x1db: {  	v42 =	vmul.f32 v42, v13;
	v43 =	vadd.f32 v43, v45;
	v45 =	vmul.f32 v54, v12  }
0x1dc: {  	v44 =	vadd.f32 v44, v47;
	v47 =	vmul.f32 v58, v13;
	v49 =	vmul.f32 v59, v12  }
0x1dd: {  	v50 =	vmul.f32 v61, v12;
	v42 =	vadd.f32 v42, v48;
	v48 =	vmul.f32 v60, v13  }
0x1de: {  	v41 =	vmul.f32 v41, v13;
	v51 =	vperm.xlane v29, v3;
	v45 =	vadd.f32 v47, v45  }
0x1df: {  	v52 =	vperm.xlane v22, v3;
	v47 =	vperm.xlane v21, v3;
	v48 =	vadd.f32 v48, v49  }
0x1e0: {  	v53 =	vperm.xlane v24, v3;
	v41 =	vadd.f32 v41, v50;
	v49 =	vperm.xlane v23, v3  }
0x1e1: {  	v32 =	vmax.f32 v32, $0.0e+00;
	v54 =	vperm.xlane v26, v3;
	v50 =	vperm.xlane v25, v3  }
0x1e2: {  	v55 =	vperm.xlane v27, v3;
	v56 =	vperm.xlane v28, v3;
	[tilespmem:s9+$0xFFFFFF70] =	vst v32;
	v32 =	vmax.f32 v33, $0.0e+00  }
0x1e3: {  	v47 =	vmul.f32 v47, v14;
	v33 =	vmul.f32 v51, v14;
	[tilespmem:s9+$0xFFFFFF80] =	vst v32;
	v32 =	vmax.f32 v34, $0.0e+00  }
0x1e4: {  	v49 =	vmul.f32 v49, v14;
	v34 =	vmul.f32 v52, v14;
	[tilespmem:s9+$0xFFFFFF90] =	vst v32;
	v32 =	vmax.f32 v39, $0.0e+00  }
0x1e5: {  	v33 =	vadd.f32 v33, v37;
	v37 =	vmul.f32 v53, v14;
	v39 =	vmul.f32 v50, v14;
	[tilespmem:s9+$0xFFFFFFA0] =	vst v32  }
0x1e6: {  	v32 =	vadd.f32 v47, v38;
	v38 =	vmul.f32 v54, v14;
	v47 =	vmul.f32 v55, v14  }
0x1e7: {  	v50 =	vperm.xlane v29, v4;
	v34 =	vadd.f32 v34, v40;
	v40 =	vmul.f32 v56, v14  }
0x1e8: {  	v43 =	vadd.f32 v49, v43;
	v51 =	vperm.xlane v21, v4;
	v52 =	vperm.xlane v22, v4  }
0x1e9: {  	v49 =	vperm.xlane v23, v4;
	v37 =	vadd.f32 v37, v44;
	v44 =	vperm.xlane v24, v4  }
0x1ea: {  	v53 =	vperm.xlane v26, v4;
	v39 =	vadd.f32 v39, v42;
	v42 =	vperm.xlane v25, v4  }
0x1eb: {  	v54 =	vperm.xlane v28, v4;
	v38 =	vadd.f32 v38, v45;
	v45 =	vperm.xlane v27, v4  }
0x1ec: {  	v50 =	vmul.f32 v50, v15;
	v47 =	vadd.f32 v47, v48;
	v40 =	vadd.f32 v40, v41  }
0x1ed: {  	v46 =	vmax.f32 v46, $0.0e+00;
	v41 =	vmul.f32 v51, v15;
	v48 =	vmul.f32 v52, v15  }
0x1ee: {  	v49 =	vmul.f32 v49, v15;
	v33 =	vadd.f32 v50, v33;
	v44 =	vmul.f32 v44, v15;
	[tilespmem:s9+$0xFFFFFFB0] =	vst v46  }
0x1ef: {  	v32 =	vadd.f32 v41, v32;
	v41 =	vmul.f32 v42, v15;
	v42 =	vmul.f32 v53, v15  }
0x1f0: {  	v34 =	vadd.f32 v48, v34;
	v45 =	vmul.f32 v45, v15;
	v46 =	vmul.f32 v54, v15  }
0x1f1: {  	v43 =	vadd.f32 v49, v43;
	v50 =	vperm.xlane v21, v5;
	v48 =	vperm.xlane v29, v5  }
0x1f2: {  	v49 =	vperm.xlane v22, v5;
	v51 =	vperm.xlane v23, v5;
	v37 =	vadd.f32 v44, v37  }
0x1f3: {  	v44 =	vperm.xlane v24, v5;
	v39 =	vadd.f32 v41, v39;
	v41 =	vperm.xlane v25, v5  }
0x1f4: {  	v52 =	vperm.xlane v27, v5;
	v38 =	vadd.f32 v42, v38;
	v42 =	vperm.xlane v26, v5  }
0x1f5: {  	v45 =	vadd.f32 v45, v47;
	v40 =	vadd.f32 v46, v40;
	v46 =	vperm.xlane v28, v5  }
0x1f6: {  	v36 =	vmax.f32 v36, $0.0e+00;
	v47 =	vmul.f32 v48, v16;
	v48 =	vmul.f32 v50, v16  }
0x1f7: {  	v35 =	vmax.f32 v35, $0.0e+00;
	v49 =	vmul.f32 v49, v16;
	v50 =	vmul.f32 v51, v16;
	[tilespmem:s9+$0xFFFFFFC0] =	vst v36  }
0x1f8: {  	v33 =	vadd.f32 v47, v33;
	v41 =	vmul.f32 v41, v16;
	v36 =	vmul.f32 v44, v16;
	[tilespmem:s9+$0xFFFFFFD0] =	vst v35  }
0x1f9: {  	v32 =	vadd.f32 v48, v32;
	v35 =	vmul.f32 v42, v16;
	v42 =	vmul.f32 v52, v16  }
0x1fa: {  	v34 =	vadd.f32 v49, v34;
	v46 =	vmul.f32 v46, v16;
	v44 =	vperm.xlane v29, v6  }
0x1fb: {  	v47 =	vperm.xlane v21, v6;
	v48 =	vperm.xlane v22, v6;
	v43 =	vadd.f32 v50, v43  }
0x1fc: {  	v49 =	vperm.xlane v23, v6;
	v36 =	vadd.f32 v36, v37;
	v37 =	vperm.xlane v24, v6  }
0x1fd: {  	v50 =	vperm.xlane v26, v6;
	v39 =	vadd.f32 v41, v39;
	v41 =	vperm.xlane v25, v6  }
0x1fe: {  	v51 =	vperm.xlane v28, v6;
	v35 =	vadd.f32 v35, v38;
	v38 =	vperm.xlane v27, v6  }
0x1ff: {  	v40 =	vadd.f32 v46, v40;
	v44 =	vmul.f32 v44, v17;
	v42 =	vadd.f32 v42, v45  }
0x200: {  	v31 =	vmax.f32 v31, $0.0e+00;
	v46 =	vmul.f32 v48, v17;
	v45 =	vmul.f32 v47, v17  }
0x201: {  	v33 =	vadd.f32 v44, v33;
	v44 =	vmul.f32 v49, v17;
	v37 =	vmul.f32 v37, v17;
	[tilespmem:s9+$0xFFFFFFE0] =	vst v31  }
0x202: {  	v31 =	vadd.f32 v45, v32;
	v32 =	vmul.f32 v41, v17;
	v41 =	vmul.f32 v50, v17  }
0x203: {  	v34 =	vadd.f32 v46, v34;
	v38 =	vmul.f32 v38, v17;
	v45 =	vmul.f32 v51, v17  }
0x204: {  	v46 =	vperm.xlane v29, v7;
	v47 =	vperm.xlane v21, v7;
	v43 =	vadd.f32 v44, v43  }
0x205: {  	v48 =	vperm.xlane v23, v7;
	v44 =	vperm.xlane v22, v7;
	v36 =	vadd.f32 v37, v36  }
0x206: {  	v37 =	vperm.xlane v24, v7;
	v32 =	vadd.f32 v32, v39;
	v39 =	vperm.xlane v25, v7  }
0x207: {  	v49 =	vperm.xlane v27, v7;
	v35 =	vadd.f32 v41, v35;
	v41 =	vperm.xlane v26, v7  }
0x208: {  	v38 =	vadd.f32 v38, v42;
	v42 =	vperm.xlane v28, v7;
	v40 =	vadd.f32 v45, v40  }
0x209: {  	v30 =	vmax.f32 v30, $0.0e+00;
	v45 =	vmul.f32 v46, v19;
	v46 =	vmul.f32 v47, v19  }
0x20a: {  	v44 =	vmul.f32 v44, v19;
	v47 =	vmul.f32 v48, v19;
	[tilespmem:s9+$0xFFFFFFF0] =	vst v30;
	s9 =	smov.u32 s10  }
0x20b: {  	v30 =	vadd.f32 v45, v33;
	v33 =	vmul.f32 v37, v19;
	v37 =	vmul.f32 v39, v19  }
0x20c: {  	v31 =	vadd.f32 v46, v31;
	v39 =	vmul.f32 v41, v19;
	v41 =	vmul.f32 v49, v19  }
0x20d: {  	v42 =	vmul.f32 v42, v19;
	v34 =	vadd.f32 v44, v34;
	v45 =	vperm.xlane v29, v8  }
0x20e: {  	v44 =	vperm.xlane v21, v8;
	v46 =	vperm.xlane v22, v8;
	v43 =	vadd.f32 v47, v43  }
0x20f: {  	v47 =	vperm.xlane v23, v8;
	v33 =	vadd.f32 v33, v36;
	v36 =	vperm.xlane v24, v8  }
0x210: {  	v48 =	vperm.xlane v26, v8;
	v32 =	vadd.f32 v37, v32;
	v37 =	vperm.xlane v25, v8  }
0x211: {  	v49 =	vperm.xlane v28, v8;
	v39 =	vadd.f32 v39, v35;
	v35 =	vperm.xlane v27, v8  }
0x212: {  	v40 =	vadd.f32 v42, v40;
	v45 =	vmul.f32 v45, v20;
	v41 =	vadd.f32 v41, v38  }
0x213: {  	v42 =	vmul.f32 v46, v20;
	v38 =	vmul.f32 v44, v20  }
0x214: {  	v44 =	vmul.f32 v47, v20;
	v30 =	vadd.f32 v45, v30;
	v36 =	vmul.f32 v36, v20  }
0x215: {  	v46 =	vadd.f32 v38, v31;
	v31 =	vmul.f32 v37, v20;
	v45 =	vmul.f32 v48, v20  }
0x216: {  	v38 =	vadd.f32 v42, v34;
	v34 =	vmul.f32 v35, v20;
	v42 =	vmul.f32 v49, v20  }
0x217: {  	v47 =	vperm.xlane v29, v9;
	v48 =	vperm.xlane v21, v9;
	v37 =	vadd.f32 v44, v43  }
0x218: {  	v44 =	vperm.xlane v22, v9;
	v49 =	vperm.xlane v23, v9;
	v35 =	vadd.f32 v36, v33  }
0x219: {  	v50 =	vperm.xlane v25, v9;
	v33 =	vperm.xlane v24, v9;
	v36 =	vadd.f32 v31, v32  }
0x21a: {  	v52 =	vperm.xlane v27, v9;
	v51 =	vperm.xlane v26, v9;
	v31 =	vadd.f32 v45, v39  }
.Ltmp3:
0x21b: {  	v43 =	vperm.xlane v28, v9;
	v32 =	vadd.f32 v34, v41;
	v34 =	vadd.f32 v42, v40;
	(pc) =	sbr.rel @p0 .LBB2_9-.Ltmp3, $4  }
0x21c: {  	v39 =	vmul.f32 v47, v18;
	v40 =	vmul.f32 v48, v18  }
0x21d: {  	v45 =	vmul.f32 v44, v18;
	v44 =	vmul.f32 v49, v18  }
0x21e: {  	v39 =	vadd.f32 v39, v30;
	v42 =	vmul.f32 v33, v18;
	v30 =	vmul.f32 v50, v18  }
0x21f: {  	s12 =	sadd.s32 $0xA0, s12;
	v41 =	vmul.f32 v51, v18;
	v33 =	vadd.f32 v40, v46;
	v40 =	vmul.f32 v52, v18  }
0x220: {  	v29 =	vperm.xlane v29, v10;
	v43 =	vmul.f32 v43, v18  }
0x221: {  	v38 =	vadd.f32 v45, v38;
	v21 =	vperm.xlane v21, v10;
	v22 =	vperm.xlane v22, v10  }
0x222: {  	v37 =	vadd.f32 v44, v37;
	v23 =	vperm.xlane v23, v10;
	v24 =	vperm.xlane v24, v10  }
0x223: {  	v35 =	vadd.f32 v42, v35;
	v25 =	vperm.xlane v25, v10;
	v26 =	vperm.xlane v26, v10  }
0x224: {  	v30 =	vadd.f32 v30, v36;
	v27 =	vperm.xlane v27, v10;
	v29 =	vmul.f32 v29, v11  }
0x225: {  	v28 =	vperm.xlane v28, v10;
	v31 =	vadd.f32 v41, v31;
	v21 =	vmul.f32 v21, v11  }
0x226: {  	v32 =	vadd.f32 v40, v32;
	v22 =	vmul.f32 v22, v11;
	v29 =	vadd.f32 v29, v39  }
0x227: {  	v34 =	vadd.f32 v43, v34;
	v23 =	vmul.f32 v23, v11;
	v21 =	vadd.f32 v21, v33  }
0x228: {  	v24 =	vmul.f32 v24, v11;
	v22 =	vadd.f32 v22, v38;
	v29 =	vmax.f32 v29, $0.0e+00  }
0x229: {  	v25 =	vmul.f32 v25, v11;
	v23 =	vadd.f32 v23, v37;
	v21 =	vmax.f32 v21, $0.0e+00;
	[tilespmem:s9+$0xFFFFFF70] =	vst v29  }
0x22a: {  	v26 =	vmul.f32 v26, v11;
	v24 =	vadd.f32 v24, v35;
	[tilespmem:s9+$0xFFFFFF80] =	vst v21;
	v21 =	vmax.f32 v22, $0.0e+00  }
0x22b: {  	v25 =	vadd.f32 v25, v30;
	v22 =	vmul.f32 v27, v11;
	[tilespmem:s9+$0xFFFFFF90] =	vst v21;
	v21 =	vmax.f32 v23, $0.0e+00  }
0x22c: {  	s0 =	sadd.s32 $0x1, s0;
	v26 =	vadd.f32 v26, v31;
	v23 =	vmul.f32 v28, v11;
	[tilespmem:s9+$0xFFFFFFA0] =	vst v21;
	v21 =	vmax.f32 v24, $0.0e+00  }
0x22d: {  	p0 =	sne.s32 s0, $0x3E;
	v22 =	vadd.f32 v22, v32;
	[tilespmem:s9+$0xFFFFFFB0] =	vst v21;
	v21 =	vmax.f32 v25, $0.0e+00  }
.Ltmp4:
0x22e: {  	v23 =	vadd.f32 v23, v34;
	[tilespmem:s9+$0xFFFFFFC0] =	vst v21;
	v21 =	vmax.f32 v26, $0.0e+00;
	(pc) =	sbr.rel @p0 .LBB2_6-.Ltmp4, $4  }
0x22f: {  	[tilespmem:s9+$0xFFFFFFD0] =	vst v21;
	v21 =	vmax.f32 v22, $0.0e+00  }
0x230: {  	[tilespmem:s9+$0xFFFFFFE0] =	vst v21;
	v21 =	vmax.f32 v23, $0.0e+00  }
0x231: {  	[tilespmem:s9+$0xFFFFFFF0] =	vst v21  }
0x232: {  	[spmem:s1] =	stream.indirect.scatter.add.f32 [tilespmem:s24], [sflag:$0x6], $0x10, s6, s20, $0xb8;
	[tilespmem:$0x10960] =	vst v63  }
0x233: {  	_ =	swait.ge [sflag:s28], $0x500  }
0x234: {  	[sflag:s28] =	ssyncset.done $0x0  }
0x235: {  	[sflag:s28] =	ssyncadd.s32 $0xFFFFFB00  }
0x236: {  	_ =	swait.ge [sflag:s29], $0x500  }
0x237: {  	[sflag:s29] =	ssyncset.done $0x0  }
0x238: {  	[sflag:s29] =	ssyncadd.s32 $0xFFFFFB00  }
0x239: {  	_ =	swait.ge [sflag:s30], $0x500  }
0x23a: {  	[sflag:s30] =	ssyncset.done $0x0  }
0x23b: {  	s6 =	simm.s32 $0x4E70;
	[sflag:s30] =	ssyncadd.s32 $0xFFFFFB00  }
0x23c: {  	s0 =	simm.s32 $0x5870;
	v21 =	vld [tilespmem:s6+$0x40]  }
0x23d: {  	v22 =	vld [tilespmem:s0+$0x40]  }
0x23e: {  	v23 =	vld [tilespmem:s6+$0xFFFFFFC0]  }
0x23f: {  	v24 =	vld [tilespmem:s0+$0xFFFFFFC0]  }
0x240: {  	v25 =	vld [tilespmem:s6+$0xFFFFFFD0]  }
0x241: {  	v26 =	vld [tilespmem:s6+$0xFFFFFFE0]  }
0x242: {  	v28 =	vld [tilespmem:s0+$0xFFFFFFE0]  }
0x243: {  	v31 =	vld [tilespmem:s0+$0xFFFFFFF0];
	v21 =	vadd.f32 v22, v21  }
0x244: {  	v22 =	vld [tilespmem:s0+$0xFFFFFFD0]  }
0x245: {  	v23 =	vadd.f32 v24, v23;
	v24 =	vld [tilespmem:s6+$0xFFFFFFF0];
	v27 =	vmax.f32 v21, $0.0e+00  }
0x246: {  	v21 =	vperm.xlane v27, v1;
	v29 =	vperm.xlane v27, v2  }
0x247: {  	v30 =	vperm.xlane v27, v3;
	v35 =	vperm.xlane v27, v5  }
0x248: {  	v26 =	vadd.f32 v28, v26;
	v54 =	vperm.xlane v27, v6;
	v40 =	vperm.xlane v27, v8  }
0x249: {  	v32 =	vmul.f32 v21, v12;
	v29 =	vmul.f32 v29, v13;
	v22 =	vadd.f32 v22, v25  }
0x24a: {  	v33 =	vld [tilespmem:s0+$0x0];
	v21 =	vmax.f32 v23, $0.0e+00;
	v24 =	vadd.f32 v31, v24;
	v40 =	vmul.f32 v40, v20  }
0x24b: {  	v28 =	vld [tilespmem:s6+$0x10];
	v34 =	vperm.xlane v21, v1;
	v36 =	vperm.xlane v21, v2;
	v23 =	vadd.f32 v29, v32  }
0x24c: {  	v31 =	vld [tilespmem:s0+$0x10];
	v29 =	vmul.f32 v30, v14;
	v30 =	vperm.xlane v27, v4;
	v22 =	vmax.f32 v22, $0.0e+00  }
0x24d: {  	v25 =	vld [tilespmem:s6+$0x0];
	v24 =	vmax.f32 v24, $0.0e+00;
	v37 =	vperm.xlane v22, v1;
	v39 =	vperm.xlane v22, v2  }
0x24e: {  	v58 =	vperm.xlane v24, v1;
	v59 =	vperm.xlane v24, v2  }
0x24f: {  	v34 =	vmul.f32 v34, v12;
	v36 =	vmul.f32 v36, v13  }
0x250: {  	v29 =	vadd.f32 v29, v23;
	v30 =	vmul.f32 v30, v15;
	v23 =	vmax.f32 v26, $0.0e+00  }
0x251: {  	v28 =	vadd.f32 v31, v28;
	v31 =	vperm.xlane v23, v1;
	v57 =	vperm.xlane v23, v2  }
0x252: {  	v25 =	vadd.f32 v33, v25;
	v37 =	vmul.f32 v37, v12;
	v39 =	vmul.f32 v39, v13  }
0x253: {  	v53 =	vld [tilespmem:s0+$0xFFFFFFB0];
	v33 =	vmul.f32 v58, v12;
	v29 =	vadd.f32 v30, v29;
	v30 =	vmul.f32 v35, v16  }
0x254: {  	v26 =	vld [tilespmem:s6+$0xFFFFFFB0];
	v58 =	vperm.xlane v22, v3;
	v35 =	vmul.f32 v54, v17;
	v25 =	vmax.f32 v25, $0.0e+00  }
0x255: {  	v31 =	vmul.f32 v31, v12;
	v30 =	vadd.f32 v30, v29;
	v29 =	vperm.xlane v27, v7  }
0x256: {  	v55 =	vld [tilespmem:s6+$0x20];
	v60 =	vperm.xlane v25, v1;
	v61 =	vperm.xlane v25, v2  }
0x257: {  	v38 =	vld [tilespmem:s0+$0x20];
	v42 =	vmul.f32 v29, v19;
	v29 =	vperm.xlane v27, v9  }
0x258: {  	v27 =	vperm.xlane v27, v10;
	v30 =	vadd.f32 v35, v30;
	v35 =	vmul.f32 v57, v13  }
0x259: {  	v26 =	vadd.f32 v53, v26;
	v32 =	vmul.f32 v60, v12;
	v63 =	vmul.f32 v61, v13  }
0x25a: {  	v57 =	vperm.xlane v21, v3;
	v60 =	vperm.xlane v24, v3  }
0x25b: {  	v41 =	vld [tilespmem:s6+$0x30];
	v61 =	vperm.xlane v25, v3;
	v43 =	vmul.f32 v29, v18;
	v29 =	vmax.f32 v26, $0.0e+00  }
0x25c: {  	v56 =	vld [tilespmem:s0+$0x30];
	v45 =	vmul.f32 v27, v11;
	v27 =	vadd.f32 v38, v55;
	v38 =	vmul.f32 v59, v13  }
0x25d: {  	v30 =	vadd.f32 v42, v30;
	v59 =	vperm.xlane v23, v3;
	v42 =	vmul.f32 v57, v14  }
0x25e: {  	v31 =	vadd.f32 v35, v31;
	v35 =	vmul.f32 v58, v14;
	v57 =	vperm.xlane v21, v4  }
0x25f: {  	v26 =	vmax.f32 v28, $0.0e+00;
	v58 =	vperm.xlane v22, v4;
	v44 =	vperm.xlane v29, v1  }
0x260: {  	v46 =	vperm.xlane v29, v2;
	v47 =	vperm.xlane v26, v1  }
0x261: {  	v28 =	vadd.f32 v56, v41;
	v48 =	vperm.xlane v26, v2;
	v55 =	vperm.xlane v29, v3  }
0x262: {  	v27 =	vmax.f32 v27, $0.0e+00;
	v33 =	vadd.f32 v38, v33;
	v38 =	vmul.f32 v60, v14  }
0x263: {  	v28 =	vmax.f32 v28, $0.0e+00;
	v60 =	vperm.xlane v24, v4;
	v49 =	vperm.xlane v27, v1  }
0x264: {  	v50 =	vperm.xlane v27, v2;
	v51 =	vperm.xlane v28, v1  }
0x265: {  	v34 =	vadd.f32 v36, v34;
	v44 =	vmul.f32 v44, v12;
	v62 =	vperm.xlane v28, v2  }
0x266: {  	v30 =	vadd.f32 v40, v30;
	v46 =	vmul.f32 v46, v13;
	v41 =	vmul.f32 v47, v12  }
0x267: {  	v32 =	vadd.f32 v63, v32;
	v63 =	vperm.xlane v27, v3;
	v47 =	vmul.f32 v55, v14  }
0x268: {  	v55 =	vperm.xlane v29, v4;
	v30 =	vadd.f32 v43, v30;
	v43 =	vmul.f32 v48, v13  }
0x269: {  	v33 =	vadd.f32 v38, v33;
	v38 =	vmul.f32 v60, v15;
	v60 =	vperm.xlane v24, v5  }
0x26a: {  	v37 =	vadd.f32 v39, v37;
	v52 =	vmul.f32 v49, v12;
	v53 =	vmul.f32 v50, v13  }
0x26b: {  	v34 =	vadd.f32 v42, v34;
	v54 =	vmul.f32 v51, v12;
	v56 =	vmul.f32 v62, v13  }
0x26c: {  	v62 =	vperm.xlane v26, v3;
	v51 =	vperm.xlane v28, v3;
	v30 =	vadd.f32 v45, v30  }
0x26d: {  	v41 =	vadd.f32 v43, v41;
	v43 =	vmul.f32 v57, v15;
	v57 =	vperm.xlane v21, v5  }
0x26e: {  	v33 =	vadd.f32 v38, v33;
	v38 =	vmul.f32 v60, v16;
	v60 =	vperm.xlane v22, v6  }
0x26f: {  	v45 =	vadd.f32 v53, v52;
	v52 =	vmul.f32 v59, v14;
	v53 =	vmul.f32 v61, v14  }
0x270: {  	v36 =	vadd.f32 v56, v54;
	v40 =	vmul.f32 v62, v14;
	v54 =	vmul.f32 v63, v14  }
0x271: {  	v44 =	vadd.f32 v46, v44;
	v56 =	vmul.f32 v51, v14;
	v59 =	vperm.xlane v23, v4  }
0x272: {  	v35 =	vadd.f32 v35, v37;
	v61 =	vperm.xlane v25, v4;
	v62 =	vperm.xlane v26, v4  }
0x273: {  	v44 =	vadd.f32 v47, v44;
	v63 =	vperm.xlane v27, v4;
	v51 =	vperm.xlane v28, v4  }
0x274: {  	v47 =	vmul.f32 v55, v15;
	v34 =	vadd.f32 v43, v34;
	v43 =	vperm.xlane v28, v9  }
0x275: {  	v31 =	vadd.f32 v52, v31;
	v32 =	vadd.f32 v53, v32;
	v52 =	vmul.f32 v58, v15  }
0x276: {  	v42 =	vadd.f32 v54, v45;
	v53 =	vmul.f32 v59, v15;
	v54 =	vmul.f32 v61, v15  }
0x277: {  	v40 =	vadd.f32 v40, v41;
	v46 =	vmul.f32 v62, v15;
	v55 =	vmul.f32 v63, v15  }
0x278: {  	v36 =	vadd.f32 v56, v36;
	v41 =	vmul.f32 v51, v15;
	v56 =	vperm.xlane v29, v5  }
0x279: {  	v33 =	vadd.f32 v38, v33;
	v58 =	vperm.xlane v22, v5;
	v59 =	vperm.xlane v23, v5  }
0x27a: {  	v39 =	vadd.f32 v47, v44;
	v61 =	vperm.xlane v25, v5;
	v62 =	vperm.xlane v26, v5  }
0x27b: {  	v63 =	vperm.xlane v27, v5;
	v35 =	vadd.f32 v52, v35;
	v52 =	vperm.xlane v28, v5  }
0x27c: {  	v31 =	vadd.f32 v53, v31;
	v45 =	vmul.f32 v56, v16;
	v53 =	vmul.f32 v57, v16  }
0x27d: {  	v32 =	vadd.f32 v54, v32;
	v37 =	vmul.f32 v58, v16;
	v54 =	vmul.f32 v59, v16  }
0x27e: {  	v42 =	vadd.f32 v55, v42;
	v55 =	vmul.f32 v61, v16;
	v44 =	vmul.f32 v62, v16  }
0x27f: {  	v40 =	vadd.f32 v46, v40;
	v56 =	vmul.f32 v63, v16;
	v57 =	vperm.xlane v29, v6  }
0x280: {  	v36 =	vadd.f32 v41, v36;
	v59 =	vperm.xlane v21, v6;
	v61 =	vperm.xlane v23, v6  }
0x281: {  	v62 =	vperm.xlane v24, v6;
	v63 =	vperm.xlane v25, v6;
	v39 =	vadd.f32 v45, v39  }
0x282: {  	v34 =	vadd.f32 v53, v34;
	v58 =	vmul.f32 v52, v16;
	v52 =	vperm.xlane v26, v6  }
0x283: {  	v31 =	vadd.f32 v54, v31;
	v53 =	vperm.xlane v27, v6;
	v54 =	vperm.xlane v28, v6  }
0x284: {  	v32 =	vadd.f32 v55, v32;
	v47 =	vmul.f32 v57, v17;
	v55 =	vmul.f32 v59, v17  }
0x285: {  	v42 =	vadd.f32 v56, v42;
	v56 =	vmul.f32 v60, v17;
	v57 =	vmul.f32 v61, v17  }
0x286: {  	v35 =	vadd.f32 v37, v35;
	v38 =	vmul.f32 v62, v17;
	v60 =	vperm.xlane v29, v7  }
0x287: {  	v40 =	vadd.f32 v44, v40;
	v61 =	vperm.xlane v21, v7;
	v62 =	vperm.xlane v22, v7  }
0x288: {  	v36 =	vadd.f32 v58, v36;
	v58 =	vmul.f32 v63, v17;
	v45 =	vmul.f32 v52, v17  }
0x289: {  	v39 =	vadd.f32 v47, v39;
	v59 =	vmul.f32 v53, v17;
	v44 =	vmul.f32 v54, v17  }
0x28a: {  	v34 =	vadd.f32 v55, v34;
	v63 =	vperm.xlane v23, v7;
	v52 =	vperm.xlane v24, v7  }
0x28b: {  	v35 =	vadd.f32 v56, v35;
	v53 =	vperm.xlane v25, v7;
	v54 =	vperm.xlane v26, v7  }
0x28c: {  	v31 =	vadd.f32 v57, v31;
	v55 =	vperm.xlane v27, v7;
	v56 =	vperm.xlane v28, v7  }
0x28d: {  	v33 =	vadd.f32 v38, v33;
	v46 =	vmul.f32 v60, v19;
	v57 =	vmul.f32 v61, v19  }
0x28e: {  	v37 =	vmul.f32 v62, v19;
	v61 =	vperm.xlane v29, v8;
	v32 =	vadd.f32 v58, v32  }
0x28f: {  	v40 =	vadd.f32 v45, v40;
	v58 =	vmul.f32 v63, v19;
	v38 =	vmul.f32 v52, v19  }
0x290: {  	v42 =	vadd.f32 v59, v42;
	v59 =	vmul.f32 v53, v19;
	v41 =	vmul.f32 v54, v19  }
0x291: {  	v36 =	vadd.f32 v44, v36;
	v60 =	vmul.f32 v55, v19;
	v62 =	vmul.f32 v56, v19  }
0x292: {  	v39 =	vadd.f32 v46, v39;
	v63 =	vperm.xlane v21, v8;
	v52 =	vperm.xlane v22, v8  }
0x293: {  	v34 =	vadd.f32 v57, v34;
	v53 =	vperm.xlane v23, v8;
	v54 =	vperm.xlane v24, v8  }
0x294: {  	v35 =	vadd.f32 v37, v35;
	v55 =	vperm.xlane v25, v8;
	v56 =	vperm.xlane v26, v8  }
0x295: {  	v57 =	vperm.xlane v27, v8;
	v47 =	vmul.f32 v61, v20;
	v31 =	vadd.f32 v58, v31  }
0x296: {  	v33 =	vadd.f32 v38, v33;
	v32 =	vadd.f32 v59, v32;
	v58 =	vperm.xlane v28, v8  }
0x297: {  	v42 =	vadd.f32 v60, v42;
	v59 =	vmul.f32 v63, v20;
	v60 =	vmul.f32 v52, v20  }
0x298: {  	v48 =	vadd.f32 v62, v36;
	v61 =	vmul.f32 v53, v20;
	v62 =	vmul.f32 v54, v20  }
0x299: {  	v40 =	vadd.f32 v41, v40;
	v63 =	vmul.f32 v55, v20;
	v46 =	vmul.f32 v56, v20  }
0x29a: {  	v39 =	vadd.f32 v47, v39;
	v56 =	vmul.f32 v57, v20;
	v57 =	vperm.xlane v29, v9  }
0x29b: {  	v52 =	vperm.xlane v23, v9;
	v53 =	vmax.f32 v30, $0.0e+00;
	v49 =	vadd.f32 v59, v34  }
0x29c: {  	v41 =	vmul.f32 v58, v20;
	v38 =	vadd.f32 v60, v35;
	v58 =	vperm.xlane v21, v9  }
0x29d: {  	v37 =	vadd.f32 v61, v31;
	v59 =	vperm.xlane v22, v9;
	v35 =	vadd.f32 v62, v33  }
0x29e: {  	v60 =	vperm.xlane v24, v9;
	v36 =	vadd.f32 v63, v32;
	v61 =	vperm.xlane v25, v9  }
0x29f: {  	v31 =	vadd.f32 v46, v40;
	v62 =	vperm.xlane v26, v9;
	v63 =	vperm.xlane v27, v9  }
0x2a0: {  	v32 =	vadd.f32 v56, v42;
	v30 =	vmul.f32 v57, v18;
	v44 =	vmul.f32 v52, v18  }
0x2a1: {  	v50 =	vmul.f32 v58, v18;
	v34 =	vadd.f32 v41, v48;
	v45 =	vmul.f32 v59, v18  }
0x2a2: {  	s8 =	simm.s32 $0x6270;
	v39 =	vadd.f32 v30, v39;
	v42 =	vmul.f32 v60, v18;
	v30 =	vmul.f32 v61, v18  }
0x2a3: {  	s9 =	simm.s32 $0x0;
	s10 =	simm.s32 $0x4F10;
	s6 =	simm.s32 $0x6270;
	[tilespmem:s8+$0x40] =	vst v53;
	v41 =	vmul.f32 v62, v18;
	v40 =	vmul.f32 v63, v18;
	v33 =	vadd.f32 v50, v49  }
.LBB2_12:
0x2a4: {  	v46 =	vld [tilespmem:s10+$0x40];
	v29 =	vperm.xlane v29, v10;
	v45 =	vadd.f32 v45, v38;
	v43 =	vmul.f32 v43, v18;
	s0 =	sadd.s32 $0xA0, s0  }
0x2a5: {  	s9 =	sadd.s32 $0xA, s9;
	v21 =	vperm.xlane v21, v10;
	v22 =	vperm.xlane v22, v10;
	v44 =	vadd.f32 v44, v37;
	v47 =	vld [tilespmem:s0+$0x40]  }
0x2a6: {  	v23 =	vperm.xlane v23, v10;
	v35 =	vadd.f32 v42, v35;
	v24 =	vperm.xlane v24, v10;
	p0 =	slt.u32 s9, $0x46;
	v48 =	vld [tilespmem:s0+$0xFFFFFFB0]  }
0x2a7: {  	v30 =	vadd.f32 v30, v36;
	v25 =	vperm.xlane v25, v10;
	v26 =	vperm.xlane v26, v10;
	v42 =	vld [tilespmem:s10+$0xFFFFFFC0]  }
0x2a8: {  	v27 =	vperm.xlane v27, v10;
	v28 =	vperm.xlane v28, v10;
	v31 =	vadd.f32 v41, v31;
	v36 =	vld [tilespmem:s0+$0xFFFFFFC0]  }
0x2a9: {  	v38 =	vadd.f32 v40, v32;
	v29 =	vmul.f32 v29, v11;
	v37 =	vadd.f32 v43, v34;
	v41 =	vld [tilespmem:s10+$0xFFFFFFD0]  }
0x2aa: {  	v21 =	vmul.f32 v21, v11;
	v22 =	vmul.f32 v22, v11;
	v34 =	vld [tilespmem:s0+$0xFFFFFFD0];
	v40 =	vadd.f32 v47, v46  }
0x2ab: {  	v32 =	vadd.f32 v29, v39;
	v39 =	vmul.f32 v23, v11;
	v46 =	vmul.f32 v24, v11;
	v43 =	vld [tilespmem:s10+$0xFFFFFFE0]  }
0x2ac: {  	v47 =	vmul.f32 v26, v11;
	v23 =	vld [tilespmem:s0+$0xFFFFFFE0];
	v29 =	vmax.f32 v40, $0.0e+00;
	v40 =	vmul.f32 v25, v11  }
0x2ad: {  	v24 =	vadd.f32 v36, v42;
	v25 =	vld [tilespmem:s10+$0xFFFFFFF0];
	v26 =	vperm.xlane v29, v1;
	v36 =	vperm.xlane v29, v2  }
0x2ae: {  	v50 =	vmul.f32 v27, v11;
	v33 =	vadd.f32 v21, v33;
	v49 =	vperm.xlane v29, v3;
	v42 =	vld [tilespmem:s0+$0xFFFFFFF0]  }
0x2af: {  	v27 =	vadd.f32 v34, v41;
	v41 =	vld [tilespmem:s10+$0x0];
	v26 =	vmul.f32 v26, v12;
	v36 =	vmul.f32 v36, v13  }
0x2b0: {  	v21 =	vmax.f32 v24, $0.0e+00;
	v34 =	vadd.f32 v22, v45;
	v45 =	vmul.f32 v28, v11;
	v51 =	vld [tilespmem:s0+$0x0]  }
0x2b1: {  	v28 =	vld [tilespmem:s10+$0x10];
	v24 =	vadd.f32 v36, v26;
	v26 =	vmul.f32 v49, v14;
	v36 =	vperm.xlane v29, v4  }
0x2b2: {  	v49 =	vperm.xlane v21, v1;
	v22 =	vmax.f32 v27, $0.0e+00;
	v23 =	vadd.f32 v23, v43;
	v27 =	vld [tilespmem:s0+$0x10]  }
0x2b3: {  	v43 =	vld [tilespmem:s10+$0x20];
	v24 =	vadd.f32 v26, v24;
	v26 =	vmul.f32 v36, v15;
	v36 =	vperm.xlane v29, v5  }
0x2b4: {  	v52 =	vperm.xlane v21, v2;
	v23 =	vmax.f32 v23, $0.0e+00;
	v25 =	vadd.f32 v42, v25;
	v42 =	vld [tilespmem:s0+$0x20]  }
0x2b5: {  	v54 =	vperm.xlane v29, v6;
	v53 =	vld [tilespmem:s10+$0x30];
	v26 =	vadd.f32 v26, v24;
	v36 =	vmul.f32 v36, v16  }
0x2b6: {  	v55 =	vperm.xlane v22, v1;
	v24 =	vmax.f32 v25, $0.0e+00;
	v25 =	vadd.f32 v51, v41;
	v41 =	vld [tilespmem:s0+$0x30]  }
0x2b7: {  	v51 =	vld [tilespmem:s10+$0xFFFFFFB0];
	v26 =	vadd.f32 v36, v26;
	v36 =	vmul.f32 v54, v17;
	v54 =	vperm.xlane v29, v7  }
0x2b8: {  	v56 =	vperm.xlane v22, v2;
	v25 =	vmax.f32 v25, $0.0e+00;
	v27 =	vadd.f32 v27, v28  }
0x2b9: {  	v28 =	vadd.f32 v36, v26;
	v36 =	vmul.f32 v54, v19;
	v54 =	vperm.xlane v29, v8  }
0x2ba: {  	v57 =	vperm.xlane v23, v1;
	v26 =	vmax.f32 v27, $0.0e+00;
	v27 =	vadd.f32 v42, v43  }
0x2bb: {  	v42 =	vperm.xlane v29, v9;
	v28 =	vadd.f32 v36, v28;
	v36 =	vmul.f32 v54, v20  }
0x2bc: {  	v27 =	vmax.f32 v27, $0.0e+00;
	v41 =	vadd.f32 v41, v53;
	v43 =	vadd.f32 v48, v51  }
0x2bd: {  	v42 =	vmul.f32 v42, v18;
	v48 =	vperm.xlane v29, v10;
	v36 =	vadd.f32 v36, v28  }
0x2be: {  	v28 =	vmax.f32 v41, $0.0e+00;
	v29 =	vmax.f32 v43, $0.0e+00;
	v43 =	vperm.xlane v23, v2  }
0x2bf: {  	v41 =	vperm.xlane v29, v1;
	v36 =	vadd.f32 v42, v36;
	v42 =	vmul.f32 v48, v11  }
0x2c0: {  	v39 =	vadd.f32 v39, v44;
	v51 =	vperm.xlane v24, v1;
	v48 =	vperm.xlane v29, v2  }
0x2c1: {  	v44 =	vperm.xlane v24, v2;
	v53 =	vperm.xlane v25, v1;
	v36 =	vadd.f32 v42, v36  }
0x2c2: {  	v46 =	vadd.f32 v46, v35;
	v54 =	vperm.xlane v26, v1;
	v42 =	vperm.xlane v25, v2  }
0x2c3: {  	s8 =	sadd.s32 $0xA0, s8;
	v58 =	vperm.xlane v26, v2;
	v59 =	vperm.xlane v27, v1;
	v35 =	vmax.f32 v36, $0.0e+00  }
0x2c4: {  	v60 =	vperm.xlane v27, v2;
	v61 =	vperm.xlane v28, v1;
	v36 =	vadd.f32 v40, v30;
	[tilespmem:s8+$0x40] =	vst v35  }
0x2c5: {  	v40 =	vmul.f32 v41, v12;
	v41 =	vperm.xlane v28, v2;
	v35 =	vadd.f32 v47, v31  }
0x2c6: {  	v47 =	vmul.f32 v48, v13;
	v48 =	vmul.f32 v49, v12;
	v31 =	vadd.f32 v50, v38  }
0x2c7: {  	v30 =	vadd.f32 v45, v37;
	v38 =	vmul.f32 v52, v13;
	v49 =	vmul.f32 v55, v12  }
0x2c8: {  	v45 =	vmul.f32 v57, v12;
	v37 =	vadd.f32 v47, v40;
	v40 =	vmul.f32 v56, v13  }
0x2c9: {  	v43 =	vmul.f32 v43, v13;
	v38 =	vadd.f32 v38, v48;
	v47 =	vmul.f32 v51, v12  }
0x2ca: {  	v44 =	vmul.f32 v44, v13;
	v48 =	vmul.f32 v53, v12;
	v40 =	vadd.f32 v40, v49  }
0x2cb: {  	v42 =	vmul.f32 v42, v13;
	v43 =	vadd.f32 v43, v45;
	v45 =	vmul.f32 v54, v12  }
0x2cc: {  	v44 =	vadd.f32 v44, v47;
	v47 =	vmul.f32 v58, v13;
	v49 =	vmul.f32 v59, v12  }
0x2cd: {  	v50 =	vmul.f32 v61, v12;
	v42 =	vadd.f32 v42, v48;
	v48 =	vmul.f32 v60, v13  }
0x2ce: {  	v41 =	vmul.f32 v41, v13;
	v51 =	vperm.xlane v29, v3;
	v45 =	vadd.f32 v47, v45  }
0x2cf: {  	v52 =	vperm.xlane v22, v3;
	v47 =	vperm.xlane v21, v3;
	v48 =	vadd.f32 v48, v49  }
0x2d0: {  	v53 =	vperm.xlane v24, v3;
	v41 =	vadd.f32 v41, v50;
	v49 =	vperm.xlane v23, v3  }
0x2d1: {  	v32 =	vmax.f32 v32, $0.0e+00;
	v54 =	vperm.xlane v26, v3;
	v50 =	vperm.xlane v25, v3  }
0x2d2: {  	v55 =	vperm.xlane v27, v3;
	v56 =	vperm.xlane v28, v3;
	[tilespmem:s6+$0xFFFFFFB0] =	vst v32;
	v32 =	vmax.f32 v33, $0.0e+00  }
0x2d3: {  	v47 =	vmul.f32 v47, v14;
	v33 =	vmul.f32 v51, v14;
	[tilespmem:s6+$0xFFFFFFC0] =	vst v32;
	v32 =	vmax.f32 v34, $0.0e+00  }
0x2d4: {  	v49 =	vmul.f32 v49, v14;
	v34 =	vmul.f32 v52, v14;
	[tilespmem:s6+$0xFFFFFFD0] =	vst v32;
	v32 =	vmax.f32 v39, $0.0e+00  }
0x2d5: {  	v33 =	vadd.f32 v33, v37;
	v37 =	vmul.f32 v53, v14;
	v39 =	vmul.f32 v50, v14;
	[tilespmem:s6+$0xFFFFFFE0] =	vst v32  }
0x2d6: {  	v32 =	vadd.f32 v47, v38;
	v38 =	vmul.f32 v54, v14;
	v47 =	vmul.f32 v55, v14  }
0x2d7: {  	v50 =	vperm.xlane v29, v4;
	v34 =	vadd.f32 v34, v40;
	v40 =	vmul.f32 v56, v14  }
0x2d8: {  	v43 =	vadd.f32 v49, v43;
	v51 =	vperm.xlane v21, v4;
	v52 =	vperm.xlane v22, v4  }
0x2d9: {  	v49 =	vperm.xlane v23, v4;
	v37 =	vadd.f32 v37, v44;
	v44 =	vperm.xlane v24, v4  }
0x2da: {  	v53 =	vperm.xlane v26, v4;
	v39 =	vadd.f32 v39, v42;
	v42 =	vperm.xlane v25, v4  }
0x2db: {  	v54 =	vperm.xlane v28, v4;
	v38 =	vadd.f32 v38, v45;
	v45 =	vperm.xlane v27, v4  }
0x2dc: {  	v50 =	vmul.f32 v50, v15;
	v47 =	vadd.f32 v47, v48;
	v40 =	vadd.f32 v40, v41  }
0x2dd: {  	v46 =	vmax.f32 v46, $0.0e+00;
	v41 =	vmul.f32 v51, v15;
	v48 =	vmul.f32 v52, v15  }
0x2de: {  	v49 =	vmul.f32 v49, v15;
	v33 =	vadd.f32 v50, v33;
	v44 =	vmul.f32 v44, v15;
	[tilespmem:s6+$0xFFFFFFF0] =	vst v46  }
0x2df: {  	v32 =	vadd.f32 v41, v32;
	v41 =	vmul.f32 v42, v15;
	v42 =	vmul.f32 v53, v15  }
0x2e0: {  	v34 =	vadd.f32 v48, v34;
	v45 =	vmul.f32 v45, v15;
	v46 =	vmul.f32 v54, v15  }
0x2e1: {  	v43 =	vadd.f32 v49, v43;
	v50 =	vperm.xlane v21, v5;
	v48 =	vperm.xlane v29, v5  }
0x2e2: {  	v49 =	vperm.xlane v22, v5;
	v51 =	vperm.xlane v23, v5;
	v37 =	vadd.f32 v44, v37  }
0x2e3: {  	v44 =	vperm.xlane v24, v5;
	v39 =	vadd.f32 v41, v39;
	v41 =	vperm.xlane v25, v5  }
0x2e4: {  	v52 =	vperm.xlane v27, v5;
	v38 =	vadd.f32 v42, v38;
	v42 =	vperm.xlane v26, v5  }
0x2e5: {  	v45 =	vadd.f32 v45, v47;
	v40 =	vadd.f32 v46, v40;
	v46 =	vperm.xlane v28, v5  }
0x2e6: {  	v36 =	vmax.f32 v36, $0.0e+00;
	v47 =	vmul.f32 v48, v16;
	v48 =	vmul.f32 v50, v16  }
0x2e7: {  	v35 =	vmax.f32 v35, $0.0e+00;
	v49 =	vmul.f32 v49, v16;
	v50 =	vmul.f32 v51, v16;
	[tilespmem:s6+$0x0] =	vst v36  }
0x2e8: {  	v33 =	vadd.f32 v47, v33;
	v41 =	vmul.f32 v41, v16;
	v36 =	vmul.f32 v44, v16;
	[tilespmem:s6+$0x10] =	vst v35  }
0x2e9: {  	v32 =	vadd.f32 v48, v32;
	v35 =	vmul.f32 v42, v16;
	v42 =	vmul.f32 v52, v16  }
0x2ea: {  	v34 =	vadd.f32 v49, v34;
	v46 =	vmul.f32 v46, v16;
	v44 =	vperm.xlane v29, v6  }
0x2eb: {  	v47 =	vperm.xlane v21, v6;
	v48 =	vperm.xlane v22, v6;
	v43 =	vadd.f32 v50, v43  }
0x2ec: {  	v49 =	vperm.xlane v23, v6;
	v36 =	vadd.f32 v36, v37;
	v37 =	vperm.xlane v24, v6  }
0x2ed: {  	v50 =	vperm.xlane v26, v6;
	v39 =	vadd.f32 v41, v39;
	v41 =	vperm.xlane v25, v6  }
0x2ee: {  	v51 =	vperm.xlane v28, v6;
	v35 =	vadd.f32 v35, v38;
	v38 =	vperm.xlane v27, v6  }
0x2ef: {  	v40 =	vadd.f32 v46, v40;
	v44 =	vmul.f32 v44, v17;
	v42 =	vadd.f32 v42, v45  }
0x2f0: {  	v31 =	vmax.f32 v31, $0.0e+00;
	v46 =	vmul.f32 v48, v17;
	v45 =	vmul.f32 v47, v17  }
0x2f1: {  	v33 =	vadd.f32 v44, v33;
	v44 =	vmul.f32 v49, v17;
	v37 =	vmul.f32 v37, v17;
	[tilespmem:s6+$0x20] =	vst v31  }
0x2f2: {  	v31 =	vadd.f32 v45, v32;
	v32 =	vmul.f32 v41, v17;
	v41 =	vmul.f32 v50, v17  }
0x2f3: {  	v34 =	vadd.f32 v46, v34;
	v38 =	vmul.f32 v38, v17;
	v45 =	vmul.f32 v51, v17  }
0x2f4: {  	v46 =	vperm.xlane v29, v7;
	v47 =	vperm.xlane v21, v7;
	v43 =	vadd.f32 v44, v43  }
0x2f5: {  	v48 =	vperm.xlane v23, v7;
	v44 =	vperm.xlane v22, v7;
	v36 =	vadd.f32 v37, v36  }
0x2f6: {  	v37 =	vperm.xlane v24, v7;
	v32 =	vadd.f32 v32, v39;
	v39 =	vperm.xlane v25, v7  }
0x2f7: {  	v49 =	vperm.xlane v27, v7;
	v35 =	vadd.f32 v41, v35;
	v41 =	vperm.xlane v26, v7  }
0x2f8: {  	v38 =	vadd.f32 v38, v42;
	v42 =	vperm.xlane v28, v7;
	v40 =	vadd.f32 v45, v40  }
0x2f9: {  	v30 =	vmax.f32 v30, $0.0e+00;
	v45 =	vmul.f32 v46, v19;
	v46 =	vmul.f32 v47, v19  }
0x2fa: {  	v44 =	vmul.f32 v44, v19;
	v47 =	vmul.f32 v48, v19;
	[tilespmem:s6+$0x30] =	vst v30;
	s6 =	smov.u32 s8  }
0x2fb: {  	v30 =	vadd.f32 v45, v33;
	v33 =	vmul.f32 v37, v19;
	v37 =	vmul.f32 v39, v19  }
0x2fc: {  	v31 =	vadd.f32 v46, v31;
	v39 =	vmul.f32 v41, v19;
	v41 =	vmul.f32 v49, v19  }
0x2fd: {  	v42 =	vmul.f32 v42, v19;
	v34 =	vadd.f32 v44, v34;
	v45 =	vperm.xlane v29, v8  }
0x2fe: {  	v44 =	vperm.xlane v21, v8;
	v46 =	vperm.xlane v22, v8;
	v43 =	vadd.f32 v47, v43  }
0x2ff: {  	v47 =	vperm.xlane v23, v8;
	v33 =	vadd.f32 v33, v36;
	v36 =	vperm.xlane v24, v8  }
0x300: {  	v48 =	vperm.xlane v26, v8;
	v32 =	vadd.f32 v37, v32;
	v37 =	vperm.xlane v25, v8  }
0x301: {  	v49 =	vperm.xlane v28, v8;
	v39 =	vadd.f32 v39, v35;
	v35 =	vperm.xlane v27, v8  }
0x302: {  	v40 =	vadd.f32 v42, v40;
	v45 =	vmul.f32 v45, v20;
	v41 =	vadd.f32 v41, v38  }
0x303: {  	v42 =	vmul.f32 v46, v20;
	v38 =	vmul.f32 v44, v20  }
0x304: {  	v44 =	vmul.f32 v47, v20;
	v30 =	vadd.f32 v45, v30;
	v36 =	vmul.f32 v36, v20  }
0x305: {  	v46 =	vadd.f32 v38, v31;
	v31 =	vmul.f32 v37, v20;
	v45 =	vmul.f32 v48, v20  }
0x306: {  	v38 =	vadd.f32 v42, v34;
	v34 =	vmul.f32 v35, v20;
	v42 =	vmul.f32 v49, v20  }
0x307: {  	v47 =	vperm.xlane v29, v9;
	v48 =	vperm.xlane v21, v9;
	v37 =	vadd.f32 v44, v43  }
0x308: {  	v44 =	vperm.xlane v22, v9;
	v49 =	vperm.xlane v23, v9;
	v35 =	vadd.f32 v36, v33  }
0x309: {  	v50 =	vperm.xlane v25, v9;
	v33 =	vperm.xlane v24, v9;
	v36 =	vadd.f32 v31, v32  }
0x30a: {  	v52 =	vperm.xlane v27, v9;
	v51 =	vperm.xlane v26, v9;
	v31 =	vadd.f32 v45, v39  }
.Ltmp5:
0x30b: {  	v43 =	vperm.xlane v28, v9;
	v32 =	vadd.f32 v34, v41;
	v34 =	vadd.f32 v42, v40;
	(pc) =	sbr.rel @p0 .LBB2_12-.Ltmp5, $4  }
0x30c: {  	v39 =	vmul.f32 v47, v18;
	v40 =	vmul.f32 v48, v18  }
0x30d: {  	v45 =	vmul.f32 v44, v18;
	v44 =	vmul.f32 v49, v18  }
0x30e: {  	v39 =	vadd.f32 v39, v30;
	v42 =	vmul.f32 v33, v18;
	v30 =	vmul.f32 v50, v18  }
0x30f: {  	s10 =	sadd.s32 $0xA0, s10;
	v41 =	vmul.f32 v51, v18;
	v33 =	vadd.f32 v40, v46;
	v40 =	vmul.f32 v52, v18  }
0x310: {  	v12 =	vperm.xlane v29, v10  }
0x311: {  	v13 =	vmul.f32 v43, v18;
	v15 =	vperm.xlane v21, v10  }
0x312: {  	v14 =	vadd.f32 v45, v38;
	v16 =	vperm.xlane v22, v10;
	v45 =	vperm.xlane v23, v10  }
0x313: {  	v19 =	vperm.xlane v24, v10;
	v46 =	vperm.xlane v25, v10  }
0x314: {  	v17 =	vadd.f32 v44, v37;
	v47 =	vperm.xlane v26, v10;
	v49 =	vperm.xlane v27, v10  }
0x315: {  	v20 =	vadd.f32 v42, v35;
	v51 =	vperm.xlane v28, v10;
	v12 =	vmul.f32 v12, v11  }
0x316: {  	v48 =	vadd.f32 v30, v36;
	v15 =	vmul.f32 v15, v11;
	v16 =	vmul.f32 v16, v11  }
0x317: {  	v13 =	vadd.f32 v13, v34;
	v18 =	vmul.f32 v45, v11;
	v12 =	vadd.f32 v12, v39  }
0x318: {  	v19 =	vmul.f32 v19, v11;
	v53 =	vmul.f32 v46, v11;
	v15 =	vadd.f32 v15, v33  }
0x319: {  	v55 =	vmul.f32 v47, v11;
	v14 =	vadd.f32 v16, v14;
	v12 =	vmax.f32 v12, $0.0e+00  }
0x31a: {  	v58 =	vmul.f32 v49, v11;
	v17 =	vadd.f32 v18, v17;
	v54 =	vmax.f32 v15, $0.0e+00;
	[tilespmem:s6+$0xFFFFFFB0] =	vst v12  }
0x31b: {  	v11 =	vmul.f32 v51, v11;
	v56 =	vadd.f32 v19, v20;
	v57 =	vmax.f32 v14, $0.0e+00;
	[tilespmem:s6+$0xFFFFFFC0] =	vst v54  }
0x31c: {  	v50 =	vadd.f32 v41, v31;
	v16 =	vadd.f32 v53, v48;
	v59 =	vmax.f32 v17, $0.0e+00;
	[tilespmem:s6+$0xFFFFFFD0] =	vst v57  }
0x31d: {  	v52 =	vadd.f32 v40, v32;
	v11 =	vadd.f32 v11, v13;
	v60 =	vmax.f32 v56, $0.0e+00;
	[tilespmem:s6+$0xFFFFFFE0] =	vst v59  }
0x31e: {  	v15 =	vadd.f32 v55, v50;
	v61 =	vmax.f32 v16, $0.0e+00;
	[tilespmem:s6+$0xFFFFFFF0] =	vst v60  }
0x31f: {  	v14 =	vadd.f32 v58, v52;
	v11 =	vmax.f32 v11, $0.0e+00;
	[tilespmem:s6+$0x0] =	vst v61  }
0x320: {  	[tilespmem:s6+$0x30] =	vst v11;
	v62 =	vmax.f32 v15, $0.0e+00  }
0x321: {  	v63 =	vmax.f32 v14, $0.0e+00;
	[tilespmem:s6+$0x10] =	vst v62  }
0x322: {  	s0 =	simm.s32 $0x4DD0;
	[tilespmem:s6+$0x20] =	vst v63  }
0x323: {  	[spmem:s1] =	stream.indirect.scatter.add.f32 [tilespmem:s23], [sflag:$0x5], $0x10, s0, s20, $0xb8;
	[tilespmem:$0x10960] =	vst v63  }
0x324: {  	_ =	swait.ge [sflag:s30], $0x500  }
0x325: {  	[sflag:s30] =	ssyncset.done $0x0  }
0x326: {  	[sflag:s30] =	ssyncadd.s32 $0xFFFFFB00  }
0x327: {  	_ =	swait.ge [sflag:s14], $0x500  }
0x328: {  	[sflag:s14] =	ssyncset.done $0x0  }
0x329: {  	[sflag:s14] =	ssyncadd.s32 $0xFFFFFB00  }
0x32a: {  	[bflag:$0x0] =	sbarrier.arrive $0xFFFF  }
0x32b: {  	s12 =	sshrl.u32 s7, $0x3;
	s13 =	rddreg [dreg:$0xb]  }
0x32c: {  	[hbm:s13], [sflag:s16] =	dma.local [spmem:s12], $0x4E2  }
0x32d: {  	_ =	swait.ge [sflag:s15], $0x4E2  }
0x32e: {  	s5 =	sadd.s32 $0x1, s5;
	s16 =	rddreg [dreg:$0xc]  }
0x32f: {  	p0 =	sne.s32 s5, s16  }
.Ltmp6:
0x330: {  	_ = 	snop;
	(pc) =	sbr.rel @p0 .LBB2_1-.Ltmp6, $3  }
0x331: {  	_ =	sdelay $0x1  }
0x332: {  	[sflag:s15] =	ssyncset.done $0x0  }
0x333: {  	[sflag:s15] =	ssyncadd.s32 $0xFFFFFB1E  }
0x334: {  	_ =	sfence.sel $0x180000  }
0x335: {  	[bflag:$0x0] =	sbarrier.arrive $0xFFFF  }
0x336: {  	_ =	strace $0x9000004A  }
0x337: {  	s0 =	stileid.u32;
	[bflag:$0x2] =	sbarrier.arrive $0xFFFF  }
0x338: {  	p0 =	sne.s32 s0, $0x0;
	s0 =	rddreg [dreg:$0x5]  }
0x339: {  	s0 =	sadd.s32 @!p0 $0x100000, s0  }
0x33a: {  	[sflag:s0] =	ssyncadd.tile.s32 @!p0 $0x1;
	_ =	shalt  }
.Lfunc_end2:
_tile_overlayer_lowered:
.L_overlay_start_2:
0x33b: {  	(tag) =	ssettag $0x2  }
0x33c: {  	s0 =	rddreg [dreg:$0x0];
	s2 =	stileid.u32  }
0x33d: {  	s1 =	rddreg [dreg:$0x1];
	p0 =	sne.s32 s2, $0x0  }
0x33e: {  	s3 =	rddreg [dreg:$0x2];
	[bflag:$0x3] =	sbarrier.arrive $0xFFFF;
	s2 =	simm.s32 @!p0 $0x1C07  }
0x33f: {  	[timem:s3], [sflag:s2] =	dma.local @!p0 [hbm:s0], s1  }
0x340: {  	s0 =	simm.s32 @!p0 $0x7  }
0x341: {  	_ =	swait.ge @!p0 [sflag:s0], s1  }
0x342: {  	s1 =	ssub.s32 @!p0 $0x0, s1;
	[sflag:s0] =	ssyncset.done @!p0 $0x0  }
0x343: {  	[sflag:s0] =	ssyncadd.s32 @!p0 s1  }
0x344: {  	[bflag:$0x3] =	sbarrier.arrive $0xFFFF  }
0x345: {  	_ =	shalt  }

// kernel: kernel.7.cloned.1.call-start
scs
__scs_entry_jumppad:
0x0: {  	(pc) =	sbr.rel $0x88, $3  }
0x1: {  	(tag) =	ssettag $0x0;
	lr =	simm.s32 $0x1  }
0x2: {  	[smem:$0x3F99] =	sst lr;
	_ =	strace $0xD0000000  }
0x3: {  	_ = 	snop  }
0x4: {  	_ = 	snop  }
0x5: {  	_ = 	snop  }
0x6: {  	_ = 	snop  }
0x7: {  	_ = 	snop  }
__scs_overlays_trampoline_lowered:
0x8: {  	[smem:$0x3FA8] =	sst s0  }
0x9: {  	[smem:$0x3FA9] =	sst s1  }
0xa: {  	[smem:$0x3FAA] =	sst s2  }
0xb: {  	[smem:$0x3FAB] =	sst s3  }
0xc: {  	[smem:$0x3FAC] =	sst s4  }
0xd: {  	[smem:$0x3FAD] =	sst s5  }
0xe: {  	[smem:$0x3FAE] =	sst s6  }
0xf: {  	[smem:$0x3FAF] =	sst s7  }
0x10: {  	[smem:$0x3FB0] =	sst s8  }
0x11: {  	[smem:$0x3FB1] =	sst s9;
	s0 =	simm.s32 @!p0 $0x0  }
0x12: {  	s1 =	sld [smem:$0x3F97];
	s0 =	simm.s32 @p0 $0x1  }
0x13: {  	[smem:$0x3FB2] =	sst s0;
	s0 =	simm.s32 @!p1 $0x0  }
0x14: {  	s2 =	sld [smem:$0x3F96];
	s0 =	simm.s32 @p1 $0x1  }
0x15: {  	[smem:$0x3FB3] =	sst s0;
	s0 =	simm.s32 @!p2 $0x0  }
0x16: {  	s3 =	sld [smem:$0x3FDB];
	s0 =	simm.s32 @p2 $0x1  }
0x17: {  	s4 =	simm.s32 $0x1BF5;
	[smem:$0x3FB5] =	sst s0  }
0x18: {  	s0 =	sld [smem:$0x3F98];
	_ =	swait.ge [sflag:s4], $0x0  }
0x19: {  	s7 =	sld [smem:$0x3F99]  }
0x1a: {  	s8 =	sadd.s32 $0xFFFFE003, lr  }
0x1b: {  	s9 =	sadd.s32 $0xFFFFFEF7, lr;
	s5 =	simm.s32 $0xFFFFFFFF;
	p2 =	slt.u32 s8, $0xFFFFF086  }
0x1c: {  	p1 =	slt.u32 s9, $0xF7A;
	s5 =	simm.s32 @!p2 $0x0  }
0x1d: {  	s5 =	simm.s32 @p1 $0x1;
	p0 =	seq.s32 s7, s2  }
0x1e: {  	s7 =	smul.u32 @!p0 $0xF7A, s2;
	p2 =	seq.s32 @!p0 s5, $0x0  }
0x1f: {  	s9 =	smul.u32 $0xF7A, s1;
	s8 =	simm.s32 @!p0 $0x1BF5;
	p2 =	por !p2, p0  }
0x20: {  	[sflag:s8] =	ssyncset.s32 @!p0 $0xFFFFF086;
	s6 =	sadd.s32 @!p0 s3, s7;
	s7 =	simm.s32 @!p0 $0x108  }
0x21: {  	s3 =	sadd.s32 s3, s9;
	s6 =	sadd.s32 @!p0 $0x88, s6;
	s7 =	simm.s32 @p2 $0x1082  }
0x22: {  	[simem:s7], [sflag:s8] =	dma.local @!p0 [hbm:s6], $0xF7A  }
0x23: {  	s9 =	sor.u32 $0xD0000000, s2;
	s6 =	simm.s32 $0x108;
	_ =	swait.ge @!p0 [sflag:s8], $0x0  }
0x24: {  	s3 =	sadd.s32 $0x88, s3;
	s6 =	simm.s32 @!p1 $0x1082;
	[sflag:s4] =	ssyncset.s32 $0xFFFFF086  }
0x25: {  	[simem:s6], [sflag:s4] =	dma.local [hbm:s3], $0xF7A  }
0x26: {  	[smem:$0x3F99] =	sst s1;
	(tag) =	ssettag s2;
	_ =	strace s9  }
0x27: {  	s1 =	sld [smem:$0x3FA9]  }
0x28: {  	s2 =	sld [smem:$0x3FAA]  }
0x29: {  	s4 =	sld [smem:$0x3FAC]  }
0x2a: {  	p0 =	seq.s32 s5, $0x0;
	s5 =	sld [smem:$0x3FAD]  }
0x2b: {  	s6 =	sld [smem:$0x3FAE]  }
0x2c: {  	s7 =	sld [smem:$0x3FAF]  }
0x2d: {  	s3 =	simm.s32 $0x108;
	s8 =	sld [smem:$0x3FB0]  }
0x2e: {  	s3 =	simm.s32 @!p0 $0x1082;
	s9 =	sld [smem:$0x3FB1]  }
0x2f: {  	lr =	sadd.s32 s0, s3;
	s0 =	sld [smem:$0x3FA8]  }
0x30: {  	s3 =	sld [smem:$0x3FAB]  }
0x31: {  	[smem:$0x3FB4] =	sst s10  }
0x32: {  	s10 =	sld [smem:$0x3FB2];
	_ =	sdelay $0x3  }
0x33: {  	p0 =	seq.s32 s10, $0x1;
	s10 =	sld [smem:$0x3FB4];
	_ =	sdelay $0x3  }
0x34: {  	[smem:$0x3FB4] =	sst s10  }
0x35: {  	s10 =	sld [smem:$0x3FB3];
	_ =	sdelay $0x3  }
0x36: {  	p1 =	seq.s32 s10, $0x1;
	s10 =	sld [smem:$0x3FB4];
	_ =	sdelay $0x3  }
0x37: {  	[smem:$0x3FB4] =	sst s10  }
0x38: {  	s10 =	sld [smem:$0x3FB5]  }
0x39: {  	_ = 	snop;
	(pc) =	sbr.ind lr, $3  }
0x3a: {  	_ = 	snop  }
0x3b: {  	_ = 	snop  }
0x3c: {  	p2 =	seq.s32 s10, $0x1;
	s10 =	sld [smem:$0x3FB4]  }
0x3d: {  	_ =	shalt  }
0x3e: {  	_ =	shalt  }
0x3f: {  	_ =	shalt  }
0x40: {  	_ =	shalt  }
0x41: {  	_ =	shalt  }
0x42: {  	_ =	shalt  }
0x43: {  	_ =	shalt  }
0x44: {  	_ =	shalt  }
0x45: {  	_ =	shalt  }
0x46: {  	_ =	shalt  }
0x47: {  	_ =	shalt  }
0x48: {  	_ =	shalt  }
0x49: {  	_ =	shalt  }
0x4a: {  	_ =	shalt  }
0x4b: {  	_ =	shalt  }
0x4c: {  	_ =	shalt  }
0x4d: {  	_ =	shalt  }
0x4e: {  	_ =	shalt  }
0x4f: {  	_ =	shalt  }
0x50: {  	_ =	shalt  }
0x51: {  	_ =	shalt  }
0x52: {  	_ =	shalt  }
0x53: {  	_ =	shalt  }
0x54: {  	_ =	shalt  }
0x55: {  	_ =	shalt  }
0x56: {  	_ =	shalt  }
0x57: {  	_ =	shalt  }
0x58: {  	_ =	shalt  }
0x59: {  	_ =	shalt  }
0x5a: {  	_ =	shalt  }
0x5b: {  	_ =	shalt  }
0x5c: {  	_ =	shalt  }
0x5d: {  	_ =	shalt  }
0x5e: {  	_ =	shalt  }
0x5f: {  	_ =	shalt  }
0x60: {  	_ =	shalt  }
0x61: {  	_ =	shalt  }
0x62: {  	_ =	shalt  }
0x63: {  	_ =	shalt  }
0x64: {  	_ =	shalt  }
0x65: {  	_ =	shalt  }
0x66: {  	_ =	shalt  }
0x67: {  	_ =	shalt  }
0x68: {  	_ =	shalt  }
0x69: {  	_ =	shalt  }
0x6a: {  	_ =	shalt  }
0x6b: {  	_ =	shalt  }
0x6c: {  	_ =	shalt  }
0x6d: {  	_ =	shalt  }
0x6e: {  	_ =	shalt  }
0x6f: {  	_ =	shalt  }
0x70: {  	_ =	shalt  }
0x71: {  	_ =	shalt  }
0x72: {  	_ =	shalt  }
0x73: {  	_ =	shalt  }
0x74: {  	_ =	shalt  }
0x75: {  	_ =	shalt  }
0x76: {  	_ =	shalt  }
0x77: {  	_ =	shalt  }
0x78: {  	_ =	shalt  }
0x79: {  	_ =	shalt  }
0x7a: {  	_ =	shalt  }
0x7b: {  	_ =	shalt  }
0x7c: {  	_ =	shalt  }
0x7d: {  	_ =	shalt  }
0x7e: {  	_ =	shalt  }
0x7f: {  	_ =	shalt  }
0x80: {  	_ =	shalt  }
0x81: {  	_ =	shalt  }
0x82: {  	_ =	shalt  }
0x83: {  	_ =	shalt  }
0x84: {  	_ =	shalt  }
0x85: {  	_ =	shalt  }
0x86: {  	_ =	shalt  }
0x87: {  	_ =	shalt  }
.Lfunc_end0:
.L_simem_size_0:
called_computation_lowered:
.L_overlay_start_0:
0x88: {  	s2 =	sld [smem:$0x3FD9]  }
0x89: {  	s3 =	sld [smem:$0x3FFE];
	_ =	sdelay $0x1  }
0x8a: {  	s1 =	srdreg.scid  }
0x8b: {  	s0 =	sand.u32 $0x1, s1  }
0x8c: {  	s17 =	sshll.u32 s0, $0xA;
	s2 =	sadd.s32 s3, s2  }
0x8d: {  	s2 =	sadd.s32 s2, s17  }
0x8e: {  	[smem:$0x3FC0] =	sst s2  }
0x8f: {  	_ = 	snop  }
0x90: {  	s2 =	sld [smem:$0x3FD0];
	(tm) =	ssettm $0x1  }
0x91: {  	s18 =	sld [smem:$0x3FFB];
	_ =	sdelay $0x3  }
0x92: {  	_ =	strace s18  }
0x93: {  	s3 =	sld [smem:$0x3FFC];
	_ =	sdelay $0x3  }
0x94: {  	_ =	strace s3  }
0x95: {  	s3 =	sld [smem:$0x3FFD];
	_ =	sdelay $0x3  }
0x96: {  	_ =	strace s3  }
0x97: {  	_ =	strace $0x8FFFFFFF  }
0x98: {  	s19 =	sld [smem:$0x3FDB];
	_ =	sdelay $0x1  }
0x99: {  	s4 =	simm.s32 $_scs_section_size  }
0x9a: {  	s5 =	simm.s32 $_size__tile_overlayer_lowered;
	s6 =	simm.s32 $_tile_overlayer_lowered  }
0x9b: {  	s22 =	simm.s32 $0x1BFF;
	s21 =	sshll.u32 s6, $0x1;
	s3 =	sadd.s32 s4, s19  }
0x9c: {  	s7 =	simm.s32 $0x0;
	s20 =	sshll.u32 s5, $0x1;
	s5 =	sadd.s32 s21, s3  }
0x9d: {  	[timem:s7], [sflag:s22] =	dma.local [hbm:s5], s20  }
0x9e: {  	_ =	swait.ge [sflag:s22], s20  }
0x9f: {  	s4 =	ssub.s32 $0x0, s20;
	[sflag:s22] =	ssyncset.done $0x0  }
0xa0: {  	[sflag:s22] =	ssyncadd.s32 s4;
	_ =	sdelay $0x1  }
0xa1: {  	s23 =	simm.s32 $0x1B8B  }
0xa2: {  	_ =	swait.ge [sflag:s23], $0x1  }
0xa3: {  	[sflag:s23] =	ssyncset.done $0x0  }
0xa4: {  	s25 =	simm.s32 $0x1B8E;
	s24 =	sld [smem:$0x3FFE];
	[sflag:s23] =	ssyncadd.s32 $0xFFFFFFFF  }
0xa5: {  	s26 =	simm.s32 $execute0_lowered;
	[smem:$0x3FD2] =	sst s25  }
0xa6: {  	s5 =	sshll.u32 s26, $0x1;
	_ =	strace $0x80000046;
	[dreg:$0x1] =	wrdreg $0xFFFFFFFF  }
0xa7: {  	s28 =	simm.s32 $_size_execute0_lowered;
	s3 =	sadd.s32 s3, s5;
	[dreg:$0x0] =	wrdreg $0x0  }
0xa8: {  	s5 =	sshll.u32 s28, $0x1;
	[dreg:$0x2] =	wrdreg s3  }
0xa9: {  	[dreg:$0x3] =	wrdreg s5  }
0xaa: {  	[dreg:$0x4] =	wrdreg $0xC0  }
0xab: {  	_ =	task [dreg:s7], $0x5FFFF  }
0xac: {  	[dreg:$0x1] =	wrdreg $0xFFFFFFFF  }
0xad: {  	[dreg:$0x0] =	wrdreg $0x60  }
0xae: {  	[dreg:$0x2] =	wrdreg s24  }
0xaf: {  	[dreg:$0x3] =	wrdreg s2  }
0xb0: {  	[dreg:$0x4] =	wrdreg $0x94300  }
0xb1: {  	[dreg:$0x5] =	wrdreg $0xBB400  }
0xb2: {  	[dreg:$0x6] =	wrdreg $0xE2500  }
0xb3: {  	[dreg:$0x7] =	wrdreg $0x9  }
0xb4: {  	_ =	task.clear_ibuf [dreg:s7], $0x8FFFF;
	_ =	strace $0x90000046  }
0xb5: {  	s29 =	simm.s32 $0x9;
	_ =	strace $0x80000048  }
0xb6: {  	_ =	swait.ge [sflag:s29], $0x1  }
0xb7: {  	[sflag:s29] =	ssyncadd.s32 $0xFFFFFFFF  }
0xb8: {  	_ =	strace $0x90000048  }
0xb9: {  	_ =	sfence  }
0xba: {  	s30 =	sld [smem:$0x0];
	_ =	sdelay $0x2  }
0xbb: {  	s31 =	sshll.u32 s1, $0xD;
	s1 =	sshrl.u32 s1, $0x2  }
0xbc: {  	s3 =	sand.u32 $0x4000, s31;
	s1 =	sadd.s32 s1, s30  }
0xbd: {  	s0 =	sor.u32 s3, s0;
	s1 =	sshll.u32 s1, $0x11  }
0xbe: {  	s0 =	sor.u32 s1, s0  }
0xbf: {  	s0 =	sadd.s32 $0x8F2B, s0  }
0xc0: {  	[sflag:s0] =	ssyncadd.remote.s32 $0x1  }
0xc1: {  	_ =	sfence.sel $0xFFFF  }
0xc2: {  	[dreg:$0x0] =	wrdreg $0xFFFFFFFF;
	(pc) =	sbr.abs _section_cstart, $3  }
0xc3: {  	[dreg:$0x1] =	wrdreg $0xFFFFFFFF  }
0xc4: {  	_ =	task.clear_ibuf [dreg:s7], $0x2FFFF;
	_ =	strace $0x9FFFFFFF  }
0xc5: {  	(tm) =	ssettm $0x7FFFFFFF  }
tec
execute0_lowered:
.L_overlay_start_1:
0x0: {  	(tag) =	ssettag $0x1  }
0x1: {  	s0 =	rddreg [dreg:$0x0]  }
0x2: {  	s2 =	rddreg [dreg:$0x1]  }
0x3: {  	s1 =	rddreg [dreg:$0x2];
	s4 =	srdreg.scid  }
0x4: {  	s3 =	rddreg [dreg:$0x3];
	s9 =	stileid.u32;
	s5 =	simm.s32 $0x0  }
0x5: {  	s15 =	simm.s32 $0x7;
	s17 =	simm.s32 $0x2710;
	s20 =	simm.s32 $0x50  }
0x6: {  	s28 =	simm.s32 $0x1;
	s29 =	simm.s32 $0x2;
	s30 =	simm.s32 $0x5  }
0x7: {  	s31 =	simm.s32 $0x3;
	s6 =	sand.u32 $0x1, s4;
	s4 =	rddreg [dreg:$0x4]  }
0x8: {  	s14 =	simm.s32 $0x6;
	s8 =	smul.u32 $0x2710, s9;
	[smem:$0x7FF] =	sst s5  }
0x9: {  	s22 =	sadd.s32 $0x15400, s0;
	s7 =	sshll.u32 s6, $0x4;
	_ =	strace $0x80000047  }
0xa: {  	s6 =	ssub.s32 $0x2, s6;
	[dreg:$0x6] =	wrdreg s22;
	s22 =	simm.s32 $0x5820  }
0xb: {  	s7 =	sor.u32 s9, s7;
	s21 =	sshrl.u32 s8, $0x3;
	s23 =	sshrl.u32 s6, $0x1  }
0xc: {  	s24 =	sadd.s32 s8, s3;
	s10 =	smul.u32 $0x4E2, s7;
	s9 =	sadd.s32 s21, s0  }
0xd: {  	s6 =	ssub.s32 s6, s23;
	s7 =	sadd.s32 s8, s1;
	s8 =	sadd.s32 s8, s4  }
0xe: {  	s18 =	sshrl.u32 s24, $0x3;
	s21 =	simm.s32 $0x4E20;
	s25 =	sadd.s32 $0x6600, s9  }
0xf: {  	s23 =	simm.s32 $0x6220;
	s9 =	sadd.s32 $0x1600, s9;
	[dreg:$0x9] =	wrdreg s25  }
0x10: {  	s24 =	simm.s32 $0x6720;
	s26 =	smax.u32 s6, $0x1;
	[dreg:$0xa] =	wrdreg s9  }
0x11: {  	v0 =	vimm.f32 $0.0e+00;
	v1 =	vimm.s32 $0x0;
	s0 =	sadd.s32 s10, s0;
	s2 =	sadd.s32 s2, s10;
	[dreg:$0xc] =	wrdreg s26  }
0x12: {  	v2 =	vimm.s32 $0x1;
	v3 =	vimm.s32 $0x2;
	v4 =	vimm.s32 $0x3;
	s19 =	sshrl.u32 s8, $0x3;
	s11 =	sadd.s32 $0xB600, s0;
	[dreg:$0x8] =	wrdreg s2  }
0x13: {  	v5 =	vimm.s32 $0x4;
	v6 =	vimm.s32 $0x5;
	v7 =	vimm.s32 $0x6;
	s25 =	simm.s32 $0x5320;
	s0 =	sadd.s32 $0x15600, s0;
	[dreg:$0x7] =	wrdreg s11  }
0x14: {  	v8 =	vimm.s32 $0x7;
	v9 =	vimm.s32 $0x8;
	v10 =	vimm.s32 $0x9;
	s26 =	simm.s32 $0x5D20;
	s2 =	simm.s32 $0x4;
	[dreg:$0xb] =	wrdreg s0  }
.LBB2_1:
0x15: {  	s0 =	simm.s32 $0x0  }
.LBB2_2:
0x16: {  	p0 =	sne.s32 s0, $0x9C00  }
.Ltmp0:
0x17: {  	_ = 	snop;
	(pc) =	sbr.rel @p0 .LBB2_2-.Ltmp0, $3  }
0x18: {  	_ =	sdelay $0x1  }
0x19: {  	s6 =	sshra.s32 s0, $0x2  }
0x1a: {  	s0 =	sadd.s32 $0x40, s0;
	[tilespmem:s6+$0x6D20] =	vst v0  }
0x1b: {  	s0 =	simm.s32 $0x40;
	s6 =	simm.s32 $0x0  }
.LBB2_4:
0x1c: {  	p0 =	sne.s32 s0, $0x13C0;
	[tilespmem:s6+$0x6220] =	vst v0;
	s8 =	smov.u32 s0;
	s0 =	sadd.s32 $0x40, s0  }
.Ltmp1:
0x1d: {  	[tilespmem:s6+$0x6720] =	vst v0;
	(pc) =	sbr.rel @p0 .LBB2_4-.Ltmp1, $2  }
0x1e: {  	_ =	sdelay $0x2  }
0x1f: {  	s6 =	sshra.s32 s8, $0x2  }
0x20: {  	[tilespmem:s6+$0x6220] =	vst v0  }
0x21: {  	[tilespmem:s6+$0x6720] =	vst v0;
	s0 =	simm.s32 $0x6D20  }
0x22: {  	[spmem:s7] =	stream.linear.scatter [tilespmem:s0], [sflag:$0x7], $0x2710, $0x38;
	[tilespmem:$0x10960] =	vst v63  }
0x23: {  	_ =	swait.ge [sflag:s15], $0x2710  }
0x24: {  	s8 =	simm.s32 $0x6C20;
	[sflag:s15] =	ssyncset.done $0x0  }
0x25: {  	s0 =	simm.s32 $0x0;
	s16 =	rddreg [dreg:$0x6];
	[sflag:s15] =	ssyncadd.s32 $0xFFFFD8F0  }
0x26: {  	[tilespmem:s8], [sflag:$0x7] =	stream.linear.gather [hbm4b:s16+s0], $0x100, $0x38;
	[tilespmem:$0x10960] =	vst v63  }
0x27: {  	_ =	swait.ge [sflag:s15], $0x100  }
0x28: {  	[sflag:s15] =	ssyncset.done $0x0  }
0x29: {  	s9 =	rddreg [dreg:$0x7];
	[sflag:s15] =	ssyncadd.s32 $0xFFFFFF00  }
0x2a: {  	[tilespmem:s0], [sflag:$0x7] =	stream.linear.gather [hbm4b:s9+s0], $0x2710, $0x38;
	[tilespmem:$0x10960] =	vst v63  }
0x2b: {  	_ =	swait.ge [sflag:s15], $0x2710  }
0x2c: {  	[sflag:s15] =	ssyncset.done $0x0  }
0x2d: {  	s10 =	rddreg [dreg:$0x8];
	[sflag:s15] =	ssyncadd.s32 $0xFFFFD8F0  }
0x2e: {  	[tilespmem:s17], [sflag:$0x7] =	stream.linear.gather [hbm4b:s10+s0], $0x2710, $0x38;
	[tilespmem:$0x10960] =	vst v63  }
0x2f: {  	s11 =	stileid.u32;
	_ =	swait.ge [sflag:s15], $0x2710  }
0x30: {  	s6 =	sshll.u32 s11, $0x6;
	[sflag:s15] =	ssyncset.done $0x0  }
0x31: {  	s16 =	sor.u32 $0x1C07, s6;
	s12 =	rddreg [dreg:$0x9];
	[sflag:s15] =	ssyncadd.s32 $0xFFFFD8F0  }
0x32: {  	[spmem:s18], [sflag:s16] =	dma.local [hbm:s12], $0x4E2  }
0x33: {  	_ =	swait.ge [sflag:s15], $0x4E2  }
0x34: {  	[sflag:s15] =	ssyncset.done $0x0  }
0x35: {  	s13 =	rddreg [dreg:$0xa];
	[sflag:s15] =	ssyncadd.s32 $0xFFFFFB1E  }
0x36: {  	[spmem:s19], [sflag:s16] =	dma.local [hbm:s13], $0x4E2  }
0x37: {  	_ =	swait.ge [sflag:s15], $0x4E2  }
0x38: {  	[sflag:s15] =	ssyncset.done $0x0  }
0x39: {  	[sflag:s15] =	ssyncadd.s32 $0xFFFFFB1E  }
0x3a: {  	[bflag:$0x0] =	sbarrier.arrive $0xFFFF  }
0x3b: {  	v12 =	vld [tilespmem:$0x6C20]  }
0x3c: {  	v13 =	vld [tilespmem:$0x6C30]  }
0x3d: {  	v14 =	vld [tilespmem:$0x6C40]  }
0x3e: {  	v15 =	vld [tilespmem:$0x6C50]  }
0x3f: {  	v16 =	vld [tilespmem:$0x6C60]  }
0x40: {  	v17 =	vld [tilespmem:$0x6C70]  }
0x41: {  	v19 =	vld [tilespmem:$0x6C80]  }
0x42: {  	v20 =	vld [tilespmem:$0x6C90]  }
0x43: {  	v18 =	vld [tilespmem:$0x6CA0]  }
0x44: {  	v11 =	vld [tilespmem:$0x6CB0];
	[tilespmem:s21], [sflag:$0x1] =	stream.indirect.gather [spmem:s3], $0x10, s17, s20, $0xb8  }
0x45: {  	_ = 	snop  }
0x46: {  	[tilespmem:s22], [sflag:$0x2] =	stream.indirect.gather [spmem:s4], $0x10, s0, s20, $0xb8;
	[tilespmem:$0x10960] =	vst v63  }
0x47: {  	_ = 	snop  }
0x48: {  	[spmem:s1] =	stream.indirect.scatter.add.f32 [tilespmem:s23], [sflag:$0x5], $0x10, s17, s20, $0xb8;
	[tilespmem:$0x10960] =	vst v63  }
0x49: {  	_ = 	snop  }
0x4a: {  	[spmem:s1] =	stream.indirect.scatter.add.f32 [tilespmem:s24], [sflag:$0x6], $0x10, s17, s20, $0xb8;
	[tilespmem:$0x10960] =	vst v63  }
.LBB2_6:
0x4b: {  	s8 =	smul.u32 $0xA0, s0;
	_ =	sdelay $0x1  }
0x4c: {  	s6 =	sadd.s32 $0x2760, s8  }
0x4d: {  	[tilespmem:s25], [sflag:$0x3] =	stream.indirect.gather [spmem:s3], $0x10, s6, s20, $0xb8;
	[tilespmem:$0x10960] =	vst v63  }
0x4e: {  	s9 =	sadd.s32 $0x50, s8  }
0x4f: {  	[tilespmem:s26], [sflag:$0x4] =	stream.indirect.gather [spmem:s4], $0x10, s9, s20, $0xb8;
	[tilespmem:$0x10960] =	vst v63  }
0x50: {  	_ =	swait.ge [sflag:s28], $0x500  }
0x51: {  	[sflag:s28] =	ssyncset.done $0x0  }
0x52: {  	[sflag:s28] =	ssyncadd.s32 $0xFFFFFB00  }
0x53: {  	_ =	swait.ge [sflag:s29], $0x500  }
0x54: {  	[sflag:s29] =	ssyncset.done $0x0  }
0x55: {  	[sflag:s29] =	ssyncadd.s32 $0xFFFFFB00  }
0x56: {  	_ =	swait.ge [sflag:s30], $0x500  }
0x57: {  	[sflag:s30] =	ssyncset.done $0x0  }
0x58: {  	s10 =	simm.s32 $0x4E70;
	[sflag:s30] =	ssyncadd.s32 $0xFFFFFB00  }
0x59: {  	s9 =	simm.s32 $0x5870;
	v21 =	vld [tilespmem:s10+$0x40]  }
0x5a: {  	v22 =	vld [tilespmem:s9+$0x40]  }
0x5b: {  	v23 =	vld [tilespmem:s10+$0xFFFFFFC0]  }
0x5c: {  	v24 =	vld [tilespmem:s9+$0xFFFFFFC0]  }
0x5d: {  	v25 =	vld [tilespmem:s10+$0xFFFFFFD0]  }
0x5e: {  	v26 =	vld [tilespmem:s10+$0xFFFFFFE0]  }
0x5f: {  	v28 =	vld [tilespmem:s9+$0xFFFFFFE0]  }
0x60: {  	v31 =	vld [tilespmem:s9+$0xFFFFFFF0];
	v21 =	vadd.f32 v22, v21  }
0x61: {  	v22 =	vld [tilespmem:s9+$0xFFFFFFD0]  }
0x62: {  	v23 =	vadd.f32 v24, v23;
	v24 =	vld [tilespmem:s10+$0xFFFFFFF0];
	v27 =	vmax.f32 v21, $0.0e+00  }
0x63: {  	v21 =	vperm.xlane v27, v1;
	v29 =	vperm.xlane v27, v2  }
0x64: {  	v30 =	vperm.xlane v27, v3;
	v35 =	vperm.xlane v27, v5  }
0x65: {  	v26 =	vadd.f32 v28, v26;
	v54 =	vperm.xlane v27, v6;
	v40 =	vperm.xlane v27, v8  }
0x66: {  	v32 =	vmul.f32 v21, v12;
	v29 =	vmul.f32 v29, v13;
	v22 =	vadd.f32 v22, v25  }
0x67: {  	v33 =	vld [tilespmem:s9+$0x0];
	v21 =	vmax.f32 v23, $0.0e+00;
	v24 =	vadd.f32 v31, v24;
	v40 =	vmul.f32 v40, v20  }
0x68: {  	v28 =	vld [tilespmem:s10+$0x10];
	v34 =	vperm.xlane v21, v1;
	v36 =	vperm.xlane v21, v2;
	v23 =	vadd.f32 v29, v32  }
0x69: {  	v31 =	vld [tilespmem:s9+$0x10];
	v29 =	vmul.f32 v30, v14;
	v30 =	vperm.xlane v27, v4;
	v22 =	vmax.f32 v22, $0.0e+00  }
0x6a: {  	v25 =	vld [tilespmem:s10+$0x0];
	v24 =	vmax.f32 v24, $0.0e+00;
	v37 =	vperm.xlane v22, v1;
	v39 =	vperm.xlane v22, v2  }
0x6b: {  	v58 =	vperm.xlane v24, v1;
	v59 =	vperm.xlane v24, v2  }
0x6c: {  	v34 =	vmul.f32 v34, v12;
	v36 =	vmul.f32 v36, v13  }
0x6d: {  	v29 =	vadd.f32 v29, v23;
	v30 =	vmul.f32 v30, v15;
	v23 =	vmax.f32 v26, $0.0e+00  }
0x6e: {  	v28 =	vadd.f32 v31, v28;
	v31 =	vperm.xlane v23, v1;
	v57 =	vperm.xlane v23, v2  }
0x6f: {  	v25 =	vadd.f32 v33, v25;
	v37 =	vmul.f32 v37, v12;
	v39 =	vmul.f32 v39, v13  }
0x70: {  	v53 =	vld [tilespmem:s9+$0xFFFFFFB0];
	v33 =	vmul.f32 v58, v12;
	v29 =	vadd.f32 v30, v29;
	v30 =	vmul.f32 v35, v16  }
0x71: {  	v26 =	vld [tilespmem:s10+$0xFFFFFFB0];
	v58 =	vperm.xlane v22, v3;
	v35 =	vmul.f32 v54, v17;
	v25 =	vmax.f32 v25, $0.0e+00  }
0x72: {  	v31 =	vmul.f32 v31, v12;
	v30 =	vadd.f32 v30, v29;
	v29 =	vperm.xlane v27, v7  }
0x73: {  	v55 =	vld [tilespmem:s10+$0x20];
	v60 =	vperm.xlane v25, v1;
	v61 =	vperm.xlane v25, v2  }
0x74: {  	v38 =	vld [tilespmem:s9+$0x20];
	v42 =	vmul.f32 v29, v19;
	v29 =	vperm.xlane v27, v9  }
0x75: {  	v27 =	vperm.xlane v27, v10;
	v30 =	vadd.f32 v35, v30;
	v35 =	vmul.f32 v57, v13  }
0x76: {  	v26 =	vadd.f32 v53, v26;
	v32 =	vmul.f32 v60, v12;
	v63 =	vmul.f32 v61, v13  }
0x77: {  	v57 =	vperm.xlane v21, v3;
	v60 =	vperm.xlane v24, v3  }
0x78: {  	v41 =	vld [tilespmem:s10+$0x30];
	v61 =	vperm.xlane v25, v3;
	v43 =	vmul.f32 v29, v18;
	v29 =	vmax.f32 v26, $0.0e+00  }
0x79: {  	v56 =	vld [tilespmem:s9+$0x30];
	v45 =	vmul.f32 v27, v11;
	v27 =	vadd.f32 v38, v55;
	v38 =	vmul.f32 v59, v13  }
0x7a: {  	v30 =	vadd.f32 v42, v30;
	v59 =	vperm.xlane v23, v3;
	v42 =	vmul.f32 v57, v14  }
0x7b: {  	v31 =	vadd.f32 v35, v31;
	v35 =	vmul.f32 v58, v14;
	v57 =	vperm.xlane v21, v4  }
0x7c: {  	v26 =	vmax.f32 v28, $0.0e+00;
	v58 =	vperm.xlane v22, v4;
	v44 =	vperm.xlane v29, v1  }
0x7d: {  	v46 =	vperm.xlane v29, v2;
	v47 =	vperm.xlane v26, v1  }
0x7e: {  	v28 =	vadd.f32 v56, v41;
	v48 =	vperm.xlane v26, v2;
	v55 =	vperm.xlane v29, v3  }
0x7f: {  	v27 =	vmax.f32 v27, $0.0e+00;
	v33 =	vadd.f32 v38, v33;
	v38 =	vmul.f32 v60, v14  }
0x80: {  	v28 =	vmax.f32 v28, $0.0e+00;
	v60 =	vperm.xlane v24, v4;
	v49 =	vperm.xlane v27, v1  }
0x81: {  	v50 =	vperm.xlane v27, v2;
	v51 =	vperm.xlane v28, v1  }
0x82: {  	v34 =	vadd.f32 v36, v34;
	v44 =	vmul.f32 v44, v12;
	v62 =	vperm.xlane v28, v2  }
0x83: {  	v30 =	vadd.f32 v40, v30;
	v46 =	vmul.f32 v46, v13;
	v41 =	vmul.f32 v47, v12  }
0x84: {  	v32 =	vadd.f32 v63, v32;
	v63 =	vperm.xlane v27, v3;
	v47 =	vmul.f32 v55, v14  }
0x85: {  	v55 =	vperm.xlane v29, v4;
	v30 =	vadd.f32 v43, v30;
	v43 =	vmul.f32 v48, v13  }
0x86: {  	v33 =	vadd.f32 v38, v33;
	v38 =	vmul.f32 v60, v15;
	v60 =	vperm.xlane v24, v5  }
0x87: {  	v37 =	vadd.f32 v39, v37;
	v52 =	vmul.f32 v49, v12;
	v53 =	vmul.f32 v50, v13  }
0x88: {  	v34 =	vadd.f32 v42, v34;
	v54 =	vmul.f32 v51, v12;
	v56 =	vmul.f32 v62, v13  }
0x89: {  	v62 =	vperm.xlane v26, v3;
	v51 =	vperm.xlane v28, v3;
	v30 =	vadd.f32 v45, v30  }
0x8a: {  	v41 =	vadd.f32 v43, v41;
	v43 =	vmul.f32 v57, v15;
	v57 =	vperm.xlane v21, v5  }
0x8b: {  	v33 =	vadd.f32 v38, v33;
	v38 =	vmul.f32 v60, v16;
	v60 =	vperm.xlane v22, v6  }
0x8c: {  	v45 =	vadd.f32 v53, v52;
	v52 =	vmul.f32 v59, v14;
	v53 =	vmul.f32 v61, v14  }
0x8d: {  	v36 =	vadd.f32 v56, v54;
	v40 =	vmul.f32 v62, v14;
	v54 =	vmul.f32 v63, v14  }
0x8e: {  	v44 =	vadd.f32 v46, v44;
	v56 =	vmul.f32 v51, v14;
	v59 =	vperm.xlane v23, v4  }
0x8f: {  	v35 =	vadd.f32 v35, v37;
	v61 =	vperm.xlane v25, v4;
	v62 =	vperm.xlane v26, v4  }
0x90: {  	v44 =	vadd.f32 v47, v44;
	v63 =	vperm.xlane v27, v4;
	v51 =	vperm.xlane v28, v4  }
0x91: {  	v47 =	vmul.f32 v55, v15;
	v34 =	vadd.f32 v43, v34;
	v43 =	vperm.xlane v28, v9  }
0x92: {  	v31 =	vadd.f32 v52, v31;
	v32 =	vadd.f32 v53, v32;
	v52 =	vmul.f32 v58, v15  }
0x93: {  	v42 =	vadd.f32 v54, v45;
	v53 =	vmul.f32 v59, v15;
	v54 =	vmul.f32 v61, v15  }
0x94: {  	v40 =	vadd.f32 v40, v41;
	v46 =	vmul.f32 v62, v15;
	v55 =	vmul.f32 v63, v15  }
0x95: {  	v36 =	vadd.f32 v56, v36;
	v41 =	vmul.f32 v51, v15;
	v56 =	vperm.xlane v29, v5  }
0x96: {  	v33 =	vadd.f32 v38, v33;
	v58 =	vperm.xlane v22, v5;
	v59 =	vperm.xlane v23, v5  }
0x97: {  	v39 =	vadd.f32 v47, v44;
	v61 =	vperm.xlane v25, v5;
	v62 =	vperm.xlane v26, v5  }
0x98: {  	v63 =	vperm.xlane v27, v5;
	v35 =	vadd.f32 v52, v35;
	v52 =	vperm.xlane v28, v5  }
0x99: {  	v31 =	vadd.f32 v53, v31;
	v45 =	vmul.f32 v56, v16;
	v53 =	vmul.f32 v57, v16  }
0x9a: {  	v32 =	vadd.f32 v54, v32;
	v37 =	vmul.f32 v58, v16;
	v54 =	vmul.f32 v59, v16  }
0x9b: {  	v42 =	vadd.f32 v55, v42;
	v55 =	vmul.f32 v61, v16;
	v44 =	vmul.f32 v62, v16  }
0x9c: {  	v40 =	vadd.f32 v46, v40;
	v56 =	vmul.f32 v63, v16;
	v57 =	vperm.xlane v29, v6  }
0x9d: {  	v36 =	vadd.f32 v41, v36;
	v59 =	vperm.xlane v21, v6;
	v61 =	vperm.xlane v23, v6  }
0x9e: {  	v62 =	vperm.xlane v24, v6;
	v63 =	vperm.xlane v25, v6;
	v39 =	vadd.f32 v45, v39  }
0x9f: {  	v34 =	vadd.f32 v53, v34;
	v58 =	vmul.f32 v52, v16;
	v52 =	vperm.xlane v26, v6  }
0xa0: {  	v31 =	vadd.f32 v54, v31;
	v53 =	vperm.xlane v27, v6;
	v54 =	vperm.xlane v28, v6  }
0xa1: {  	v32 =	vadd.f32 v55, v32;
	v47 =	vmul.f32 v57, v17;
	v55 =	vmul.f32 v59, v17  }
0xa2: {  	v42 =	vadd.f32 v56, v42;
	v56 =	vmul.f32 v60, v17;
	v57 =	vmul.f32 v61, v17  }
0xa3: {  	v35 =	vadd.f32 v37, v35;
	v38 =	vmul.f32 v62, v17;
	v60 =	vperm.xlane v29, v7  }
0xa4: {  	v40 =	vadd.f32 v44, v40;
	v61 =	vperm.xlane v21, v7;
	v62 =	vperm.xlane v22, v7  }
0xa5: {  	v36 =	vadd.f32 v58, v36;
	v58 =	vmul.f32 v63, v17;
	v45 =	vmul.f32 v52, v17  }
0xa6: {  	v39 =	vadd.f32 v47, v39;
	v59 =	vmul.f32 v53, v17;
	v44 =	vmul.f32 v54, v17  }
0xa7: {  	v34 =	vadd.f32 v55, v34;
	v63 =	vperm.xlane v23, v7;
	v52 =	vperm.xlane v24, v7  }
0xa8: {  	v35 =	vadd.f32 v56, v35;
	v53 =	vperm.xlane v25, v7;
	v54 =	vperm.xlane v26, v7  }
0xa9: {  	v31 =	vadd.f32 v57, v31;
	v55 =	vperm.xlane v27, v7;
	v56 =	vperm.xlane v28, v7  }
0xaa: {  	v33 =	vadd.f32 v38, v33;
	v46 =	vmul.f32 v60, v19;
	v57 =	vmul.f32 v61, v19  }
0xab: {  	v37 =	vmul.f32 v62, v19;
	v61 =	vperm.xlane v29, v8;
	v32 =	vadd.f32 v58, v32  }
0xac: {  	v40 =	vadd.f32 v45, v40;
	v58 =	vmul.f32 v63, v19;
	v38 =	vmul.f32 v52, v19  }
0xad: {  	v42 =	vadd.f32 v59, v42;
	v59 =	vmul.f32 v53, v19;
	v41 =	vmul.f32 v54, v19  }
0xae: {  	v36 =	vadd.f32 v44, v36;
	v60 =	vmul.f32 v55, v19;
	v62 =	vmul.f32 v56, v19  }
0xaf: {  	v39 =	vadd.f32 v46, v39;
	v63 =	vperm.xlane v21, v8;
	v52 =	vperm.xlane v22, v8  }
0xb0: {  	v34 =	vadd.f32 v57, v34;
	v53 =	vperm.xlane v23, v8;
	v54 =	vperm.xlane v24, v8  }
0xb1: {  	v35 =	vadd.f32 v37, v35;
	v55 =	vperm.xlane v25, v8;
	v56 =	vperm.xlane v26, v8  }
0xb2: {  	v57 =	vperm.xlane v27, v8;
	v47 =	vmul.f32 v61, v20;
	v31 =	vadd.f32 v58, v31  }
0xb3: {  	v33 =	vadd.f32 v38, v33;
	v32 =	vadd.f32 v59, v32;
	v58 =	vperm.xlane v28, v8  }
0xb4: {  	v42 =	vadd.f32 v60, v42;
	v59 =	vmul.f32 v63, v20;
	v60 =	vmul.f32 v52, v20  }
0xb5: {  	v48 =	vadd.f32 v62, v36;
	v61 =	vmul.f32 v53, v20;
	v62 =	vmul.f32 v54, v20  }
0xb6: {  	v40 =	vadd.f32 v41, v40;
	v63 =	vmul.f32 v55, v20;
	v46 =	vmul.f32 v56, v20  }
0xb7: {  	v39 =	vadd.f32 v47, v39;
	v56 =	vmul.f32 v57, v20;
	v57 =	vperm.xlane v29, v9  }
0xb8: {  	v52 =	vperm.xlane v23, v9;
	v53 =	vmax.f32 v30, $0.0e+00;
	v49 =	vadd.f32 v59, v34  }
0xb9: {  	v41 =	vmul.f32 v58, v20;
	v38 =	vadd.f32 v60, v35;
	v58 =	vperm.xlane v21, v9  }
0xba: {  	v37 =	vadd.f32 v61, v31;
	v59 =	vperm.xlane v22, v9;
	v35 =	vadd.f32 v62, v33  }
0xbb: {  	v60 =	vperm.xlane v24, v9;
	v36 =	vadd.f32 v63, v32;
	v61 =	vperm.xlane v25, v9  }
0xbc: {  	v31 =	vadd.f32 v46, v40;
	v62 =	vperm.xlane v26, v9;
	v63 =	vperm.xlane v27, v9  }
0xbd: {  	v32 =	vadd.f32 v56, v42;
	v30 =	vmul.f32 v57, v18;
	v44 =	vmul.f32 v52, v18  }
0xbe: {  	v50 =	vmul.f32 v58, v18;
	v34 =	vadd.f32 v41, v48;
	v45 =	vmul.f32 v59, v18  }
0xbf: {  	s11 =	simm.s32 $0x6270;
	v39 =	vadd.f32 v30, v39;
	v42 =	vmul.f32 v60, v18;
	v30 =	vmul.f32 v61, v18  }
0xc0: {  	s12 =	simm.s32 $0x0;
	s13 =	simm.s32 $0x4F10;
	s10 =	simm.s32 $0x6270;
	[tilespmem:s11+$0x40] =	vst v53;
	v41 =	vmul.f32 v62, v18;
	v40 =	vmul.f32 v63, v18;
	v33 =	vadd.f32 v50, v49  }
.LBB2_7:
0xc1: {  	v46 =	vld [tilespmem:s13+$0x40];
	v29 =	vperm.xlane v29, v10;
	v45 =	vadd.f32 v45, v38;
	v43 =	vmul.f32 v43, v18;
	s9 =	sadd.s32 $0xA0, s9  }
0xc2: {  	s12 =	sadd.s32 $0xA, s12;
	v21 =	vperm.xlane v21, v10;
	v22 =	vperm.xlane v22, v10;
	v44 =	vadd.f32 v44, v37;
	v47 =	vld [tilespmem:s9+$0x40]  }
0xc3: {  	v23 =	vperm.xlane v23, v10;
	v35 =	vadd.f32 v42, v35;
	v24 =	vperm.xlane v24, v10;
	p0 =	slt.u32 s12, $0x46;
	v48 =	vld [tilespmem:s9+$0xFFFFFFB0]  }
0xc4: {  	v30 =	vadd.f32 v30, v36;
	v25 =	vperm.xlane v25, v10;
	v26 =	vperm.xlane v26, v10;
	v42 =	vld [tilespmem:s13+$0xFFFFFFC0]  }
0xc5: {  	v27 =	vperm.xlane v27, v10;
	v28 =	vperm.xlane v28, v10;
	v31 =	vadd.f32 v41, v31;
	v36 =	vld [tilespmem:s9+$0xFFFFFFC0]  }
0xc6: {  	v38 =	vadd.f32 v40, v32;
	v29 =	vmul.f32 v29, v11;
	v37 =	vadd.f32 v43, v34;
	v41 =	vld [tilespmem:s13+$0xFFFFFFD0]  }
0xc7: {  	v21 =	vmul.f32 v21, v11;
	v22 =	vmul.f32 v22, v11;
	v34 =	vld [tilespmem:s9+$0xFFFFFFD0];
	v40 =	vadd.f32 v47, v46  }
0xc8: {  	v32 =	vadd.f32 v29, v39;
	v39 =	vmul.f32 v23, v11;
	v46 =	vmul.f32 v24, v11;
	v43 =	vld [tilespmem:s13+$0xFFFFFFE0]  }
0xc9: {  	v47 =	vmul.f32 v26, v11;
	v23 =	vld [tilespmem:s9+$0xFFFFFFE0];
	v29 =	vmax.f32 v40, $0.0e+00;
	v40 =	vmul.f32 v25, v11  }
0xca: {  	v24 =	vadd.f32 v36, v42;
	v25 =	vld [tilespmem:s13+$0xFFFFFFF0];
	v26 =	vperm.xlane v29, v1;
	v36 =	vperm.xlane v29, v2  }
0xcb: {  	v50 =	vmul.f32 v27, v11;
	v33 =	vadd.f32 v21, v33;
	v49 =	vperm.xlane v29, v3;
	v42 =	vld [tilespmem:s9+$0xFFFFFFF0]  }
0xcc: {  	v27 =	vadd.f32 v34, v41;
	v41 =	vld [tilespmem:s13+$0x0];
	v26 =	vmul.f32 v26, v12;
	v36 =	vmul.f32 v36, v13  }
0xcd: {  	v21 =	vmax.f32 v24, $0.0e+00;
	v34 =	vadd.f32 v22, v45;
	v45 =	vmul.f32 v28, v11;
	v51 =	vld [tilespmem:s9+$0x0]  }
0xce: {  	v28 =	vld [tilespmem:s13+$0x10];
	v24 =	vadd.f32 v36, v26;
	v26 =	vmul.f32 v49, v14;
	v36 =	vperm.xlane v29, v4  }
0xcf: {  	v49 =	vperm.xlane v21, v1;
	v22 =	vmax.f32 v27, $0.0e+00;
	v23 =	vadd.f32 v23, v43;
	v27 =	vld [tilespmem:s9+$0x10]  }
0xd0: {  	v43 =	vld [tilespmem:s13+$0x20];
	v24 =	vadd.f32 v26, v24;
	v26 =	vmul.f32 v36, v15;
	v36 =	vperm.xlane v29, v5  }
0xd1: {  	v52 =	vperm.xlane v21, v2;
	v23 =	vmax.f32 v23, $0.0e+00;
	v25 =	vadd.f32 v42, v25;
	v42 =	vld [tilespmem:s9+$0x20]  }
0xd2: {  	v54 =	vperm.xlane v29, v6;
	v53 =	vld [tilespmem:s13+$0x30];
	v26 =	vadd.f32 v26, v24;
	v36 =	vmul.f32 v36, v16  }
0xd3: {  	v55 =	vperm.xlane v22, v1;
	v24 =	vmax.f32 v25, $0.0e+00;
	v25 =	vadd.f32 v51, v41;
	v41 =	vld [tilespmem:s9+$0x30]  }
0xd4: {  	v51 =	vld [tilespmem:s13+$0xFFFFFFB0];
	v26 =	vadd.f32 v36, v26;
	v36 =	vmul.f32 v54, v17;
	v54 =	vperm.xlane v29, v7  }
0xd5: {  	v56 =	vperm.xlane v22, v2;
	v25 =	vmax.f32 v25, $0.0e+00;
	v27 =	vadd.f32 v27, v28  }
0xd6: {  	v28 =	vadd.f32 v36, v26;
	v36 =	vmul.f32 v54, v19;
	v54 =	vperm.xlane v29, v8  }
0xd7: {  	v57 =	vperm.xlane v23, v1;
	v26 =	vmax.f32 v27, $0.0e+00;
	v27 =	vadd.f32 v42, v43  }
0xd8: {  	v42 =	vperm.xlane v29, v9;
	v28 =	vadd.f32 v36, v28;
	v36 =	vmul.f32 v54, v20  }
0xd9: {  	v27 =	vmax.f32 v27, $0.0e+00;
	v41 =	vadd.f32 v41, v53;
	v43 =	vadd.f32 v48, v51  }
0xda: {  	v42 =	vmul.f32 v42, v18;
	v48 =	vperm.xlane v29, v10;
	v36 =	vadd.f32 v36, v28  }
0xdb: {  	v28 =	vmax.f32 v41, $0.0e+00;
	v29 =	vmax.f32 v43, $0.0e+00;
	v43 =	vperm.xlane v23, v2  }
0xdc: {  	v41 =	vperm.xlane v29, v1;
	v36 =	vadd.f32 v42, v36;
	v42 =	vmul.f32 v48, v11  }
0xdd: {  	v39 =	vadd.f32 v39, v44;
	v51 =	vperm.xlane v24, v1;
	v48 =	vperm.xlane v29, v2  }
0xde: {  	v44 =	vperm.xlane v24, v2;
	v53 =	vperm.xlane v25, v1;
	v36 =	vadd.f32 v42, v36  }
0xdf: {  	v46 =	vadd.f32 v46, v35;
	v54 =	vperm.xlane v26, v1;
	v42 =	vperm.xlane v25, v2  }
0xe0: {  	s11 =	sadd.s32 $0xA0, s11;
	v58 =	vperm.xlane v26, v2;
	v59 =	vperm.xlane v27, v1;
	v35 =	vmax.f32 v36, $0.0e+00  }
0xe1: {  	v60 =	vperm.xlane v27, v2;
	v61 =	vperm.xlane v28, v1;
	v36 =	vadd.f32 v40, v30;
	[tilespmem:s11+$0x40] =	vst v35  }
0xe2: {  	v40 =	vmul.f32 v41, v12;
	v41 =	vperm.xlane v28, v2;
	v35 =	vadd.f32 v47, v31  }
0xe3: {  	v47 =	vmul.f32 v48, v13;
	v48 =	vmul.f32 v49, v12;
	v31 =	vadd.f32 v50, v38  }
0xe4: {  	v30 =	vadd.f32 v45, v37;
	v38 =	vmul.f32 v52, v13;
	v49 =	vmul.f32 v55, v12  }
0xe5: {  	v45 =	vmul.f32 v57, v12;
	v37 =	vadd.f32 v47, v40;
	v40 =	vmul.f32 v56, v13  }
0xe6: {  	v43 =	vmul.f32 v43, v13;
	v38 =	vadd.f32 v38, v48;
	v47 =	vmul.f32 v51, v12  }
0xe7: {  	v44 =	vmul.f32 v44, v13;
	v48 =	vmul.f32 v53, v12;
	v40 =	vadd.f32 v40, v49  }
0xe8: {  	v42 =	vmul.f32 v42, v13;
	v43 =	vadd.f32 v43, v45;
	v45 =	vmul.f32 v54, v12  }
0xe9: {  	v44 =	vadd.f32 v44, v47;
	v47 =	vmul.f32 v58, v13;
	v49 =	vmul.f32 v59, v12  }
0xea: {  	v50 =	vmul.f32 v61, v12;
	v42 =	vadd.f32 v42, v48;
	v48 =	vmul.f32 v60, v13  }
0xeb: {  	v41 =	vmul.f32 v41, v13;
	v51 =	vperm.xlane v29, v3;
	v45 =	vadd.f32 v47, v45  }
0xec: {  	v52 =	vperm.xlane v22, v3;
	v47 =	vperm.xlane v21, v3;
	v48 =	vadd.f32 v48, v49  }
0xed: {  	v53 =	vperm.xlane v24, v3;
	v41 =	vadd.f32 v41, v50;
	v49 =	vperm.xlane v23, v3  }
0xee: {  	v32 =	vmax.f32 v32, $0.0e+00;
	v54 =	vperm.xlane v26, v3;
	v50 =	vperm.xlane v25, v3  }
0xef: {  	v55 =	vperm.xlane v27, v3;
	v56 =	vperm.xlane v28, v3;
	[tilespmem:s10+$0xFFFFFFB0] =	vst v32;
	v32 =	vmax.f32 v33, $0.0e+00  }
0xf0: {  	v47 =	vmul.f32 v47, v14;
	v33 =	vmul.f32 v51, v14;
	[tilespmem:s10+$0xFFFFFFC0] =	vst v32;
	v32 =	vmax.f32 v34, $0.0e+00  }
0xf1: {  	v49 =	vmul.f32 v49, v14;
	v34 =	vmul.f32 v52, v14;
	[tilespmem:s10+$0xFFFFFFD0] =	vst v32;
	v32 =	vmax.f32 v39, $0.0e+00  }
0xf2: {  	v33 =	vadd.f32 v33, v37;
	v37 =	vmul.f32 v53, v14;
	v39 =	vmul.f32 v50, v14;
	[tilespmem:s10+$0xFFFFFFE0] =	vst v32  }
0xf3: {  	v32 =	vadd.f32 v47, v38;
	v38 =	vmul.f32 v54, v14;
	v47 =	vmul.f32 v55, v14  }
0xf4: {  	v50 =	vperm.xlane v29, v4;
	v34 =	vadd.f32 v34, v40;
	v40 =	vmul.f32 v56, v14  }
0xf5: {  	v43 =	vadd.f32 v49, v43;
	v51 =	vperm.xlane v21, v4;
	v52 =	vperm.xlane v22, v4  }
0xf6: {  	v49 =	vperm.xlane v23, v4;
	v37 =	vadd.f32 v37, v44;
	v44 =	vperm.xlane v24, v4  }
0xf7: {  	v53 =	vperm.xlane v26, v4;
	v39 =	vadd.f32 v39, v42;
	v42 =	vperm.xlane v25, v4  }
0xf8: {  	v54 =	vperm.xlane v28, v4;
	v38 =	vadd.f32 v38, v45;
	v45 =	vperm.xlane v27, v4  }
0xf9: {  	v50 =	vmul.f32 v50, v15;
	v47 =	vadd.f32 v47, v48;
	v40 =	vadd.f32 v40, v41  }
0xfa: {  	v46 =	vmax.f32 v46, $0.0e+00;
	v41 =	vmul.f32 v51, v15;
	v48 =	vmul.f32 v52, v15  }
0xfb: {  	v49 =	vmul.f32 v49, v15;
	v33 =	vadd.f32 v50, v33;
	v44 =	vmul.f32 v44, v15;
	[tilespmem:s10+$0xFFFFFFF0] =	vst v46  }
0xfc: {  	v32 =	vadd.f32 v41, v32;
	v41 =	vmul.f32 v42, v15;
	v42 =	vmul.f32 v53, v15  }
0xfd: {  	v34 =	vadd.f32 v48, v34;
	v45 =	vmul.f32 v45, v15;
	v46 =	vmul.f32 v54, v15  }
0xfe: {  	v43 =	vadd.f32 v49, v43;
	v50 =	vperm.xlane v21, v5;
	v48 =	vperm.xlane v29, v5  }
0xff: {  	v49 =	vperm.xlane v22, v5;
	v51 =	vperm.xlane v23, v5;
	v37 =	vadd.f32 v44, v37  }
0x100: {  	v44 =	vperm.xlane v24, v5;
	v39 =	vadd.f32 v41, v39;
	v41 =	vperm.xlane v25, v5  }
0x101: {  	v52 =	vperm.xlane v27, v5;
	v38 =	vadd.f32 v42, v38;
	v42 =	vperm.xlane v26, v5  }
0x102: {  	v45 =	vadd.f32 v45, v47;
	v40 =	vadd.f32 v46, v40;
	v46 =	vperm.xlane v28, v5  }
0x103: {  	v36 =	vmax.f32 v36, $0.0e+00;
	v47 =	vmul.f32 v48, v16;
	v48 =	vmul.f32 v50, v16  }
0x104: {  	v35 =	vmax.f32 v35, $0.0e+00;
	v49 =	vmul.f32 v49, v16;
	v50 =	vmul.f32 v51, v16;
	[tilespmem:s10+$0x0] =	vst v36  }
0x105: {  	v33 =	vadd.f32 v47, v33;
	v41 =	vmul.f32 v41, v16;
	v36 =	vmul.f32 v44, v16;
	[tilespmem:s10+$0x10] =	vst v35  }
0x106: {  	v32 =	vadd.f32 v48, v32;
	v35 =	vmul.f32 v42, v16;
	v42 =	vmul.f32 v52, v16  }
0x107: {  	v34 =	vadd.f32 v49, v34;
	v46 =	vmul.f32 v46, v16;
	v44 =	vperm.xlane v29, v6  }
0x108: {  	v47 =	vperm.xlane v21, v6;
	v48 =	vperm.xlane v22, v6;
	v43 =	vadd.f32 v50, v43  }
0x109: {  	v49 =	vperm.xlane v23, v6;
	v36 =	vadd.f32 v36, v37;
	v37 =	vperm.xlane v24, v6  }
0x10a: {  	v50 =	vperm.xlane v26, v6;
	v39 =	vadd.f32 v41, v39;
	v41 =	vperm.xlane v25, v6  }
0x10b: {  	v51 =	vperm.xlane v28, v6;
	v35 =	vadd.f32 v35, v38;
	v38 =	vperm.xlane v27, v6  }
0x10c: {  	v40 =	vadd.f32 v46, v40;
	v44 =	vmul.f32 v44, v17;
	v42 =	vadd.f32 v42, v45  }
0x10d: {  	v31 =	vmax.f32 v31, $0.0e+00;
	v46 =	vmul.f32 v48, v17;
	v45 =	vmul.f32 v47, v17  }
0x10e: {  	v33 =	vadd.f32 v44, v33;
	v44 =	vmul.f32 v49, v17;
	v37 =	vmul.f32 v37, v17;
	[tilespmem:s10+$0x20] =	vst v31  }
0x10f: {  	v31 =	vadd.f32 v45, v32;
	v32 =	vmul.f32 v41, v17;
	v41 =	vmul.f32 v50, v17  }
0x110: {  	v34 =	vadd.f32 v46, v34;
	v38 =	vmul.f32 v38, v17;
	v45 =	vmul.f32 v51, v17  }
0x111: {  	v46 =	vperm.xlane v29, v7;
	v47 =	vperm.xlane v21, v7;
	v43 =	vadd.f32 v44, v43  }
0x112: {  	v48 =	vperm.xlane v23, v7;
	v44 =	vperm.xlane v22, v7;
	v36 =	vadd.f32 v37, v36  }
0x113: {  	v37 =	vperm.xlane v24, v7;
	v32 =	vadd.f32 v32, v39;
	v39 =	vperm.xlane v25, v7  }
0x114: {  	v49 =	vperm.xlane v27, v7;
	v35 =	vadd.f32 v41, v35;
	v41 =	vperm.xlane v26, v7  }
0x115: {  	v38 =	vadd.f32 v38, v42;
	v42 =	vperm.xlane v28, v7;
	v40 =	vadd.f32 v45, v40  }
0x116: {  	v30 =	vmax.f32 v30, $0.0e+00;
	v45 =	vmul.f32 v46, v19;
	v46 =	vmul.f32 v47, v19  }
0x117: {  	v44 =	vmul.f32 v44, v19;
	v47 =	vmul.f32 v48, v19;
	[tilespmem:s10+$0x30] =	vst v30;
	s10 =	smov.u32 s11  }
0x118: {  	v30 =	vadd.f32 v45, v33;
	v33 =	vmul.f32 v37, v19;
	v37 =	vmul.f32 v39, v19  }
0x119: {  	v31 =	vadd.f32 v46, v31;
	v39 =	vmul.f32 v41, v19;
	v41 =	vmul.f32 v49, v19  }
0x11a: {  	v42 =	vmul.f32 v42, v19;
	v34 =	vadd.f32 v44, v34;
	v45 =	vperm.xlane v29, v8  }
0x11b: {  	v44 =	vperm.xlane v21, v8;
	v46 =	vperm.xlane v22, v8;
	v43 =	vadd.f32 v47, v43  }
0x11c: {  	v47 =	vperm.xlane v23, v8;
	v33 =	vadd.f32 v33, v36;
	v36 =	vperm.xlane v24, v8  }
0x11d: {  	v48 =	vperm.xlane v26, v8;
	v32 =	vadd.f32 v37, v32;
	v37 =	vperm.xlane v25, v8  }
0x11e: {  	v49 =	vperm.xlane v28, v8;
	v39 =	vadd.f32 v39, v35;
	v35 =	vperm.xlane v27, v8  }
0x11f: {  	v40 =	vadd.f32 v42, v40;
	v45 =	vmul.f32 v45, v20;
	v41 =	vadd.f32 v41, v38  }
0x120: {  	v42 =	vmul.f32 v46, v20;
	v38 =	vmul.f32 v44, v20  }
0x121: {  	v44 =	vmul.f32 v47, v20;
	v30 =	vadd.f32 v45, v30;
	v36 =	vmul.f32 v36, v20  }
0x122: {  	v46 =	vadd.f32 v38, v31;
	v31 =	vmul.f32 v37, v20;
	v45 =	vmul.f32 v48, v20  }
0x123: {  	v38 =	vadd.f32 v42, v34;
	v34 =	vmul.f32 v35, v20;
	v42 =	vmul.f32 v49, v20  }
0x124: {  	v47 =	vperm.xlane v29, v9;
	v48 =	vperm.xlane v21, v9;
	v37 =	vadd.f32 v44, v43  }
0x125: {  	v44 =	vperm.xlane v22, v9;
	v49 =	vperm.xlane v23, v9;
	v35 =	vadd.f32 v36, v33  }
0x126: {  	v50 =	vperm.xlane v25, v9;
	v33 =	vperm.xlane v24, v9;
	v36 =	vadd.f32 v31, v32  }
0x127: {  	v52 =	vperm.xlane v27, v9;
	v51 =	vperm.xlane v26, v9;
	v31 =	vadd.f32 v45, v39  }
.Ltmp2:
0x128: {  	v43 =	vperm.xlane v28, v9;
	v32 =	vadd.f32 v34, v41;
	v34 =	vadd.f32 v42, v40;
	(pc) =	sbr.rel @p0 .LBB2_7-.Ltmp2, $4  }
0x129: {  	v39 =	vmul.f32 v47, v18;
	v40 =	vmul.f32 v48, v18  }
0x12a: {  	v45 =	vmul.f32 v44, v18;
	v44 =	vmul.f32 v49, v18  }
0x12b: {  	v39 =	vadd.f32 v39, v30;
	v42 =	vmul.f32 v33, v18;
	v30 =	vmul.f32 v50, v18  }
0x12c: {  	s13 =	sadd.s32 $0xA0, s13;
	v41 =	vmul.f32 v51, v18;
	v33 =	vadd.f32 v40, v46;
	v40 =	vmul.f32 v52, v18  }
0x12d: {  	v29 =	vperm.xlane v29, v10;
	v43 =	vmul.f32 v43, v18  }
0x12e: {  	v38 =	vadd.f32 v45, v38;
	v21 =	vperm.xlane v21, v10;
	v22 =	vperm.xlane v22, v10  }
0x12f: {  	v37 =	vadd.f32 v44, v37;
	v23 =	vperm.xlane v23, v10;
	v24 =	vperm.xlane v24, v10  }
0x130: {  	v35 =	vadd.f32 v42, v35;
	v25 =	vperm.xlane v25, v10;
	v26 =	vperm.xlane v26, v10  }
0x131: {  	v30 =	vadd.f32 v30, v36;
	v27 =	vperm.xlane v27, v10;
	v29 =	vmul.f32 v29, v11  }
0x132: {  	v28 =	vperm.xlane v28, v10;
	v31 =	vadd.f32 v41, v31;
	v21 =	vmul.f32 v21, v11  }
0x133: {  	v32 =	vadd.f32 v40, v32;
	v22 =	vmul.f32 v22, v11;
	v29 =	vadd.f32 v29, v39  }
0x134: {  	v34 =	vadd.f32 v43, v34;
	v23 =	vmul.f32 v23, v11;
	v21 =	vadd.f32 v21, v33  }
0x135: {  	v24 =	vmul.f32 v24, v11;
	v22 =	vadd.f32 v22, v38;
	v29 =	vmax.f32 v29, $0.0e+00  }
0x136: {  	v25 =	vmul.f32 v25, v11;
	v23 =	vadd.f32 v23, v37;
	v21 =	vmax.f32 v21, $0.0e+00;
	[tilespmem:s10+$0xFFFFFFB0] =	vst v29  }
0x137: {  	v26 =	vmul.f32 v26, v11;
	v24 =	vadd.f32 v24, v35;
	[tilespmem:s10+$0xFFFFFFC0] =	vst v21;
	v21 =	vmax.f32 v22, $0.0e+00  }
0x138: {  	v25 =	vadd.f32 v25, v30;
	v22 =	vmul.f32 v27, v11;
	[tilespmem:s10+$0xFFFFFFD0] =	vst v21;
	v21 =	vmax.f32 v23, $0.0e+00  }
0x139: {  	v26 =	vadd.f32 v26, v31;
	v23 =	vmul.f32 v28, v11;
	[tilespmem:s10+$0xFFFFFFE0] =	vst v21;
	v21 =	vmax.f32 v24, $0.0e+00  }
0x13a: {  	v22 =	vadd.f32 v22, v32;
	[tilespmem:s10+$0xFFFFFFF0] =	vst v21;
	v21 =	vmax.f32 v25, $0.0e+00  }
0x13b: {  	s9 =	smul.u32 $0x280, s0;
	v23 =	vadd.f32 v23, v34;
	[tilespmem:s10+$0x0] =	vst v21;
	v21 =	vmax.f32 v26, $0.0e+00  }
0x13c: {  	[tilespmem:s10+$0x10] =	vst v21;
	v21 =	vmax.f32 v22, $0.0e+00  }
0x13d: {  	s9 =	sshra.s32 s9, $0x2;
	[tilespmem:s10+$0x20] =	vst v21;
	v21 =	vmax.f32 v23, $0.0e+00  }
0x13e: {  	s9 =	sadd.s32 $0x2710, s9;
	[tilespmem:s10+$0x30] =	vst v21  }
0x13f: {  	[spmem:s1] =	stream.indirect.scatter.add.f32 [tilespmem:s23], [sflag:$0x5], $0x10, s9, s20, $0xb8;
	[tilespmem:$0x10960] =	vst v63  }
0x140: {  	s11 =	sadd.s32 $0x27B0, s8  }
0x141: {  	[tilespmem:s21], [sflag:$0x1] =	stream.indirect.gather [spmem:s3], $0x10, s11, s20, $0xb8;
	[tilespmem:$0x10960] =	vst v63  }
0x142: {  	s12 =	sadd.s32 $0xA0, s8  }
0x143: {  	[tilespmem:s22], [sflag:$0x2] =	stream.indirect.gather [spmem:s4], $0x10, s12, s20, $0xb8;
	[tilespmem:$0x10960] =	vst v63  }
0x144: {  	_ =	swait.ge [sflag:s31], $0x500  }
0x145: {  	[sflag:s31] =	ssyncset.done $0x0  }
0x146: {  	[sflag:s31] =	ssyncadd.s32 $0xFFFFFB00  }
0x147: {  	_ =	swait.ge [sflag:s2], $0x500  }
0x148: {  	[sflag:s2] =	ssyncset.done $0x0  }
0x149: {  	[sflag:s2] =	ssyncadd.s32 $0xFFFFFB00  }
0x14a: {  	_ =	swait.ge [sflag:s14], $0x500  }
0x14b: {  	[sflag:s14] =	ssyncset.done $0x0  }
0x14c: {  	s13 =	simm.s32 $0x53B0;
	[sflag:s14] =	ssyncadd.s32 $0xFFFFFB00  }
0x14d: {  	s8 =	simm.s32 $0x5DB0;
	v21 =	vld [tilespmem:s13+$0x0]  }
0x14e: {  	v22 =	vld [tilespmem:s8+$0x0]  }
0x14f: {  	v23 =	vld [tilespmem:s13+$0xFFFFFF80]  }
0x150: {  	v24 =	vld [tilespmem:s8+$0xFFFFFF80]  }
0x151: {  	v25 =	vld [tilespmem:s13+$0xFFFFFF90]  }
0x152: {  	v26 =	vld [tilespmem:s13+$0xFFFFFFA0]  }
0x153: {  	v28 =	vld [tilespmem:s8+$0xFFFFFFA0];
	v21 =	vadd.f32 v22, v21  }
0x154: {  	v22 =	vld [tilespmem:s8+$0xFFFFFF90]  }
0x155: {  	v31 =	vld [tilespmem:s8+$0xFFFFFFB0];
	v27 =	vmax.f32 v21, $0.0e+00  }
0x156: {  	v23 =	vadd.f32 v24, v23;
	v24 =	vld [tilespmem:s13+$0xFFFFFFB0];
	v21 =	vperm.xlane v27, v1;
	v29 =	vperm.xlane v27, v2  }
0x157: {  	v30 =	vperm.xlane v27, v3;
	v57 =	vperm.xlane v27, v5  }
0x158: {  	v26 =	vadd.f32 v28, v26;
	v58 =	vperm.xlane v27, v6;
	v61 =	vperm.xlane v27, v8  }
0x159: {  	v55 =	vld [tilespmem:s8+$0xFFFFFFC0];
	v54 =	vmul.f32 v21, v12;
	v29 =	vmul.f32 v29, v13;
	v22 =	vadd.f32 v22, v25  }
0x15a: {  	v28 =	vld [tilespmem:s13+$0xFFFFFFD0];
	v21 =	vmax.f32 v23, $0.0e+00;
	v35 =	vmul.f32 v58, v17;
	v40 =	vmul.f32 v61, v20  }
0x15b: {  	v25 =	vld [tilespmem:s13+$0xFFFFFFC0];
	v24 =	vadd.f32 v31, v24;
	v34 =	vperm.xlane v21, v1;
	v36 =	vperm.xlane v21, v2  }
0x15c: {  	v31 =	vld [tilespmem:s8+$0xFFFFFFD0];
	v23 =	vadd.f32 v29, v54;
	v29 =	vmul.f32 v30, v14;
	v22 =	vmax.f32 v22, $0.0e+00  }
0x15d: {  	v30 =	vperm.xlane v27, v4;
	v24 =	vmax.f32 v24, $0.0e+00;
	v37 =	vperm.xlane v22, v1  }
0x15e: {  	v39 =	vperm.xlane v22, v2;
	v58 =	vperm.xlane v24, v1  }
0x15f: {  	v34 =	vmul.f32 v34, v12;
	v36 =	vmul.f32 v36, v13  }
0x160: {  	v56 =	vld [tilespmem:s8+$0xFFFFFF70];
	v29 =	vadd.f32 v29, v23;
	v30 =	vmul.f32 v30, v15;
	v23 =	vmax.f32 v26, $0.0e+00  }
0x161: {  	v26 =	vld [tilespmem:s13+$0xFFFFFF70];
	v25 =	vadd.f32 v55, v25;
	v28 =	vadd.f32 v31, v28;
	v31 =	vperm.xlane v23, v1  }
0x162: {  	v55 =	vperm.xlane v23, v2;
	v29 =	vadd.f32 v30, v29;
	v30 =	vmul.f32 v57, v16  }
0x163: {  	v59 =	vld [tilespmem:s13+$0xFFFFFFE0];
	v37 =	vmul.f32 v37, v12;
	v39 =	vmul.f32 v39, v13  }
0x164: {  	v60 =	vld [tilespmem:s8+$0xFFFFFFE0];
	v33 =	vmul.f32 v58, v12;
	v30 =	vadd.f32 v30, v29;
	v29 =	vperm.xlane v27, v7  }
0x165: {  	v58 =	vperm.xlane v22, v3;
	v25 =	vmax.f32 v25, $0.0e+00;
	v31 =	vmul.f32 v31, v12  }
0x166: {  	v26 =	vadd.f32 v56, v26;
	v63 =	vmul.f32 v29, v19;
	v29 =	vperm.xlane v27, v9  }
0x167: {  	v61 =	vperm.xlane v25, v2;
	v27 =	vperm.xlane v27, v10;
	v30 =	vadd.f32 v35, v30  }
0x168: {  	v35 =	vmul.f32 v55, v13;
	v54 =	vmul.f32 v29, v18;
	v29 =	vmax.f32 v26, $0.0e+00  }
0x169: {  	v62 =	vld [tilespmem:s13+$0xFFFFFFF0];
	v57 =	vmul.f32 v27, v11;
	v27 =	vadd.f32 v60, v59;
	v59 =	vperm.xlane v24, v2  }
0x16a: {  	v53 =	vld [tilespmem:s8+$0xFFFFFFF0];
	v60 =	vperm.xlane v25, v1;
	v30 =	vadd.f32 v63, v30;
	v63 =	vmul.f32 v61, v13  }
0x16b: {  	v31 =	vadd.f32 v35, v31;
	v61 =	vperm.xlane v25, v3;
	v35 =	vmul.f32 v58, v14  }
0x16c: {  	v26 =	vmax.f32 v28, $0.0e+00;
	v58 =	vperm.xlane v22, v4;
	v56 =	vperm.xlane v29, v1  }
0x16d: {  	v46 =	vperm.xlane v29, v2;
	v47 =	vperm.xlane v26, v1  }
0x16e: {  	v48 =	vperm.xlane v26, v2;
	v55 =	vperm.xlane v29, v3  }
0x16f: {  	v28 =	vadd.f32 v53, v62;
	v38 =	vmul.f32 v59, v13;
	v32 =	vmul.f32 v60, v12  }
0x170: {  	v27 =	vmax.f32 v27, $0.0e+00;
	v59 =	vperm.xlane v23, v3;
	v60 =	vperm.xlane v24, v3  }
0x171: {  	v28 =	vmax.f32 v28, $0.0e+00;
	v49 =	vperm.xlane v27, v1;
	v50 =	vperm.xlane v27, v2  }
0x172: {  	v51 =	vperm.xlane v28, v1;
	v44 =	vmul.f32 v56, v12  }
0x173: {  	v62 =	vperm.xlane v28, v2;
	v46 =	vmul.f32 v46, v13  }
0x174: {  	v30 =	vadd.f32 v40, v30;
	v41 =	vmul.f32 v47, v12;
	v43 =	vmul.f32 v48, v13  }
0x175: {  	v47 =	vmul.f32 v55, v14;
	v55 =	vperm.xlane v29, v4;
	v33 =	vadd.f32 v38, v33  }
0x176: {  	v32 =	vadd.f32 v63, v32;
	v63 =	vperm.xlane v27, v3;
	v38 =	vmul.f32 v60, v14  }
0x177: {  	v34 =	vadd.f32 v36, v34;
	v60 =	vperm.xlane v24, v4;
	v52 =	vmul.f32 v49, v12  }
0x178: {  	v30 =	vadd.f32 v54, v30;
	v53 =	vmul.f32 v50, v13;
	v54 =	vmul.f32 v51, v12  }
0x179: {  	v37 =	vadd.f32 v39, v37;
	v56 =	vmul.f32 v62, v13;
	v62 =	vperm.xlane v26, v3  }
0x17a: {  	v51 =	vperm.xlane v28, v3;
	v30 =	vadd.f32 v57, v30;
	v57 =	vperm.xlane v21, v3  }
0x17b: {  	v33 =	vadd.f32 v38, v33;
	v38 =	vmul.f32 v60, v15;
	v60 =	vperm.xlane v24, v5  }
0x17c: {  	v45 =	vadd.f32 v53, v52;
	v52 =	vmul.f32 v59, v14;
	v53 =	vmul.f32 v61, v14  }
0x17d: {  	v36 =	vadd.f32 v56, v54;
	v40 =	vmul.f32 v62, v14;
	v54 =	vmul.f32 v63, v14  }
0x17e: {  	v35 =	vadd.f32 v35, v37;
	v56 =	vmul.f32 v51, v14;
	v59 =	vperm.xlane v23, v4  }
0x17f: {  	v44 =	vadd.f32 v46, v44;
	v61 =	vperm.xlane v25, v4;
	v62 =	vperm.xlane v26, v4  }
0x180: {  	v41 =	vadd.f32 v43, v41;
	v63 =	vperm.xlane v27, v4;
	v51 =	vperm.xlane v28, v4  }
0x181: {  	v44 =	vadd.f32 v47, v44;
	v47 =	vmul.f32 v55, v15;
	v42 =	vmul.f32 v57, v14  }
0x182: {  	v57 =	vperm.xlane v21, v4;
	v33 =	vadd.f32 v38, v33;
	v38 =	vmul.f32 v60, v16  }
0x183: {  	v60 =	vperm.xlane v22, v6;
	v31 =	vadd.f32 v52, v31;
	v52 =	vmul.f32 v58, v15  }
0x184: {  	v32 =	vadd.f32 v53, v32;
	v53 =	vmul.f32 v59, v15;
	v46 =	vmul.f32 v62, v15  }
0x185: {  	v40 =	vadd.f32 v40, v41;
	v55 =	vmul.f32 v63, v15;
	v41 =	vmul.f32 v51, v15  }
0x186: {  	v36 =	vadd.f32 v56, v36;
	v56 =	vperm.xlane v29, v5;
	v58 =	vperm.xlane v22, v5  }
0x187: {  	v39 =	vadd.f32 v47, v44;
	v59 =	vperm.xlane v23, v5;
	v62 =	vperm.xlane v26, v5  }
0x188: {  	v63 =	vperm.xlane v27, v5;
	v34 =	vadd.f32 v42, v34;
	v43 =	vmul.f32 v57, v15  }
0x189: {  	v42 =	vadd.f32 v54, v45;
	v54 =	vmul.f32 v61, v15;
	v57 =	vperm.xlane v21, v5  }
0x18a: {  	v61 =	vperm.xlane v25, v5;
	v33 =	vadd.f32 v38, v33;
	v35 =	vadd.f32 v52, v35  }
0x18b: {  	v31 =	vadd.f32 v53, v31;
	v52 =	vperm.xlane v28, v5;
	v45 =	vmul.f32 v56, v16  }
0x18c: {  	v40 =	vadd.f32 v46, v40;
	v37 =	vmul.f32 v58, v16;
	v44 =	vmul.f32 v62, v16  }
0x18d: {  	v36 =	vadd.f32 v41, v36;
	v56 =	vmul.f32 v63, v16;
	v62 =	vperm.xlane v24, v6  }
0x18e: {  	v63 =	vperm.xlane v25, v6;
	v32 =	vadd.f32 v54, v32;
	v53 =	vmul.f32 v57, v16  }
0x18f: {  	v42 =	vadd.f32 v55, v42;
	v54 =	vmul.f32 v59, v16;
	v55 =	vmul.f32 v61, v16  }
0x190: {  	v34 =	vadd.f32 v43, v34;
	v57 =	vperm.xlane v29, v6;
	v59 =	vperm.xlane v21, v6  }
0x191: {  	v61 =	vperm.xlane v23, v6;
	v43 =	vperm.xlane v28, v9;
	v39 =	vadd.f32 v45, v39  }
0x192: {  	v35 =	vadd.f32 v37, v35;
	v58 =	vmul.f32 v52, v16;
	v52 =	vperm.xlane v26, v6  }
0x193: {  	v38 =	vmul.f32 v62, v17;
	v62 =	vperm.xlane v22, v7;
	v34 =	vadd.f32 v53, v34  }
0x194: {  	v31 =	vadd.f32 v54, v31;
	v53 =	vperm.xlane v27, v6;
	v54 =	vperm.xlane v28, v6  }
0x195: {  	v32 =	vadd.f32 v55, v32;
	v47 =	vmul.f32 v57, v17;
	v55 =	vmul.f32 v59, v17  }
0x196: {  	v42 =	vadd.f32 v56, v42;
	v56 =	vmul.f32 v60, v17;
	v57 =	vmul.f32 v61, v17  }
0x197: {  	v40 =	vadd.f32 v44, v40;
	v60 =	vperm.xlane v29, v7;
	v61 =	vperm.xlane v21, v7  }
0x198: {  	v36 =	vadd.f32 v58, v36;
	v58 =	vmul.f32 v63, v17;
	v45 =	vmul.f32 v52, v17  }
0x199: {  	v63 =	vperm.xlane v23, v7;
	v33 =	vadd.f32 v38, v33;
	v52 =	vperm.xlane v24, v7  }
0x19a: {  	v37 =	vmul.f32 v62, v19;
	v39 =	vadd.f32 v47, v39;
	v59 =	vmul.f32 v53, v17  }
0x19b: {  	v34 =	vadd.f32 v55, v34;
	v44 =	vmul.f32 v54, v17;
	v53 =	vperm.xlane v25, v7  }
0x19c: {  	v35 =	vadd.f32 v56, v35;
	v54 =	vperm.xlane v26, v7;
	v55 =	vperm.xlane v27, v7  }
0x19d: {  	v31 =	vadd.f32 v57, v31;
	v56 =	vperm.xlane v28, v7;
	v46 =	vmul.f32 v60, v19  }
0x19e: {  	v57 =	vmul.f32 v61, v19;
	v61 =	vperm.xlane v29, v8;
	v32 =	vadd.f32 v58, v32  }
0x19f: {  	v40 =	vadd.f32 v45, v40;
	v58 =	vmul.f32 v63, v19;
	v38 =	vmul.f32 v52, v19  }
0x1a0: {  	v63 =	vperm.xlane v21, v8;
	v52 =	vperm.xlane v22, v8;
	v42 =	vadd.f32 v59, v42  }
0x1a1: {  	v36 =	vadd.f32 v44, v36;
	v59 =	vmul.f32 v53, v19;
	v41 =	vmul.f32 v54, v19  }
0x1a2: {  	v39 =	vadd.f32 v46, v39;
	v60 =	vmul.f32 v55, v19;
	v62 =	vmul.f32 v56, v19  }
0x1a3: {  	v34 =	vadd.f32 v57, v34;
	v53 =	vperm.xlane v23, v8;
	v54 =	vperm.xlane v24, v8  }
0x1a4: {  	v35 =	vadd.f32 v37, v35;
	v55 =	vperm.xlane v25, v8;
	v56 =	vperm.xlane v26, v8  }
0x1a5: {  	v57 =	vperm.xlane v27, v8;
	v47 =	vmul.f32 v61, v20;
	v31 =	vadd.f32 v58, v31  }
0x1a6: {  	v33 =	vadd.f32 v38, v33;
	v58 =	vperm.xlane v28, v8;
	v32 =	vadd.f32 v59, v32  }
0x1a7: {  	v42 =	vadd.f32 v60, v42;
	v59 =	vmul.f32 v63, v20;
	v60 =	vmul.f32 v52, v20  }
0x1a8: {  	v48 =	vadd.f32 v62, v36;
	v61 =	vmul.f32 v53, v20;
	v62 =	vmul.f32 v54, v20  }
0x1a9: {  	v40 =	vadd.f32 v41, v40;
	v63 =	vmul.f32 v55, v20;
	v46 =	vmul.f32 v56, v20  }
0x1aa: {  	v39 =	vadd.f32 v47, v39;
	v56 =	vmul.f32 v57, v20;
	v57 =	vperm.xlane v29, v9  }
0x1ab: {  	v52 =	vperm.xlane v23, v9;
	v53 =	vmax.f32 v30, $0.0e+00;
	v41 =	vmul.f32 v58, v20  }
0x1ac: {  	v58 =	vperm.xlane v21, v9;
	v49 =	vadd.f32 v59, v34;
	v38 =	vadd.f32 v60, v35  }
0x1ad: {  	v37 =	vadd.f32 v61, v31;
	v59 =	vperm.xlane v22, v9;
	v35 =	vadd.f32 v62, v33  }
0x1ae: {  	v60 =	vperm.xlane v24, v9;
	v36 =	vadd.f32 v63, v32;
	v61 =	vperm.xlane v25, v9  }
0x1af: {  	v31 =	vadd.f32 v46, v40;
	v62 =	vperm.xlane v26, v9;
	v63 =	vperm.xlane v27, v9  }
0x1b0: {  	v32 =	vadd.f32 v56, v42;
	v30 =	vmul.f32 v57, v18;
	v44 =	vmul.f32 v52, v18  }
0x1b1: {  	v50 =	vmul.f32 v58, v18;
	v34 =	vadd.f32 v41, v48;
	v45 =	vmul.f32 v59, v18  }
0x1b2: {  	s10 =	simm.s32 $0x67B0;
	v39 =	vadd.f32 v30, v39;
	v42 =	vmul.f32 v60, v18;
	v30 =	vmul.f32 v61, v18  }
0x1b3: {  	s9 =	simm.s32 $0x67B0;
	s11 =	simm.s32 $0x0;
	s12 =	simm.s32 $0x5450;
	[tilespmem:s10+$0x0] =	vst v53;
	v41 =	vmul.f32 v62, v18;
	v40 =	vmul.f32 v63, v18;
	v33 =	vadd.f32 v50, v49  }
.LBB2_9:
0x1b4: {  	v46 =	vld [tilespmem:s12+$0x0];
	v29 =	vperm.xlane v29, v10;
	v45 =	vadd.f32 v45, v38;
	v43 =	vmul.f32 v43, v18;
	s8 =	sadd.s32 $0xA0, s8  }
0x1b5: {  	s11 =	sadd.s32 $0xA, s11;
	v21 =	vperm.xlane v21, v10;
	v22 =	vperm.xlane v22, v10;
	v44 =	vadd.f32 v44, v37;
	v47 =	vld [tilespmem:s8+$0x0]  }
0x1b6: {  	v23 =	vperm.xlane v23, v10;
	v35 =	vadd.f32 v42, v35;
	v24 =	vperm.xlane v24, v10;
	p0 =	slt.u32 s11, $0x46;
	v48 =	vld [tilespmem:s8+$0xFFFFFF70]  }
0x1b7: {  	v30 =	vadd.f32 v30, v36;
	v25 =	vperm.xlane v25, v10;
	v26 =	vperm.xlane v26, v10;
	v42 =	vld [tilespmem:s12+$0xFFFFFF80]  }
0x1b8: {  	v27 =	vperm.xlane v27, v10;
	v28 =	vperm.xlane v28, v10;
	v31 =	vadd.f32 v41, v31;
	v36 =	vld [tilespmem:s8+$0xFFFFFF80]  }
0x1b9: {  	v38 =	vadd.f32 v40, v32;
	v29 =	vmul.f32 v29, v11;
	v37 =	vadd.f32 v43, v34;
	v41 =	vld [tilespmem:s12+$0xFFFFFF90]  }
0x1ba: {  	v21 =	vmul.f32 v21, v11;
	v22 =	vmul.f32 v22, v11;
	v34 =	vld [tilespmem:s8+$0xFFFFFF90];
	v40 =	vadd.f32 v47, v46  }
0x1bb: {  	v32 =	vadd.f32 v29, v39;
	v39 =	vmul.f32 v23, v11;
	v46 =	vmul.f32 v24, v11;
	v43 =	vld [tilespmem:s12+$0xFFFFFFA0]  }
0x1bc: {  	v47 =	vmul.f32 v26, v11;
	v23 =	vld [tilespmem:s8+$0xFFFFFFA0];
	v29 =	vmax.f32 v40, $0.0e+00;
	v40 =	vmul.f32 v25, v11  }
0x1bd: {  	v24 =	vadd.f32 v36, v42;
	v25 =	vld [tilespmem:s12+$0xFFFFFFB0];
	v26 =	vperm.xlane v29, v1;
	v36 =	vperm.xlane v29, v2  }
0x1be: {  	v50 =	vmul.f32 v27, v11;
	v33 =	vadd.f32 v21, v33;
	v49 =	vperm.xlane v29, v3;
	v42 =	vld [tilespmem:s8+$0xFFFFFFB0]  }
0x1bf: {  	v27 =	vadd.f32 v34, v41;
	v41 =	vld [tilespmem:s12+$0xFFFFFFC0];
	v26 =	vmul.f32 v26, v12;
	v36 =	vmul.f32 v36, v13  }
0x1c0: {  	v21 =	vmax.f32 v24, $0.0e+00;
	v34 =	vadd.f32 v22, v45;
	v45 =	vmul.f32 v28, v11;
	v51 =	vld [tilespmem:s8+$0xFFFFFFC0]  }
0x1c1: {  	v28 =	vld [tilespmem:s12+$0xFFFFFFD0];
	v24 =	vadd.f32 v36, v26;
	v26 =	vmul.f32 v49, v14;
	v36 =	vperm.xlane v29, v4  }
0x1c2: {  	v49 =	vperm.xlane v21, v1;
	v22 =	vmax.f32 v27, $0.0e+00;
	v23 =	vadd.f32 v23, v43;
	v27 =	vld [tilespmem:s8+$0xFFFFFFD0]  }
0x1c3: {  	v43 =	vld [tilespmem:s12+$0xFFFFFFE0];
	v24 =	vadd.f32 v26, v24;
	v26 =	vmul.f32 v36, v15;
	v36 =	vperm.xlane v29, v5  }
0x1c4: {  	v52 =	vperm.xlane v21, v2;
	v23 =	vmax.f32 v23, $0.0e+00;
	v25 =	vadd.f32 v42, v25;
	v42 =	vld [tilespmem:s8+$0xFFFFFFE0]  }
0x1c5: {  	v54 =	vperm.xlane v29, v6;
	v53 =	vld [tilespmem:s12+$0xFFFFFFF0];
	v26 =	vadd.f32 v26, v24;
	v36 =	vmul.f32 v36, v16  }
0x1c6: {  	v55 =	vperm.xlane v22, v1;
	v24 =	vmax.f32 v25, $0.0e+00;
	v25 =	vadd.f32 v51, v41;
	v41 =	vld [tilespmem:s8+$0xFFFFFFF0]  }
0x1c7: {  	v51 =	vld [tilespmem:s12+$0xFFFFFF70];
	v26 =	vadd.f32 v36, v26;
	v36 =	vmul.f32 v54, v17;
	v54 =	vperm.xlane v29, v7  }
0x1c8: {  	v56 =	vperm.xlane v22, v2;
	v25 =	vmax.f32 v25, $0.0e+00;
	v27 =	vadd.f32 v27, v28  }
0x1c9: {  	v28 =	vadd.f32 v36, v26;
	v36 =	vmul.f32 v54, v19;
	v54 =	vperm.xlane v29, v8  }
0x1ca: {  	v57 =	vperm.xlane v23, v1;
	v26 =	vmax.f32 v27, $0.0e+00;
	v27 =	vadd.f32 v42, v43  }
0x1cb: {  	v42 =	vperm.xlane v29, v9;
	v28 =	vadd.f32 v36, v28;
	v36 =	vmul.f32 v54, v20  }
0x1cc: {  	v27 =	vmax.f32 v27, $0.0e+00;
	v41 =	vadd.f32 v41, v53;
	v43 =	vadd.f32 v48, v51  }
0x1cd: {  	v42 =	vmul.f32 v42, v18;
	v48 =	vperm.xlane v29, v10;
	v36 =	vadd.f32 v36, v28  }
0x1ce: {  	v28 =	vmax.f32 v41, $0.0e+00;
	v29 =	vmax.f32 v43, $0.0e+00;
	v43 =	vperm.xlane v23, v2  }
0x1cf: {  	v41 =	vperm.xlane v29, v1;
	v36 =	vadd.f32 v42, v36;
	v42 =	vmul.f32 v48, v11  }
0x1d0: {  	v39 =	vadd.f32 v39, v44;
	v51 =	vperm.xlane v24, v1;
	v48 =	vperm.xlane v29, v2  }
0x1d1: {  	v44 =	vperm.xlane v24, v2;
	v53 =	vperm.xlane v25, v1;
	v36 =	vadd.f32 v42, v36  }
0x1d2: {  	v46 =	vadd.f32 v46, v35;
	v54 =	vperm.xlane v26, v1;
	v42 =	vperm.xlane v25, v2  }
0x1d3: {  	s10 =	sadd.s32 $0xA0, s10;
	v58 =	vperm.xlane v26, v2;
	v59 =	vperm.xlane v27, v1;
	v35 =	vmax.f32 v36, $0.0e+00  }
0x1d4: {  	v60 =	vperm.xlane v27, v2;
	v61 =	vperm.xlane v28, v1;
	v36 =	vadd.f32 v40, v30;
	[tilespmem:s10+$0x0] =	vst v35  }
0x1d5: {  	v40 =	vmul.f32 v41, v12;
	v41 =	vperm.xlane v28, v2;
	v35 =	vadd.f32 v47, v31  }
0x1d6: {  	v47 =	vmul.f32 v48, v13;
	v48 =	vmul.f32 v49, v12;
	v31 =	vadd.f32 v50, v38  }
0x1d7: {  	v30 =	vadd.f32 v45, v37;
	v38 =	vmul.f32 v52, v13;
	v49 =	vmul.f32 v55, v12  }
0x1d8: {  	v45 =	vmul.f32 v57, v12;
	v37 =	vadd.f32 v47, v40;
	v40 =	vmul.f32 v56, v13  }
0x1d9: {  	v43 =	vmul.f32 v43, v13;
	v38 =	vadd.f32 v38, v48;
	v47 =	vmul.f32 v51, v12  }
0x1da: {  	v44 =	vmul.f32 v44, v13;
	v48 =	vmul.f32 v53, v12;
	v40 =	vadd.f32 v40, v49  }
0x1db: {  	v42 =	vmul.f32 v42, v13;
	v43 =	vadd.f32 v43, v45;
	v45 =	vmul.f32 v54, v12  }
0x1dc: {  	v44 =	vadd.f32 v44, v47;
	v47 =	vmul.f32 v58, v13;
	v49 =	vmul.f32 v59, v12  }
0x1dd: {  	v50 =	vmul.f32 v61, v12;
	v42 =	vadd.f32 v42, v48;
	v48 =	vmul.f32 v60, v13  }
0x1de: {  	v41 =	vmul.f32 v41, v13;
	v51 =	vperm.xlane v29, v3;
	v45 =	vadd.f32 v47, v45  }
0x1df: {  	v52 =	vperm.xlane v22, v3;
	v47 =	vperm.xlane v21, v3;
	v48 =	vadd.f32 v48, v49  }
0x1e0: {  	v53 =	vperm.xlane v24, v3;
	v41 =	vadd.f32 v41, v50;
	v49 =	vperm.xlane v23, v3  }
0x1e1: {  	v32 =	vmax.f32 v32, $0.0e+00;
	v54 =	vperm.xlane v26, v3;
	v50 =	vperm.xlane v25, v3  }
0x1e2: {  	v55 =	vperm.xlane v27, v3;
	v56 =	vperm.xlane v28, v3;
	[tilespmem:s9+$0xFFFFFF70] =	vst v32;
	v32 =	vmax.f32 v33, $0.0e+00  }
0x1e3: {  	v47 =	vmul.f32 v47, v14;
	v33 =	vmul.f32 v51, v14;
	[tilespmem:s9+$0xFFFFFF80] =	vst v32;
	v32 =	vmax.f32 v34, $0.0e+00  }
0x1e4: {  	v49 =	vmul.f32 v49, v14;
	v34 =	vmul.f32 v52, v14;
	[tilespmem:s9+$0xFFFFFF90] =	vst v32;
	v32 =	vmax.f32 v39, $0.0e+00  }
0x1e5: {  	v33 =	vadd.f32 v33, v37;
	v37 =	vmul.f32 v53, v14;
	v39 =	vmul.f32 v50, v14;
	[tilespmem:s9+$0xFFFFFFA0] =	vst v32  }
0x1e6: {  	v32 =	vadd.f32 v47, v38;
	v38 =	vmul.f32 v54, v14;
	v47 =	vmul.f32 v55, v14  }
0x1e7: {  	v50 =	vperm.xlane v29, v4;
	v34 =	vadd.f32 v34, v40;
	v40 =	vmul.f32 v56, v14  }
0x1e8: {  	v43 =	vadd.f32 v49, v43;
	v51 =	vperm.xlane v21, v4;
	v52 =	vperm.xlane v22, v4  }
0x1e9: {  	v49 =	vperm.xlane v23, v4;
	v37 =	vadd.f32 v37, v44;
	v44 =	vperm.xlane v24, v4  }
0x1ea: {  	v53 =	vperm.xlane v26, v4;
	v39 =	vadd.f32 v39, v42;
	v42 =	vperm.xlane v25, v4  }
0x1eb: {  	v54 =	vperm.xlane v28, v4;
	v38 =	vadd.f32 v38, v45;
	v45 =	vperm.xlane v27, v4  }
0x1ec: {  	v50 =	vmul.f32 v50, v15;
	v47 =	vadd.f32 v47, v48;
	v40 =	vadd.f32 v40, v41  }
0x1ed: {  	v46 =	vmax.f32 v46, $0.0e+00;
	v41 =	vmul.f32 v51, v15;
	v48 =	vmul.f32 v52, v15  }
0x1ee: {  	v49 =	vmul.f32 v49, v15;
	v33 =	vadd.f32 v50, v33;
	v44 =	vmul.f32 v44, v15;
	[tilespmem:s9+$0xFFFFFFB0] =	vst v46  }
0x1ef: {  	v32 =	vadd.f32 v41, v32;
	v41 =	vmul.f32 v42, v15;
	v42 =	vmul.f32 v53, v15  }
0x1f0: {  	v34 =	vadd.f32 v48, v34;
	v45 =	vmul.f32 v45, v15;
	v46 =	vmul.f32 v54, v15  }
0x1f1: {  	v43 =	vadd.f32 v49, v43;
	v50 =	vperm.xlane v21, v5;
	v48 =	vperm.xlane v29, v5  }
0x1f2: {  	v49 =	vperm.xlane v22, v5;
	v51 =	vperm.xlane v23, v5;
	v37 =	vadd.f32 v44, v37  }
0x1f3: {  	v44 =	vperm.xlane v24, v5;
	v39 =	vadd.f32 v41, v39;
	v41 =	vperm.xlane v25, v5  }
0x1f4: {  	v52 =	vperm.xlane v27, v5;
	v38 =	vadd.f32 v42, v38;
	v42 =	vperm.xlane v26, v5  }
0x1f5: {  	v45 =	vadd.f32 v45, v47;
	v40 =	vadd.f32 v46, v40;
	v46 =	vperm.xlane v28, v5  }
0x1f6: {  	v36 =	vmax.f32 v36, $0.0e+00;
	v47 =	vmul.f32 v48, v16;
	v48 =	vmul.f32 v50, v16  }
0x1f7: {  	v35 =	vmax.f32 v35, $0.0e+00;
	v49 =	vmul.f32 v49, v16;
	v50 =	vmul.f32 v51, v16;
	[tilespmem:s9+$0xFFFFFFC0] =	vst v36  }
0x1f8: {  	v33 =	vadd.f32 v47, v33;
	v41 =	vmul.f32 v41, v16;
	v36 =	vmul.f32 v44, v16;
	[tilespmem:s9+$0xFFFFFFD0] =	vst v35  }
0x1f9: {  	v32 =	vadd.f32 v48, v32;
	v35 =	vmul.f32 v42, v16;
	v42 =	vmul.f32 v52, v16  }
0x1fa: {  	v34 =	vadd.f32 v49, v34;
	v46 =	vmul.f32 v46, v16;
	v44 =	vperm.xlane v29, v6  }
0x1fb: {  	v47 =	vperm.xlane v21, v6;
	v48 =	vperm.xlane v22, v6;
	v43 =	vadd.f32 v50, v43  }
0x1fc: {  	v49 =	vperm.xlane v23, v6;
	v36 =	vadd.f32 v36, v37;
	v37 =	vperm.xlane v24, v6  }
0x1fd: {  	v50 =	vperm.xlane v26, v6;
	v39 =	vadd.f32 v41, v39;
	v41 =	vperm.xlane v25, v6  }
0x1fe: {  	v51 =	vperm.xlane v28, v6;
	v35 =	vadd.f32 v35, v38;
	v38 =	vperm.xlane v27, v6  }
0x1ff: {  	v40 =	vadd.f32 v46, v40;
	v44 =	vmul.f32 v44, v17;
	v42 =	vadd.f32 v42, v45  }
0x200: {  	v31 =	vmax.f32 v31, $0.0e+00;
	v46 =	vmul.f32 v48, v17;
	v45 =	vmul.f32 v47, v17  }
0x201: {  	v33 =	vadd.f32 v44, v33;
	v44 =	vmul.f32 v49, v17;
	v37 =	vmul.f32 v37, v17;
	[tilespmem:s9+$0xFFFFFFE0] =	vst v31  }
0x202: {  	v31 =	vadd.f32 v45, v32;
	v32 =	vmul.f32 v41, v17;
	v41 =	vmul.f32 v50, v17  }
0x203: {  	v34 =	vadd.f32 v46, v34;
	v38 =	vmul.f32 v38, v17;
	v45 =	vmul.f32 v51, v17  }
0x204: {  	v46 =	vperm.xlane v29, v7;
	v47 =	vperm.xlane v21, v7;
	v43 =	vadd.f32 v44, v43  }
0x205: {  	v48 =	vperm.xlane v23, v7;
	v44 =	vperm.xlane v22, v7;
	v36 =	vadd.f32 v37, v36  }
0x206: {  	v37 =	vperm.xlane v24, v7;
	v32 =	vadd.f32 v32, v39;
	v39 =	vperm.xlane v25, v7  }
0x207: {  	v49 =	vperm.xlane v27, v7;
	v35 =	vadd.f32 v41, v35;
	v41 =	vperm.xlane v26, v7  }
0x208: {  	v38 =	vadd.f32 v38, v42;
	v42 =	vperm.xlane v28, v7;
	v40 =	vadd.f32 v45, v40  }
0x209: {  	v30 =	vmax.f32 v30, $0.0e+00;
	v45 =	vmul.f32 v46, v19;
	v46 =	vmul.f32 v47, v19  }
0x20a: {  	v44 =	vmul.f32 v44, v19;
	v47 =	vmul.f32 v48, v19;
	[tilespmem:s9+$0xFFFFFFF0] =	vst v30;
	s9 =	smov.u32 s10  }
0x20b: {  	v30 =	vadd.f32 v45, v33;
	v33 =	vmul.f32 v37, v19;
	v37 =	vmul.f32 v39, v19  }
0x20c: {  	v31 =	vadd.f32 v46, v31;
	v39 =	vmul.f32 v41, v19;
	v41 =	vmul.f32 v49, v19  }
0x20d: {  	v42 =	vmul.f32 v42, v19;
	v34 =	vadd.f32 v44, v34;
	v45 =	vperm.xlane v29, v8  }
0x20e: {  	v44 =	vperm.xlane v21, v8;
	v46 =	vperm.xlane v22, v8;
	v43 =	vadd.f32 v47, v43  }
0x20f: {  	v47 =	vperm.xlane v23, v8;
	v33 =	vadd.f32 v33, v36;
	v36 =	vperm.xlane v24, v8  }
0x210: {  	v48 =	vperm.xlane v26, v8;
	v32 =	vadd.f32 v37, v32;
	v37 =	vperm.xlane v25, v8  }
0x211: {  	v49 =	vperm.xlane v28, v8;
	v39 =	vadd.f32 v39, v35;
	v35 =	vperm.xlane v27, v8  }
0x212: {  	v40 =	vadd.f32 v42, v40;
	v45 =	vmul.f32 v45, v20;
	v41 =	vadd.f32 v41, v38  }
0x213: {  	v42 =	vmul.f32 v46, v20;
	v38 =	vmul.f32 v44, v20  }
0x214: {  	v44 =	vmul.f32 v47, v20;
	v30 =	vadd.f32 v45, v30;
	v36 =	vmul.f32 v36, v20  }
0x215: {  	v46 =	vadd.f32 v38, v31;
	v31 =	vmul.f32 v37, v20;
	v45 =	vmul.f32 v48, v20  }
0x216: {  	v38 =	vadd.f32 v42, v34;
	v34 =	vmul.f32 v35, v20;
	v42 =	vmul.f32 v49, v20  }
0x217: {  	v47 =	vperm.xlane v29, v9;
	v48 =	vperm.xlane v21, v9;
	v37 =	vadd.f32 v44, v43  }
0x218: {  	v44 =	vperm.xlane v22, v9;
	v49 =	vperm.xlane v23, v9;
	v35 =	vadd.f32 v36, v33  }
0x219: {  	v50 =	vperm.xlane v25, v9;
	v33 =	vperm.xlane v24, v9;
	v36 =	vadd.f32 v31, v32  }
0x21a: {  	v52 =	vperm.xlane v27, v9;
	v51 =	vperm.xlane v26, v9;
	v31 =	vadd.f32 v45, v39  }
.Ltmp3:
0x21b: {  	v43 =	vperm.xlane v28, v9;
	v32 =	vadd.f32 v34, v41;
	v34 =	vadd.f32 v42, v40;
	(pc) =	sbr.rel @p0 .LBB2_9-.Ltmp3, $4  }
0x21c: {  	v39 =	vmul.f32 v47, v18;
	v40 =	vmul.f32 v48, v18  }
0x21d: {  	v45 =	vmul.f32 v44, v18;
	v44 =	vmul.f32 v49, v18  }
0x21e: {  	v39 =	vadd.f32 v39, v30;
	v42 =	vmul.f32 v33, v18;
	v30 =	vmul.f32 v50, v18  }
0x21f: {  	s12 =	sadd.s32 $0xA0, s12;
	v41 =	vmul.f32 v51, v18;
	v33 =	vadd.f32 v40, v46;
	v40 =	vmul.f32 v52, v18  }
0x220: {  	v29 =	vperm.xlane v29, v10;
	v43 =	vmul.f32 v43, v18  }
0x221: {  	v38 =	vadd.f32 v45, v38;
	v21 =	vperm.xlane v21, v10;
	v22 =	vperm.xlane v22, v10  }
0x222: {  	v37 =	vadd.f32 v44, v37;
	v23 =	vperm.xlane v23, v10;
	v24 =	vperm.xlane v24, v10  }
0x223: {  	v35 =	vadd.f32 v42, v35;
	v25 =	vperm.xlane v25, v10;
	v26 =	vperm.xlane v26, v10  }
0x224: {  	v30 =	vadd.f32 v30, v36;
	v27 =	vperm.xlane v27, v10;
	v29 =	vmul.f32 v29, v11  }
0x225: {  	v28 =	vperm.xlane v28, v10;
	v31 =	vadd.f32 v41, v31;
	v21 =	vmul.f32 v21, v11  }
0x226: {  	v32 =	vadd.f32 v40, v32;
	v22 =	vmul.f32 v22, v11;
	v29 =	vadd.f32 v29, v39  }
0x227: {  	v34 =	vadd.f32 v43, v34;
	v23 =	vmul.f32 v23, v11;
	v21 =	vadd.f32 v21, v33  }
0x228: {  	v24 =	vmul.f32 v24, v11;
	v22 =	vadd.f32 v22, v38;
	v29 =	vmax.f32 v29, $0.0e+00  }
0x229: {  	v25 =	vmul.f32 v25, v11;
	v23 =	vadd.f32 v23, v37;
	v21 =	vmax.f32 v21, $0.0e+00;
	[tilespmem:s9+$0xFFFFFF70] =	vst v29  }
0x22a: {  	v26 =	vmul.f32 v26, v11;
	v24 =	vadd.f32 v24, v35;
	[tilespmem:s9+$0xFFFFFF80] =	vst v21;
	v21 =	vmax.f32 v22, $0.0e+00  }
0x22b: {  	v25 =	vadd.f32 v25, v30;
	v22 =	vmul.f32 v27, v11;
	[tilespmem:s9+$0xFFFFFF90] =	vst v21;
	v21 =	vmax.f32 v23, $0.0e+00  }
0x22c: {  	s0 =	sadd.s32 $0x1, s0;
	v26 =	vadd.f32 v26, v31;
	v23 =	vmul.f32 v28, v11;
	[tilespmem:s9+$0xFFFFFFA0] =	vst v21;
	v21 =	vmax.f32 v24, $0.0e+00  }
0x22d: {  	p0 =	sne.s32 s0, $0x3E;
	v22 =	vadd.f32 v22, v32;
	[tilespmem:s9+$0xFFFFFFB0] =	vst v21;
	v21 =	vmax.f32 v25, $0.0e+00  }
.Ltmp4:
0x22e: {  	v23 =	vadd.f32 v23, v34;
	[tilespmem:s9+$0xFFFFFFC0] =	vst v21;
	v21 =	vmax.f32 v26, $0.0e+00;
	(pc) =	sbr.rel @p0 .LBB2_6-.Ltmp4, $4  }
0x22f: {  	[tilespmem:s9+$0xFFFFFFD0] =	vst v21;
	v21 =	vmax.f32 v22, $0.0e+00  }
0x230: {  	[tilespmem:s9+$0xFFFFFFE0] =	vst v21;
	v21 =	vmax.f32 v23, $0.0e+00  }
0x231: {  	[tilespmem:s9+$0xFFFFFFF0] =	vst v21  }
0x232: {  	[spmem:s1] =	stream.indirect.scatter.add.f32 [tilespmem:s24], [sflag:$0x6], $0x10, s6, s20, $0xb8;
	[tilespmem:$0x10960] =	vst v63  }
0x233: {  	_ =	swait.ge [sflag:s28], $0x500  }
0x234: {  	[sflag:s28] =	ssyncset.done $0x0  }
0x235: {  	[sflag:s28] =	ssyncadd.s32 $0xFFFFFB00  }
0x236: {  	_ =	swait.ge [sflag:s29], $0x500  }
0x237: {  	[sflag:s29] =	ssyncset.done $0x0  }
0x238: {  	[sflag:s29] =	ssyncadd.s32 $0xFFFFFB00  }
0x239: {  	_ =	swait.ge [sflag:s30], $0x500  }
0x23a: {  	[sflag:s30] =	ssyncset.done $0x0  }
0x23b: {  	s6 =	simm.s32 $0x4E70;
	[sflag:s30] =	ssyncadd.s32 $0xFFFFFB00  }
0x23c: {  	s0 =	simm.s32 $0x5870;
	v21 =	vld [tilespmem:s6+$0x40]  }
0x23d: {  	v22 =	vld [tilespmem:s0+$0x40]  }
0x23e: {  	v23 =	vld [tilespmem:s6+$0xFFFFFFC0]  }
0x23f: {  	v24 =	vld [tilespmem:s0+$0xFFFFFFC0]  }
0x240: {  	v25 =	vld [tilespmem:s6+$0xFFFFFFD0]  }
0x241: {  	v26 =	vld [tilespmem:s6+$0xFFFFFFE0]  }
0x242: {  	v28 =	vld [tilespmem:s0+$0xFFFFFFE0]  }
0x243: {  	v31 =	vld [tilespmem:s0+$0xFFFFFFF0];
	v21 =	vadd.f32 v22, v21  }
0x244: {  	v22 =	vld [tilespmem:s0+$0xFFFFFFD0]  }
0x245: {  	v23 =	vadd.f32 v24, v23;
	v24 =	vld [tilespmem:s6+$0xFFFFFFF0];
	v27 =	vmax.f32 v21, $0.0e+00  }
0x246: {  	v21 =	vperm.xlane v27, v1;
	v29 =	vperm.xlane v27, v2  }
0x247: {  	v30 =	vperm.xlane v27, v3;
	v35 =	vperm.xlane v27, v5  }
0x248: {  	v26 =	vadd.f32 v28, v26;
	v54 =	vperm.xlane v27, v6;
	v40 =	vperm.xlane v27, v8  }
0x249: {  	v32 =	vmul.f32 v21, v12;
	v29 =	vmul.f32 v29, v13;
	v22 =	vadd.f32 v22, v25  }
0x24a: {  	v33 =	vld [tilespmem:s0+$0x0];
	v21 =	vmax.f32 v23, $0.0e+00;
	v24 =	vadd.f32 v31, v24;
	v40 =	vmul.f32 v40, v20  }
0x24b: {  	v28 =	vld [tilespmem:s6+$0x10];
	v34 =	vperm.xlane v21, v1;
	v36 =	vperm.xlane v21, v2;
	v23 =	vadd.f32 v29, v32  }
0x24c: {  	v31 =	vld [tilespmem:s0+$0x10];
	v29 =	vmul.f32 v30, v14;
	v30 =	vperm.xlane v27, v4;
	v22 =	vmax.f32 v22, $0.0e+00  }
0x24d: {  	v25 =	vld [tilespmem:s6+$0x0];
	v24 =	vmax.f32 v24, $0.0e+00;
	v37 =	vperm.xlane v22, v1;
	v39 =	vperm.xlane v22, v2  }
0x24e: {  	v58 =	vperm.xlane v24, v1;
	v59 =	vperm.xlane v24, v2  }
0x24f: {  	v34 =	vmul.f32 v34, v12;
	v36 =	vmul.f32 v36, v13  }
0x250: {  	v29 =	vadd.f32 v29, v23;
	v30 =	vmul.f32 v30, v15;
	v23 =	vmax.f32 v26, $0.0e+00  }
0x251: {  	v28 =	vadd.f32 v31, v28;
	v31 =	vperm.xlane v23, v1;
	v57 =	vperm.xlane v23, v2  }
0x252: {  	v25 =	vadd.f32 v33, v25;
	v37 =	vmul.f32 v37, v12;
	v39 =	vmul.f32 v39, v13  }
0x253: {  	v53 =	vld [tilespmem:s0+$0xFFFFFFB0];
	v33 =	vmul.f32 v58, v12;
	v29 =	vadd.f32 v30, v29;
	v30 =	vmul.f32 v35, v16  }
0x254: {  	v26 =	vld [tilespmem:s6+$0xFFFFFFB0];
	v58 =	vperm.xlane v22, v3;
	v35 =	vmul.f32 v54, v17;
	v25 =	vmax.f32 v25, $0.0e+00  }
0x255: {  	v31 =	vmul.f32 v31, v12;
	v30 =	vadd.f32 v30, v29;
	v29 =	vperm.xlane v27, v7  }
0x256: {  	v55 =	vld [tilespmem:s6+$0x20];
	v60 =	vperm.xlane v25, v1;
	v61 =	vperm.xlane v25, v2  }
0x257: {  	v38 =	vld [tilespmem:s0+$0x20];
	v42 =	vmul.f32 v29, v19;
	v29 =	vperm.xlane v27, v9  }
0x258: {  	v27 =	vperm.xlane v27, v10;
	v30 =	vadd.f32 v35, v30;
	v35 =	vmul.f32 v57, v13  }
0x259: {  	v26 =	vadd.f32 v53, v26;
	v32 =	vmul.f32 v60, v12;
	v63 =	vmul.f32 v61, v13  }
0x25a: {  	v57 =	vperm.xlane v21, v3;
	v60 =	vperm.xlane v24, v3  }
0x25b: {  	v41 =	vld [tilespmem:s6+$0x30];
	v61 =	vperm.xlane v25, v3;
	v43 =	vmul.f32 v29, v18;
	v29 =	vmax.f32 v26, $0.0e+00  }
0x25c: {  	v56 =	vld [tilespmem:s0+$0x30];
	v45 =	vmul.f32 v27, v11;
	v27 =	vadd.f32 v38, v55;
	v38 =	vmul.f32 v59, v13  }
0x25d: {  	v30 =	vadd.f32 v42, v30;
	v59 =	vperm.xlane v23, v3;
	v42 =	vmul.f32 v57, v14  }
0x25e: {  	v31 =	vadd.f32 v35, v31;
	v35 =	vmul.f32 v58, v14;
	v57 =	vperm.xlane v21, v4  }
0x25f: {  	v26 =	vmax.f32 v28, $0.0e+00;
	v58 =	vperm.xlane v22, v4;
	v44 =	vperm.xlane v29, v1  }
0x260: {  	v46 =	vperm.xlane v29, v2;
	v47 =	vperm.xlane v26, v1  }
0x261: {  	v28 =	vadd.f32 v56, v41;
	v48 =	vperm.xlane v26, v2;
	v55 =	vperm.xlane v29, v3  }
0x262: {  	v27 =	vmax.f32 v27, $0.0e+00;
	v33 =	vadd.f32 v38, v33;
	v38 =	vmul.f32 v60, v14  }
0x263: {  	v28 =	vmax.f32 v28, $0.0e+00;
	v60 =	vperm.xlane v24, v4;
	v49 =	vperm.xlane v27, v1  }
0x264: {  	v50 =	vperm.xlane v27, v2;
	v51 =	vperm.xlane v28, v1  }
0x265: {  	v34 =	vadd.f32 v36, v34;
	v44 =	vmul.f32 v44, v12;
	v62 =	vperm.xlane v28, v2  }
0x266: {  	v30 =	vadd.f32 v40, v30;
	v46 =	vmul.f32 v46, v13;
	v41 =	vmul.f32 v47, v12  }
0x267: {  	v32 =	vadd.f32 v63, v32;
	v63 =	vperm.xlane v27, v3;
	v47 =	vmul.f32 v55, v14  }
0x268: {  	v55 =	vperm.xlane v29, v4;
	v30 =	vadd.f32 v43, v30;
	v43 =	vmul.f32 v48, v13  }
0x269: {  	v33 =	vadd.f32 v38, v33;
	v38 =	vmul.f32 v60, v15;
	v60 =	vperm.xlane v24, v5  }
0x26a: {  	v37 =	vadd.f32 v39, v37;
	v52 =	vmul.f32 v49, v12;
	v53 =	vmul.f32 v50, v13  }
0x26b: {  	v34 =	vadd.f32 v42, v34;
	v54 =	vmul.f32 v51, v12;
	v56 =	vmul.f32 v62, v13  }
0x26c: {  	v62 =	vperm.xlane v26, v3;
	v51 =	vperm.xlane v28, v3;
	v30 =	vadd.f32 v45, v30  }
0x26d: {  	v41 =	vadd.f32 v43, v41;
	v43 =	vmul.f32 v57, v15;
	v57 =	vperm.xlane v21, v5  }
0x26e: {  	v33 =	vadd.f32 v38, v33;
	v38 =	vmul.f32 v60, v16;
	v60 =	vperm.xlane v22, v6  }
0x26f: {  	v45 =	vadd.f32 v53, v52;
	v52 =	vmul.f32 v59, v14;
	v53 =	vmul.f32 v61, v14  }
0x270: {  	v36 =	vadd.f32 v56, v54;
	v40 =	vmul.f32 v62, v14;
	v54 =	vmul.f32 v63, v14  }
0x271: {  	v44 =	vadd.f32 v46, v44;
	v56 =	vmul.f32 v51, v14;
	v59 =	vperm.xlane v23, v4  }
0x272: {  	v35 =	vadd.f32 v35, v37;
	v61 =	vperm.xlane v25, v4;
	v62 =	vperm.xlane v26, v4  }
0x273: {  	v44 =	vadd.f32 v47, v44;
	v63 =	vperm.xlane v27, v4;
	v51 =	vperm.xlane v28, v4  }
0x274: {  	v47 =	vmul.f32 v55, v15;
	v34 =	vadd.f32 v43, v34;
	v43 =	vperm.xlane v28, v9  }
0x275: {  	v31 =	vadd.f32 v52, v31;
	v32 =	vadd.f32 v53, v32;
	v52 =	vmul.f32 v58, v15  }
0x276: {  	v42 =	vadd.f32 v54, v45;
	v53 =	vmul.f32 v59, v15;
	v54 =	vmul.f32 v61, v15  }
0x277: {  	v40 =	vadd.f32 v40, v41;
	v46 =	vmul.f32 v62, v15;
	v55 =	vmul.f32 v63, v15  }
0x278: {  	v36 =	vadd.f32 v56, v36;
	v41 =	vmul.f32 v51, v15;
	v56 =	vperm.xlane v29, v5  }
0x279: {  	v33 =	vadd.f32 v38, v33;
	v58 =	vperm.xlane v22, v5;
	v59 =	vperm.xlane v23, v5  }
0x27a: {  	v39 =	vadd.f32 v47, v44;
	v61 =	vperm.xlane v25, v5;
	v62 =	vperm.xlane v26, v5  }
0x27b: {  	v63 =	vperm.xlane v27, v5;
	v35 =	vadd.f32 v52, v35;
	v52 =	vperm.xlane v28, v5  }
0x27c: {  	v31 =	vadd.f32 v53, v31;
	v45 =	vmul.f32 v56, v16;
	v53 =	vmul.f32 v57, v16  }
0x27d: {  	v32 =	vadd.f32 v54, v32;
	v37 =	vmul.f32 v58, v16;
	v54 =	vmul.f32 v59, v16  }
0x27e: {  	v42 =	vadd.f32 v55, v42;
	v55 =	vmul.f32 v61, v16;
	v44 =	vmul.f32 v62, v16  }
0x27f: {  	v40 =	vadd.f32 v46, v40;
	v56 =	vmul.f32 v63, v16;
	v57 =	vperm.xlane v29, v6  }
0x280: {  	v36 =	vadd.f32 v41, v36;
	v59 =	vperm.xlane v21, v6;
	v61 =	vperm.xlane v23, v6  }
0x281: {  	v62 =	vperm.xlane v24, v6;
	v63 =	vperm.xlane v25, v6;
	v39 =	vadd.f32 v45, v39  }
0x282: {  	v34 =	vadd.f32 v53, v34;
	v58 =	vmul.f32 v52, v16;
	v52 =	vperm.xlane v26, v6  }
0x283: {  	v31 =	vadd.f32 v54, v31;
	v53 =	vperm.xlane v27, v6;
	v54 =	vperm.xlane v28, v6  }
0x284: {  	v32 =	vadd.f32 v55, v32;
	v47 =	vmul.f32 v57, v17;
	v55 =	vmul.f32 v59, v17  }
0x285: {  	v42 =	vadd.f32 v56, v42;
	v56 =	vmul.f32 v60, v17;
	v57 =	vmul.f32 v61, v17  }
0x286: {  	v35 =	vadd.f32 v37, v35;
	v38 =	vmul.f32 v62, v17;
	v60 =	vperm.xlane v29, v7  }
0x287: {  	v40 =	vadd.f32 v44, v40;
	v61 =	vperm.xlane v21, v7;
	v62 =	vperm.xlane v22, v7  }
0x288: {  	v36 =	vadd.f32 v58, v36;
	v58 =	vmul.f32 v63, v17;
	v45 =	vmul.f32 v52, v17  }
0x289: {  	v39 =	vadd.f32 v47, v39;
	v59 =	vmul.f32 v53, v17;
	v44 =	vmul.f32 v54, v17  }
0x28a: {  	v34 =	vadd.f32 v55, v34;
	v63 =	vperm.xlane v23, v7;
	v52 =	vperm.xlane v24, v7  }
0x28b: {  	v35 =	vadd.f32 v56, v35;
	v53 =	vperm.xlane v25, v7;
	v54 =	vperm.xlane v26, v7  }
0x28c: {  	v31 =	vadd.f32 v57, v31;
	v55 =	vperm.xlane v27, v7;
	v56 =	vperm.xlane v28, v7  }
0x28d: {  	v33 =	vadd.f32 v38, v33;
	v46 =	vmul.f32 v60, v19;
	v57 =	vmul.f32 v61, v19  }
0x28e: {  	v37 =	vmul.f32 v62, v19;
	v61 =	vperm.xlane v29, v8;
	v32 =	vadd.f32 v58, v32  }
0x28f: {  	v40 =	vadd.f32 v45, v40;
	v58 =	vmul.f32 v63, v19;
	v38 =	vmul.f32 v52, v19  }
0x290: {  	v42 =	vadd.f32 v59, v42;
	v59 =	vmul.f32 v53, v19;
	v41 =	vmul.f32 v54, v19  }
0x291: {  	v36 =	vadd.f32 v44, v36;
	v60 =	vmul.f32 v55, v19;
	v62 =	vmul.f32 v56, v19  }
0x292: {  	v39 =	vadd.f32 v46, v39;
	v63 =	vperm.xlane v21, v8;
	v52 =	vperm.xlane v22, v8  }
0x293: {  	v34 =	vadd.f32 v57, v34;
	v53 =	vperm.xlane v23, v8;
	v54 =	vperm.xlane v24, v8  }
0x294: {  	v35 =	vadd.f32 v37, v35;
	v55 =	vperm.xlane v25, v8;
	v56 =	vperm.xlane v26, v8  }
0x295: {  	v57 =	vperm.xlane v27, v8;
	v47 =	vmul.f32 v61, v20;
	v31 =	vadd.f32 v58, v31  }
0x296: {  	v33 =	vadd.f32 v38, v33;
	v32 =	vadd.f32 v59, v32;
	v58 =	vperm.xlane v28, v8  }
0x297: {  	v42 =	vadd.f32 v60, v42;
	v59 =	vmul.f32 v63, v20;
	v60 =	vmul.f32 v52, v20  }
0x298: {  	v48 =	vadd.f32 v62, v36;
	v61 =	vmul.f32 v53, v20;
	v62 =	vmul.f32 v54, v20  }
0x299: {  	v40 =	vadd.f32 v41, v40;
	v63 =	vmul.f32 v55, v20;
	v46 =	vmul.f32 v56, v20  }
0x29a: {  	v39 =	vadd.f32 v47, v39;
	v56 =	vmul.f32 v57, v20;
	v57 =	vperm.xlane v29, v9  }
0x29b: {  	v52 =	vperm.xlane v23, v9;
	v53 =	vmax.f32 v30, $0.0e+00;
	v49 =	vadd.f32 v59, v34  }
0x29c: {  	v41 =	vmul.f32 v58, v20;
	v38 =	vadd.f32 v60, v35;
	v58 =	vperm.xlane v21, v9  }
0x29d: {  	v37 =	vadd.f32 v61, v31;
	v59 =	vperm.xlane v22, v9;
	v35 =	vadd.f32 v62, v33  }
0x29e: {  	v60 =	vperm.xlane v24, v9;
	v36 =	vadd.f32 v63, v32;
	v61 =	vperm.xlane v25, v9  }
0x29f: {  	v31 =	vadd.f32 v46, v40;
	v62 =	vperm.xlane v26, v9;
	v63 =	vperm.xlane v27, v9  }
0x2a0: {  	v32 =	vadd.f32 v56, v42;
	v30 =	vmul.f32 v57, v18;
	v44 =	vmul.f32 v52, v18  }
0x2a1: {  	v50 =	vmul.f32 v58, v18;
	v34 =	vadd.f32 v41, v48;
	v45 =	vmul.f32 v59, v18  }
0x2a2: {  	s8 =	simm.s32 $0x6270;
	v39 =	vadd.f32 v30, v39;
	v42 =	vmul.f32 v60, v18;
	v30 =	vmul.f32 v61, v18  }
0x2a3: {  	s9 =	simm.s32 $0x0;
	s10 =	simm.s32 $0x4F10;
	s6 =	simm.s32 $0x6270;
	[tilespmem:s8+$0x40] =	vst v53;
	v41 =	vmul.f32 v62, v18;
	v40 =	vmul.f32 v63, v18;
	v33 =	vadd.f32 v50, v49  }
.LBB2_12:
0x2a4: {  	v46 =	vld [tilespmem:s10+$0x40];
	v29 =	vperm.xlane v29, v10;
	v45 =	vadd.f32 v45, v38;
	v43 =	vmul.f32 v43, v18;
	s0 =	sadd.s32 $0xA0, s0  }
0x2a5: {  	s9 =	sadd.s32 $0xA, s9;
	v21 =	vperm.xlane v21, v10;
	v22 =	vperm.xlane v22, v10;
	v44 =	vadd.f32 v44, v37;
	v47 =	vld [tilespmem:s0+$0x40]  }
0x2a6: {  	v23 =	vperm.xlane v23, v10;
	v35 =	vadd.f32 v42, v35;
	v24 =	vperm.xlane v24, v10;
	p0 =	slt.u32 s9, $0x46;
	v48 =	vld [tilespmem:s0+$0xFFFFFFB0]  }
0x2a7: {  	v30 =	vadd.f32 v30, v36;
	v25 =	vperm.xlane v25, v10;
	v26 =	vperm.xlane v26, v10;
	v42 =	vld [tilespmem:s10+$0xFFFFFFC0]  }
0x2a8: {  	v27 =	vperm.xlane v27, v10;
	v28 =	vperm.xlane v28, v10;
	v31 =	vadd.f32 v41, v31;
	v36 =	vld [tilespmem:s0+$0xFFFFFFC0]  }
0x2a9: {  	v38 =	vadd.f32 v40, v32;
	v29 =	vmul.f32 v29, v11;
	v37 =	vadd.f32 v43, v34;
	v41 =	vld [tilespmem:s10+$0xFFFFFFD0]  }
0x2aa: {  	v21 =	vmul.f32 v21, v11;
	v22 =	vmul.f32 v22, v11;
	v34 =	vld [tilespmem:s0+$0xFFFFFFD0];
	v40 =	vadd.f32 v47, v46  }
0x2ab: {  	v32 =	vadd.f32 v29, v39;
	v39 =	vmul.f32 v23, v11;
	v46 =	vmul.f32 v24, v11;
	v43 =	vld [tilespmem:s10+$0xFFFFFFE0]  }
0x2ac: {  	v47 =	vmul.f32 v26, v11;
	v23 =	vld [tilespmem:s0+$0xFFFFFFE0];
	v29 =	vmax.f32 v40, $0.0e+00;
	v40 =	vmul.f32 v25, v11  }
0x2ad: {  	v24 =	vadd.f32 v36, v42;
	v25 =	vld [tilespmem:s10+$0xFFFFFFF0];
	v26 =	vperm.xlane v29, v1;
	v36 =	vperm.xlane v29, v2  }
0x2ae: {  	v50 =	vmul.f32 v27, v11;
	v33 =	vadd.f32 v21, v33;
	v49 =	vperm.xlane v29, v3;
	v42 =	vld [tilespmem:s0+$0xFFFFFFF0]  }
0x2af: {  	v27 =	vadd.f32 v34, v41;
	v41 =	vld [tilespmem:s10+$0x0];
	v26 =	vmul.f32 v26, v12;
	v36 =	vmul.f32 v36, v13  }
0x2b0: {  	v21 =	vmax.f32 v24, $0.0e+00;
	v34 =	vadd.f32 v22, v45;
	v45 =	vmul.f32 v28, v11;
	v51 =	vld [tilespmem:s0+$0x0]  }
0x2b1: {  	v28 =	vld [tilespmem:s10+$0x10];
	v24 =	vadd.f32 v36, v26;
	v26 =	vmul.f32 v49, v14;
	v36 =	vperm.xlane v29, v4  }
0x2b2: {  	v49 =	vperm.xlane v21, v1;
	v22 =	vmax.f32 v27, $0.0e+00;
	v23 =	vadd.f32 v23, v43;
	v27 =	vld [tilespmem:s0+$0x10]  }
0x2b3: {  	v43 =	vld [tilespmem:s10+$0x20];
	v24 =	vadd.f32 v26, v24;
	v26 =	vmul.f32 v36, v15;
	v36 =	vperm.xlane v29, v5  }
0x2b4: {  	v52 =	vperm.xlane v21, v2;
	v23 =	vmax.f32 v23, $0.0e+00;
	v25 =	vadd.f32 v42, v25;
	v42 =	vld [tilespmem:s0+$0x20]  }
0x2b5: {  	v54 =	vperm.xlane v29, v6;
	v53 =	vld [tilespmem:s10+$0x30];
	v26 =	vadd.f32 v26, v24;
	v36 =	vmul.f32 v36, v16  }
0x2b6: {  	v55 =	vperm.xlane v22, v1;
	v24 =	vmax.f32 v25, $0.0e+00;
	v25 =	vadd.f32 v51, v41;
	v41 =	vld [tilespmem:s0+$0x30]  }
0x2b7: {  	v51 =	vld [tilespmem:s10+$0xFFFFFFB0];
	v26 =	vadd.f32 v36, v26;
	v36 =	vmul.f32 v54, v17;
	v54 =	vperm.xlane v29, v7  }
0x2b8: {  	v56 =	vperm.xlane v22, v2;
	v25 =	vmax.f32 v25, $0.0e+00;
	v27 =	vadd.f32 v27, v28  }
0x2b9: {  	v28 =	vadd.f32 v36, v26;
	v36 =	vmul.f32 v54, v19;
	v54 =	vperm.xlane v29, v8  }
0x2ba: {  	v57 =	vperm.xlane v23, v1;
	v26 =	vmax.f32 v27, $0.0e+00;
	v27 =	vadd.f32 v42, v43  }
0x2bb: {  	v42 =	vperm.xlane v29, v9;
	v28 =	vadd.f32 v36, v28;
	v36 =	vmul.f32 v54, v20  }
0x2bc: {  	v27 =	vmax.f32 v27, $0.0e+00;
	v41 =	vadd.f32 v41, v53;
	v43 =	vadd.f32 v48, v51  }
0x2bd: {  	v42 =	vmul.f32 v42, v18;
	v48 =	vperm.xlane v29, v10;
	v36 =	vadd.f32 v36, v28  }
0x2be: {  	v28 =	vmax.f32 v41, $0.0e+00;
	v29 =	vmax.f32 v43, $0.0e+00;
	v43 =	vperm.xlane v23, v2  }
0x2bf: {  	v41 =	vperm.xlane v29, v1;
	v36 =	vadd.f32 v42, v36;
	v42 =	vmul.f32 v48, v11  }
0x2c0: {  	v39 =	vadd.f32 v39, v44;
	v51 =	vperm.xlane v24, v1;
	v48 =	vperm.xlane v29, v2  }
0x2c1: {  	v44 =	vperm.xlane v24, v2;
	v53 =	vperm.xlane v25, v1;
	v36 =	vadd.f32 v42, v36  }
0x2c2: {  	v46 =	vadd.f32 v46, v35;
	v54 =	vperm.xlane v26, v1;
	v42 =	vperm.xlane v25, v2  }
0x2c3: {  	s8 =	sadd.s32 $0xA0, s8;
	v58 =	vperm.xlane v26, v2;
	v59 =	vperm.xlane v27, v1;
	v35 =	vmax.f32 v36, $0.0e+00  }
0x2c4: {  	v60 =	vperm.xlane v27, v2;
	v61 =	vperm.xlane v28, v1;
	v36 =	vadd.f32 v40, v30;
	[tilespmem:s8+$0x40] =	vst v35  }
0x2c5: {  	v40 =	vmul.f32 v41, v12;
	v41 =	vperm.xlane v28, v2;
	v35 =	vadd.f32 v47, v31  }
0x2c6: {  	v47 =	vmul.f32 v48, v13;
	v48 =	vmul.f32 v49, v12;
	v31 =	vadd.f32 v50, v38  }
0x2c7: {  	v30 =	vadd.f32 v45, v37;
	v38 =	vmul.f32 v52, v13;
	v49 =	vmul.f32 v55, v12  }
0x2c8: {  	v45 =	vmul.f32 v57, v12;
	v37 =	vadd.f32 v47, v40;
	v40 =	vmul.f32 v56, v13  }
0x2c9: {  	v43 =	vmul.f32 v43, v13;
	v38 =	vadd.f32 v38, v48;
	v47 =	vmul.f32 v51, v12  }
0x2ca: {  	v44 =	vmul.f32 v44, v13;
	v48 =	vmul.f32 v53, v12;
	v40 =	vadd.f32 v40, v49  }
0x2cb: {  	v42 =	vmul.f32 v42, v13;
	v43 =	vadd.f32 v43, v45;
	v45 =	vmul.f32 v54, v12  }
0x2cc: {  	v44 =	vadd.f32 v44, v47;
	v47 =	vmul.f32 v58, v13;
	v49 =	vmul.f32 v59, v12  }
0x2cd: {  	v50 =	vmul.f32 v61, v12;
	v42 =	vadd.f32 v42, v48;
	v48 =	vmul.f32 v60, v13  }
0x2ce: {  	v41 =	vmul.f32 v41, v13;
	v51 =	vperm.xlane v29, v3;
	v45 =	vadd.f32 v47, v45  }
0x2cf: {  	v52 =	vperm.xlane v22, v3;
	v47 =	vperm.xlane v21, v3;
	v48 =	vadd.f32 v48, v49  }
0x2d0: {  	v53 =	vperm.xlane v24, v3;
	v41 =	vadd.f32 v41, v50;
	v49 =	vperm.xlane v23, v3  }
0x2d1: {  	v32 =	vmax.f32 v32, $0.0e+00;
	v54 =	vperm.xlane v26, v3;
	v50 =	vperm.xlane v25, v3  }
0x2d2: {  	v55 =	vperm.xlane v27, v3;
	v56 =	vperm.xlane v28, v3;
	[tilespmem:s6+$0xFFFFFFB0] =	vst v32;
	v32 =	vmax.f32 v33, $0.0e+00  }
0x2d3: {  	v47 =	vmul.f32 v47, v14;
	v33 =	vmul.f32 v51, v14;
	[tilespmem:s6+$0xFFFFFFC0] =	vst v32;
	v32 =	vmax.f32 v34, $0.0e+00  }
0x2d4: {  	v49 =	vmul.f32 v49, v14;
	v34 =	vmul.f32 v52, v14;
	[tilespmem:s6+$0xFFFFFFD0] =	vst v32;
	v32 =	vmax.f32 v39, $0.0e+00  }
0x2d5: {  	v33 =	vadd.f32 v33, v37;
	v37 =	vmul.f32 v53, v14;
	v39 =	vmul.f32 v50, v14;
	[tilespmem:s6+$0xFFFFFFE0] =	vst v32  }
0x2d6: {  	v32 =	vadd.f32 v47, v38;
	v38 =	vmul.f32 v54, v14;
	v47 =	vmul.f32 v55, v14  }
0x2d7: {  	v50 =	vperm.xlane v29, v4;
	v34 =	vadd.f32 v34, v40;
	v40 =	vmul.f32 v56, v14  }
0x2d8: {  	v43 =	vadd.f32 v49, v43;
	v51 =	vperm.xlane v21, v4;
	v52 =	vperm.xlane v22, v4  }
0x2d9: {  	v49 =	vperm.xlane v23, v4;
	v37 =	vadd.f32 v37, v44;
	v44 =	vperm.xlane v24, v4  }
0x2da: {  	v53 =	vperm.xlane v26, v4;
	v39 =	vadd.f32 v39, v42;
	v42 =	vperm.xlane v25, v4  }
0x2db: {  	v54 =	vperm.xlane v28, v4;
	v38 =	vadd.f32 v38, v45;
	v45 =	vperm.xlane v27, v4  }
0x2dc: {  	v50 =	vmul.f32 v50, v15;
	v47 =	vadd.f32 v47, v48;
	v40 =	vadd.f32 v40, v41  }
0x2dd: {  	v46 =	vmax.f32 v46, $0.0e+00;
	v41 =	vmul.f32 v51, v15;
	v48 =	vmul.f32 v52, v15  }
0x2de: {  	v49 =	vmul.f32 v49, v15;
	v33 =	vadd.f32 v50, v33;
	v44 =	vmul.f32 v44, v15;
	[tilespmem:s6+$0xFFFFFFF0] =	vst v46  }
0x2df: {  	v32 =	vadd.f32 v41, v32;
	v41 =	vmul.f32 v42, v15;
	v42 =	vmul.f32 v53, v15  }
0x2e0: {  	v34 =	vadd.f32 v48, v34;
	v45 =	vmul.f32 v45, v15;
	v46 =	vmul.f32 v54, v15  }
0x2e1: {  	v43 =	vadd.f32 v49, v43;
	v50 =	vperm.xlane v21, v5;
	v48 =	vperm.xlane v29, v5  }
0x2e2: {  	v49 =	vperm.xlane v22, v5;
	v51 =	vperm.xlane v23, v5;
	v37 =	vadd.f32 v44, v37  }
0x2e3: {  	v44 =	vperm.xlane v24, v5;
	v39 =	vadd.f32 v41, v39;
	v41 =	vperm.xlane v25, v5  }
0x2e4: {  	v52 =	vperm.xlane v27, v5;
	v38 =	vadd.f32 v42, v38;
	v42 =	vperm.xlane v26, v5  }
0x2e5: {  	v45 =	vadd.f32 v45, v47;
	v40 =	vadd.f32 v46, v40;
	v46 =	vperm.xlane v28, v5  }
0x2e6: {  	v36 =	vmax.f32 v36, $0.0e+00;
	v47 =	vmul.f32 v48, v16;
	v48 =	vmul.f32 v50, v16  }
0x2e7: {  	v35 =	vmax.f32 v35, $0.0e+00;
	v49 =	vmul.f32 v49, v16;
	v50 =	vmul.f32 v51, v16;
	[tilespmem:s6+$0x0] =	vst v36  }
0x2e8: {  	v33 =	vadd.f32 v47, v33;
	v41 =	vmul.f32 v41, v16;
	v36 =	vmul.f32 v44, v16;
	[tilespmem:s6+$0x10] =	vst v35  }
0x2e9: {  	v32 =	vadd.f32 v48, v32;
	v35 =	vmul.f32 v42, v16;
	v42 =	vmul.f32 v52, v16  }
0x2ea: {  	v34 =	vadd.f32 v49, v34;
	v46 =	vmul.f32 v46, v16;
	v44 =	vperm.xlane v29, v6  }
0x2eb: {  	v47 =	vperm.xlane v21, v6;
	v48 =	vperm.xlane v22, v6;
	v43 =	vadd.f32 v50, v43  }
0x2ec: {  	v49 =	vperm.xlane v23, v6;
	v36 =	vadd.f32 v36, v37;
	v37 =	vperm.xlane v24, v6  }
0x2ed: {  	v50 =	vperm.xlane v26, v6;
	v39 =	vadd.f32 v41, v39;
	v41 =	vperm.xlane v25, v6  }
0x2ee: {  	v51 =	vperm.xlane v28, v6;
	v35 =	vadd.f32 v35, v38;
	v38 =	vperm.xlane v27, v6  }
0x2ef: {  	v40 =	vadd.f32 v46, v40;
	v44 =	vmul.f32 v44, v17;
	v42 =	vadd.f32 v42, v45  }
0x2f0: {  	v31 =	vmax.f32 v31, $0.0e+00;
	v46 =	vmul.f32 v48, v17;
	v45 =	vmul.f32 v47, v17  }
0x2f1: {  	v33 =	vadd.f32 v44, v33;
	v44 =	vmul.f32 v49, v17;
	v37 =	vmul.f32 v37, v17;
	[tilespmem:s6+$0x20] =	vst v31  }
0x2f2: {  	v31 =	vadd.f32 v45, v32;
	v32 =	vmul.f32 v41, v17;
	v41 =	vmul.f32 v50, v17  }
0x2f3: {  	v34 =	vadd.f32 v46, v34;
	v38 =	vmul.f32 v38, v17;
	v45 =	vmul.f32 v51, v17  }
0x2f4: {  	v46 =	vperm.xlane v29, v7;
	v47 =	vperm.xlane v21, v7;
	v43 =	vadd.f32 v44, v43  }
0x2f5: {  	v48 =	vperm.xlane v23, v7;
	v44 =	vperm.xlane v22, v7;
	v36 =	vadd.f32 v37, v36  }
0x2f6: {  	v37 =	vperm.xlane v24, v7;
	v32 =	vadd.f32 v32, v39;
	v39 =	vperm.xlane v25, v7  }
0x2f7: {  	v49 =	vperm.xlane v27, v7;
	v35 =	vadd.f32 v41, v35;
	v41 =	vperm.xlane v26, v7  }
0x2f8: {  	v38 =	vadd.f32 v38, v42;
	v42 =	vperm.xlane v28, v7;
	v40 =	vadd.f32 v45, v40  }
0x2f9: {  	v30 =	vmax.f32 v30, $0.0e+00;
	v45 =	vmul.f32 v46, v19;
	v46 =	vmul.f32 v47, v19  }
0x2fa: {  	v44 =	vmul.f32 v44, v19;
	v47 =	vmul.f32 v48, v19;
	[tilespmem:s6+$0x30] =	vst v30;
	s6 =	smov.u32 s8  }
0x2fb: {  	v30 =	vadd.f32 v45, v33;
	v33 =	vmul.f32 v37, v19;
	v37 =	vmul.f32 v39, v19  }
0x2fc: {  	v31 =	vadd.f32 v46, v31;
	v39 =	vmul.f32 v41, v19;
	v41 =	vmul.f32 v49, v19  }
0x2fd: {  	v42 =	vmul.f32 v42, v19;
	v34 =	vadd.f32 v44, v34;
	v45 =	vperm.xlane v29, v8  }
0x2fe: {  	v44 =	vperm.xlane v21, v8;
	v46 =	vperm.xlane v22, v8;
	v43 =	vadd.f32 v47, v43  }
0x2ff: {  	v47 =	vperm.xlane v23, v8;
	v33 =	vadd.f32 v33, v36;
	v36 =	vperm.xlane v24, v8  }
0x300: {  	v48 =	vperm.xlane v26, v8;
	v32 =	vadd.f32 v37, v32;
	v37 =	vperm.xlane v25, v8  }
0x301: {  	v49 =	vperm.xlane v28, v8;
	v39 =	vadd.f32 v39, v35;
	v35 =	vperm.xlane v27, v8  }
0x302: {  	v40 =	vadd.f32 v42, v40;
	v45 =	vmul.f32 v45, v20;
	v41 =	vadd.f32 v41, v38  }
0x303: {  	v42 =	vmul.f32 v46, v20;
	v38 =	vmul.f32 v44, v20  }
0x304: {  	v44 =	vmul.f32 v47, v20;
	v30 =	vadd.f32 v45, v30;
	v36 =	vmul.f32 v36, v20  }
0x305: {  	v46 =	vadd.f32 v38, v31;
	v31 =	vmul.f32 v37, v20;
	v45 =	vmul.f32 v48, v20  }
0x306: {  	v38 =	vadd.f32 v42, v34;
	v34 =	vmul.f32 v35, v20;
	v42 =	vmul.f32 v49, v20  }
0x307: {  	v47 =	vperm.xlane v29, v9;
	v48 =	vperm.xlane v21, v9;
	v37 =	vadd.f32 v44, v43  }
0x308: {  	v44 =	vperm.xlane v22, v9;
	v49 =	vperm.xlane v23, v9;
	v35 =	vadd.f32 v36, v33  }
0x309: {  	v50 =	vperm.xlane v25, v9;
	v33 =	vperm.xlane v24, v9;
	v36 =	vadd.f32 v31, v32  }
0x30a: {  	v52 =	vperm.xlane v27, v9;
	v51 =	vperm.xlane v26, v9;
	v31 =	vadd.f32 v45, v39  }
.Ltmp5:
0x30b: {  	v43 =	vperm.xlane v28, v9;
	v32 =	vadd.f32 v34, v41;
	v34 =	vadd.f32 v42, v40;
	(pc) =	sbr.rel @p0 .LBB2_12-.Ltmp5, $4  }
0x30c: {  	v39 =	vmul.f32 v47, v18;
	v40 =	vmul.f32 v48, v18  }
0x30d: {  	v45 =	vmul.f32 v44, v18;
	v44 =	vmul.f32 v49, v18  }
0x30e: {  	v39 =	vadd.f32 v39, v30;
	v42 =	vmul.f32 v33, v18;
	v30 =	vmul.f32 v50, v18  }
0x30f: {  	s10 =	sadd.s32 $0xA0, s10;
	v41 =	vmul.f32 v51, v18;
	v33 =	vadd.f32 v40, v46;
	v40 =	vmul.f32 v52, v18  }
0x310: {  	v12 =	vperm.xlane v29, v10  }
0x311: {  	v13 =	vmul.f32 v43, v18;
	v15 =	vperm.xlane v21, v10  }
0x312: {  	v14 =	vadd.f32 v45, v38;
	v16 =	vperm.xlane v22, v10;
	v45 =	vperm.xlane v23, v10  }
0x313: {  	v19 =	vperm.xlane v24, v10;
	v46 =	vperm.xlane v25, v10  }
0x314: {  	v17 =	vadd.f32 v44, v37;
	v47 =	vperm.xlane v26, v10;
	v49 =	vperm.xlane v27, v10  }
0x315: {  	v20 =	vadd.f32 v42, v35;
	v51 =	vperm.xlane v28, v10;
	v12 =	vmul.f32 v12, v11  }
0x316: {  	v48 =	vadd.f32 v30, v36;
	v15 =	vmul.f32 v15, v11;
	v16 =	vmul.f32 v16, v11  }
0x317: {  	v13 =	vadd.f32 v13, v34;
	v18 =	vmul.f32 v45, v11;
	v12 =	vadd.f32 v12, v39  }
0x318: {  	v19 =	vmul.f32 v19, v11;
	v53 =	vmul.f32 v46, v11;
	v15 =	vadd.f32 v15, v33  }
0x319: {  	v55 =	vmul.f32 v47, v11;
	v14 =	vadd.f32 v16, v14;
	v12 =	vmax.f32 v12, $0.0e+00  }
0x31a: {  	v58 =	vmul.f32 v49, v11;
	v17 =	vadd.f32 v18, v17;
	v54 =	vmax.f32 v15, $0.0e+00;
	[tilespmem:s6+$0xFFFFFFB0] =	vst v12  }
0x31b: {  	v11 =	vmul.f32 v51, v11;
	v56 =	vadd.f32 v19, v20;
	v57 =	vmax.f32 v14, $0.0e+00;
	[tilespmem:s6+$0xFFFFFFC0] =	vst v54  }
0x31c: {  	v50 =	vadd.f32 v41, v31;
	v16 =	vadd.f32 v53, v48;
	v59 =	vmax.f32 v17, $0.0e+00;
	[tilespmem:s6+$0xFFFFFFD0] =	vst v57  }
0x31d: {  	v52 =	vadd.f32 v40, v32;
	v11 =	vadd.f32 v11, v13;
	v60 =	vmax.f32 v56, $0.0e+00;
	[tilespmem:s6+$0xFFFFFFE0] =	vst v59  }
0x31e: {  	v15 =	vadd.f32 v55, v50;
	v61 =	vmax.f32 v16, $0.0e+00;
	[tilespmem:s6+$0xFFFFFFF0] =	vst v60  }
0x31f: {  	v14 =	vadd.f32 v58, v52;
	v11 =	vmax.f32 v11, $0.0e+00;
	[tilespmem:s6+$0x0] =	vst v61  }
0x320: {  	[tilespmem:s6+$0x30] =	vst v11;
	v62 =	vmax.f32 v15, $0.0e+00  }
0x321: {  	v63 =	vmax.f32 v14, $0.0e+00;
	[tilespmem:s6+$0x10] =	vst v62  }
0x322: {  	s0 =	simm.s32 $0x4DD0;
	[tilespmem:s6+$0x20] =	vst v63  }
0x323: {  	[spmem:s1] =	stream.indirect.scatter.add.f32 [tilespmem:s23], [sflag:$0x5], $0x10, s0, s20, $0xb8;
	[tilespmem:$0x10960] =	vst v63  }
0x324: {  	_ =	swait.ge [sflag:s30], $0x500  }
0x325: {  	[sflag:s30] =	ssyncset.done $0x0  }
0x326: {  	[sflag:s30] =	ssyncadd.s32 $0xFFFFFB00  }
0x327: {  	_ =	swait.ge [sflag:s14], $0x500  }
0x328: {  	[sflag:s14] =	ssyncset.done $0x0  }
0x329: {  	[sflag:s14] =	ssyncadd.s32 $0xFFFFFB00  }
0x32a: {  	[bflag:$0x0] =	sbarrier.arrive $0xFFFF  }
0x32b: {  	s12 =	sshrl.u32 s7, $0x3;
	s13 =	rddreg [dreg:$0xb]  }
0x32c: {  	[hbm:s13], [sflag:s16] =	dma.local [spmem:s12], $0x4E2  }
0x32d: {  	_ =	swait.ge [sflag:s15], $0x4E2  }
0x32e: {  	s5 =	sadd.s32 $0x1, s5;
	s16 =	rddreg [dreg:$0xc]  }
0x32f: {  	p0 =	sne.s32 s5, s16  }
.Ltmp6:
0x330: {  	_ = 	snop;
	(pc) =	sbr.rel @p0 .LBB2_1-.Ltmp6, $3  }
0x331: {  	_ =	sdelay $0x1  }
0x332: {  	[sflag:s15] =	ssyncset.done $0x0  }
0x333: {  	[sflag:s15] =	ssyncadd.s32 $0xFFFFFB1E  }
0x334: {  	_ =	sfence.sel $0x180000  }
0x335: {  	[bflag:$0x0] =	sbarrier.arrive $0xFFFF  }
0x336: {  	_ =	strace $0x90000047  }
0x337: {  	s0 =	stileid.u32;
	[bflag:$0x2] =	sbarrier.arrive $0xFFFF  }
0x338: {  	p0 =	sne.s32 s0, $0x0;
	s0 =	rddreg [dreg:$0x5]  }
0x339: {  	s0 =	sadd.s32 @!p0 $0x100000, s0  }
0x33a: {  	[sflag:s0] =	ssyncadd.tile.s32 @!p0 $0x1;
	_ =	shalt  }
.Lfunc_end2:
_tile_overlayer_lowered:
.L_overlay_start_2:
0x33b: {  	(tag) =	ssettag $0x2  }
0x33c: {  	s0 =	rddreg [dreg:$0x0];
	s2 =	stileid.u32  }
0x33d: {  	s1 =	rddreg [dreg:$0x1];
	p0 =	sne.s32 s2, $0x0  }
0x33e: {  	s3 =	rddreg [dreg:$0x2];
	[bflag:$0x3] =	sbarrier.arrive $0xFFFF;
	s2 =	simm.s32 @!p0 $0x1C07  }
0x33f: {  	[timem:s3], [sflag:s2] =	dma.local @!p0 [hbm:s0], s1  }
0x340: {  	s0 =	simm.s32 @!p0 $0x7  }
0x341: {  	_ =	swait.ge @!p0 [sflag:s0], s1  }
0x342: {  	s1 =	ssub.s32 @!p0 $0x0, s1;
	[sflag:s0] =	ssyncset.done @!p0 $0x0  }
0x343: {  	[sflag:s0] =	ssyncadd.s32 @!p0 s1  }
0x344: {  	[bflag:$0x3] =	sbarrier.arrive $0xFFFF  }
0x345: {  	_ =	shalt  }

</sc_bundles>
